<compile_context>
chip_gen: v7x
topology: tpu7x:2x2x1
jax: 0.10.2.dev20260603
libtpu: 0.0.44.dev20260713+nightly
codegen_flags: <defaults>
</compile_context>

<pallas_src>
import functools

import jax
import jax.numpy as jnp
from jax import lax
from jax.experimental import pallas as pl
from jax.experimental.pallas import tpu as pltpu
from jax.experimental.pallas import tpu_sc as plsc

TOPK = 2
EXP = 64
T_TOK = 4096
HID = 1024
INTER = 512
S_ROWS = T_TOK * TOPK
BT = 256
MT = S_ROWS // BT
GRID = MT + EXP - 1

NW = 32


def _routing_body(logits_ref, ids_ref, w_ref):
    l = logits_ref[...]
    ii = lax.broadcasted_iota(jnp.int32, l.shape, 1)
    m1 = jnp.max(l, axis=1, keepdims=True)
    i1 = jnp.min(jnp.where(l == m1, ii, EXP), axis=1, keepdims=True)
    lm = jnp.where(ii == i1, -jnp.inf, l)
    m2 = jnp.max(lm, axis=1, keepdims=True)
    i2 = jnp.min(jnp.where(lm == m2, ii, EXP), axis=1, keepdims=True)
    w1 = 1.0 / (1.0 + jnp.exp(m2 - m1))
    ids_ref[...] = jnp.concatenate([i1, i2], axis=1)
    w_ref[...] = jnp.concatenate([w1, 1.0 - w1], axis=1)


def _routing(router_logits):
    return pl.pallas_call(
        _routing_body,
        out_shape=(
            jax.ShapeDtypeStruct((T_TOK, TOPK), jnp.int32),
            jax.ShapeDtypeStruct((T_TOK, TOPK), jnp.float32),
        ),
    )(router_logits)


def _sc_gather(table, idx):
    rows_total, depth = idx.shape[0], table.shape[1]
    per_w = rows_total // NW
    chunk = 32
    n_chunks = per_w // chunk
    mesh = plsc.VectorSubcoreMesh(core_axis_name="c", subcore_axis_name="s")

    @functools.partial(
        pl.kernel,
        mesh=mesh,
        out_type=jax.ShapeDtypeStruct((rows_total, depth), jnp.float32),
        scratch_types=[
            pltpu.VMEM((per_w,), jnp.int32),
            pltpu.VMEM((2, chunk, depth), jnp.float32),
            pltpu.SemaphoreType.DMA,
            pltpu.SemaphoreType.DMA,
        ],
    )
    def k(table_hbm, idx_hbm, out_hbm, idx_v, rows_v, sem0, sem1):
        wid = lax.axis_index("s") * 2 + lax.axis_index("c")
        base = wid * per_w
        pltpu.sync_copy(idx_hbm.at[pl.ds(base, per_w)], idx_v)
        sems = [sem0, sem1]

        def issue(c):
            return pltpu.async_copy(
                table_hbm.at[idx_v.at[pl.ds(c * chunk, chunk)]],
                rows_v.at[c % 2], sems[c % 2])

        cps = {0: issue(0)}
        for c in range(n_chunks):
            if c + 1 < n_chunks:
                cps[c + 1] = issue(c + 1)
            cps[c].wait()
            pltpu.sync_copy(rows_v.at[c % 2],
                            out_hbm.at[pl.ds(base + c * chunk, chunk)])

    return k(table, idx)


def _sc_combine(y, pos0, pos1):
    depth = y.shape[1]
    per_w = T_TOK // NW
    chunk = 16
    n_chunks = per_w // chunk
    vpr = depth // 16
    mesh = plsc.VectorSubcoreMesh(core_axis_name="c", subcore_axis_name="s")

    @functools.partial(
        pl.kernel,
        mesh=mesh,
        out_type=jax.ShapeDtypeStruct((T_TOK, depth), jnp.float32),
        scratch_types=[
            pltpu.VMEM((per_w,), jnp.int32),
            pltpu.VMEM((per_w,), jnp.int32),
            pltpu.VMEM((2, chunk, depth), jnp.float32),
            pltpu.VMEM((2, chunk, depth), jnp.float32),
            pltpu.SemaphoreType.DMA,
            pltpu.SemaphoreType.DMA,
            pltpu.SemaphoreType.DMA,
            pltpu.SemaphoreType.DMA,
        ],
    )
    def k(y_hbm, p0_hbm, p1_hbm, out_hbm, p0_v, p1_v, buf0, buf1,
          s00, s01, s10, s11):
        wid = lax.axis_index("s") * 2 + lax.axis_index("c")
        base = wid * per_w
        pltpu.sync_copy(p0_hbm.at[pl.ds(base, per_w)], p0_v)
        pltpu.sync_copy(p1_hbm.at[pl.ds(base, per_w)], p1_v)
        sems0 = [s00, s01]
        sems1 = [s10, s11]

        def issue(c):
            b = c % 2
            sl = pl.ds(c * chunk, chunk)
            return (
                pltpu.async_copy(y_hbm.at[p0_v.at[sl]], buf0.at[b], sems0[b]),
                pltpu.async_copy(y_hbm.at[p1_v.at[sl]], buf1.at[b], sems1[b]),
            )

        cps = {0: issue(0)}
        for c in range(n_chunks):
            if c + 1 < n_chunks:
                cps[c + 1] = issue(c + 1)
            cpa, cpb = cps[c]
            cpa.wait()
            cpb.wait()
            b = c % 2

            @plsc.parallel_loop(0, chunk * vpr, unroll=8)
            def _add(i):
                j = i // vpr
                q = i % vpr
                sl = pl.ds(q * 16, 16)
                buf0[b, j, sl] = buf0[b, j, sl] + buf1[b, j, sl]
            pltpu.sync_copy(buf0.at[b],
                            out_hbm.at[pl.ds(base + c * chunk, chunk)])

    return k(y, pos0, pos1)


RING = 3


def _gmm_body(tile_s, group_s, rs_s, re_s, flag_s, slot_s, flagp2_s,
              slotp2_s, gp2_s,
              x_ref, w13_hbm, w2_hbm, b13_ref, b2_ref, wrow_ref, y_ref,
              ring13, ring2, sem13, sem2):
    v = pl.program_id(0)
    t = tile_s[v]
    rs = rs_s[v]
    re = re_s[v]
    prev_t = tile_s[jnp.maximum(v - 1, 0)]
    first = jnp.logical_or(v == 0, t != prev_t)

    def issue(f, s, g):
        @pl.when(f == 1)
        def _():
            pltpu.make_async_copy(w13_hbm.at[g], ring13.at[s],
                                  sem13.at[s]).start()
            pltpu.make_async_copy(w2_hbm.at[g], ring2.at[s],
                                  sem2.at[s]).start()

    @pl.when(v == 0)
    def _():
        issue(flag_s[0], slot_s[0], group_s[0])
        issue(flag_s[1], slot_s[1], group_s[1])

    issue(flagp2_s[v], slotp2_s[v], gp2_s[v])

    @pl.when(flag_s[v] == 1)
    def _():
        s = slot_s[v]
        g = group_s[v]
        pltpu.make_async_copy(w13_hbm.at[g], ring13.at[s], sem13.at[s]).wait()
        pltpu.make_async_copy(w2_hbm.at[g], ring2.at[s], sem2.at[s]).wait()

    slot = slot_s[v]
    x = x_ref[...]
    dn = (((1,), (1,)), ((), ()))
    h = lax.dot_general(x, ring13[slot], dn,
                        preferred_element_type=jnp.float32)
    h = h + b13_ref[0]
    gate = h[:, :INTER]
    up = h[:, INTER:]
    act = gate * lax.logistic(gate) * up
    y = lax.dot_general(act, ring2[slot], dn,
                        preferred_element_type=jnp.float32)
    y = y + b2_ref[0]

    rows = t * BT + lax.broadcasted_iota(jnp.int32, (BT, 1), 0)
    inside = jnp.logical_and(rows >= rs, rows < re)
    scale = jnp.where(inside, wrow_ref[:, 0:1], 0.0)
    y = y * scale

    @pl.when(first)
    def _():
        y_ref[...] = y

    @pl.when(jnp.logical_not(first))
    def _():
        y_ref[...] = y_ref[...] + y


def _gmm(x_sorted, w13, w2, b13, b2, wrow_wide,
         tile_v, group_v, rs_v, re_v, flag_v, slot_v,
         flagp2_v, slotp2_v, gp2_v):
    idx_t = lambda v, *refs: (refs[0][v], 0)
    idx_g = lambda v, *refs: (refs[1][v], 0, 0)
    grid_spec = pltpu.PrefetchScalarGridSpec(
        num_scalar_prefetch=9,
        grid=(GRID,),
        in_specs=[
            pl.BlockSpec((BT, HID), idx_t),
            pl.BlockSpec(memory_space=pltpu.MemorySpace.HBM),
            pl.BlockSpec(memory_space=pltpu.MemorySpace.HBM),
            pl.BlockSpec((1, 1, 2 * INTER), idx_g),
            pl.BlockSpec((1, 1, HID), idx_g),
            pl.BlockSpec((BT, 8), idx_t),
        ],
        out_specs=pl.BlockSpec((BT, HID), idx_t),
        scratch_shapes=[
            pltpu.VMEM((RING, 2 * INTER, HID), jnp.float32),
            pltpu.VMEM((RING, HID, INTER), jnp.float32),
            pltpu.SemaphoreType.DMA((RING,)),
            pltpu.SemaphoreType.DMA((RING,)),
        ],
    )
    return pl.pallas_call(
        _gmm_body,
        grid_spec=grid_spec,
        out_shape=jax.ShapeDtypeStruct((S_ROWS, HID), jnp.float32),
        compiler_params=pltpu.CompilerParams(
            dimension_semantics=("arbitrary",),
        ),
    )(tile_v, group_v, rs_v, re_v, flag_v, slot_v,
      flagp2_v, slotp2_v, gp2_v,
      x_sorted, w13, w2,
      b13.reshape(EXP, 1, 2 * INTER), b2.reshape(EXP, 1, HID), wrow_wide)


def _metadata(topk_ids, topk_w):
    flat_e = topk_ids.reshape(-1)
    order = jnp.argsort(flat_e, stable=True).astype(jnp.int32)
    tok = order // TOPK
    wsorted = topk_w.reshape(-1)[order]
    inv = jnp.zeros((S_ROWS,), jnp.int32).at[order].set(
        jnp.arange(S_ROWS, dtype=jnp.int32))
    pos0 = inv[0::2]
    pos1 = inv[1::2]

    counts = jnp.bincount(flat_e, length=EXP)
    ends = jnp.cumsum(counts).astype(jnp.int32)
    starts = ends - counts
    first_tile = starts // BT
    last_tile = jnp.maximum(ends - 1, 0) // BT
    nvis = jnp.where(counts > 0, last_tile - first_tile + 1, 0)
    vend = jnp.cumsum(nvis).astype(jnp.int32)
    vstart = vend - nvis

    v = jnp.arange(GRID, dtype=jnp.int32)
    g = jnp.searchsorted(vend, v, side="right").astype(jnp.int32)
    gc = jnp.minimum(g, EXP - 1)
    tile_raw = first_tile[gc] + (v - vstart[gc])
    valid = v < vend[EXP - 1]
    tile_v = jnp.where(valid, tile_raw, MT - 1).astype(jnp.int32)
    group_v = gc.astype(jnp.int32)
    rs_v = jnp.where(valid, jnp.maximum(starts[gc], tile_raw * BT), 0).astype(jnp.int32)
    re_v = jnp.where(valid, jnp.minimum(ends[gc], (tile_raw + 1) * BT), 0).astype(jnp.int32)

    flag_v = jnp.concatenate(
        [jnp.ones((1,), jnp.int32),
         (group_v[1:] != group_v[:-1]).astype(jnp.int32)])
    slot_v = ((jnp.cumsum(flag_v) - 1) % RING).astype(jnp.int32)
    z2 = jnp.zeros((2,), jnp.int32)
    flagp2_v = jnp.concatenate([flag_v[2:], z2])
    slotp2_v = jnp.concatenate([slot_v[2:], z2])
    gp2_v = jnp.concatenate([group_v[2:], z2])
    return (tok, wsorted, pos0, pos1, tile_v, group_v, rs_v, re_v,
            flag_v, slot_v, flagp2_v, slotp2_v, gp2_v)


def kernel(hidden_states, router_logits, w13_weight, w2_weight, w13_bias, w2_bias):
    topk_ids, topk_w = _routing(router_logits)
    (tok, wsorted, pos0, pos1, tile_v, group_v, rs_v, re_v,
     flag_v, slot_v, flagp2_v, slotp2_v, gp2_v) = _metadata(topk_ids, topk_w)

    x_sorted = _sc_gather(hidden_states, tok)
    wrow_wide = jnp.broadcast_to(wsorted[:, None], (S_ROWS, 8))
    y = _gmm(x_sorted, w13_weight, w2_weight, w13_bias, w2_bias,
             wrow_wide, tile_v, group_v, rs_v, re_v,
             flag_v, slot_v, flagp2_v, slotp2_v, gp2_v)
    return _sc_combine(y, pos0, pos1)

# --- scband reference (transcript-rebuilt; emitter-appended) ---
"""Pipeline reference for scband-fused-mo-e-20134806683922 (READ-ONLY COPY).

The authoritative reference and input builder live on the scoring server;
editing this copy changes nothing except your own understanding.
"""

import jax, jax.numpy as jnp
import numpy as np

TOP_K = 2
NUM_EXPERTS = 64


def setup_inputs(seed: int = 0) -> dict:
    key = jax.random.key(seed)
    ks = jax.random.split(key, 6)
    T, H, N, E = 4096, 1024, 512, NUM_EXPERTS
    return {
        "hidden_states": jax.random.normal(ks[0], (T, H), dtype=jnp.float32),
        "router_logits": jax.random.normal(ks[1], (T, E), dtype=jnp.float32),
        "w13_weight": jax.random.normal(ks[2], (E, 2 * N, H), dtype=jnp.float32) * 0.02,
        "w2_weight": jax.random.normal(ks[3], (E, H, N), dtype=jnp.float32) * 0.02,
        "w13_bias": jnp.zeros((E, 2 * N), dtype=jnp.float32),
        "w2_bias": jnp.zeros((E, H), dtype=jnp.float32),
    }


def reference(hidden_states, router_logits, w13_weight, w2_weight, w13_bias, w2_bias):
    # _select_experts: softmax -> top-k -> renormalize
    routing_weights = jax.nn.softmax(router_logits.astype(jnp.float32), axis=-1)
    topk_weights, topk_ids = jax.lax.top_k(routing_weights, TOP_K)
    topk_weights = topk_weights / jnp.sum(topk_weights, axis=-1, keepdims=True)

    # _forward_fp16: per-(k, expert) masked SwiGLU MLP with weighted masked combine
    output = jnp.zeros_like(hidden_states)
    expert_ids = jnp.arange(NUM_EXPERTS, dtype=topk_ids.dtype)
    for k in range(TOP_K):
        def expert_step(acc, inputs):
            e, w13_e, b13_e, w2_e, b2_e = inputs
            mask = topk_ids[:, k] == e
            h = hidden_states @ w13_e.T + b13_e
            gate, up = jnp.split(h, 2, axis=-1)
            h = jax.nn.silu(gate) * up
            out = h @ w2_e.T + b2_e
            w = topk_weights[:, k][:, None]
            acc = acc + jnp.where(mask[:, None], w * out, 0.0)
            return acc, None

        output, _ = jax.lax.scan(
            expert_step, output, (expert_ids, w13_weight, w13_bias, w2_weight, w2_bias)
        )
    return output

if __name__ == "__main__":
    import jax
    _d = setup_inputs()
    print(jax.jit(kernel)(*tuple(_d.values())))

</pallas_src>

<mosaic_0001>
#map = affine_map<(d0, d1) -> (0, 0)>
#map1 = affine_map<(d0, d1) -> (0)>
module attributes {stable_mosaic.version = 14 : i64} {
  func.func @k(%arg0: i32, %arg1: i32, %arg2: memref<4096x1024xf32, #tpu.memory_space<hbm>>, %arg3: memref<8192xi32, #tpu.memory_space<hbm>>, %arg4: memref<8192x1024xf32, #tpu.memory_space<hbm>>, %arg5: memref<256xi32, #tpu.memory_space<vmem>>, %arg6: memref<2x32x1024xf32, #tpu.memory_space<vmem>>, %arg7: memref<!tpu.dma_semaphore, #tpu.memory_space<semaphore_mem>>, %arg8: memref<!tpu.dma_semaphore, #tpu.memory_space<semaphore_mem>>) attributes {dimension_semantics = [#tpu.dimension_semantics<core_parallel>, #tpu.dimension_semantics<subcore_parallel>], iteration_bounds = array<i64: 2, 16>, scalar_prefetch = 0 : i64, scratch_operands = 4 : i64, tpu.core_type = #tpu.core_type<sc_vector_subcore>, window_params = [{transform_indices = #map}, {transform_indices = #map1}, {transform_indices = #map}]} {
    %mul3A = arith.constant 2 : i32
    %mul3A_0 = arith.muli %arg1, %mul3A : i32
    %add3A = arith.addi %mul3A_0, %arg0 : i32
    %mul3A_1 = arith.constant 256 : i32
    %mul3A_2 = arith.muli %add3A, %mul3A_1 : i32
    "tpu.region"() ({
      %run_scoped3A_184 = tpu.sem_alloc : memref<!tpu.dma_semaphore, #tpu.memory_space<semaphore_mem>>
      %dma_start3A_185 = tpu.memref_slice %arg3[%mul3A_2] : memref<8192xi32, #tpu.memory_space<hbm>> -> memref<256xi32, #tpu.memory_space<hbm>>
      %dma_start3A_186 = tpu.memref_slice %arg3[%mul3A_2] : memref<8192xi32, #tpu.memory_space<hbm>> -> memref<256xi32, #tpu.memory_space<hbm>>
      tpu.enqueue_dma source(%dma_start3A_186 : memref<256xi32, #tpu.memory_space<hbm>>) target(%arg5 : memref<256xi32, #tpu.memory_space<vmem>>) target_semaphore(%run_scoped3A_184 : memref<!tpu.dma_semaphore, #tpu.memory_space<semaphore_mem>>)
      %dma_wait3A_187 = tpu.memref_slice %arg3[%mul3A_2] : memref<8192xi32, #tpu.memory_space<hbm>> -> memref<256xi32, #tpu.memory_space<hbm>>
      %dma_wait3A_188 = tpu.memref_slice %arg3[%mul3A_2] : memref<8192xi32, #tpu.memory_space<hbm>> -> memref<256xi32, #tpu.memory_space<hbm>>
      tpu.wait_dma2 semaphore(%run_scoped3A_184 : memref<!tpu.dma_semaphore, #tpu.memory_space<semaphore_mem>>) src(%dma_wait3A_188 : memref<256xi32, #tpu.memory_space<hbm>>) dst(%arg5 : memref<256xi32, #tpu.memory_space<vmem>>)
      tpu.yield
    }) : () -> ()
    %dma_start3A = arith.constant 0 : i32
    %dma_start3A_3 = arith.constant 0 : i32
    %dma_start3A_4 = arith.constant 0 : i32
    %dma_start3A_5 = tpu.memref_slice %arg6[%dma_start3A, %dma_start3A_3, %dma_start3A_4] : memref<2x32x1024xf32, #tpu.memory_space<vmem>> -> memref<1x32x1024xf32, #tpu.memory_space<vmem>>
    %dma_start3A_6 = tpu.memref_squeeze %dma_start3A_5 : memref<1x32x1024xf32, #tpu.memory_space<vmem>> -> memref<32x1024xf32, #tpu.memory_space<vmem>>
    %dma_start3A_7 = arith.constant 0 : i32
    %dma_start3A_8 = tpu.memref_slice %arg5[%dma_start3A_7] : memref<256xi32, #tpu.memory_space<vmem>> -> memref<32xi32, #tpu.memory_space<vmem>>
    %dma_start3A_9 = arith.constant 0 : i32
    %dma_start3A_10 = arith.constant 0 : i32
    %dma_start3A_11 = tpu.memref_slice %arg2[%dma_start3A_9, %dma_start3A_10] : memref<4096x1024xf32, #tpu.memory_space<hbm>> -> memref<4096x1024xf32, #tpu.memory_space<hbm>>
    tpu.enqueue_indirect_dma source(%dma_start3A_11 : memref<4096x1024xf32, #tpu.memory_space<hbm>>) target(%dma_start3A_6 : memref<32x1024xf32, #tpu.memory_space<vmem>>) offsets(%dma_start3A_8 : memref<32xi32, #tpu.memory_space<vmem>>) semaphore(%arg7 : memref<!tpu.dma_semaphore, #tpu.memory_space<semaphore_mem>>)
    %dma_start3A_12 = arith.constant 1 : i32
    %dma_start3A_13 = arith.constant 0 : i32
    %dma_start3A_14 = arith.constant 0 : i32
    %dma_start3A_15 = tpu.memref_slice %arg6[%dma_start3A_12, %dma_start3A_13, %dma_start3A_14] : memref<2x32x1024xf32, #tpu.memory_space<vmem>> -> memref<1x32x1024xf32, #tpu.memory_space<vmem>>
    %dma_start3A_16 = tpu.memref_squeeze %dma_start3A_15 : memref<1x32x1024xf32, #tpu.memory_space<vmem>> -> memref<32x1024xf32, #tpu.memory_space<vmem>>
    %dma_start3A_17 = arith.constant 32 : i32
    %dma_start3A_18 = tpu.memref_slice %arg5[%dma_start3A_17] : memref<256xi32, #tpu.memory_space<vmem>> -> memref<32xi32, #tpu.memory_space<vmem>>
    %dma_start3A_19 = arith.constant 0 : i32
    %dma_start3A_20 = arith.constant 0 : i32
    %dma_start3A_21 = tpu.memref_slice %arg2[%dma_start3A_19, %dma_start3A_20] : memref<4096x1024xf32, #tpu.memory_space<hbm>> -> memref<4096x1024xf32, #tpu.memory_space<hbm>>
    tpu.enqueue_indirect_dma source(%dma_start3A_21 : memref<4096x1024xf32, #tpu.memory_space<hbm>>) target(%dma_start3A_16 : memref<32x1024xf32, #tpu.memory_space<vmem>>) offsets(%dma_start3A_18 : memref<32xi32, #tpu.memory_space<vmem>>) semaphore(%arg8 : memref<!tpu.dma_semaphore, #tpu.memory_space<semaphore_mem>>)
    %dma_wait3A = arith.constant 0 : i32
    %dma_wait3A_22 = arith.constant 0 : i32
    %dma_wait3A_23 = arith.constant 0 : i32
    %dma_wait3A_24 = tpu.memref_slice %arg6[%dma_wait3A, %dma_wait3A_22, %dma_wait3A_23] : memref<2x32x1024xf32, #tpu.memory_space<vmem>> -> memref<1x32x1024xf32, #tpu.memory_space<vmem>>
    %dma_wait3A_25 = tpu.memref_squeeze %dma_wait3A_24 : memref<1x32x1024xf32, #tpu.memory_space<vmem>> -> memref<32x1024xf32, #tpu.memory_space<vmem>>
    %dma_wait3A_26 = arith.constant 0 : i32
    %dma_wait3A_27 = tpu.memref_slice %arg5[%dma_wait3A_26] : memref<256xi32, #tpu.memory_space<vmem>> -> memref<32xi32, #tpu.memory_space<vmem>>
    %dma_wait3A_28 = arith.constant 0 : i32
    %dma_wait3A_29 = arith.constant 0 : i32
    %dma_wait3A_30 = tpu.memref_slice %arg2[%dma_wait3A_28, %dma_wait3A_29] : memref<4096x1024xf32, #tpu.memory_space<hbm>> -> memref<4096x1024xf32, #tpu.memory_space<hbm>>
    tpu.wait_indirect_dma semaphore(%arg7 : memref<!tpu.dma_semaphore, #tpu.memory_space<semaphore_mem>>) src(%dma_wait3A_30 : memref<4096x1024xf32, #tpu.memory_space<hbm>>) dst(%dma_wait3A_25 : memref<32x1024xf32, #tpu.memory_space<vmem>>)
    %add3A_31 = arith.constant 0 : i32
    %add3A_32 = arith.addi %mul3A_2, %add3A_31 : i32
    %run_scoped3A = arith.constant 0 : i32
    "tpu.region"() ({
      %run_scoped3A_184 = tpu.sem_alloc : memref<!tpu.dma_semaphore, #tpu.memory_space<semaphore_mem>>
      %dma_start3A_185 = arith.constant 0 : i32
      %dma_start3A_186 = arith.constant 0 : i32
      %dma_start3A_187 = tpu.memref_slice %arg6[%run_scoped3A, %dma_start3A_185, %dma_start3A_186] : memref<2x32x1024xf32, #tpu.memory_space<vmem>> -> memref<1x32x1024xf32, #tpu.memory_space<vmem>>
      %dma_start3A_188 = tpu.memref_squeeze %dma_start3A_187 : memref<1x32x1024xf32, #tpu.memory_space<vmem>> -> memref<32x1024xf32, #tpu.memory_space<vmem>>
      %dma_start3A_189 = arith.constant 0 : i32
      %dma_start3A_190 = tpu.memref_slice %arg4[%add3A_32, %dma_start3A_189] : memref<8192x1024xf32, #tpu.memory_space<hbm>> -> memref<32x1024xf32, #tpu.memory_space<hbm>>
      %dma_start3A_191 = arith.constant 0 : i32
      %dma_start3A_192 = tpu.memref_slice %arg4[%add3A_32, %dma_start3A_191] : memref<8192x1024xf32, #tpu.memory_space<hbm>> -> memref<32x1024xf32, #tpu.memory_space<hbm>>
      %dma_start3A_193 = arith.constant 0 : i32
      %dma_start3A_194 = arith.constant 0 : i32
      %dma_start3A_195 = tpu.memref_slice %arg6[%run_scoped3A, %dma_start3A_193, %dma_start3A_194] : memref<2x32x1024xf32, #tpu.memory_space<vmem>> -> memref<1x32x1024xf32, #tpu.memory_space<vmem>>
      %dma_start3A_196 = tpu.memref_squeeze %dma_start3A_195 : memref<1x32x1024xf32, #tpu.memory_space<vmem>> -> memref<32x1024xf32, #tpu.memory_space<vmem>>
      tpu.enqueue_dma source(%dma_start3A_196 : memref<32x1024xf32, #tpu.memory_space<vmem>>) target(%dma_start3A_192 : memref<32x1024xf32, #tpu.memory_space<hbm>>) target_semaphore(%run_scoped3A_184 : memref<!tpu.dma_semaphore, #tpu.memory_space<semaphore_mem>>)
      %dma_wait3A_197 = arith.constant 0 : i32
      %dma_wait3A_198 = arith.constant 0 : i32
      %dma_wait3A_199 = tpu.memref_slice %arg6[%run_scoped3A, %dma_wait3A_197, %dma_wait3A_198] : memref<2x32x1024xf32, #tpu.memory_space<vmem>> -> memref<1x32x1024xf32, #tpu.memory_space<vmem>>
      %dma_wait3A_200 = tpu.memref_squeeze %dma_wait3A_199 : memref<1x32x1024xf32, #tpu.memory_space<vmem>> -> memref<32x1024xf32, #tpu.memory_space<vmem>>
      %dma_wait3A_201 = arith.constant 0 : i32
      %dma_wait3A_202 = tpu.memref_slice %arg4[%add3A_32, %dma_wait3A_201] : memref<8192x1024xf32, #tpu.memory_space<hbm>> -> memref<32x1024xf32, #tpu.memory_space<hbm>>
      %dma_wait3A_203 = arith.constant 0 : i32
      %dma_wait3A_204 = tpu.memref_slice %arg4[%add3A_32, %dma_wait3A_203] : memref<8192x1024xf32, #tpu.memory_space<hbm>> -> memref<32x1024xf32, #tpu.memory_space<hbm>>
      %dma_wait3A_205 = arith.constant 0 : i32
      %dma_wait3A_206 = arith.constant 0 : i32
      %dma_wait3A_207 = tpu.memref_slice %arg6[%run_scoped3A, %dma_wait3A_205, %dma_wait3A_206] : memref<2x32x1024xf32, #tpu.memory_space<vmem>> -> memref<1x32x1024xf32, #tpu.memory_space<vmem>>
      %dma_wait3A_208 = tpu.memref_squeeze %dma_wait3A_207 : memref<1x32x1024xf32, #tpu.memory_space<vmem>> -> memref<32x1024xf32, #tpu.memory_space<vmem>>
      tpu.wait_dma2 semaphore(%run_scoped3A_184 : memref<!tpu.dma_semaphore, #tpu.memory_space<semaphore_mem>>) src(%dma_wait3A_208 : memref<32x1024xf32, #tpu.memory_space<vmem>>) dst(%dma_wait3A_204 : memref<32x1024xf32, #tpu.memory_space<hbm>>)
      tpu.yield
    }) : () -> ()
    %dma_start3A_33 = arith.constant 0 : i32
    %dma_start3A_34 = arith.constant 0 : i32
    %dma_start3A_35 = arith.constant 0 : i32
    %dma_start3A_36 = tpu.memref_slice %arg6[%dma_start3A_33, %dma_start3A_34, %dma_start3A_35] : memref<2x32x1024xf32, #tpu.memory_space<vmem>> -> memref<1x32x1024xf32, #tpu.memory_space<vmem>>
    %dma_start3A_37 = tpu.memref_squeeze %dma_start3A_36 : memref<1x32x1024xf32, #tpu.memory_space<vmem>> -> memref<32x1024xf32, #tpu.memory_space<vmem>>
    %dma_start3A_38 = arith.constant 64 : i32
    %dma_start3A_39 = tpu.memref_slice %arg5[%dma_start3A_38] : memref<256xi32, #tpu.memory_space<vmem>> -> memref<32xi32, #tpu.memory_space<vmem>>
    %dma_start3A_40 = arith.constant 0 : i32
    %dma_start3A_41 = arith.constant 0 : i32
    %dma_start3A_42 = tpu.memref_slice %arg2[%dma_start3A_40, %dma_start3A_41] : memref<4096x1024xf32, #tpu.memory_space<hbm>> -> memref<4096x1024xf32, #tpu.memory_space<hbm>>
    tpu.enqueue_indirect_dma source(%dma_start3A_42 : memref<4096x1024xf32, #tpu.memory_space<hbm>>) target(%dma_start3A_37 : memref<32x1024xf32, #tpu.memory_space<vmem>>) offsets(%dma_start3A_39 : memref<32xi32, #tpu.memory_space<vmem>>) semaphore(%arg7 : memref<!tpu.dma_semaphore, #tpu.memory_space<semaphore_mem>>)
    %dma_wait3A_43 = arith.constant 1 : i32
    %dma_wait3A_44 = arith.constant 0 : i32
    %dma_wait3A_45 = arith.constant 0 : i32
    %dma_wait3A_46 = tpu.memref_slice %arg6[%dma_wait3A_43, %dma_wait3A_44, %dma_wait3A_45] : memref<2x32x1024xf32, #tpu.memory_space<vmem>> -> memref<1x32x1024xf32, #tpu.memory_space<vmem>>
    %dma_wait3A_47 = tpu.memref_squeeze %dma_wait3A_46 : memref<1x32x1024xf32, #tpu.memory_space<vmem>> -> memref<32x1024xf32, #tpu.memory_space<vmem>>
    %dma_wait3A_48 = arith.constant 32 : i32
    %dma_wait3A_49 = tpu.memref_slice %arg5[%dma_wait3A_48] : memref<256xi32, #tpu.memory_space<vmem>> -> memref<32xi32, #tpu.memory_space<vmem>>
    %dma_wait3A_50 = arith.constant 0 : i32
    %dma_wait3A_51 = arith.constant 0 : i32
    %dma_wait3A_52 = tpu.memref_slice %arg2[%dma_wait3A_50, %dma_wait3A_51] : memref<4096x1024xf32, #tpu.memory_space<hbm>> -> memref<4096x1024xf32, #tpu.memory_space<hbm>>
    tpu.wait_indirect_dma semaphore(%arg8 : memref<!tpu.dma_semaphore, #tpu.memory_space<semaphore_mem>>) src(%dma_wait3A_52 : memref<4096x1024xf32, #tpu.memory_space<hbm>>) dst(%dma_wait3A_47 : memref<32x1024xf32, #tpu.memory_space<vmem>>)
    %add3A_53 = arith.constant 32 : i32
    %add3A_54 = arith.addi %mul3A_2, %add3A_53 : i32
    %run_scoped3A_55 = arith.constant 1 : i32
    "tpu.region"() ({
      %run_scoped3A_184 = tpu.sem_alloc : memref<!tpu.dma_semaphore, #tpu.memory_space<semaphore_mem>>
      %dma_start3A_185 = arith.constant 0 : i32
      %dma_start3A_186 = arith.constant 0 : i32
      %dma_start3A_187 = tpu.memref_slice %arg6[%run_scoped3A_55, %dma_start3A_185, %dma_start3A_186] : memref<2x32x1024xf32, #tpu.memory_space<vmem>> -> memref<1x32x1024xf32, #tpu.memory_space<vmem>>
      %dma_start3A_188 = tpu.memref_squeeze %dma_start3A_187 : memref<1x32x1024xf32, #tpu.memory_space<vmem>> -> memref<32x1024xf32, #tpu.memory_space<vmem>>
      %dma_start3A_189 = arith.constant 0 : i32
      %dma_start3A_190 = tpu.memref_slice %arg4[%add3A_54, %dma_start3A_189] : memref<8192x1024xf32, #tpu.memory_space<hbm>> -> memref<32x1024xf32, #tpu.memory_space<hbm>>
      %dma_start3A_191 = arith.constant 0 : i32
      %dma_start3A_192 = tpu.memref_slice %arg4[%add3A_54, %dma_start3A_191] : memref<8192x1024xf32, #tpu.memory_space<hbm>> -> memref<32x1024xf32, #tpu.memory_space<hbm>>
      %dma_start3A_193 = arith.constant 0 : i32
      %dma_start3A_194 = arith.constant 0 : i32
      %dma_start3A_195 = tpu.memref_slice %arg6[%run_scoped3A_55, %dma_start3A_193, %dma_start3A_194] : memref<2x32x1024xf32, #tpu.memory_space<vmem>> -> memref<1x32x1024xf32, #tpu.memory_space<vmem>>
      %dma_start3A_196 = tpu.memref_squeeze %dma_start3A_195 : memref<1x32x1024xf32, #tpu.memory_space<vmem>> -> memref<32x1024xf32, #tpu.memory_space<vmem>>
      tpu.enqueue_dma source(%dma_start3A_196 : memref<32x1024xf32, #tpu.memory_space<vmem>>) target(%dma_start3A_192 : memref<32x1024xf32, #tpu.memory_space<hbm>>) target_semaphore(%run_scoped3A_184 : memref<!tpu.dma_semaphore, #tpu.memory_space<semaphore_mem>>)
      %dma_wait3A_197 = arith.constant 0 : i32
      %dma_wait3A_198 = arith.constant 0 : i32
      %dma_wait3A_199 = tpu.memref_slice %arg6[%run_scoped3A_55, %dma_wait3A_197, %dma_wait3A_198] : memref<2x32x1024xf32, #tpu.memory_space<vmem>> -> memref<1x32x1024xf32, #tpu.memory_space<vmem>>
      %dma_wait3A_200 = tpu.memref_squeeze %dma_wait3A_199 : memref<1x32x1024xf32, #tpu.memory_space<vmem>> -> memref<32x1024xf32, #tpu.memory_space<vmem>>
      %dma_wait3A_201 = arith.constant 0 : i32
      %dma_wait3A_202 = tpu.memref_slice %arg4[%add3A_54, %dma_wait3A_201] : memref<8192x1024xf32, #tpu.memory_space<hbm>> -> memref<32x1024xf32, #tpu.memory_space<hbm>>
      %dma_wait3A_203 = arith.constant 0 : i32
      %dma_wait3A_204 = tpu.memref_slice %arg4[%add3A_54, %dma_wait3A_203] : memref<8192x1024xf32, #tpu.memory_space<hbm>> -> memref<32x1024xf32, #tpu.memory_space<hbm>>
      %dma_wait3A_205 = arith.constant 0 : i32
      %dma_wait3A_206 = arith.constant 0 : i32
      %dma_wait3A_207 = tpu.memref_slice %arg6[%run_scoped3A_55, %dma_wait3A_205, %dma_wait3A_206] : memref<2x32x1024xf32, #tpu.memory_space<vmem>> -> memref<1x32x1024xf32, #tpu.memory_space<vmem>>
      %dma_wait3A_208 = tpu.memref_squeeze %dma_wait3A_207 : memref<1x32x1024xf32, #tpu.memory_space<vmem>> -> memref<32x1024xf32, #tpu.memory_space<vmem>>
      tpu.wait_dma2 semaphore(%run_scoped3A_184 : memref<!tpu.dma_semaphore, #tpu.memory_space<semaphore_mem>>) src(%dma_wait3A_208 : memref<32x1024xf32, #tpu.memory_space<vmem>>) dst(%dma_wait3A_204 : memref<32x1024xf32, #tpu.memory_space<hbm>>)
      tpu.yield
    }) : () -> ()
    %dma_start3A_56 = arith.constant 1 : i32
    %dma_start3A_57 = arith.constant 0 : i32
    %dma_start3A_58 = arith.constant 0 : i32
    %dma_start3A_59 = tpu.memref_slice %arg6[%dma_start3A_56, %dma_start3A_57, %dma_start3A_58] : memref<2x32x1024xf32, #tpu.memory_space<vmem>> -> memref<1x32x1024xf32, #tpu.memory_space<vmem>>
    %dma_start3A_60 = tpu.memref_squeeze %dma_start3A_59 : memref<1x32x1024xf32, #tpu.memory_space<vmem>> -> memref<32x1024xf32, #tpu.memory_space<vmem>>
    %dma_start3A_61 = arith.constant 96 : i32
    %dma_start3A_62 = tpu.memref_slice %arg5[%dma_start3A_61] : memref<256xi32, #tpu.memory_space<vmem>> -> memref<32xi32, #tpu.memory_space<vmem>>
    %dma_start3A_63 = arith.constant 0 : i32
    %dma_start3A_64 = arith.constant 0 : i32
    %dma_start3A_65 = tpu.memref_slice %arg2[%dma_start3A_63, %dma_start3A_64] : memref<4096x1024xf32, #tpu.memory_space<hbm>> -> memref<4096x1024xf32, #tpu.memory_space<hbm>>
    tpu.enqueue_indirect_dma source(%dma_start3A_65 : memref<4096x1024xf32, #tpu.memory_space<hbm>>) target(%dma_start3A_60 : memref<32x1024xf32, #tpu.memory_space<vmem>>) offsets(%dma_start3A_62 : memref<32xi32, #tpu.memory_space<vmem>>) semaphore(%arg8 : memref<!tpu.dma_semaphore, #tpu.memory_space<semaphore_mem>>)
    %dma_wait3A_66 = arith.constant 0 : i32
    %dma_wait3A_67 = arith.constant 0 : i32
    %dma_wait3A_68 = arith.constant 0 : i32
    %dma_wait3A_69 = tpu.memref_slice %arg6[%dma_wait3A_66, %dma_wait3A_67, %dma_wait3A_68] : memref<2x32x1024xf32, #tpu.memory_space<vmem>> -> memref<1x32x1024xf32, #tpu.memory_space<vmem>>
    %dma_wait3A_70 = tpu.memref_squeeze %dma_wait3A_69 : memref<1x32x1024xf32, #tpu.memory_space<vmem>> -> memref<32x1024xf32, #tpu.memory_space<vmem>>
    %dma_wait3A_71 = arith.constant 64 : i32
    %dma_wait3A_72 = tpu.memref_slice %arg5[%dma_wait3A_71] : memref<256xi32, #tpu.memory_space<vmem>> -> memref<32xi32, #tpu.memory_space<vmem>>
    %dma_wait3A_73 = arith.constant 0 : i32
    %dma_wait3A_74 = arith.constant 0 : i32
    %dma_wait3A_75 = tpu.memref_slice %arg2[%dma_wait3A_73, %dma_wait3A_74] : memref<4096x1024xf32, #tpu.memory_space<hbm>> -> memref<4096x1024xf32, #tpu.memory_space<hbm>>
    tpu.wait_indirect_dma semaphore(%arg7 : memref<!tpu.dma_semaphore, #tpu.memory_space<semaphore_mem>>) src(%dma_wait3A_75 : memref<4096x1024xf32, #tpu.memory_space<hbm>>) dst(%dma_wait3A_70 : memref<32x1024xf32, #tpu.memory_space<vmem>>)
    %add3A_76 = arith.constant 64 : i32
    %add3A_77 = arith.addi %mul3A_2, %add3A_76 : i32
    %run_scoped3A_78 = arith.constant 0 : i32
    "tpu.region"() ({
      %run_scoped3A_184 = tpu.sem_alloc : memref<!tpu.dma_semaphore, #tpu.memory_space<semaphore_mem>>
      %dma_start3A_185 = arith.constant 0 : i32
      %dma_start3A_186 = arith.constant 0 : i32
      %dma_start3A_187 = tpu.memref_slice %arg6[%run_scoped3A_78, %dma_start3A_185, %dma_start3A_186] : memref<2x32x1024xf32, #tpu.memory_space<vmem>> -> memref<1x32x1024xf32, #tpu.memory_space<vmem>>
      %dma_start3A_188 = tpu.memref_squeeze %dma_start3A_187 : memref<1x32x1024xf32, #tpu.memory_space<vmem>> -> memref<32x1024xf32, #tpu.memory_space<vmem>>
      %dma_start3A_189 = arith.constant 0 : i32
      %dma_start3A_190 = tpu.memref_slice %arg4[%add3A_77, %dma_start3A_189] : memref<8192x1024xf32, #tpu.memory_space<hbm>> -> memref<32x1024xf32, #tpu.memory_space<hbm>>
      %dma_start3A_191 = arith.constant 0 : i32
      %dma_start3A_192 = tpu.memref_slice %arg4[%add3A_77, %dma_start3A_191] : memref<8192x1024xf32, #tpu.memory_space<hbm>> -> memref<32x1024xf32, #tpu.memory_space<hbm>>
      %dma_start3A_193 = arith.constant 0 : i32
      %dma_start3A_194 = arith.constant 0 : i32
      %dma_start3A_195 = tpu.memref_slice %arg6[%run_scoped3A_78, %dma_start3A_193, %dma_start3A_194] : memref<2x32x1024xf32, #tpu.memory_space<vmem>> -> memref<1x32x1024xf32, #tpu.memory_space<vmem>>
      %dma_start3A_196 = tpu.memref_squeeze %dma_start3A_195 : memref<1x32x1024xf32, #tpu.memory_space<vmem>> -> memref<32x1024xf32, #tpu.memory_space<vmem>>
      tpu.enqueue_dma source(%dma_start3A_196 : memref<32x1024xf32, #tpu.memory_space<vmem>>) target(%dma_start3A_192 : memref<32x1024xf32, #tpu.memory_space<hbm>>) target_semaphore(%run_scoped3A_184 : memref<!tpu.dma_semaphore, #tpu.memory_space<semaphore_mem>>)
      %dma_wait3A_197 = arith.constant 0 : i32
      %dma_wait3A_198 = arith.constant 0 : i32
      %dma_wait3A_199 = tpu.memref_slice %arg6[%run_scoped3A_78, %dma_wait3A_197, %dma_wait3A_198] : memref<2x32x1024xf32, #tpu.memory_space<vmem>> -> memref<1x32x1024xf32, #tpu.memory_space<vmem>>
      %dma_wait3A_200 = tpu.memref_squeeze %dma_wait3A_199 : memref<1x32x1024xf32, #tpu.memory_space<vmem>> -> memref<32x1024xf32, #tpu.memory_space<vmem>>
      %dma_wait3A_201 = arith.constant 0 : i32
      %dma_wait3A_202 = tpu.memref_slice %arg4[%add3A_77, %dma_wait3A_201] : memref<8192x1024xf32, #tpu.memory_space<hbm>> -> memref<32x1024xf32, #tpu.memory_space<hbm>>
      %dma_wait3A_203 = arith.constant 0 : i32
      %dma_wait3A_204 = tpu.memref_slice %arg4[%add3A_77, %dma_wait3A_203] : memref<8192x1024xf32, #tpu.memory_space<hbm>> -> memref<32x1024xf32, #tpu.memory_space<hbm>>
      %dma_wait3A_205 = arith.constant 0 : i32
      %dma_wait3A_206 = arith.constant 0 : i32
      %dma_wait3A_207 = tpu.memref_slice %arg6[%run_scoped3A_78, %dma_wait3A_205, %dma_wait3A_206] : memref<2x32x1024xf32, #tpu.memory_space<vmem>> -> memref<1x32x1024xf32, #tpu.memory_space<vmem>>
      %dma_wait3A_208 = tpu.memref_squeeze %dma_wait3A_207 : memref<1x32x1024xf32, #tpu.memory_space<vmem>> -> memref<32x1024xf32, #tpu.memory_space<vmem>>
      tpu.wait_dma2 semaphore(%run_scoped3A_184 : memref<!tpu.dma_semaphore, #tpu.memory_space<semaphore_mem>>) src(%dma_wait3A_208 : memref<32x1024xf32, #tpu.memory_space<vmem>>) dst(%dma_wait3A_204 : memref<32x1024xf32, #tpu.memory_space<hbm>>)
      tpu.yield
    }) : () -> ()
    %dma_start3A_79 = arith.constant 0 : i32
    %dma_start3A_80 = arith.constant 0 : i32
    %dma_start3A_81 = arith.constant 0 : i32
    %dma_start3A_82 = tpu.memref_slice %arg6[%dma_start3A_79, %dma_start3A_80, %dma_start3A_81] : memref<2x32x1024xf32, #tpu.memory_space<vmem>> -> memref<1x32x1024xf32, #tpu.memory_space<vmem>>
    %dma_start3A_83 = tpu.memref_squeeze %dma_start3A_82 : memref<1x32x1024xf32, #tpu.memory_space<vmem>> -> memref<32x1024xf32, #tpu.memory_space<vmem>>
    %dma_start3A_84 = arith.constant 128 : i32
    %dma_start3A_85 = tpu.memref_slice %arg5[%dma_start3A_84] : memref<256xi32, #tpu.memory_space<vmem>> -> memref<32xi32, #tpu.memory_space<vmem>>
    %dma_start3A_86 = arith.constant 0 : i32
    %dma_start3A_87 = arith.constant 0 : i32
    %dma_start3A_88 = tpu.memref_slice %arg2[%dma_start3A_86, %dma_start3A_87] : memref<4096x1024xf32, #tpu.memory_space<hbm>> -> memref<4096x1024xf32, #tpu.memory_space<hbm>>
    tpu.enqueue_indirect_dma source(%dma_start3A_88 : memref<4096x1024xf32, #tpu.memory_space<hbm>>) target(%dma_start3A_83 : memref<32x1024xf32, #tpu.memory_space<vmem>>) offsets(%dma_start3A_85 : memref<32xi32, #tpu.memory_space<vmem>>) semaphore(%arg7 : memref<!tpu.dma_semaphore, #tpu.memory_space<semaphore_mem>>)
    %dma_wait3A_89 = arith.constant 1 : i32
    %dma_wait3A_90 = arith.constant 0 : i32
    %dma_wait3A_91 = arith.constant 0 : i32
    %dma_wait3A_92 = tpu.memref_slice %arg6[%dma_wait3A_89, %dma_wait3A_90, %dma_wait3A_91] : memref<2x32x1024xf32, #tpu.memory_space<vmem>> -> memref<1x32x1024xf32, #tpu.memory_space<vmem>>
    %dma_wait3A_93 = tpu.memref_squeeze %dma_wait3A_92 : memref<1x32x1024xf32, #tpu.memory_space<vmem>> -> memref<32x1024xf32, #tpu.memory_space<vmem>>
    %dma_wait3A_94 = arith.constant 96 : i32
    %dma_wait3A_95 = tpu.memref_slice %arg5[%dma_wait3A_94] : memref<256xi32, #tpu.memory_space<vmem>> -> memref<32xi32, #tpu.memory_space<vmem>>
    %dma_wait3A_96 = arith.constant 0 : i32
    %dma_wait3A_97 = arith.constant 0 : i32
    %dma_wait3A_98 = tpu.memref_slice %arg2[%dma_wait3A_96, %dma_wait3A_97] : memref<4096x1024xf32, #tpu.memory_space<hbm>> -> memref<4096x1024xf32, #tpu.memory_space<hbm>>
    tpu.wait_indirect_dma semaphore(%arg8 : memref<!tpu.dma_semaphore, #tpu.memory_space<semaphore_mem>>) src(%dma_wait3A_98 : memref<4096x1024xf32, #tpu.memory_space<hbm>>) dst(%dma_wait3A_93 : memref<32x1024xf32, #tpu.memory_space<vmem>>)
    %add3A_99 = arith.constant 96 : i32
    %add3A_100 = arith.addi %mul3A_2, %add3A_99 : i32
    %run_scoped3A_101 = arith.constant 1 : i32
    "tpu.region"() ({
      %run_scoped3A_184 = tpu.sem_alloc : memref<!tpu.dma_semaphore, #tpu.memory_space<semaphore_mem>>
      %dma_start3A_185 = arith.constant 0 : i32
      %dma_start3A_186 = arith.constant 0 : i32
      %dma_start3A_187 = tpu.memref_slice %arg6[%run_scoped3A_101, %dma_start3A_185, %dma_start3A_186] : memref<2x32x1024xf32, #tpu.memory_space<vmem>> -> memref<1x32x1024xf32, #tpu.memory_space<vmem>>
      %dma_start3A_188 = tpu.memref_squeeze %dma_start3A_187 : memref<1x32x1024xf32, #tpu.memory_space<vmem>> -> memref<32x1024xf32, #tpu.memory_space<vmem>>
      %dma_start3A_189 = arith.constant 0 : i32
      %dma_start3A_190 = tpu.memref_slice %arg4[%add3A_100, %dma_start3A_189] : memref<8192x1024xf32, #tpu.memory_space<hbm>> -> memref<32x1024xf32, #tpu.memory_space<hbm>>
      %dma_start3A_191 = arith.constant 0 : i32
      %dma_start3A_192 = tpu.memref_slice %arg4[%add3A_100, %dma_start3A_191] : memref<8192x1024xf32, #tpu.memory_space<hbm>> -> memref<32x1024xf32, #tpu.memory_space<hbm>>
      %dma_start3A_193 = arith.constant 0 : i32
      %dma_start3A_194 = arith.constant 0 : i32
      %dma_start3A_195 = tpu.memref_slice %arg6[%run_scoped3A_101, %dma_start3A_193, %dma_start3A_194] : memref<2x32x1024xf32, #tpu.memory_space<vmem>> -> memref<1x32x1024xf32, #tpu.memory_space<vmem>>
      %dma_start3A_196 = tpu.memref_squeeze %dma_start3A_195 : memref<1x32x1024xf32, #tpu.memory_space<vmem>> -> memref<32x1024xf32, #tpu.memory_space<vmem>>
      tpu.enqueue_dma source(%dma_start3A_196 : memref<32x1024xf32, #tpu.memory_space<vmem>>) target(%dma_start3A_192 : memref<32x1024xf32, #tpu.memory_space<hbm>>) target_semaphore(%run_scoped3A_184 : memref<!tpu.dma_semaphore, #tpu.memory_space<semaphore_mem>>)
      %dma_wait3A_197 = arith.constant 0 : i32
      %dma_wait3A_198 = arith.constant 0 : i32
      %dma_wait3A_199 = tpu.memref_slice %arg6[%run_scoped3A_101, %dma_wait3A_197, %dma_wait3A_198] : memref<2x32x1024xf32, #tpu.memory_space<vmem>> -> memref<1x32x1024xf32, #tpu.memory_space<vmem>>
      %dma_wait3A_200 = tpu.memref_squeeze %dma_wait3A_199 : memref<1x32x1024xf32, #tpu.memory_space<vmem>> -> memref<32x1024xf32, #tpu.memory_space<vmem>>
      %dma_wait3A_201 = arith.constant 0 : i32
      %dma_wait3A_202 = tpu.memref_slice %arg4[%add3A_100, %dma_wait3A_201] : memref<8192x1024xf32, #tpu.memory_space<hbm>> -> memref<32x1024xf32, #tpu.memory_space<hbm>>
      %dma_wait3A_203 = arith.constant 0 : i32
      %dma_wait3A_204 = tpu.memref_slice %arg4[%add3A_100, %dma_wait3A_203] : memref<8192x1024xf32, #tpu.memory_space<hbm>> -> memref<32x1024xf32, #tpu.memory_space<hbm>>
      %dma_wait3A_205 = arith.constant 0 : i32
      %dma_wait3A_206 = arith.constant 0 : i32
      %dma_wait3A_207 = tpu.memref_slice %arg6[%run_scoped3A_101, %dma_wait3A_205, %dma_wait3A_206] : memref<2x32x1024xf32, #tpu.memory_space<vmem>> -> memref<1x32x1024xf32, #tpu.memory_space<vmem>>
      %dma_wait3A_208 = tpu.memref_squeeze %dma_wait3A_207 : memref<1x32x1024xf32, #tpu.memory_space<vmem>> -> memref<32x1024xf32, #tpu.memory_space<vmem>>
      tpu.wait_dma2 semaphore(%run_scoped3A_184 : memref<!tpu.dma_semaphore, #tpu.memory_space<semaphore_mem>>) src(%dma_wait3A_208 : memref<32x1024xf32, #tpu.memory_space<vmem>>) dst(%dma_wait3A_204 : memref<32x1024xf32, #tpu.memory_space<hbm>>)
      tpu.yield
    }) : () -> ()
    %dma_start3A_102 = arith.constant 1 : i32
    %dma_start3A_103 = arith.constant 0 : i32
    %dma_start3A_104 = arith.constant 0 : i32
    %dma_start3A_105 = tpu.memref_slice %arg6[%dma_start3A_102, %dma_start3A_103, %dma_start3A_104] : memref<2x32x1024xf32, #tpu.memory_space<vmem>> -> memref<1x32x1024xf32, #tpu.memory_space<vmem>>
    %dma_start3A_106 = tpu.memref_squeeze %dma_start3A_105 : memref<1x32x1024xf32, #tpu.memory_space<vmem>> -> memref<32x1024xf32, #tpu.memory_space<vmem>>
    %dma_start3A_107 = arith.constant 160 : i32
    %dma_start3A_108 = tpu.memref_slice %arg5[%dma_start3A_107] : memref<256xi32, #tpu.memory_space<vmem>> -> memref<32xi32, #tpu.memory_space<vmem>>
    %dma_start3A_109 = arith.constant 0 : i32
    %dma_start3A_110 = arith.constant 0 : i32
    %dma_start3A_111 = tpu.memref_slice %arg2[%dma_start3A_109, %dma_start3A_110] : memref<4096x1024xf32, #tpu.memory_space<hbm>> -> memref<4096x1024xf32, #tpu.memory_space<hbm>>
    tpu.enqueue_indirect_dma source(%dma_start3A_111 : memref<4096x1024xf32, #tpu.memory_space<hbm>>) target(%dma_start3A_106 : memref<32x1024xf32, #tpu.memory_space<vmem>>) offsets(%dma_start3A_108 : memref<32xi32, #tpu.memory_space<vmem>>) semaphore(%arg8 : memref<!tpu.dma_semaphore, #tpu.memory_space<semaphore_mem>>)
    %dma_wait3A_112 = arith.constant 0 : i32
    %dma_wait3A_113 = arith.constant 0 : i32
    %dma_wait3A_114 = arith.constant 0 : i32
    %dma_wait3A_115 = tpu.memref_slice %arg6[%dma_wait3A_112, %dma_wait3A_113, %dma_wait3A_114] : memref<2x32x1024xf32, #tpu.memory_space<vmem>> -> memref<1x32x1024xf32, #tpu.memory_space<vmem>>
    %dma_wait3A_116 = tpu.memref_squeeze %dma_wait3A_115 : memref<1x32x1024xf32, #tpu.memory_space<vmem>> -> memref<32x1024xf32, #tpu.memory_space<vmem>>
    %dma_wait3A_117 = arith.constant 128 : i32
    %dma_wait3A_118 = tpu.memref_slice %arg5[%dma_wait3A_117] : memref<256xi32, #tpu.memory_space<vmem>> -> memref<32xi32, #tpu.memory_space<vmem>>
    %dma_wait3A_119 = arith.constant 0 : i32
    %dma_wait3A_120 = arith.constant 0 : i32
    %dma_wait3A_121 = tpu.memref_slice %arg2[%dma_wait3A_119, %dma_wait3A_120] : memref<4096x1024xf32, #tpu.memory_space<hbm>> -> memref<4096x1024xf32, #tpu.memory_space<hbm>>
    tpu.wait_indirect_dma semaphore(%arg7 : memref<!tpu.dma_semaphore, #tpu.memory_space<semaphore_mem>>) src(%dma_wait3A_121 : memref<4096x1024xf32, #tpu.memory_space<hbm>>) dst(%dma_wait3A_116 : memref<32x1024xf32, #tpu.memory_space<vmem>>)
    %add3A_122 = arith.constant 128 : i32
    %add3A_123 = arith.addi %mul3A_2, %add3A_122 : i32
    %run_scoped3A_124 = arith.constant 0 : i32
    "tpu.region"() ({
      %run_scoped3A_184 = tpu.sem_alloc : memref<!tpu.dma_semaphore, #tpu.memory_space<semaphore_mem>>
      %dma_start3A_185 = arith.constant 0 : i32
      %dma_start3A_186 = arith.constant 0 : i32
      %dma_start3A_187 = tpu.memref_slice %arg6[%run_scoped3A_124, %dma_start3A_185, %dma_start3A_186] : memref<2x32x1024xf32, #tpu.memory_space<vmem>> -> memref<1x32x1024xf32, #tpu.memory_space<vmem>>
      %dma_start3A_188 = tpu.memref_squeeze %dma_start3A_187 : memref<1x32x1024xf32, #tpu.memory_space<vmem>> -> memref<32x1024xf32, #tpu.memory_space<vmem>>
      %dma_start3A_189 = arith.constant 0 : i32
      %dma_start3A_190 = tpu.memref_slice %arg4[%add3A_123, %dma_start3A_189] : memref<8192x1024xf32, #tpu.memory_space<hbm>> -> memref<32x1024xf32, #tpu.memory_space<hbm>>
      %dma_start3A_191 = arith.constant 0 : i32
      %dma_start3A_192 = tpu.memref_slice %arg4[%add3A_123, %dma_start3A_191] : memref<8192x1024xf32, #tpu.memory_space<hbm>> -> memref<32x1024xf32, #tpu.memory_space<hbm>>
      %dma_start3A_193 = arith.constant 0 : i32
      %dma_start3A_194 = arith.constant 0 : i32
      %dma_start3A_195 = tpu.memref_slice %arg6[%run_scoped3A_124, %dma_start3A_193, %dma_start3A_194] : memref<2x32x1024xf32, #tpu.memory_space<vmem>> -> memref<1x32x1024xf32, #tpu.memory_space<vmem>>
      %dma_start3A_196 = tpu.memref_squeeze %dma_start3A_195 : memref<1x32x1024xf32, #tpu.memory_space<vmem>> -> memref<32x1024xf32, #tpu.memory_space<vmem>>
      tpu.enqueue_dma source(%dma_start3A_196 : memref<32x1024xf32, #tpu.memory_space<vmem>>) target(%dma_start3A_192 : memref<32x1024xf32, #tpu.memory_space<hbm>>) target_semaphore(%run_scoped3A_184 : memref<!tpu.dma_semaphore, #tpu.memory_space<semaphore_mem>>)
      %dma_wait3A_197 = arith.constant 0 : i32
      %dma_wait3A_198 = arith.constant 0 : i32
      %dma_wait3A_199 = tpu.memref_slice %arg6[%run_scoped3A_124, %dma_wait3A_197, %dma_wait3A_198] : memref<2x32x1024xf32, #tpu.memory_space<vmem>> -> memref<1x32x1024xf32, #tpu.memory_space<vmem>>
      %dma_wait3A_200 = tpu.memref_squeeze %dma_wait3A_199 : memref<1x32x1024xf32, #tpu.memory_space<vmem>> -> memref<32x1024xf32, #tpu.memory_space<vmem>>
      %dma_wait3A_201 = arith.constant 0 : i32
      %dma_wait3A_202 = tpu.memref_slice %arg4[%add3A_123, %dma_wait3A_201] : memref<8192x1024xf32, #tpu.memory_space<hbm>> -> memref<32x1024xf32, #tpu.memory_space<hbm>>
      %dma_wait3A_203 = arith.constant 0 : i32
      %dma_wait3A_204 = tpu.memref_slice %arg4[%add3A_123, %dma_wait3A_203] : memref<8192x1024xf32, #tpu.memory_space<hbm>> -> memref<32x1024xf32, #tpu.memory_space<hbm>>
      %dma_wait3A_205 = arith.constant 0 : i32
      %dma_wait3A_206 = arith.constant 0 : i32
      %dma_wait3A_207 = tpu.memref_slice %arg6[%run_scoped3A_124, %dma_wait3A_205, %dma_wait3A_206] : memref<2x32x1024xf32, #tpu.memory_space<vmem>> -> memref<1x32x1024xf32, #tpu.memory_space<vmem>>
      %dma_wait3A_208 = tpu.memref_squeeze %dma_wait3A_207 : memref<1x32x1024xf32, #tpu.memory_space<vmem>> -> memref<32x1024xf32, #tpu.memory_space<vmem>>
      tpu.wait_dma2 semaphore(%run_scoped3A_184 : memref<!tpu.dma_semaphore, #tpu.memory_space<semaphore_mem>>) src(%dma_wait3A_208 : memref<32x1024xf32, #tpu.memory_space<vmem>>) dst(%dma_wait3A_204 : memref<32x1024xf32, #tpu.memory_space<hbm>>)
      tpu.yield
    }) : () -> ()
    %dma_start3A_125 = arith.constant 0 : i32
    %dma_start3A_126 = arith.constant 0 : i32
    %dma_start3A_127 = arith.constant 0 : i32
    %dma_start3A_128 = tpu.memref_slice %arg6[%dma_start3A_125, %dma_start3A_126, %dma_start3A_127] : memref<2x32x1024xf32, #tpu.memory_space<vmem>> -> memref<1x32x1024xf32, #tpu.memory_space<vmem>>
    %dma_start3A_129 = tpu.memref_squeeze %dma_start3A_128 : memref<1x32x1024xf32, #tpu.memory_space<vmem>> -> memref<32x1024xf32, #tpu.memory_space<vmem>>
    %dma_start3A_130 = arith.constant 192 : i32
    %dma_start3A_131 = tpu.memref_slice %arg5[%dma_start3A_130] : memref<256xi32, #tpu.memory_space<vmem>> -> memref<32xi32, #tpu.memory_space<vmem>>
    %dma_start3A_132 = arith.constant 0 : i32
    %dma_start3A_133 = arith.constant 0 : i32
    %dma_start3A_134 = tpu.memref_slice %arg2[%dma_start3A_132, %dma_start3A_133] : memref<4096x1024xf32, #tpu.memory_space<hbm>> -> memref<4096x1024xf32, #tpu.memory_space<hbm>>
    tpu.enqueue_indirect_dma source(%dma_start3A_134 : memref<4096x1024xf32, #tpu.memory_space<hbm>>) target(%dma_start3A_129 : memref<32x1024xf32, #tpu.memory_space<vmem>>) offsets(%dma_start3A_131 : memref<32xi32, #tpu.memory_space<vmem>>) semaphore(%arg7 : memref<!tpu.dma_semaphore, #tpu.memory_space<semaphore_mem>>)
    %dma_wait3A_135 = arith.constant 1 : i32
    %dma_wait3A_136 = arith.constant 0 : i32
    %dma_wait3A_137 = arith.constant 0 : i32
    %dma_wait3A_138 = tpu.memref_slice %arg6[%dma_wait3A_135, %dma_wait3A_136, %dma_wait3A_137] : memref<2x32x1024xf32, #tpu.memory_space<vmem>> -> memref<1x32x1024xf32, #tpu.memory_space<vmem>>
    %dma_wait3A_139 = tpu.memref_squeeze %dma_wait3A_138 : memref<1x32x1024xf32, #tpu.memory_space<vmem>> -> memref<32x1024xf32, #tpu.memory_space<vmem>>
    %dma_wait3A_140 = arith.constant 160 : i32
    %dma_wait3A_141 = tpu.memref_slice %arg5[%dma_wait3A_140] : memref<256xi32, #tpu.memory_space<vmem>> -> memref<32xi32, #tpu.memory_space<vmem>>
    %dma_wait3A_142 = arith.constant 0 : i32
    %dma_wait3A_143 = arith.constant 0 : i32
    %dma_wait3A_144 = tpu.memref_slice %arg2[%dma_wait3A_142, %dma_wait3A_143] : memref<4096x1024xf32, #tpu.memory_space<hbm>> -> memref<4096x1024xf32, #tpu.memory_space<hbm>>
    tpu.wait_indirect_dma semaphore(%arg8 : memref<!tpu.dma_semaphore, #tpu.memory_space<semaphore_mem>>) src(%dma_wait3A_144 : memref<4096x1024xf32, #tpu.memory_space<hbm>>) dst(%dma_wait3A_139 : memref<32x1024xf32, #tpu.memory_space<vmem>>)
    %add3A_145 = arith.constant 160 : i32
    %add3A_146 = arith.addi %mul3A_2, %add3A_145 : i32
    %run_scoped3A_147 = arith.constant 1 : i32
    "tpu.region"() ({
      %run_scoped3A_184 = tpu.sem_alloc : memref<!tpu.dma_semaphore, #tpu.memory_space<semaphore_mem>>
      %dma_start3A_185 = arith.constant 0 : i32
      %dma_start3A_186 = arith.constant 0 : i32
      %dma_start3A_187 = tpu.memref_slice %arg6[%run_scoped3A_147, %dma_start3A_185, %dma_start3A_186] : memref<2x32x1024xf32, #tpu.memory_space<vmem>> -> memref<1x32x1024xf32, #tpu.memory_space<vmem>>
      %dma_start3A_188 = tpu.memref_squeeze %dma_start3A_187 : memref<1x32x1024xf32, #tpu.memory_space<vmem>> -> memref<32x1024xf32, #tpu.memory_space<vmem>>
      %dma_start3A_189 = arith.constant 0 : i32
      %dma_start3A_190 = tpu.memref_slice %arg4[%add3A_146, %dma_start3A_189] : memref<8192x1024xf32, #tpu.memory_space<hbm>> -> memref<32x1024xf32, #tpu.memory_space<hbm>>
      %dma_start3A_191 = arith.constant 0 : i32
      %dma_start3A_192 = tpu.memref_slice %arg4[%add3A_146, %dma_start3A_191] : memref<8192x1024xf32, #tpu.memory_space<hbm>> -> memref<32x1024xf32, #tpu.memory_space<hbm>>
      %dma_start3A_193 = arith.constant 0 : i32
      %dma_start3A_194 = arith.constant 0 : i32
      %dma_start3A_195 = tpu.memref_slice %arg6[%run_scoped3A_147, %dma_start3A_193, %dma_start3A_194] : memref<2x32x1024xf32, #tpu.memory_space<vmem>> -> memref<1x32x1024xf32, #tpu.memory_space<vmem>>
      %dma_start3A_196 = tpu.memref_squeeze %dma_start3A_195 : memref<1x32x1024xf32, #tpu.memory_space<vmem>> -> memref<32x1024xf32, #tpu.memory_space<vmem>>
      tpu.enqueue_dma source(%dma_start3A_196 : memref<32x1024xf32, #tpu.memory_space<vmem>>) target(%dma_start3A_192 : memref<32x1024xf32, #tpu.memory_space<hbm>>) target_semaphore(%run_scoped3A_184 : memref<!tpu.dma_semaphore, #tpu.memory_space<semaphore_mem>>)
      %dma_wait3A_197 = arith.constant 0 : i32
      %dma_wait3A_198 = arith.constant 0 : i32
      %dma_wait3A_199 = tpu.memref_slice %arg6[%run_scoped3A_147, %dma_wait3A_197, %dma_wait3A_198] : memref<2x32x1024xf32, #tpu.memory_space<vmem>> -> memref<1x32x1024xf32, #tpu.memory_space<vmem>>
      %dma_wait3A_200 = tpu.memref_squeeze %dma_wait3A_199 : memref<1x32x1024xf32, #tpu.memory_space<vmem>> -> memref<32x1024xf32, #tpu.memory_space<vmem>>
      %dma_wait3A_201 = arith.constant 0 : i32
      %dma_wait3A_202 = tpu.memref_slice %arg4[%add3A_146, %dma_wait3A_201] : memref<8192x1024xf32, #tpu.memory_space<hbm>> -> memref<32x1024xf32, #tpu.memory_space<hbm>>
      %dma_wait3A_203 = arith.constant 0 : i32
      %dma_wait3A_204 = tpu.memref_slice %arg4[%add3A_146, %dma_wait3A_203] : memref<8192x1024xf32, #tpu.memory_space<hbm>> -> memref<32x1024xf32, #tpu.memory_space<hbm>>
      %dma_wait3A_205 = arith.constant 0 : i32
      %dma_wait3A_206 = arith.constant 0 : i32
      %dma_wait3A_207 = tpu.memref_slice %arg6[%run_scoped3A_147, %dma_wait3A_205, %dma_wait3A_206] : memref<2x32x1024xf32, #tpu.memory_space<vmem>> -> memref<1x32x1024xf32, #tpu.memory_space<vmem>>
      %dma_wait3A_208 = tpu.memref_squeeze %dma_wait3A_207 : memref<1x32x1024xf32, #tpu.memory_space<vmem>> -> memref<32x1024xf32, #tpu.memory_space<vmem>>
      tpu.wait_dma2 semaphore(%run_scoped3A_184 : memref<!tpu.dma_semaphore, #tpu.memory_space<semaphore_mem>>) src(%dma_wait3A_208 : memref<32x1024xf32, #tpu.memory_space<vmem>>) dst(%dma_wait3A_204 : memref<32x1024xf32, #tpu.memory_space<hbm>>)
      tpu.yield
    }) : () -> ()
    %dma_start3A_148 = arith.constant 1 : i32
    %dma_start3A_149 = arith.constant 0 : i32
    %dma_start3A_150 = arith.constant 0 : i32
    %dma_start3A_151 = tpu.memref_slice %arg6[%dma_start3A_148, %dma_start3A_149, %dma_start3A_150] : memref<2x32x1024xf32, #tpu.memory_space<vmem>> -> memref<1x32x1024xf32, #tpu.memory_space<vmem>>
    %dma_start3A_152 = tpu.memref_squeeze %dma_start3A_151 : memref<1x32x1024xf32, #tpu.memory_space<vmem>> -> memref<32x1024xf32, #tpu.memory_space<vmem>>
    %dma_start3A_153 = arith.constant 224 : i32
    %dma_start3A_154 = tpu.memref_slice %arg5[%dma_start3A_153] : memref<256xi32, #tpu.memory_space<vmem>> -> memref<32xi32, #tpu.memory_space<vmem>>
    %dma_start3A_155 = arith.constant 0 : i32
    %dma_start3A_156 = arith.constant 0 : i32
    %dma_start3A_157 = tpu.memref_slice %arg2[%dma_start3A_155, %dma_start3A_156] : memref<4096x1024xf32, #tpu.memory_space<hbm>> -> memref<4096x1024xf32, #tpu.memory_space<hbm>>
    tpu.enqueue_indirect_dma source(%dma_start3A_157 : memref<4096x1024xf32, #tpu.memory_space<hbm>>) target(%dma_start3A_152 : memref<32x1024xf32, #tpu.memory_space<vmem>>) offsets(%dma_start3A_154 : memref<32xi32, #tpu.memory_space<vmem>>) semaphore(%arg8 : memref<!tpu.dma_semaphore, #tpu.memory_space<semaphore_mem>>)
    %dma_wait3A_158 = arith.constant 0 : i32
    %dma_wait3A_159 = arith.constant 0 : i32
    %dma_wait3A_160 = arith.constant 0 : i32
    %dma_wait3A_161 = tpu.memref_slice %arg6[%dma_wait3A_158, %dma_wait3A_159, %dma_wait3A_160] : memref<2x32x1024xf32, #tpu.memory_space<vmem>> -> memref<1x32x1024xf32, #tpu.memory_space<vmem>>
    %dma_wait3A_162 = tpu.memref_squeeze %dma_wait3A_161 : memref<1x32x1024xf32, #tpu.memory_space<vmem>> -> memref<32x1024xf32, #tpu.memory_space<vmem>>
    %dma_wait3A_163 = arith.constant 192 : i32
    %dma_wait3A_164 = tpu.memref_slice %arg5[%dma_wait3A_163] : memref<256xi32, #tpu.memory_space<vmem>> -> memref<32xi32, #tpu.memory_space<vmem>>
    %dma_wait3A_165 = arith.constant 0 : i32
    %dma_wait3A_166 = arith.constant 0 : i32
    %dma_wait3A_167 = tpu.memref_slice %arg2[%dma_wait3A_165, %dma_wait3A_166] : memref<4096x1024xf32, #tpu.memory_space<hbm>> -> memref<4096x1024xf32, #tpu.memory_space<hbm>>
    tpu.wait_indirect_dma semaphore(%arg7 : memref<!tpu.dma_semaphore, #tpu.memory_space<semaphore_mem>>) src(%dma_wait3A_167 : memref<4096x1024xf32, #tpu.memory_space<hbm>>) dst(%dma_wait3A_162 : memref<32x1024xf32, #tpu.memory_space<vmem>>)
    %add3A_168 = arith.constant 192 : i32
    %add3A_169 = arith.addi %mul3A_2, %add3A_168 : i32
    %run_scoped3A_170 = arith.constant 0 : i32
    "tpu.region"() ({
      %run_scoped3A_184 = tpu.sem_alloc : memref<!tpu.dma_semaphore, #tpu.memory_space<semaphore_mem>>
      %dma_start3A_185 = arith.constant 0 : i32
      %dma_start3A_186 = arith.constant 0 : i32
      %dma_start3A_187 = tpu.memref_slice %arg6[%run_scoped3A_170, %dma_start3A_185, %dma_start3A_186] : memref<2x32x1024xf32, #tpu.memory_space<vmem>> -> memref<1x32x1024xf32, #tpu.memory_space<vmem>>
      %dma_start3A_188 = tpu.memref_squeeze %dma_start3A_187 : memref<1x32x1024xf32, #tpu.memory_space<vmem>> -> memref<32x1024xf32, #tpu.memory_space<vmem>>
      %dma_start3A_189 = arith.constant 0 : i32
      %dma_start3A_190 = tpu.memref_slice %arg4[%add3A_169, %dma_start3A_189] : memref<8192x1024xf32, #tpu.memory_space<hbm>> -> memref<32x1024xf32, #tpu.memory_space<hbm>>
      %dma_start3A_191 = arith.constant 0 : i32
      %dma_start3A_192 = tpu.memref_slice %arg4[%add3A_169, %dma_start3A_191] : memref<8192x1024xf32, #tpu.memory_space<hbm>> -> memref<32x1024xf32, #tpu.memory_space<hbm>>
      %dma_start3A_193 = arith.constant 0 : i32
      %dma_start3A_194 = arith.constant 0 : i32
      %dma_start3A_195 = tpu.memref_slice %arg6[%run_scoped3A_170, %dma_start3A_193, %dma_start3A_194] : memref<2x32x1024xf32, #tpu.memory_space<vmem>> -> memref<1x32x1024xf32, #tpu.memory_space<vmem>>
      %dma_start3A_196 = tpu.memref_squeeze %dma_start3A_195 : memref<1x32x1024xf32, #tpu.memory_space<vmem>> -> memref<32x1024xf32, #tpu.memory_space<vmem>>
      tpu.enqueue_dma source(%dma_start3A_196 : memref<32x1024xf32, #tpu.memory_space<vmem>>) target(%dma_start3A_192 : memref<32x1024xf32, #tpu.memory_space<hbm>>) target_semaphore(%run_scoped3A_184 : memref<!tpu.dma_semaphore, #tpu.memory_space<semaphore_mem>>)
      %dma_wait3A_197 = arith.constant 0 : i32
      %dma_wait3A_198 = arith.constant 0 : i32
      %dma_wait3A_199 = tpu.memref_slice %arg6[%run_scoped3A_170, %dma_wait3A_197, %dma_wait3A_198] : memref<2x32x1024xf32, #tpu.memory_space<vmem>> -> memref<1x32x1024xf32, #tpu.memory_space<vmem>>
      %dma_wait3A_200 = tpu.memref_squeeze %dma_wait3A_199 : memref<1x32x1024xf32, #tpu.memory_space<vmem>> -> memref<32x1024xf32, #tpu.memory_space<vmem>>
      %dma_wait3A_201 = arith.constant 0 : i32
      %dma_wait3A_202 = tpu.memref_slice %arg4[%add3A_169, %dma_wait3A_201] : memref<8192x1024xf32, #tpu.memory_space<hbm>> -> memref<32x1024xf32, #tpu.memory_space<hbm>>
      %dma_wait3A_203 = arith.constant 0 : i32
      %dma_wait3A_204 = tpu.memref_slice %arg4[%add3A_169, %dma_wait3A_203] : memref<8192x1024xf32, #tpu.memory_space<hbm>> -> memref<32x1024xf32, #tpu.memory_space<hbm>>
      %dma_wait3A_205 = arith.constant 0 : i32
      %dma_wait3A_206 = arith.constant 0 : i32
      %dma_wait3A_207 = tpu.memref_slice %arg6[%run_scoped3A_170, %dma_wait3A_205, %dma_wait3A_206] : memref<2x32x1024xf32, #tpu.memory_space<vmem>> -> memref<1x32x1024xf32, #tpu.memory_space<vmem>>
      %dma_wait3A_208 = tpu.memref_squeeze %dma_wait3A_207 : memref<1x32x1024xf32, #tpu.memory_space<vmem>> -> memref<32x1024xf32, #tpu.memory_space<vmem>>
      tpu.wait_dma2 semaphore(%run_scoped3A_184 : memref<!tpu.dma_semaphore, #tpu.memory_space<semaphore_mem>>) src(%dma_wait3A_208 : memref<32x1024xf32, #tpu.memory_space<vmem>>) dst(%dma_wait3A_204 : memref<32x1024xf32, #tpu.memory_space<hbm>>)
      tpu.yield
    }) : () -> ()
    %dma_wait3A_171 = arith.constant 1 : i32
    %dma_wait3A_172 = arith.constant 0 : i32
    %dma_wait3A_173 = arith.constant 0 : i32
    %dma_wait3A_174 = tpu.memref_slice %arg6[%dma_wait3A_171, %dma_wait3A_172, %dma_wait3A_173] : memref<2x32x1024xf32, #tpu.memory_space<vmem>> -> memref<1x32x1024xf32, #tpu.memory_space<vmem>>
    %dma_wait3A_175 = tpu.memref_squeeze %dma_wait3A_174 : memref<1x32x1024xf32, #tpu.memory_space<vmem>> -> memref<32x1024xf32, #tpu.memory_space<vmem>>
    %dma_wait3A_176 = arith.constant 224 : i32
    %dma_wait3A_177 = tpu.memref_slice %arg5[%dma_wait3A_176] : memref<256xi32, #tpu.memory_space<vmem>> -> memref<32xi32, #tpu.memory_space<vmem>>
    %dma_wait3A_178 = arith.constant 0 : i32
    %dma_wait3A_179 = arith.constant 0 : i32
    %dma_wait3A_180 = tpu.memref_slice %arg2[%dma_wait3A_178, %dma_wait3A_179] : memref<4096x1024xf32, #tpu.memory_space<hbm>> -> memref<4096x1024xf32, #tpu.memory_space<hbm>>
    tpu.wait_indirect_dma semaphore(%arg8 : memref<!tpu.dma_semaphore, #tpu.memory_space<semaphore_mem>>) src(%dma_wait3A_180 : memref<4096x1024xf32, #tpu.memory_space<hbm>>) dst(%dma_wait3A_175 : memref<32x1024xf32, #tpu.memory_space<vmem>>)
    %add3A_181 = arith.constant 224 : i32
    %add3A_182 = arith.addi %mul3A_2, %add3A_181 : i32
    %run_scoped3A_183 = arith.constant 1 : i32
    "tpu.region"() ({
      %run_scoped3A_184 = tpu.sem_alloc : memref<!tpu.dma_semaphore, #tpu.memory_space<semaphore_mem>>
      %dma_start3A_185 = arith.constant 0 : i32
      %dma_start3A_186 = arith.constant 0 : i32
      %dma_start3A_187 = tpu.memref_slice %arg6[%run_scoped3A_183, %dma_start3A_185, %dma_start3A_186] : memref<2x32x1024xf32, #tpu.memory_space<vmem>> -> memref<1x32x1024xf32, #tpu.memory_space<vmem>>
      %dma_start3A_188 = tpu.memref_squeeze %dma_start3A_187 : memref<1x32x1024xf32, #tpu.memory_space<vmem>> -> memref<32x1024xf32, #tpu.memory_space<vmem>>
      %dma_start3A_189 = arith.constant 0 : i32
      %dma_start3A_190 = tpu.memref_slice %arg4[%add3A_182, %dma_start3A_189] : memref<8192x1024xf32, #tpu.memory_space<hbm>> -> memref<32x1024xf32, #tpu.memory_space<hbm>>
      %dma_start3A_191 = arith.constant 0 : i32
      %dma_start3A_192 = tpu.memref_slice %arg4[%add3A_182, %dma_start3A_191] : memref<8192x1024xf32, #tpu.memory_space<hbm>> -> memref<32x1024xf32, #tpu.memory_space<hbm>>
      %dma_start3A_193 = arith.constant 0 : i32
      %dma_start3A_194 = arith.constant 0 : i32
      %dma_start3A_195 = tpu.memref_slice %arg6[%run_scoped3A_183, %dma_start3A_193, %dma_start3A_194] : memref<2x32x1024xf32, #tpu.memory_space<vmem>> -> memref<1x32x1024xf32, #tpu.memory_space<vmem>>
      %dma_start3A_196 = tpu.memref_squeeze %dma_start3A_195 : memref<1x32x1024xf32, #tpu.memory_space<vmem>> -> memref<32x1024xf32, #tpu.memory_space<vmem>>
      tpu.enqueue_dma source(%dma_start3A_196 : memref<32x1024xf32, #tpu.memory_space<vmem>>) target(%dma_start3A_192 : memref<32x1024xf32, #tpu.memory_space<hbm>>) target_semaphore(%run_scoped3A_184 : memref<!tpu.dma_semaphore, #tpu.memory_space<semaphore_mem>>)
      %dma_wait3A_197 = arith.constant 0 : i32
      %dma_wait3A_198 = arith.constant 0 : i32
      %dma_wait3A_199 = tpu.memref_slice %arg6[%run_scoped3A_183, %dma_wait3A_197, %dma_wait3A_198] : memref<2x32x1024xf32, #tpu.memory_space<vmem>> -> memref<1x32x1024xf32, #tpu.memory_space<vmem>>
      %dma_wait3A_200 = tpu.memref_squeeze %dma_wait3A_199 : memref<1x32x1024xf32, #tpu.memory_space<vmem>> -> memref<32x1024xf32, #tpu.memory_space<vmem>>
      %dma_wait3A_201 = arith.constant 0 : i32
      %dma_wait3A_202 = tpu.memref_slice %arg4[%add3A_182, %dma_wait3A_201] : memref<8192x1024xf32, #tpu.memory_space<hbm>> -> memref<32x1024xf32, #tpu.memory_space<hbm>>
      %dma_wait3A_203 = arith.constant 0 : i32
      %dma_wait3A_204 = tpu.memref_slice %arg4[%add3A_182, %dma_wait3A_203] : memref<8192x1024xf32, #tpu.memory_space<hbm>> -> memref<32x1024xf32, #tpu.memory_space<hbm>>
      %dma_wait3A_205 = arith.constant 0 : i32
      %dma_wait3A_206 = arith.constant 0 : i32
      %dma_wait3A_207 = tpu.memref_slice %arg6[%run_scoped3A_183, %dma_wait3A_205, %dma_wait3A_206] : memref<2x32x1024xf32, #tpu.memory_space<vmem>> -> memref<1x32x1024xf32, #tpu.memory_space<vmem>>
      %dma_wait3A_208 = tpu.memref_squeeze %dma_wait3A_207 : memref<1x32x1024xf32, #tpu.memory_space<vmem>> -> memref<32x1024xf32, #tpu.memory_space<vmem>>
      tpu.wait_dma2 semaphore(%run_scoped3A_184 : memref<!tpu.dma_semaphore, #tpu.memory_space<semaphore_mem>>) src(%dma_wait3A_208 : memref<32x1024xf32, #tpu.memory_space<vmem>>) dst(%dma_wait3A_204 : memref<32x1024xf32, #tpu.memory_space<hbm>>)
      tpu.yield
    }) : () -> ()
    return
  }
}

#map = affine_map<(d0, d1) -> (0, 0)>
#map1 = affine_map<(d0, d1) -> (0)>
module attributes {stable_mosaic.version = 14 : i64} {
  func.func @k(%arg0: i32, %arg1: i32, %arg2: memref<8192x1024xf32, #tpu.memory_space<hbm>>, %arg3: memref<4096xi32, #tpu.memory_space<hbm>>, %arg4: memref<4096xi32, #tpu.memory_space<hbm>>, %arg5: memref<4096x1024xf32, #tpu.memory_space<hbm>>, %arg6: memref<128xi32, #tpu.memory_space<vmem>>, %arg7: memref<128xi32, #tpu.memory_space<vmem>>, %arg8: memref<2x16x1024xf32, #tpu.memory_space<vmem>>, %arg9: memref<2x16x1024xf32, #tpu.memory_space<vmem>>, %arg10: memref<!tpu.dma_semaphore, #tpu.memory_space<semaphore_mem>>, %arg11: memref<!tpu.dma_semaphore, #tpu.memory_space<semaphore_mem>>, %arg12: memref<!tpu.dma_semaphore, #tpu.memory_space<semaphore_mem>>, %arg13: memref<!tpu.dma_semaphore, #tpu.memory_space<semaphore_mem>>) attributes {dimension_semantics = [#tpu.dimension_semantics<core_parallel>, #tpu.dimension_semantics<subcore_parallel>], iteration_bounds = array<i64: 2, 16>, scalar_prefetch = 0 : i64, scratch_operands = 8 : i64, tpu.core_type = #tpu.core_type<sc_vector_subcore>, window_params = [{transform_indices = #map}, {transform_indices = #map1}, {transform_indices = #map1}, {transform_indices = #map}]} {
    %mul3A = arith.constant 2 : i32
    %mul3A_0 = arith.muli %arg1, %mul3A : i32
    %add3A = arith.addi %mul3A_0, %arg0 : i32
    %mul3A_1 = arith.constant 128 : i32
    %mul3A_2 = arith.muli %add3A, %mul3A_1 : i32
    "tpu.region"() ({
      %run_scoped3A_367 = tpu.sem_alloc : memref<!tpu.dma_semaphore, #tpu.memory_space<semaphore_mem>>
      %dma_start3A_368 = tpu.memref_slice %arg3[%mul3A_2] : memref<4096xi32, #tpu.memory_space<hbm>> -> memref<128xi32, #tpu.memory_space<hbm>>
      %dma_start3A_369 = tpu.memref_slice %arg3[%mul3A_2] : memref<4096xi32, #tpu.memory_space<hbm>> -> memref<128xi32, #tpu.memory_space<hbm>>
      tpu.enqueue_dma source(%dma_start3A_369 : memref<128xi32, #tpu.memory_space<hbm>>) target(%arg6 : memref<128xi32, #tpu.memory_space<vmem>>) target_semaphore(%run_scoped3A_367 : memref<!tpu.dma_semaphore, #tpu.memory_space<semaphore_mem>>)
      %dma_wait3A_370 = tpu.memref_slice %arg3[%mul3A_2] : memref<4096xi32, #tpu.memory_space<hbm>> -> memref<128xi32, #tpu.memory_space<hbm>>
      %dma_wait3A_371 = tpu.memref_slice %arg3[%mul3A_2] : memref<4096xi32, #tpu.memory_space<hbm>> -> memref<128xi32, #tpu.memory_space<hbm>>
      tpu.wait_dma2 semaphore(%run_scoped3A_367 : memref<!tpu.dma_semaphore, #tpu.memory_space<semaphore_mem>>) src(%dma_wait3A_371 : memref<128xi32, #tpu.memory_space<hbm>>) dst(%arg6 : memref<128xi32, #tpu.memory_space<vmem>>)
      tpu.yield
    }) : () -> ()
    "tpu.region"() ({
      %run_scoped3A_367 = tpu.sem_alloc : memref<!tpu.dma_semaphore, #tpu.memory_space<semaphore_mem>>
      %dma_start3A_368 = tpu.memref_slice %arg4[%mul3A_2] : memref<4096xi32, #tpu.memory_space<hbm>> -> memref<128xi32, #tpu.memory_space<hbm>>
      %dma_start3A_369 = tpu.memref_slice %arg4[%mul3A_2] : memref<4096xi32, #tpu.memory_space<hbm>> -> memref<128xi32, #tpu.memory_space<hbm>>
      tpu.enqueue_dma source(%dma_start3A_369 : memref<128xi32, #tpu.memory_space<hbm>>) target(%arg7 : memref<128xi32, #tpu.memory_space<vmem>>) target_semaphore(%run_scoped3A_367 : memref<!tpu.dma_semaphore, #tpu.memory_space<semaphore_mem>>)
      %dma_wait3A_370 = tpu.memref_slice %arg4[%mul3A_2] : memref<4096xi32, #tpu.memory_space<hbm>> -> memref<128xi32, #tpu.memory_space<hbm>>
      %dma_wait3A_371 = tpu.memref_slice %arg4[%mul3A_2] : memref<4096xi32, #tpu.memory_space<hbm>> -> memref<128xi32, #tpu.memory_space<hbm>>
      tpu.wait_dma2 semaphore(%run_scoped3A_367 : memref<!tpu.dma_semaphore, #tpu.memory_space<semaphore_mem>>) src(%dma_wait3A_371 : memref<128xi32, #tpu.memory_space<hbm>>) dst(%arg7 : memref<128xi32, #tpu.memory_space<vmem>>)
      tpu.yield
    }) : () -> ()
    %dma_start3A = arith.constant 0 : i32
    %dma_start3A_3 = arith.constant 0 : i32
    %dma_start3A_4 = arith.constant 0 : i32
    %dma_start3A_5 = tpu.memref_slice %arg8[%dma_start3A, %dma_start3A_3, %dma_start3A_4] : memref<2x16x1024xf32, #tpu.memory_space<vmem>> -> memref<1x16x1024xf32, #tpu.memory_space<vmem>>
    %dma_start3A_6 = tpu.memref_squeeze %dma_start3A_5 : memref<1x16x1024xf32, #tpu.memory_space<vmem>> -> memref<16x1024xf32, #tpu.memory_space<vmem>>
    %dma_start3A_7 = arith.constant 0 : i32
    %dma_start3A_8 = tpu.memref_slice %arg6[%dma_start3A_7] : memref<128xi32, #tpu.memory_space<vmem>> -> memref<16xi32, #tpu.memory_space<vmem>>
    %dma_start3A_9 = arith.constant 0 : i32
    %dma_start3A_10 = arith.constant 0 : i32
    %dma_start3A_11 = tpu.memref_slice %arg2[%dma_start3A_9, %dma_start3A_10] : memref<8192x1024xf32, #tpu.memory_space<hbm>> -> memref<8192x1024xf32, #tpu.memory_space<hbm>>
    tpu.enqueue_indirect_dma source(%dma_start3A_11 : memref<8192x1024xf32, #tpu.memory_space<hbm>>) target(%dma_start3A_6 : memref<16x1024xf32, #tpu.memory_space<vmem>>) offsets(%dma_start3A_8 : memref<16xi32, #tpu.memory_space<vmem>>) semaphore(%arg10 : memref<!tpu.dma_semaphore, #tpu.memory_space<semaphore_mem>>)
    %dma_start3A_12 = arith.constant 0 : i32
    %dma_start3A_13 = arith.constant 0 : i32
    %dma_start3A_14 = arith.constant 0 : i32
    %dma_start3A_15 = tpu.memref_slice %arg9[%dma_start3A_12, %dma_start3A_13, %dma_start3A_14] : memref<2x16x1024xf32, #tpu.memory_space<vmem>> -> memref<1x16x1024xf32, #tpu.memory_space<vmem>>
    %dma_start3A_16 = tpu.memref_squeeze %dma_start3A_15 : memref<1x16x1024xf32, #tpu.memory_space<vmem>> -> memref<16x1024xf32, #tpu.memory_space<vmem>>
    %dma_start3A_17 = arith.constant 0 : i32
    %dma_start3A_18 = tpu.memref_slice %arg7[%dma_start3A_17] : memref<128xi32, #tpu.memory_space<vmem>> -> memref<16xi32, #tpu.memory_space<vmem>>
    %dma_start3A_19 = arith.constant 0 : i32
    %dma_start3A_20 = arith.constant 0 : i32
    %dma_start3A_21 = tpu.memref_slice %arg2[%dma_start3A_19, %dma_start3A_20] : memref<8192x1024xf32, #tpu.memory_space<hbm>> -> memref<8192x1024xf32, #tpu.memory_space<hbm>>
    tpu.enqueue_indirect_dma source(%dma_start3A_21 : memref<8192x1024xf32, #tpu.memory_space<hbm>>) target(%dma_start3A_16 : memref<16x1024xf32, #tpu.memory_space<vmem>>) offsets(%dma_start3A_18 : memref<16xi32, #tpu.memory_space<vmem>>) semaphore(%arg12 : memref<!tpu.dma_semaphore, #tpu.memory_space<semaphore_mem>>)
    %dma_start3A_22 = arith.constant 1 : i32
    %dma_start3A_23 = arith.constant 0 : i32
    %dma_start3A_24 = arith.constant 0 : i32
    %dma_start3A_25 = tpu.memref_slice %arg8[%dma_start3A_22, %dma_start3A_23, %dma_start3A_24] : memref<2x16x1024xf32, #tpu.memory_space<vmem>> -> memref<1x16x1024xf32, #tpu.memory_space<vmem>>
    %dma_start3A_26 = tpu.memref_squeeze %dma_start3A_25 : memref<1x16x1024xf32, #tpu.memory_space<vmem>> -> memref<16x1024xf32, #tpu.memory_space<vmem>>
    %dma_start3A_27 = arith.constant 16 : i32
    %dma_start3A_28 = tpu.memref_slice %arg6[%dma_start3A_27] : memref<128xi32, #tpu.memory_space<vmem>> -> memref<16xi32, #tpu.memory_space<vmem>>
    %dma_start3A_29 = arith.constant 0 : i32
    %dma_start3A_30 = arith.constant 0 : i32
    %dma_start3A_31 = tpu.memref_slice %arg2[%dma_start3A_29, %dma_start3A_30] : memref<8192x1024xf32, #tpu.memory_space<hbm>> -> memref<8192x1024xf32, #tpu.memory_space<hbm>>
    tpu.enqueue_indirect_dma source(%dma_start3A_31 : memref<8192x1024xf32, #tpu.memory_space<hbm>>) target(%dma_start3A_26 : memref<16x1024xf32, #tpu.memory_space<vmem>>) offsets(%dma_start3A_28 : memref<16xi32, #tpu.memory_space<vmem>>) semaphore(%arg11 : memref<!tpu.dma_semaphore, #tpu.memory_space<semaphore_mem>>)
    %dma_start3A_32 = arith.constant 1 : i32
    %dma_start3A_33 = arith.constant 0 : i32
    %dma_start3A_34 = arith.constant 0 : i32
    %dma_start3A_35 = tpu.memref_slice %arg9[%dma_start3A_32, %dma_start3A_33, %dma_start3A_34] : memref<2x16x1024xf32, #tpu.memory_space<vmem>> -> memref<1x16x1024xf32, #tpu.memory_space<vmem>>
    %dma_start3A_36 = tpu.memref_squeeze %dma_start3A_35 : memref<1x16x1024xf32, #tpu.memory_space<vmem>> -> memref<16x1024xf32, #tpu.memory_space<vmem>>
    %dma_start3A_37 = arith.constant 16 : i32
    %dma_start3A_38 = tpu.memref_slice %arg7[%dma_start3A_37] : memref<128xi32, #tpu.memory_space<vmem>> -> memref<16xi32, #tpu.memory_space<vmem>>
    %dma_start3A_39 = arith.constant 0 : i32
    %dma_start3A_40 = arith.constant 0 : i32
    %dma_start3A_41 = tpu.memref_slice %arg2[%dma_start3A_39, %dma_start3A_40] : memref<8192x1024xf32, #tpu.memory_space<hbm>> -> memref<8192x1024xf32, #tpu.memory_space<hbm>>
    tpu.enqueue_indirect_dma source(%dma_start3A_41 : memref<8192x1024xf32, #tpu.memory_space<hbm>>) target(%dma_start3A_36 : memref<16x1024xf32, #tpu.memory_space<vmem>>) offsets(%dma_start3A_38 : memref<16xi32, #tpu.memory_space<vmem>>) semaphore(%arg13 : memref<!tpu.dma_semaphore, #tpu.memory_space<semaphore_mem>>)
    %dma_wait3A = arith.constant 0 : i32
    %dma_wait3A_42 = arith.constant 0 : i32
    %dma_wait3A_43 = arith.constant 0 : i32
    %dma_wait3A_44 = tpu.memref_slice %arg8[%dma_wait3A, %dma_wait3A_42, %dma_wait3A_43] : memref<2x16x1024xf32, #tpu.memory_space<vmem>> -> memref<1x16x1024xf32, #tpu.memory_space<vmem>>
    %dma_wait3A_45 = tpu.memref_squeeze %dma_wait3A_44 : memref<1x16x1024xf32, #tpu.memory_space<vmem>> -> memref<16x1024xf32, #tpu.memory_space<vmem>>
    %dma_wait3A_46 = arith.constant 0 : i32
    %dma_wait3A_47 = tpu.memref_slice %arg6[%dma_wait3A_46] : memref<128xi32, #tpu.memory_space<vmem>> -> memref<16xi32, #tpu.memory_space<vmem>>
    %dma_wait3A_48 = arith.constant 0 : i32
    %dma_wait3A_49 = arith.constant 0 : i32
    %dma_wait3A_50 = tpu.memref_slice %arg2[%dma_wait3A_48, %dma_wait3A_49] : memref<8192x1024xf32, #tpu.memory_space<hbm>> -> memref<8192x1024xf32, #tpu.memory_space<hbm>>
    tpu.wait_indirect_dma semaphore(%arg10 : memref<!tpu.dma_semaphore, #tpu.memory_space<semaphore_mem>>) src(%dma_wait3A_50 : memref<8192x1024xf32, #tpu.memory_space<hbm>>) dst(%dma_wait3A_45 : memref<16x1024xf32, #tpu.memory_space<vmem>>)
    %dma_wait3A_51 = arith.constant 0 : i32
    %dma_wait3A_52 = arith.constant 0 : i32
    %dma_wait3A_53 = arith.constant 0 : i32
    %dma_wait3A_54 = tpu.memref_slice %arg9[%dma_wait3A_51, %dma_wait3A_52, %dma_wait3A_53] : memref<2x16x1024xf32, #tpu.memory_space<vmem>> -> memref<1x16x1024xf32, #tpu.memory_space<vmem>>
    %dma_wait3A_55 = tpu.memref_squeeze %dma_wait3A_54 : memref<1x16x1024xf32, #tpu.memory_space<vmem>> -> memref<16x1024xf32, #tpu.memory_space<vmem>>
    %dma_wait3A_56 = arith.constant 0 : i32
    %dma_wait3A_57 = tpu.memref_slice %arg7[%dma_wait3A_56] : memref<128xi32, #tpu.memory_space<vmem>> -> memref<16xi32, #tpu.memory_space<vmem>>
    %dma_wait3A_58 = arith.constant 0 : i32
    %dma_wait3A_59 = arith.constant 0 : i32
    %dma_wait3A_60 = tpu.memref_slice %arg2[%dma_wait3A_58, %dma_wait3A_59] : memref<8192x1024xf32, #tpu.memory_space<hbm>> -> memref<8192x1024xf32, #tpu.memory_space<hbm>>
    tpu.wait_indirect_dma semaphore(%arg12 : memref<!tpu.dma_semaphore, #tpu.memory_space<semaphore_mem>>) src(%dma_wait3A_60 : memref<8192x1024xf32, #tpu.memory_space<hbm>>) dst(%dma_wait3A_55 : memref<16x1024xf32, #tpu.memory_space<vmem>>)
    %parallel_loop3A = arith.constant 0 : i32
    %parallel_loop3A_61 = arith.constant 1024 : i32
    %parallel_loop3A_62 = arith.constant 1 : i32
    scf.for %parallel_loop3A_367 = %parallel_loop3A to %parallel_loop3A_61 step %parallel_loop3A_62  : i32 {
      %parallel_loop3A_368 = arith.constant 64 : i32
      %parallel_loop3A_369 = arith.divsi %parallel_loop3A_367, %parallel_loop3A_368 : i32
      %parallel_loop3A_370 = arith.constant 0 : i32
      %parallel_loop3A_371 = arith.cmpi sgt, %parallel_loop3A_367, %parallel_loop3A_370 : i32
      %parallel_loop3A_372 = arith.extui %parallel_loop3A_371 : i1 to i32
      %parallel_loop3A_373 = arith.constant 0 : i32
      %parallel_loop3A_374 = arith.cmpi slt, %parallel_loop3A_367, %parallel_loop3A_373 : i32
      %parallel_loop3A_375 = arith.extui %parallel_loop3A_374 : i1 to i32
      %parallel_loop3A_376 = arith.subi %parallel_loop3A_372, %parallel_loop3A_375 : i32
      %parallel_loop3A_377 = arith.constant 0 : i32
      %parallel_loop3A_378 = arith.cmpi sgt, %parallel_loop3A_368, %parallel_loop3A_377 : i32
      %parallel_loop3A_379 = arith.extui %parallel_loop3A_378 : i1 to i32
      %parallel_loop3A_380 = arith.constant 0 : i32
      %parallel_loop3A_381 = arith.cmpi slt, %parallel_loop3A_368, %parallel_loop3A_380 : i32
      %parallel_loop3A_382 = arith.extui %parallel_loop3A_381 : i1 to i32
      %parallel_loop3A_383 = arith.subi %parallel_loop3A_379, %parallel_loop3A_382 : i32
      %parallel_loop3A_384 = arith.cmpi ne, %parallel_loop3A_376, %parallel_loop3A_383 : i32
      %parallel_loop3A_385 = arith.remsi %parallel_loop3A_367, %parallel_loop3A_368 : i32
      %parallel_loop3A_386 = arith.constant 0 : i32
      %parallel_loop3A_387 = arith.cmpi ne, %parallel_loop3A_385, %parallel_loop3A_386 : i32
      %parallel_loop3A_388 = arith.andi %parallel_loop3A_384, %parallel_loop3A_387 : i1
      %parallel_loop3A_389 = arith.constant 1 : i32
      %parallel_loop3A_390 = arith.subi %parallel_loop3A_369, %parallel_loop3A_389 : i32
      %parallel_loop3A_391 = arith.select %parallel_loop3A_388, %parallel_loop3A_390, %parallel_loop3A_369 : i32
      %parallel_loop3A_392 = arith.constant 64 : i32
      %parallel_loop3A_393 = arith.constant 0 : i32
      %parallel_loop3A_394 = arith.cmpi eq, %parallel_loop3A_392, %parallel_loop3A_393 : i32
      %parallel_loop3A_395 = arith.constant 1 : i32
      %parallel_loop3A_396 = arith.select %parallel_loop3A_394, %parallel_loop3A_395, %parallel_loop3A_392 : i32
      %parallel_loop3A_397 = arith.remsi %parallel_loop3A_367, %parallel_loop3A_396 : i32
      %parallel_loop3A_398 = arith.constant 0 : i32
      %parallel_loop3A_399 = arith.cmpi ne, %parallel_loop3A_397, %parallel_loop3A_398 : i32
      %parallel_loop3A_400 = arith.constant 0 : i32
      %parallel_loop3A_401 = arith.cmpi slt, %parallel_loop3A_397, %parallel_loop3A_400 : i32
      %parallel_loop3A_402 = arith.constant 0 : i32
      %parallel_loop3A_403 = arith.cmpi slt, %parallel_loop3A_396, %parallel_loop3A_402 : i32
      %parallel_loop3A_404 = arith.xori %parallel_loop3A_401, %parallel_loop3A_403 : i1
      %parallel_loop3A_405 = arith.andi %parallel_loop3A_404, %parallel_loop3A_399 : i1
      %parallel_loop3A_406 = arith.addi %parallel_loop3A_397, %parallel_loop3A_396 : i32
      %parallel_loop3A_407 = arith.select %parallel_loop3A_405, %parallel_loop3A_406, %parallel_loop3A_397 : i32
      %parallel_loop3A_408 = arith.constant 16 : i32
      %parallel_loop3A_409 = arith.muli %parallel_loop3A_407, %parallel_loop3A_408 : i32
      %parallel_loop3A_410 = arith.constant 0 : i32
      %parallel_loop3A_411 = arith.index_cast %parallel_loop3A_410 : i32 to index
      %parallel_loop3A_412 = arith.index_cast %parallel_loop3A_391 : i32 to index
      %parallel_loop3A_413 = arith.index_cast %parallel_loop3A_409 : i32 to index
      %parallel_loop3A_414 = tpu.vector_load %arg8[%parallel_loop3A_411, %parallel_loop3A_412, %parallel_loop3A_413] {strides = array<i32>} : memref<2x16x1024xf32, #tpu.memory_space<vmem>>, vector<1x1x16xf32>,
      %parallel_loop3A_415 = vector.shape_cast %parallel_loop3A_414 : vector<1x1x16xf32> to vector<16xf32>
      %parallel_loop3A_416 = arith.constant 0 : i32
      %parallel_loop3A_417 = arith.index_cast %parallel_loop3A_416 : i32 to index
      %parallel_loop3A_418 = arith.index_cast %parallel_loop3A_391 : i32 to index
      %parallel_loop3A_419 = arith.index_cast %parallel_loop3A_409 : i32 to index
      %parallel_loop3A_420 = tpu.vector_load %arg9[%parallel_loop3A_417, %parallel_loop3A_418, %parallel_loop3A_419] {strides = array<i32>} : memref<2x16x1024xf32, #tpu.memory_space<vmem>>, vector<1x1x16xf32>,
      %parallel_loop3A_421 = vector.shape_cast %parallel_loop3A_420 : vector<1x1x16xf32> to vector<16xf32>
      %parallel_loop3A_422 = arith.addf %parallel_loop3A_415, %parallel_loop3A_421 : vector<16xf32>
      %parallel_loop3A_423 = arith.constant 0 : i32
      %parallel_loop3A_424 = arith.index_cast %parallel_loop3A_423 : i32 to index
      %parallel_loop3A_425 = arith.index_cast %parallel_loop3A_391 : i32 to index
      %parallel_loop3A_426 = arith.index_cast %parallel_loop3A_409 : i32 to index
      %parallel_loop3A_427 = tpu.vector_load %arg8[%parallel_loop3A_424, %parallel_loop3A_425, %parallel_loop3A_426] {strides = array<i32>} : memref<2x16x1024xf32, #tpu.memory_space<vmem>>, vector<1x1x16xf32>,
      %parallel_loop3A_428 = vector.shape_cast %parallel_loop3A_427 : vector<1x1x16xf32> to vector<16xf32>
      %parallel_loop3A_429 = vector.shape_cast %parallel_loop3A_422 : vector<16xf32> to vector<1x1x16xf32>
      tpu.vector_store %arg8[%parallel_loop3A_424, %parallel_loop3A_425, %parallel_loop3A_426], %parallel_loop3A_429 {strides = array<i32>} : memref<2x16x1024xf32, #tpu.memory_space<vmem>>, vector<1x1x16xf32>,
    } {sc.loop_unroll_factor = 8 : i64, sc.parallel_access}
    %add3A_63 = arith.constant 0 : i32
    %add3A_64 = arith.addi %mul3A_2, %add3A_63 : i32
    %run_scoped3A = arith.constant 0 : i32
    "tpu.region"() ({
      %run_scoped3A_367 = tpu.sem_alloc : memref<!tpu.dma_semaphore, #tpu.memory_space<semaphore_mem>>
      %dma_start3A_368 = arith.constant 0 : i32
      %dma_start3A_369 = arith.constant 0 : i32
      %dma_start3A_370 = tpu.memref_slice %arg8[%run_scoped3A, %dma_start3A_368, %dma_start3A_369] : memref<2x16x1024xf32, #tpu.memory_space<vmem>> -> memref<1x16x1024xf32, #tpu.memory_space<vmem>>
      %dma_start3A_371 = tpu.memref_squeeze %dma_start3A_370 : memref<1x16x1024xf32, #tpu.memory_space<vmem>> -> memref<16x1024xf32, #tpu.memory_space<vmem>>
      %dma_start3A_372 = arith.constant 0 : i32
      %dma_start3A_373 = tpu.memref_slice %arg5[%add3A_64, %dma_start3A_372] : memref<4096x1024xf32, #tpu.memory_space<hbm>> -> memref<16x1024xf32, #tpu.memory_space<hbm>>
      %dma_start3A_374 = arith.constant 0 : i32
      %dma_start3A_375 = tpu.memref_slice %arg5[%add3A_64, %dma_start3A_374] : memref<4096x1024xf32, #tpu.memory_space<hbm>> -> memref<16x1024xf32, #tpu.memory_space<hbm>>
      %dma_start3A_376 = arith.constant 0 : i32
      %dma_start3A_377 = arith.constant 0 : i32
      %dma_start3A_378 = tpu.memref_slice %arg8[%run_scoped3A, %dma_start3A_376, %dma_start3A_377] : memref<2x16x1024xf32, #tpu.memory_space<vmem>> -> memref<1x16x1024xf32, #tpu.memory_space<vmem>>
      %dma_start3A_379 = tpu.memref_squeeze %dma_start3A_378 : memref<1x16x1024xf32, #tpu.memory_space<vmem>> -> memref<16x1024xf32, #tpu.memory_space<vmem>>
      tpu.enqueue_dma source(%dma_start3A_379 : memref<16x1024xf32, #tpu.memory_space<vmem>>) target(%dma_start3A_375 : memref<16x1024xf32, #tpu.memory_space<hbm>>) target_semaphore(%run_scoped3A_367 : memref<!tpu.dma_semaphore, #tpu.memory_space<semaphore_mem>>)
      %dma_wait3A_380 = arith.constant 0 : i32
      %dma_wait3A_381 = arith.constant 0 : i32
      %dma_wait3A_382 = tpu.memref_slice %arg8[%run_scoped3A, %dma_wait3A_380, %dma_wait3A_381] : memref<2x16x1024xf32, #tpu.memory_space<vmem>> -> memref<1x16x1024xf32, #tpu.memory_space<vmem>>
      %dma_wait3A_383 = tpu.memref_squeeze %dma_wait3A_382 : memref<1x16x1024xf32, #tpu.memory_space<vmem>> -> memref<16x1024xf32, #tpu.memory_space<vmem>>
      %dma_wait3A_384 = arith.constant 0 : i32
      %dma_wait3A_385 = tpu.memref_slice %arg5[%add3A_64, %dma_wait3A_384] : memref<4096x1024xf32, #tpu.memory_space<hbm>> -> memref<16x1024xf32, #tpu.memory_space<hbm>>
      %dma_wait3A_386 = arith.constant 0 : i32
      %dma_wait3A_387 = tpu.memref_slice %arg5[%add3A_64, %dma_wait3A_386] : memref<4096x1024xf32, #tpu.memory_space<hbm>> -> memref<16x1024xf32, #tpu.memory_space<hbm>>
      %dma_wait3A_388 = arith.constant 0 : i32
      %dma_wait3A_389 = arith.constant 0 : i32
      %dma_wait3A_390 = tpu.memref_slice %arg8[%run_scoped3A, %dma_wait3A_388, %dma_wait3A_389] : memref<2x16x1024xf32, #tpu.memory_space<vmem>> -> memref<1x16x1024xf32, #tpu.memory_space<vmem>>
      %dma_wait3A_391 = tpu.memref_squeeze %dma_wait3A_390 : memref<1x16x1024xf32, #tpu.memory_space<vmem>> -> memref<16x1024xf32, #tpu.memory_space<vmem>>
      tpu.wait_dma2 semaphore(%run_scoped3A_367 : memref<!tpu.dma_semaphore, #tpu.memory_space<semaphore_mem>>) src(%dma_wait3A_391 : memref<16x1024xf32, #tpu.memory_space<vmem>>) dst(%dma_wait3A_387 : memref<16x1024xf32, #tpu.memory_space<hbm>>)
      tpu.yield
    }) : () -> ()
    %dma_start3A_65 = arith.constant 0 : i32
    %dma_start3A_66 = arith.constant 0 : i32
    %dma_start3A_67 = arith.constant 0 : i32
    %dma_start3A_68 = tpu.memref_slice %arg8[%dma_start3A_65, %dma_start3A_66, %dma_start3A_67] : memref<2x16x1024xf32, #tpu.memory_space<vmem>> -> memref<1x16x1024xf32, #tpu.memory_space<vmem>>
    %dma_start3A_69 = tpu.memref_squeeze %dma_start3A_68 : memref<1x16x1024xf32, #tpu.memory_space<vmem>> -> memref<16x1024xf32, #tpu.memory_space<vmem>>
    %dma_start3A_70 = arith.constant 32 : i32
    %dma_start3A_71 = tpu.memref_slice %arg6[%dma_start3A_70] : memref<128xi32, #tpu.memory_space<vmem>> -> memref<16xi32, #tpu.memory_space<vmem>>
    %dma_start3A_72 = arith.constant 0 : i32
    %dma_start3A_73 = arith.constant 0 : i32
    %dma_start3A_74 = tpu.memref_slice %arg2[%dma_start3A_72, %dma_start3A_73] : memref<8192x1024xf32, #tpu.memory_space<hbm>> -> memref<8192x1024xf32, #tpu.memory_space<hbm>>
    tpu.enqueue_indirect_dma source(%dma_start3A_74 : memref<8192x1024xf32, #tpu.memory_space<hbm>>) target(%dma_start3A_69 : memref<16x1024xf32, #tpu.memory_space<vmem>>) offsets(%dma_start3A_71 : memref<16xi32, #tpu.memory_space<vmem>>) semaphore(%arg10 : memref<!tpu.dma_semaphore, #tpu.memory_space<semaphore_mem>>)
    %dma_start3A_75 = arith.constant 0 : i32
    %dma_start3A_76 = arith.constant 0 : i32
    %dma_start3A_77 = arith.constant 0 : i32
    %dma_start3A_78 = tpu.memref_slice %arg9[%dma_start3A_75, %dma_start3A_76, %dma_start3A_77] : memref<2x16x1024xf32, #tpu.memory_space<vmem>> -> memref<1x16x1024xf32, #tpu.memory_space<vmem>>
    %dma_start3A_79 = tpu.memref_squeeze %dma_start3A_78 : memref<1x16x1024xf32, #tpu.memory_space<vmem>> -> memref<16x1024xf32, #tpu.memory_space<vmem>>
    %dma_start3A_80 = arith.constant 32 : i32
    %dma_start3A_81 = tpu.memref_slice %arg7[%dma_start3A_80] : memref<128xi32, #tpu.memory_space<vmem>> -> memref<16xi32, #tpu.memory_space<vmem>>
    %dma_start3A_82 = arith.constant 0 : i32
    %dma_start3A_83 = arith.constant 0 : i32
    %dma_start3A_84 = tpu.memref_slice %arg2[%dma_start3A_82, %dma_start3A_83] : memref<8192x1024xf32, #tpu.memory_space<hbm>> -> memref<8192x1024xf32, #tpu.memory_space<hbm>>
    tpu.enqueue_indirect_dma source(%dma_start3A_84 : memref<8192x1024xf32, #tpu.memory_space<hbm>>) target(%dma_start3A_79 : memref<16x1024xf32, #tpu.memory_space<vmem>>) offsets(%dma_start3A_81 : memref<16xi32, #tpu.memory_space<vmem>>) semaphore(%arg12 : memref<!tpu.dma_semaphore, #tpu.memory_space<semaphore_mem>>)
    %dma_wait3A_85 = arith.constant 1 : i32
    %dma_wait3A_86 = arith.constant 0 : i32
    %dma_wait3A_87 = arith.constant 0 : i32
    %dma_wait3A_88 = tpu.memref_slice %arg8[%dma_wait3A_85, %dma_wait3A_86, %dma_wait3A_87] : memref<2x16x1024xf32, #tpu.memory_space<vmem>> -> memref<1x16x1024xf32, #tpu.memory_space<vmem>>
    %dma_wait3A_89 = tpu.memref_squeeze %dma_wait3A_88 : memref<1x16x1024xf32, #tpu.memory_space<vmem>> -> memref<16x1024xf32, #tpu.memory_space<vmem>>
    %dma_wait3A_90 = arith.constant 16 : i32
    %dma_wait3A_91 = tpu.memref_slice %arg6[%dma_wait3A_90] : memref<128xi32, #tpu.memory_space<vmem>> -> memref<16xi32, #tpu.memory_space<vmem>>
    %dma_wait3A_92 = arith.constant 0 : i32
    %dma_wait3A_93 = arith.constant 0 : i32
    %dma_wait3A_94 = tpu.memref_slice %arg2[%dma_wait3A_92, %dma_wait3A_93] : memref<8192x1024xf32, #tpu.memory_space<hbm>> -> memref<8192x1024xf32, #tpu.memory_space<hbm>>
    tpu.wait_indirect_dma semaphore(%arg11 : memref<!tpu.dma_semaphore, #tpu.memory_space<semaphore_mem>>) src(%dma_wait3A_94 : memref<8192x1024xf32, #tpu.memory_space<hbm>>) dst(%dma_wait3A_89 : memref<16x1024xf32, #tpu.memory_space<vmem>>)
    %dma_wait3A_95 = arith.constant 1 : i32
    %dma_wait3A_96 = arith.constant 0 : i32
    %dma_wait3A_97 = arith.constant 0 : i32
    %dma_wait3A_98 = tpu.memref_slice %arg9[%dma_wait3A_95, %dma_wait3A_96, %dma_wait3A_97] : memref<2x16x1024xf32, #tpu.memory_space<vmem>> -> memref<1x16x1024xf32, #tpu.memory_space<vmem>>
    %dma_wait3A_99 = tpu.memref_squeeze %dma_wait3A_98 : memref<1x16x1024xf32, #tpu.memory_space<vmem>> -> memref<16x1024xf32, #tpu.memory_space<vmem>>
    %dma_wait3A_100 = arith.constant 16 : i32
    %dma_wait3A_101 = tpu.memref_slice %arg7[%dma_wait3A_100] : memref<128xi32, #tpu.memory_space<vmem>> -> memref<16xi32, #tpu.memory_space<vmem>>
    %dma_wait3A_102 = arith.constant 0 : i32
    %dma_wait3A_103 = arith.constant 0 : i32
    %dma_wait3A_104 = tpu.memref_slice %arg2[%dma_wait3A_102, %dma_wait3A_103] : memref<8192x1024xf32, #tpu.memory_space<hbm>> -> memref<8192x1024xf32, #tpu.memory_space<hbm>>
    tpu.wait_indirect_dma semaphore(%arg13 : memref<!tpu.dma_semaphore, #tpu.memory_space<semaphore_mem>>) src(%dma_wait3A_104 : memref<8192x1024xf32, #tpu.memory_space<hbm>>) dst(%dma_wait3A_99 : memref<16x1024xf32, #tpu.memory_space<vmem>>)
    %parallel_loop3A_105 = arith.constant 0 : i32
    %parallel_loop3A_106 = arith.constant 1024 : i32
    %parallel_loop3A_107 = arith.constant 1 : i32
    scf.for %parallel_loop3A_367 = %parallel_loop3A_105 to %parallel_loop3A_106 step %parallel_loop3A_107  : i32 {
      %parallel_loop3A_368 = arith.constant 64 : i32
      %parallel_loop3A_369 = arith.divsi %parallel_loop3A_367, %parallel_loop3A_368 : i32
      %parallel_loop3A_370 = arith.constant 0 : i32
      %parallel_loop3A_371 = arith.cmpi sgt, %parallel_loop3A_367, %parallel_loop3A_370 : i32
      %parallel_loop3A_372 = arith.extui %parallel_loop3A_371 : i1 to i32
      %parallel_loop3A_373 = arith.constant 0 : i32
      %parallel_loop3A_374 = arith.cmpi slt, %parallel_loop3A_367, %parallel_loop3A_373 : i32
      %parallel_loop3A_375 = arith.extui %parallel_loop3A_374 : i1 to i32
      %parallel_loop3A_376 = arith.subi %parallel_loop3A_372, %parallel_loop3A_375 : i32
      %parallel_loop3A_377 = arith.constant 0 : i32
      %parallel_loop3A_378 = arith.cmpi sgt, %parallel_loop3A_368, %parallel_loop3A_377 : i32
      %parallel_loop3A_379 = arith.extui %parallel_loop3A_378 : i1 to i32
      %parallel_loop3A_380 = arith.constant 0 : i32
      %parallel_loop3A_381 = arith.cmpi slt, %parallel_loop3A_368, %parallel_loop3A_380 : i32
      %parallel_loop3A_382 = arith.extui %parallel_loop3A_381 : i1 to i32
      %parallel_loop3A_383 = arith.subi %parallel_loop3A_379, %parallel_loop3A_382 : i32
      %parallel_loop3A_384 = arith.cmpi ne, %parallel_loop3A_376, %parallel_loop3A_383 : i32
      %parallel_loop3A_385 = arith.remsi %parallel_loop3A_367, %parallel_loop3A_368 : i32
      %parallel_loop3A_386 = arith.constant 0 : i32
      %parallel_loop3A_387 = arith.cmpi ne, %parallel_loop3A_385, %parallel_loop3A_386 : i32
      %parallel_loop3A_388 = arith.andi %parallel_loop3A_384, %parallel_loop3A_387 : i1
      %parallel_loop3A_389 = arith.constant 1 : i32
      %parallel_loop3A_390 = arith.subi %parallel_loop3A_369, %parallel_loop3A_389 : i32
      %parallel_loop3A_391 = arith.select %parallel_loop3A_388, %parallel_loop3A_390, %parallel_loop3A_369 : i32
      %parallel_loop3A_392 = arith.constant 64 : i32
      %parallel_loop3A_393 = arith.constant 0 : i32
      %parallel_loop3A_394 = arith.cmpi eq, %parallel_loop3A_392, %parallel_loop3A_393 : i32
      %parallel_loop3A_395 = arith.constant 1 : i32
      %parallel_loop3A_396 = arith.select %parallel_loop3A_394, %parallel_loop3A_395, %parallel_loop3A_392 : i32
      %parallel_loop3A_397 = arith.remsi %parallel_loop3A_367, %parallel_loop3A_396 : i32
      %parallel_loop3A_398 = arith.constant 0 : i32
      %parallel_loop3A_399 = arith.cmpi ne, %parallel_loop3A_397, %parallel_loop3A_398 : i32
      %parallel_loop3A_400 = arith.constant 0 : i32
      %parallel_loop3A_401 = arith.cmpi slt, %parallel_loop3A_397, %parallel_loop3A_400 : i32
      %parallel_loop3A_402 = arith.constant 0 : i32
      %parallel_loop3A_403 = arith.cmpi slt, %parallel_loop3A_396, %parallel_loop3A_402 : i32
      %parallel_loop3A_404 = arith.xori %parallel_loop3A_401, %parallel_loop3A_403 : i1
      %parallel_loop3A_405 = arith.andi %parallel_loop3A_404, %parallel_loop3A_399 : i1
      %parallel_loop3A_406 = arith.addi %parallel_loop3A_397, %parallel_loop3A_396 : i32
      %parallel_loop3A_407 = arith.select %parallel_loop3A_405, %parallel_loop3A_406, %parallel_loop3A_397 : i32
      %parallel_loop3A_408 = arith.constant 16 : i32
      %parallel_loop3A_409 = arith.muli %parallel_loop3A_407, %parallel_loop3A_408 : i32
      %parallel_loop3A_410 = arith.constant 1 : i32
      %parallel_loop3A_411 = arith.index_cast %parallel_loop3A_410 : i32 to index
      %parallel_loop3A_412 = arith.index_cast %parallel_loop3A_391 : i32 to index
      %parallel_loop3A_413 = arith.index_cast %parallel_loop3A_409 : i32 to index
      %parallel_loop3A_414 = tpu.vector_load %arg8[%parallel_loop3A_411, %parallel_loop3A_412, %parallel_loop3A_413] {strides = array<i32>} : memref<2x16x1024xf32, #tpu.memory_space<vmem>>, vector<1x1x16xf32>,
      %parallel_loop3A_415 = vector.shape_cast %parallel_loop3A_414 : vector<1x1x16xf32> to vector<16xf32>
      %parallel_loop3A_416 = arith.constant 1 : i32
      %parallel_loop3A_417 = arith.index_cast %parallel_loop3A_416 : i32 to index
      %parallel_loop3A_418 = arith.index_cast %parallel_loop3A_391 : i32 to index
      %parallel_loop3A_419 = arith.index_cast %parallel_loop3A_409 : i32 to index
      %parallel_loop3A_420 = tpu.vector_load %arg9[%parallel_loop3A_417, %parallel_loop3A_418, %parallel_loop3A_419] {strides = array<i32>} : memref<2x16x1024xf32, #tpu.memory_space<vmem>>, vector<1x1x16xf32>,
      %parallel_loop3A_421 = vector.shape_cast %parallel_loop3A_420 : vector<1x1x16xf32> to vector<16xf32>
      %parallel_loop3A_422 = arith.addf %parallel_loop3A_415, %parallel_loop3A_421 : vector<16xf32>
      %parallel_loop3A_423 = arith.constant 1 : i32
      %parallel_loop3A_424 = arith.index_cast %parallel_loop3A_423 : i32 to index
      %parallel_loop3A_425 = arith.index_cast %parallel_loop3A_391 : i32 to index
      %parallel_loop3A_426 = arith.index_cast %parallel_loop3A_409 : i32 to index
      %parallel_loop3A_427 = tpu.vector_load %arg8[%parallel_loop3A_424, %parallel_loop3A_425, %parallel_loop3A_426] {strides = array<i32>} : memref<2x16x1024xf32, #tpu.memory_space<vmem>>, vector<1x1x16xf32>,
      %parallel_loop3A_428 = vector.shape_cast %parallel_loop3A_427 : vector<1x1x16xf32> to vector<16xf32>
      %parallel_loop3A_429 = vector.shape_cast %parallel_loop3A_422 : vector<16xf32> to vector<1x1x16xf32>
      tpu.vector_store %arg8[%parallel_loop3A_424, %parallel_loop3A_425, %parallel_loop3A_426], %parallel_loop3A_429 {strides = array<i32>} : memref<2x16x1024xf32, #tpu.memory_space<vmem>>, vector<1x1x16xf32>,
    } {sc.loop_unroll_factor = 8 : i64, sc.parallel_access}
    %add3A_108 = arith.constant 16 : i32
    %add3A_109 = arith.addi %mul3A_2, %add3A_108 : i32
    %run_scoped3A_110 = arith.constant 1 : i32
    "tpu.region"() ({
      %run_scoped3A_367 = tpu.sem_alloc : memref<!tpu.dma_semaphore, #tpu.memory_space<semaphore_mem>>
      %dma_start3A_368 = arith.constant 0 : i32
      %dma_start3A_369 = arith.constant 0 : i32
      %dma_start3A_370 = tpu.memref_slice %arg8[%run_scoped3A_110, %dma_start3A_368, %dma_start3A_369] : memref<2x16x1024xf32, #tpu.memory_space<vmem>> -> memref<1x16x1024xf32, #tpu.memory_space<vmem>>
      %dma_start3A_371 = tpu.memref_squeeze %dma_start3A_370 : memref<1x16x1024xf32, #tpu.memory_space<vmem>> -> memref<16x1024xf32, #tpu.memory_space<vmem>>
      %dma_start3A_372 = arith.constant 0 : i32
      %dma_start3A_373 = tpu.memref_slice %arg5[%add3A_109, %dma_start3A_372] : memref<4096x1024xf32, #tpu.memory_space<hbm>> -> memref<16x1024xf32, #tpu.memory_space<hbm>>
      %dma_start3A_374 = arith.constant 0 : i32
      %dma_start3A_375 = tpu.memref_slice %arg5[%add3A_109, %dma_start3A_374] : memref<4096x1024xf32, #tpu.memory_space<hbm>> -> memref<16x1024xf32, #tpu.memory_space<hbm>>
      %dma_start3A_376 = arith.constant 0 : i32
      %dma_start3A_377 = arith.constant 0 : i32
      %dma_start3A_378 = tpu.memref_slice %arg8[%run_scoped3A_110, %dma_start3A_376, %dma_start3A_377] : memref<2x16x1024xf32, #tpu.memory_space<vmem>> -> memref<1x16x1024xf32, #tpu.memory_space<vmem>>
      %dma_start3A_379 = tpu.memref_squeeze %dma_start3A_378 : memref<1x16x1024xf32, #tpu.memory_space<vmem>> -> memref<16x1024xf32, #tpu.memory_space<vmem>>
      tpu.enqueue_dma source(%dma_start3A_379 : memref<16x1024xf32, #tpu.memory_space<vmem>>) target(%dma_start3A_375 : memref<16x1024xf32, #tpu.memory_space<hbm>>) target_semaphore(%run_scoped3A_367 : memref<!tpu.dma_semaphore, #tpu.memory_space<semaphore_mem>>)
      %dma_wait3A_380 = arith.constant 0 : i32
      %dma_wait3A_381 = arith.constant 0 : i32
      %dma_wait3A_382 = tpu.memref_slice %arg8[%run_scoped3A_110, %dma_wait3A_380, %dma_wait3A_381] : memref<2x16x1024xf32, #tpu.memory_space<vmem>> -> memref<1x16x1024xf32, #tpu.memory_space<vmem>>
      %dma_wait3A_383 = tpu.memref_squeeze %dma_wait3A_382 : memref<1x16x1024xf32, #tpu.memory_space<vmem>> -> memref<16x1024xf32, #tpu.memory_space<vmem>>
      %dma_wait3A_384 = arith.constant 0 : i32
      %dma_wait3A_385 = tpu.memref_slice %arg5[%add3A_109, %dma_wait3A_384] : memref<4096x1024xf32, #tpu.memory_space<hbm>> -> memref<16x1024xf32, #tpu.memory_space<hbm>>
      %dma_wait3A_386 = arith.constant 0 : i32
      %dma_wait3A_387 = tpu.memref_slice %arg5[%add3A_109, %dma_wait3A_386] : memref<4096x1024xf32, #tpu.memory_space<hbm>> -> memref<16x1024xf32, #tpu.memory_space<hbm>>
      %dma_wait3A_388 = arith.constant 0 : i32
      %dma_wait3A_389 = arith.constant 0 : i32
      %dma_wait3A_390 = tpu.memref_slice %arg8[%run_scoped3A_110, %dma_wait3A_388, %dma_wait3A_389] : memref<2x16x1024xf32, #tpu.memory_space<vmem>> -> memref<1x16x1024xf32, #tpu.memory_space<vmem>>
      %dma_wait3A_391 = tpu.memref_squeeze %dma_wait3A_390 : memref<1x16x1024xf32, #tpu.memory_space<vmem>> -> memref<16x1024xf32, #tpu.memory_space<vmem>>
      tpu.wait_dma2 semaphore(%run_scoped3A_367 : memref<!tpu.dma_semaphore, #tpu.memory_space<semaphore_mem>>) src(%dma_wait3A_391 : memref<16x1024xf32, #tpu.memory_space<vmem>>) dst(%dma_wait3A_387 : memref<16x1024xf32, #tpu.memory_space<hbm>>)
      tpu.yield
    }) : () -> ()
    %dma_start3A_111 = arith.constant 1 : i32
    %dma_start3A_112 = arith.constant 0 : i32
    %dma_start3A_113 = arith.constant 0 : i32
    %dma_start3A_114 = tpu.memref_slice %arg8[%dma_start3A_111, %dma_start3A_112, %dma_start3A_113] : memref<2x16x1024xf32, #tpu.memory_space<vmem>> -> memref<1x16x1024xf32, #tpu.memory_space<vmem>>
    %dma_start3A_115 = tpu.memref_squeeze %dma_start3A_114 : memref<1x16x1024xf32, #tpu.memory_space<vmem>> -> memref<16x1024xf32, #tpu.memory_space<vmem>>
    %dma_start3A_116 = arith.constant 48 : i32
    %dma_start3A_117 = tpu.memref_slice %arg6[%dma_start3A_116] : memref<128xi32, #tpu.memory_space<vmem>> -> memref<16xi32, #tpu.memory_space<vmem>>
    %dma_start3A_118 = arith.constant 0 : i32
    %dma_start3A_119 = arith.constant 0 : i32
    %dma_start3A_120 = tpu.memref_slice %arg2[%dma_start3A_118, %dma_start3A_119] : memref<8192x1024xf32, #tpu.memory_space<hbm>> -> memref<8192x1024xf32, #tpu.memory_space<hbm>>
    tpu.enqueue_indirect_dma source(%dma_start3A_120 : memref<8192x1024xf32, #tpu.memory_space<hbm>>) target(%dma_start3A_115 : memref<16x1024xf32, #tpu.memory_space<vmem>>) offsets(%dma_start3A_117 : memref<16xi32, #tpu.memory_space<vmem>>) semaphore(%arg11 : memref<!tpu.dma_semaphore, #tpu.memory_space<semaphore_mem>>)
    %dma_start3A_121 = arith.constant 1 : i32
    %dma_start3A_122 = arith.constant 0 : i32
    %dma_start3A_123 = arith.constant 0 : i32
    %dma_start3A_124 = tpu.memref_slice %arg9[%dma_start3A_121, %dma_start3A_122, %dma_start3A_123] : memref<2x16x1024xf32, #tpu.memory_space<vmem>> -> memref<1x16x1024xf32, #tpu.memory_space<vmem>>
    %dma_start3A_125 = tpu.memref_squeeze %dma_start3A_124 : memref<1x16x1024xf32, #tpu.memory_space<vmem>> -> memref<16x1024xf32, #tpu.memory_space<vmem>>
    %dma_start3A_126 = arith.constant 48 : i32
    %dma_start3A_127 = tpu.memref_slice %arg7[%dma_start3A_126] : memref<128xi32, #tpu.memory_space<vmem>> -> memref<16xi32, #tpu.memory_space<vmem>>
    %dma_start3A_128 = arith.constant 0 : i32
    %dma_start3A_129 = arith.constant 0 : i32
    %dma_start3A_130 = tpu.memref_slice %arg2[%dma_start3A_128, %dma_start3A_129] : memref<8192x1024xf32, #tpu.memory_space<hbm>> -> memref<8192x1024xf32, #tpu.memory_space<hbm>>
    tpu.enqueue_indirect_dma source(%dma_start3A_130 : memref<8192x1024xf32, #tpu.memory_space<hbm>>) target(%dma_start3A_125 : memref<16x1024xf32, #tpu.memory_space<vmem>>) offsets(%dma_start3A_127 : memref<16xi32, #tpu.memory_space<vmem>>) semaphore(%arg13 : memref<!tpu.dma_semaphore, #tpu.memory_space<semaphore_mem>>)
    %dma_wait3A_131 = arith.constant 0 : i32
    %dma_wait3A_132 = arith.constant 0 : i32
    %dma_wait3A_133 = arith.constant 0 : i32
    %dma_wait3A_134 = tpu.memref_slice %arg8[%dma_wait3A_131, %dma_wait3A_132, %dma_wait3A_133] : memref<2x16x1024xf32, #tpu.memory_space<vmem>> -> memref<1x16x1024xf32, #tpu.memory_space<vmem>>
    %dma_wait3A_135 = tpu.memref_squeeze %dma_wait3A_134 : memref<1x16x1024xf32, #tpu.memory_space<vmem>> -> memref<16x1024xf32, #tpu.memory_space<vmem>>
    %dma_wait3A_136 = arith.constant 32 : i32
    %dma_wait3A_137 = tpu.memref_slice %arg6[%dma_wait3A_136] : memref<128xi32, #tpu.memory_space<vmem>> -> memref<16xi32, #tpu.memory_space<vmem>>
    %dma_wait3A_138 = arith.constant 0 : i32
    %dma_wait3A_139 = arith.constant 0 : i32
    %dma_wait3A_140 = tpu.memref_slice %arg2[%dma_wait3A_138, %dma_wait3A_139] : memref<8192x1024xf32, #tpu.memory_space<hbm>> -> memref<8192x1024xf32, #tpu.memory_space<hbm>>
    tpu.wait_indirect_dma semaphore(%arg10 : memref<!tpu.dma_semaphore, #tpu.memory_space<semaphore_mem>>) src(%dma_wait3A_140 : memref<8192x1024xf32, #tpu.memory_space<hbm>>) dst(%dma_wait3A_135 : memref<16x1024xf32, #tpu.memory_space<vmem>>)
    %dma_wait3A_141 = arith.constant 0 : i32
    %dma_wait3A_142 = arith.constant 0 : i32
    %dma_wait3A_143 = arith.constant 0 : i32
    %dma_wait3A_144 = tpu.memref_slice %arg9[%dma_wait3A_141, %dma_wait3A_142, %dma_wait3A_143] : memref<2x16x1024xf32, #tpu.memory_space<vmem>> -> memref<1x16x1024xf32, #tpu.memory_space<vmem>>
    %dma_wait3A_145 = tpu.memref_squeeze %dma_wait3A_144 : memref<1x16x1024xf32, #tpu.memory_space<vmem>> -> memref<16x1024xf32, #tpu.memory_space<vmem>>
    %dma_wait3A_146 = arith.constant 32 : i32
    %dma_wait3A_147 = tpu.memref_slice %arg7[%dma_wait3A_146] : memref<128xi32, #tpu.memory_space<vmem>> -> memref<16xi32, #tpu.memory_space<vmem>>
    %dma_wait3A_148 = arith.constant 0 : i32
    %dma_wait3A_149 = arith.constant 0 : i32
    %dma_wait3A_150 = tpu.memref_slice %arg2[%dma_wait3A_148, %dma_wait3A_149] : memref<8192x1024xf32, #tpu.memory_space<hbm>> -> memref<8192x1024xf32, #tpu.memory_space<hbm>>
    tpu.wait_indirect_dma semaphore(%arg12 : memref<!tpu.dma_semaphore, #tpu.memory_space<semaphore_mem>>) src(%dma_wait3A_150 : memref<8192x1024xf32, #tpu.memory_space<hbm>>) dst(%dma_wait3A_145 : memref<16x1024xf32, #tpu.memory_space<vmem>>)
    %parallel_loop3A_151 = arith.constant 0 : i32
    %parallel_loop3A_152 = arith.constant 1024 : i32
    %parallel_loop3A_153 = arith.constant 1 : i32
    scf.for %parallel_loop3A_367 = %parallel_loop3A_151 to %parallel_loop3A_152 step %parallel_loop3A_153  : i32 {
      %parallel_loop3A_368 = arith.constant 64 : i32
      %parallel_loop3A_369 = arith.divsi %parallel_loop3A_367, %parallel_loop3A_368 : i32
      %parallel_loop3A_370 = arith.constant 0 : i32
      %parallel_loop3A_371 = arith.cmpi sgt, %parallel_loop3A_367, %parallel_loop3A_370 : i32
      %parallel_loop3A_372 = arith.extui %parallel_loop3A_371 : i1 to i32
      %parallel_loop3A_373 = arith.constant 0 : i32
      %parallel_loop3A_374 = arith.cmpi slt, %parallel_loop3A_367, %parallel_loop3A_373 : i32
      %parallel_loop3A_375 = arith.extui %parallel_loop3A_374 : i1 to i32
      %parallel_loop3A_376 = arith.subi %parallel_loop3A_372, %parallel_loop3A_375 : i32
      %parallel_loop3A_377 = arith.constant 0 : i32
      %parallel_loop3A_378 = arith.cmpi sgt, %parallel_loop3A_368, %parallel_loop3A_377 : i32
      %parallel_loop3A_379 = arith.extui %parallel_loop3A_378 : i1 to i32
      %parallel_loop3A_380 = arith.constant 0 : i32
      %parallel_loop3A_381 = arith.cmpi slt, %parallel_loop3A_368, %parallel_loop3A_380 : i32
      %parallel_loop3A_382 = arith.extui %parallel_loop3A_381 : i1 to i32
      %parallel_loop3A_383 = arith.subi %parallel_loop3A_379, %parallel_loop3A_382 : i32
      %parallel_loop3A_384 = arith.cmpi ne, %parallel_loop3A_376, %parallel_loop3A_383 : i32
      %parallel_loop3A_385 = arith.remsi %parallel_loop3A_367, %parallel_loop3A_368 : i32
      %parallel_loop3A_386 = arith.constant 0 : i32
      %parallel_loop3A_387 = arith.cmpi ne, %parallel_loop3A_385, %parallel_loop3A_386 : i32
      %parallel_loop3A_388 = arith.andi %parallel_loop3A_384, %parallel_loop3A_387 : i1
      %parallel_loop3A_389 = arith.constant 1 : i32
      %parallel_loop3A_390 = arith.subi %parallel_loop3A_369, %parallel_loop3A_389 : i32
      %parallel_loop3A_391 = arith.select %parallel_loop3A_388, %parallel_loop3A_390, %parallel_loop3A_369 : i32
      %parallel_loop3A_392 = arith.constant 64 : i32
      %parallel_loop3A_393 = arith.constant 0 : i32
      %parallel_loop3A_394 = arith.cmpi eq, %parallel_loop3A_392, %parallel_loop3A_393 : i32
      %parallel_loop3A_395 = arith.constant 1 : i32
      %parallel_loop3A_396 = arith.select %parallel_loop3A_394, %parallel_loop3A_395, %parallel_loop3A_392 : i32
      %parallel_loop3A_397 = arith.remsi %parallel_loop3A_367, %parallel_loop3A_396 : i32
      %parallel_loop3A_398 = arith.constant 0 : i32
      %parallel_loop3A_399 = arith.cmpi ne, %parallel_loop3A_397, %parallel_loop3A_398 : i32
      %parallel_loop3A_400 = arith.constant 0 : i32
      %parallel_loop3A_401 = arith.cmpi slt, %parallel_loop3A_397, %parallel_loop3A_400 : i32
      %parallel_loop3A_402 = arith.constant 0 : i32
      %parallel_loop3A_403 = arith.cmpi slt, %parallel_loop3A_396, %parallel_loop3A_402 : i32
      %parallel_loop3A_404 = arith.xori %parallel_loop3A_401, %parallel_loop3A_403 : i1
      %parallel_loop3A_405 = arith.andi %parallel_loop3A_404, %parallel_loop3A_399 : i1
      %parallel_loop3A_406 = arith.addi %parallel_loop3A_397, %parallel_loop3A_396 : i32
      %parallel_loop3A_407 = arith.select %parallel_loop3A_405, %parallel_loop3A_406, %parallel_loop3A_397 : i32
      %parallel_loop3A_408 = arith.constant 16 : i32
      %parallel_loop3A_409 = arith.muli %parallel_loop3A_407, %parallel_loop3A_408 : i32
      %parallel_loop3A_410 = arith.constant 0 : i32
      %parallel_loop3A_411 = arith.index_cast %parallel_loop3A_410 : i32 to index
      %parallel_loop3A_412 = arith.index_cast %parallel_loop3A_391 : i32 to index
      %parallel_loop3A_413 = arith.index_cast %parallel_loop3A_409 : i32 to index
      %parallel_loop3A_414 = tpu.vector_load %arg8[%parallel_loop3A_411, %parallel_loop3A_412, %parallel_loop3A_413] {strides = array<i32>} : memref<2x16x1024xf32, #tpu.memory_space<vmem>>, vector<1x1x16xf32>,
      %parallel_loop3A_415 = vector.shape_cast %parallel_loop3A_414 : vector<1x1x16xf32> to vector<16xf32>
      %parallel_loop3A_416 = arith.constant 0 : i32
      %parallel_loop3A_417 = arith.index_cast %parallel_loop3A_416 : i32 to index
      %parallel_loop3A_418 = arith.index_cast %parallel_loop3A_391 : i32 to index
      %parallel_loop3A_419 = arith.index_cast %parallel_loop3A_409 : i32 to index
      %parallel_loop3A_420 = tpu.vector_load %arg9[%parallel_loop3A_417, %parallel_loop3A_418, %parallel_loop3A_419] {strides = array<i32>} : memref<2x16x1024xf32, #tpu.memory_space<vmem>>, vector<1x1x16xf32>,
      %parallel_loop3A_421 = vector.shape_cast %parallel_loop3A_420 : vector<1x1x16xf32> to vector<16xf32>
      %parallel_loop3A_422 = arith.addf %parallel_loop3A_415, %parallel_loop3A_421 : vector<16xf32>
      %parallel_loop3A_423 = arith.constant 0 : i32
      %parallel_loop3A_424 = arith.index_cast %parallel_loop3A_423 : i32 to index
      %parallel_loop3A_425 = arith.index_cast %parallel_loop3A_391 : i32 to index
      %parallel_loop3A_426 = arith.index_cast %parallel_loop3A_409 : i32 to index
      %parallel_loop3A_427 = tpu.vector_load %arg8[%parallel_loop3A_424, %parallel_loop3A_425, %parallel_loop3A_426] {strides = array<i32>} : memref<2x16x1024xf32, #tpu.memory_space<vmem>>, vector<1x1x16xf32>,
      %parallel_loop3A_428 = vector.shape_cast %parallel_loop3A_427 : vector<1x1x16xf32> to vector<16xf32>
      %parallel_loop3A_429 = vector.shape_cast %parallel_loop3A_422 : vector<16xf32> to vector<1x1x16xf32>
      tpu.vector_store %arg8[%parallel_loop3A_424, %parallel_loop3A_425, %parallel_loop3A_426], %parallel_loop3A_429 {strides = array<i32>} : memref<2x16x1024xf32, #tpu.memory_space<vmem>>, vector<1x1x16xf32>,
    } {sc.loop_unroll_factor = 8 : i64, sc.parallel_access}
    %add3A_154 = arith.constant 32 : i32
    %add3A_155 = arith.addi %mul3A_2, %add3A_154 : i32
    %run_scoped3A_156 = arith.constant 0 : i32
    "tpu.region"() ({
      %run_scoped3A_367 = tpu.sem_alloc : memref<!tpu.dma_semaphore, #tpu.memory_space<semaphore_mem>>
      %dma_start3A_368 = arith.constant 0 : i32
      %dma_start3A_369 = arith.constant 0 : i32
      %dma_start3A_370 = tpu.memref_slice %arg8[%run_scoped3A_156, %dma_start3A_368, %dma_start3A_369] : memref<2x16x1024xf32, #tpu.memory_space<vmem>> -> memref<1x16x1024xf32, #tpu.memory_space<vmem>>
      %dma_start3A_371 = tpu.memref_squeeze %dma_start3A_370 : memref<1x16x1024xf32, #tpu.memory_space<vmem>> -> memref<16x1024xf32, #tpu.memory_space<vmem>>
      %dma_start3A_372 = arith.constant 0 : i32
      %dma_start3A_373 = tpu.memref_slice %arg5[%add3A_155, %dma_start3A_372] : memref<4096x1024xf32, #tpu.memory_space<hbm>> -> memref<16x1024xf32, #tpu.memory_space<hbm>>
      %dma_start3A_374 = arith.constant 0 : i32
      %dma_start3A_375 = tpu.memref_slice %arg5[%add3A_155, %dma_start3A_374] : memref<4096x1024xf32, #tpu.memory_space<hbm>> -> memref<16x1024xf32, #tpu.memory_space<hbm>>
      %dma_start3A_376 = arith.constant 0 : i32
      %dma_start3A_377 = arith.constant 0 : i32
      %dma_start3A_378 = tpu.memref_slice %arg8[%run_scoped3A_156, %dma_start3A_376, %dma_start3A_377] : memref<2x16x1024xf32, #tpu.memory_space<vmem>> -> memref<1x16x1024xf32, #tpu.memory_space<vmem>>
      %dma_start3A_379 = tpu.memref_squeeze %dma_start3A_378 : memref<1x16x1024xf32, #tpu.memory_space<vmem>> -> memref<16x1024xf32, #tpu.memory_space<vmem>>
      tpu.enqueue_dma source(%dma_start3A_379 : memref<16x1024xf32, #tpu.memory_space<vmem>>) target(%dma_start3A_375 : memref<16x1024xf32, #tpu.memory_space<hbm>>) target_semaphore(%run_scoped3A_367 : memref<!tpu.dma_semaphore, #tpu.memory_space<semaphore_mem>>)
      %dma_wait3A_380 = arith.constant 0 : i32
      %dma_wait3A_381 = arith.constant 0 : i32
      %dma_wait3A_382 = tpu.memref_slice %arg8[%run_scoped3A_156, %dma_wait3A_380, %dma_wait3A_381] : memref<2x16x1024xf32, #tpu.memory_space<vmem>> -> memref<1x16x1024xf32, #tpu.memory_space<vmem>>
      %dma_wait3A_383 = tpu.memref_squeeze %dma_wait3A_382 : memref<1x16x1024xf32, #tpu.memory_space<vmem>> -> memref<16x1024xf32, #tpu.memory_space<vmem>>
      %dma_wait3A_384 = arith.constant 0 : i32
      %dma_wait3A_385 = tpu.memref_slice %arg5[%add3A_155, %dma_wait3A_384] : memref<4096x1024xf32, #tpu.memory_space<hbm>> -> memref<16x1024xf32, #tpu.memory_space<hbm>>
      %dma_wait3A_386 = arith.constant 0 : i32
      %dma_wait3A_387 = tpu.memref_slice %arg5[%add3A_155, %dma_wait3A_386] : memref<4096x1024xf32, #tpu.memory_space<hbm>> -> memref<16x1024xf32, #tpu.memory_space<hbm>>
      %dma_wait3A_388 = arith.constant 0 : i32
      %dma_wait3A_389 = arith.constant 0 : i32
      %dma_wait3A_390 = tpu.memref_slice %arg8[%run_scoped3A_156, %dma_wait3A_388, %dma_wait3A_389] : memref<2x16x1024xf32, #tpu.memory_space<vmem>> -> memref<1x16x1024xf32, #tpu.memory_space<vmem>>
      %dma_wait3A_391 = tpu.memref_squeeze %dma_wait3A_390 : memref<1x16x1024xf32, #tpu.memory_space<vmem>> -> memref<16x1024xf32, #tpu.memory_space<vmem>>
      tpu.wait_dma2 semaphore(%run_scoped3A_367 : memref<!tpu.dma_semaphore, #tpu.memory_space<semaphore_mem>>) src(%dma_wait3A_391 : memref<16x1024xf32, #tpu.memory_space<vmem>>) dst(%dma_wait3A_387 : memref<16x1024xf32, #tpu.memory_space<hbm>>)
      tpu.yield
    }) : () -> ()
    %dma_start3A_157 = arith.constant 0 : i32
    %dma_start3A_158 = arith.constant 0 : i32
    %dma_start3A_159 = arith.constant 0 : i32
    %dma_start3A_160 = tpu.memref_slice %arg8[%dma_start3A_157, %dma_start3A_158, %dma_start3A_159] : memref<2x16x1024xf32, #tpu.memory_space<vmem>> -> memref<1x16x1024xf32, #tpu.memory_space<vmem>>
    %dma_start3A_161 = tpu.memref_squeeze %dma_start3A_160 : memref<1x16x1024xf32, #tpu.memory_space<vmem>> -> memref<16x1024xf32, #tpu.memory_space<vmem>>
    %dma_start3A_162 = arith.constant 64 : i32
    %dma_start3A_163 = tpu.memref_slice %arg6[%dma_start3A_162] : memref<128xi32, #tpu.memory_space<vmem>> -> memref<16xi32, #tpu.memory_space<vmem>>
    %dma_start3A_164 = arith.constant 0 : i32
    %dma_start3A_165 = arith.constant 0 : i32
    %dma_start3A_166 = tpu.memref_slice %arg2[%dma_start3A_164, %dma_start3A_165] : memref<8192x1024xf32, #tpu.memory_space<hbm>> -> memref<8192x1024xf32, #tpu.memory_space<hbm>>
    tpu.enqueue_indirect_dma source(%dma_start3A_166 : memref<8192x1024xf32, #tpu.memory_space<hbm>>) target(%dma_start3A_161 : memref<16x1024xf32, #tpu.memory_space<vmem>>) offsets(%dma_start3A_163 : memref<16xi32, #tpu.memory_space<vmem>>) semaphore(%arg10 : memref<!tpu.dma_semaphore, #tpu.memory_space<semaphore_mem>>)
    %dma_start3A_167 = arith.constant 0 : i32
    %dma_start3A_168 = arith.constant 0 : i32
    %dma_start3A_169 = arith.constant 0 : i32
    %dma_start3A_170 = tpu.memref_slice %arg9[%dma_start3A_167, %dma_start3A_168, %dma_start3A_169] : memref<2x16x1024xf32, #tpu.memory_space<vmem>> -> memref<1x16x1024xf32, #tpu.memory_space<vmem>>
    %dma_start3A_171 = tpu.memref_squeeze %dma_start3A_170 : memref<1x16x1024xf32, #tpu.memory_space<vmem>> -> memref<16x1024xf32, #tpu.memory_space<vmem>>
    %dma_start3A_172 = arith.constant 64 : i32
    %dma_start3A_173 = tpu.memref_slice %arg7[%dma_start3A_172] : memref<128xi32, #tpu.memory_space<vmem>> -> memref<16xi32, #tpu.memory_space<vmem>>
    %dma_start3A_174 = arith.constant 0 : i32
    %dma_start3A_175 = arith.constant 0 : i32
    %dma_start3A_176 = tpu.memref_slice %arg2[%dma_start3A_174, %dma_start3A_175] : memref<8192x1024xf32, #tpu.memory_space<hbm>> -> memref<8192x1024xf32, #tpu.memory_space<hbm>>
    tpu.enqueue_indirect_dma source(%dma_start3A_176 : memref<8192x1024xf32, #tpu.memory_space<hbm>>) target(%dma_start3A_171 : memref<16x1024xf32, #tpu.memory_space<vmem>>) offsets(%dma_start3A_173 : memref<16xi32, #tpu.memory_space<vmem>>) semaphore(%arg12 : memref<!tpu.dma_semaphore, #tpu.memory_space<semaphore_mem>>)
    %dma_wait3A_177 = arith.constant 1 : i32
    %dma_wait3A_178 = arith.constant 0 : i32
    %dma_wait3A_179 = arith.constant 0 : i32
    %dma_wait3A_180 = tpu.memref_slice %arg8[%dma_wait3A_177, %dma_wait3A_178, %dma_wait3A_179] : memref<2x16x1024xf32, #tpu.memory_space<vmem>> -> memref<1x16x1024xf32, #tpu.memory_space<vmem>>
    %dma_wait3A_181 = tpu.memref_squeeze %dma_wait3A_180 : memref<1x16x1024xf32, #tpu.memory_space<vmem>> -> memref<16x1024xf32, #tpu.memory_space<vmem>>
    %dma_wait3A_182 = arith.constant 48 : i32
    %dma_wait3A_183 = tpu.memref_slice %arg6[%dma_wait3A_182] : memref<128xi32, #tpu.memory_space<vmem>> -> memref<16xi32, #tpu.memory_space<vmem>>
    %dma_wait3A_184 = arith.constant 0 : i32
    %dma_wait3A_185 = arith.constant 0 : i32
    %dma_wait3A_186 = tpu.memref_slice %arg2[%dma_wait3A_184, %dma_wait3A_185] : memref<8192x1024xf32, #tpu.memory_space<hbm>> -> memref<8192x1024xf32, #tpu.memory_space<hbm>>
    tpu.wait_indirect_dma semaphore(%arg11 : memref<!tpu.dma_semaphore, #tpu.memory_space<semaphore_mem>>) src(%dma_wait3A_186 : memref<8192x1024xf32, #tpu.memory_space<hbm>>) dst(%dma_wait3A_181 : memref<16x1024xf32, #tpu.memory_space<vmem>>)
    %dma_wait3A_187 = arith.constant 1 : i32
    %dma_wait3A_188 = arith.constant 0 : i32
    %dma_wait3A_189 = arith.constant 0 : i32
    %dma_wait3A_190 = tpu.memref_slice %arg9[%dma_wait3A_187, %dma_wait3A_188, %dma_wait3A_189] : memref<2x16x1024xf32, #tpu.memory_space<vmem>> -> memref<1x16x1024xf32, #tpu.memory_space<vmem>>
    %dma_wait3A_191 = tpu.memref_squeeze %dma_wait3A_190 : memref<1x16x1024xf32, #tpu.memory_space<vmem>> -> memref<16x1024xf32, #tpu.memory_space<vmem>>
    %dma_wait3A_192 = arith.constant 48 : i32
    %dma_wait3A_193 = tpu.memref_slice %arg7[%dma_wait3A_192] : memref<128xi32, #tpu.memory_space<vmem>> -> memref<16xi32, #tpu.memory_space<vmem>>
    %dma_wait3A_194 = arith.constant 0 : i32
    %dma_wait3A_195 = arith.constant 0 : i32
    %dma_wait3A_196 = tpu.memref_slice %arg2[%dma_wait3A_194, %dma_wait3A_195] : memref<8192x1024xf32, #tpu.memory_space<hbm>> -> memref<8192x1024xf32, #tpu.memory_space<hbm>>
    tpu.wait_indirect_dma semaphore(%arg13 : memref<!tpu.dma_semaphore, #tpu.memory_space<semaphore_mem>>) src(%dma_wait3A_196 : memref<8192x1024xf32, #tpu.memory_space<hbm>>) dst(%dma_wait3A_191 : memref<16x1024xf32, #tpu.memory_space<vmem>>)
    %parallel_loop3A_197 = arith.constant 0 : i32
    %parallel_loop3A_198 = arith.constant 1024 : i32
    %parallel_loop3A_199 = arith.constant 1 : i32
    scf.for %parallel_loop3A_367 = %parallel_loop3A_197 to %parallel_loop3A_198 step %parallel_loop3A_199  : i32 {
      %parallel_loop3A_368 = arith.constant 64 : i32
      %parallel_loop3A_369 = arith.divsi %parallel_loop3A_367, %parallel_loop3A_368 : i32
      %parallel_loop3A_370 = arith.constant 0 : i32
      %parallel_loop3A_371 = arith.cmpi sgt, %parallel_loop3A_367, %parallel_loop3A_370 : i32
      %parallel_loop3A_372 = arith.extui %parallel_loop3A_371 : i1 to i32
      %parallel_loop3A_373 = arith.constant 0 : i32
      %parallel_loop3A_374 = arith.cmpi slt, %parallel_loop3A_367, %parallel_loop3A_373 : i32
      %parallel_loop3A_375 = arith.extui %parallel_loop3A_374 : i1 to i32
      %parallel_loop3A_376 = arith.subi %parallel_loop3A_372, %parallel_loop3A_375 : i32
      %parallel_loop3A_377 = arith.constant 0 : i32
      %parallel_loop3A_378 = arith.cmpi sgt, %parallel_loop3A_368, %parallel_loop3A_377 : i32
      %parallel_loop3A_379 = arith.extui %parallel_loop3A_378 : i1 to i32
      %parallel_loop3A_380 = arith.constant 0 : i32
      %parallel_loop3A_381 = arith.cmpi slt, %parallel_loop3A_368, %parallel_loop3A_380 : i32
      %parallel_loop3A_382 = arith.extui %parallel_loop3A_381 : i1 to i32
      %parallel_loop3A_383 = arith.subi %parallel_loop3A_379, %parallel_loop3A_382 : i32
      %parallel_loop3A_384 = arith.cmpi ne, %parallel_loop3A_376, %parallel_loop3A_383 : i32
      %parallel_loop3A_385 = arith.remsi %parallel_loop3A_367, %parallel_loop3A_368 : i32
      %parallel_loop3A_386 = arith.constant 0 : i32
      %parallel_loop3A_387 = arith.cmpi ne, %parallel_loop3A_385, %parallel_loop3A_386 : i32
      %parallel_loop3A_388 = arith.andi %parallel_loop3A_384, %parallel_loop3A_387 : i1
      %parallel_loop3A_389 = arith.constant 1 : i32
      %parallel_loop3A_390 = arith.subi %parallel_loop3A_369, %parallel_loop3A_389 : i32
      %parallel_loop3A_391 = arith.select %parallel_loop3A_388, %parallel_loop3A_390, %parallel_loop3A_369 : i32
      %parallel_loop3A_392 = arith.constant 64 : i32
      %parallel_loop3A_393 = arith.constant 0 : i32
      %parallel_loop3A_394 = arith.cmpi eq, %parallel_loop3A_392, %parallel_loop3A_393 : i32
      %parallel_loop3A_395 = arith.constant 1 : i32
      %parallel_loop3A_396 = arith.select %parallel_loop3A_394, %parallel_loop3A_395, %parallel_loop3A_392 : i32
      %parallel_loop3A_397 = arith.remsi %parallel_loop3A_367, %parallel_loop3A_396 : i32
      %parallel_loop3A_398 = arith.constant 0 : i32
      %parallel_loop3A_399 = arith.cmpi ne, %parallel_loop3A_397, %parallel_loop3A_398 : i32
      %parallel_loop3A_400 = arith.constant 0 : i32
      %parallel_loop3A_401 = arith.cmpi slt, %parallel_loop3A_397, %parallel_loop3A_400 : i32
      %parallel_loop3A_402 = arith.constant 0 : i32
      %parallel_loop3A_403 = arith.cmpi slt, %parallel_loop3A_396, %parallel_loop3A_402 : i32
      %parallel_loop3A_404 = arith.xori %parallel_loop3A_401, %parallel_loop3A_403 : i1
      %parallel_loop3A_405 = arith.andi %parallel_loop3A_404, %parallel_loop3A_399 : i1
      %parallel_loop3A_406 = arith.addi %parallel_loop3A_397, %parallel_loop3A_396 : i32
      %parallel_loop3A_407 = arith.select %parallel_loop3A_405, %parallel_loop3A_406, %parallel_loop3A_397 : i32
      %parallel_loop3A_408 = arith.constant 16 : i32
      %parallel_loop3A_409 = arith.muli %parallel_loop3A_407, %parallel_loop3A_408 : i32
      %parallel_loop3A_410 = arith.constant 1 : i32
      %parallel_loop3A_411 = arith.index_cast %parallel_loop3A_410 : i32 to index
      %parallel_loop3A_412 = arith.index_cast %parallel_loop3A_391 : i32 to index
      %parallel_loop3A_413 = arith.index_cast %parallel_loop3A_409 : i32 to index
      %parallel_loop3A_414 = tpu.vector_load %arg8[%parallel_loop3A_411, %parallel_loop3A_412, %parallel_loop3A_413] {strides = array<i32>} : memref<2x16x1024xf32, #tpu.memory_space<vmem>>, vector<1x1x16xf32>,
      %parallel_loop3A_415 = vector.shape_cast %parallel_loop3A_414 : vector<1x1x16xf32> to vector<16xf32>
      %parallel_loop3A_416 = arith.constant 1 : i32
      %parallel_loop3A_417 = arith.index_cast %parallel_loop3A_416 : i32 to index
      %parallel_loop3A_418 = arith.index_cast %parallel_loop3A_391 : i32 to index
      %parallel_loop3A_419 = arith.index_cast %parallel_loop3A_409 : i32 to index
      %parallel_loop3A_420 = tpu.vector_load %arg9[%parallel_loop3A_417, %parallel_loop3A_418, %parallel_loop3A_419] {strides = array<i32>} : memref<2x16x1024xf32, #tpu.memory_space<vmem>>, vector<1x1x16xf32>,
      %parallel_loop3A_421 = vector.shape_cast %parallel_loop3A_420 : vector<1x1x16xf32> to vector<16xf32>
      %parallel_loop3A_422 = arith.addf %parallel_loop3A_415, %parallel_loop3A_421 : vector<16xf32>
      %parallel_loop3A_423 = arith.constant 1 : i32
      %parallel_loop3A_424 = arith.index_cast %parallel_loop3A_423 : i32 to index
      %parallel_loop3A_425 = arith.index_cast %parallel_loop3A_391 : i32 to index
      %parallel_loop3A_426 = arith.index_cast %parallel_loop3A_409 : i32 to index
      %parallel_loop3A_427 = tpu.vector_load %arg8[%parallel_loop3A_424, %parallel_loop3A_425, %parallel_loop3A_426] {strides = array<i32>} : memref<2x16x1024xf32, #tpu.memory_space<vmem>>, vector<1x1x16xf32>,
      %parallel_loop3A_428 = vector.shape_cast %parallel_loop3A_427 : vector<1x1x16xf32> to vector<16xf32>
      %parallel_loop3A_429 = vector.shape_cast %parallel_loop3A_422 : vector<16xf32> to vector<1x1x16xf32>
      tpu.vector_store %arg8[%parallel_loop3A_424, %parallel_loop3A_425, %parallel_loop3A_426], %parallel_loop3A_429 {strides = array<i32>} : memref<2x16x1024xf32, #tpu.memory_space<vmem>>, vector<1x1x16xf32>,
    } {sc.loop_unroll_factor = 8 : i64, sc.parallel_access}
    %add3A_200 = arith.constant 48 : i32
    %add3A_201 = arith.addi %mul3A_2, %add3A_200 : i32
    %run_scoped3A_202 = arith.constant 1 : i32
    "tpu.region"() ({
      %run_scoped3A_367 = tpu.sem_alloc : memref<!tpu.dma_semaphore, #tpu.memory_space<semaphore_mem>>
      %dma_start3A_368 = arith.constant 0 : i32
      %dma_start3A_369 = arith.constant 0 : i32
      %dma_start3A_370 = tpu.memref_slice %arg8[%run_scoped3A_202, %dma_start3A_368, %dma_start3A_369] : memref<2x16x1024xf32, #tpu.memory_space<vmem>> -> memref<1x16x1024xf32, #tpu.memory_space<vmem>>
      %dma_start3A_371 = tpu.memref_squeeze %dma_start3A_370 : memref<1x16x1024xf32, #tpu.memory_space<vmem>> -> memref<16x1024xf32, #tpu.memory_space<vmem>>
      %dma_start3A_372 = arith.constant 0 : i32
      %dma_start3A_373 = tpu.memref_slice %arg5[%add3A_201, %dma_start3A_372] : memref<4096x1024xf32, #tpu.memory_space<hbm>> -> memref<16x1024xf32, #tpu.memory_space<hbm>>
      %dma_start3A_374 = arith.constant 0 : i32
      %dma_start3A_375 = tpu.memref_slice %arg5[%add3A_201, %dma_start3A_374] : memref<4096x1024xf32, #tpu.memory_space<hbm>> -> memref<16x1024xf32, #tpu.memory_space<hbm>>
      %dma_start3A_376 = arith.constant 0 : i32
      %dma_start3A_377 = arith.constant 0 : i32
      %dma_start3A_378 = tpu.memref_slice %arg8[%run_scoped3A_202, %dma_start3A_376, %dma_start3A_377] : memref<2x16x1024xf32, #tpu.memory_space<vmem>> -> memref<1x16x1024xf32, #tpu.memory_space<vmem>>
      %dma_start3A_379 = tpu.memref_squeeze %dma_start3A_378 : memref<1x16x1024xf32, #tpu.memory_space<vmem>> -> memref<16x1024xf32, #tpu.memory_space<vmem>>
      tpu.enqueue_dma source(%dma_start3A_379 : memref<16x1024xf32, #tpu.memory_space<vmem>>) target(%dma_start3A_375 : memref<16x1024xf32, #tpu.memory_space<hbm>>) target_semaphore(%run_scoped3A_367 : memref<!tpu.dma_semaphore, #tpu.memory_space<semaphore_mem>>)
      %dma_wait3A_380 = arith.constant 0 : i32
      %dma_wait3A_381 = arith.constant 0 : i32
      %dma_wait3A_382 = tpu.memref_slice %arg8[%run_scoped3A_202, %dma_wait3A_380, %dma_wait3A_381] : memref<2x16x1024xf32, #tpu.memory_space<vmem>> -> memref<1x16x1024xf32, #tpu.memory_space<vmem>>
      %dma_wait3A_383 = tpu.memref_squeeze %dma_wait3A_382 : memref<1x16x1024xf32, #tpu.memory_space<vmem>> -> memref<16x1024xf32, #tpu.memory_space<vmem>>
      %dma_wait3A_384 = arith.constant 0 : i32
      %dma_wait3A_385 = tpu.memref_slice %arg5[%add3A_201, %dma_wait3A_384] : memref<4096x1024xf32, #tpu.memory_space<hbm>> -> memref<16x1024xf32, #tpu.memory_space<hbm>>
      %dma_wait3A_386 = arith.constant 0 : i32
      %dma_wait3A_387 = tpu.memref_slice %arg5[%add3A_201, %dma_wait3A_386] : memref<4096x1024xf32, #tpu.memory_space<hbm>> -> memref<16x1024xf32, #tpu.memory_space<hbm>>
      %dma_wait3A_388 = arith.constant 0 : i32
      %dma_wait3A_389 = arith.constant 0 : i32
      %dma_wait3A_390 = tpu.memref_slice %arg8[%run_scoped3A_202, %dma_wait3A_388, %dma_wait3A_389] : memref<2x16x1024xf32, #tpu.memory_space<vmem>> -> memref<1x16x1024xf32, #tpu.memory_space<vmem>>
      %dma_wait3A_391 = tpu.memref_squeeze %dma_wait3A_390 : memref<1x16x1024xf32, #tpu.memory_space<vmem>> -> memref<16x1024xf32, #tpu.memory_space<vmem>>
      tpu.wait_dma2 semaphore(%run_scoped3A_367 : memref<!tpu.dma_semaphore, #tpu.memory_space<semaphore_mem>>) src(%dma_wait3A_391 : memref<16x1024xf32, #tpu.memory_space<vmem>>) dst(%dma_wait3A_387 : memref<16x1024xf32, #tpu.memory_space<hbm>>)
      tpu.yield
    }) : () -> ()
    %dma_start3A_203 = arith.constant 1 : i32
    %dma_start3A_204 = arith.constant 0 : i32
    %dma_start3A_205 = arith.constant 0 : i32
    %dma_start3A_206 = tpu.memref_slice %arg8[%dma_start3A_203, %dma_start3A_204, %dma_start3A_205] : memref<2x16x1024xf32, #tpu.memory_space<vmem>> -> memref<1x16x1024xf32, #tpu.memory_space<vmem>>
    %dma_start3A_207 = tpu.memref_squeeze %dma_start3A_206 : memref<1x16x1024xf32, #tpu.memory_space<vmem>> -> memref<16x1024xf32, #tpu.memory_space<vmem>>
    %dma_start3A_208 = arith.constant 80 : i32
    %dma_start3A_209 = tpu.memref_slice %arg6[%dma_start3A_208] : memref<128xi32, #tpu.memory_space<vmem>> -> memref<16xi32, #tpu.memory_space<vmem>>
    %dma_start3A_210 = arith.constant 0 : i32
    %dma_start3A_211 = arith.constant 0 : i32
    %dma_start3A_212 = tpu.memref_slice %arg2[%dma_start3A_210, %dma_start3A_211] : memref<8192x1024xf32, #tpu.memory_space<hbm>> -> memref<8192x1024xf32, #tpu.memory_space<hbm>>
    tpu.enqueue_indirect_dma source(%dma_start3A_212 : memref<8192x1024xf32, #tpu.memory_space<hbm>>) target(%dma_start3A_207 : memref<16x1024xf32, #tpu.memory_space<vmem>>) offsets(%dma_start3A_209 : memref<16xi32, #tpu.memory_space<vmem>>) semaphore(%arg11 : memref<!tpu.dma_semaphore, #tpu.memory_space<semaphore_mem>>)
    %dma_start3A_213 = arith.constant 1 : i32
    %dma_start3A_214 = arith.constant 0 : i32
    %dma_start3A_215 = arith.constant 0 : i32
    %dma_start3A_216 = tpu.memref_slice %arg9[%dma_start3A_213, %dma_start3A_214, %dma_start3A_215] : memref<2x16x1024xf32, #tpu.memory_space<vmem>> -> memref<1x16x1024xf32, #tpu.memory_space<vmem>>
    %dma_start3A_217 = tpu.memref_squeeze %dma_start3A_216 : memref<1x16x1024xf32, #tpu.memory_space<vmem>> -> memref<16x1024xf32, #tpu.memory_space<vmem>>
    %dma_start3A_218 = arith.constant 80 : i32
    %dma_start3A_219 = tpu.memref_slice %arg7[%dma_start3A_218] : memref<128xi32, #tpu.memory_space<vmem>> -> memref<16xi32, #tpu.memory_space<vmem>>
    %dma_start3A_220 = arith.constant 0 : i32
    %dma_start3A_221 = arith.constant 0 : i32
    %dma_start3A_222 = tpu.memref_slice %arg2[%dma_start3A_220, %dma_start3A_221] : memref<8192x1024xf32, #tpu.memory_space<hbm>> -> memref<8192x1024xf32, #tpu.memory_space<hbm>>
    tpu.enqueue_indirect_dma source(%dma_start3A_222 : memref<8192x1024xf32, #tpu.memory_space<hbm>>) target(%dma_start3A_217 : memref<16x1024xf32, #tpu.memory_space<vmem>>) offsets(%dma_start3A_219 : memref<16xi32, #tpu.memory_space<vmem>>) semaphore(%arg13 : memref<!tpu.dma_semaphore, #tpu.memory_space<semaphore_mem>>)
    %dma_wait3A_223 = arith.constant 0 : i32
    %dma_wait3A_224 = arith.constant 0 : i32
    %dma_wait3A_225 = arith.constant 0 : i32
    %dma_wait3A_226 = tpu.memref_slice %arg8[%dma_wait3A_223, %dma_wait3A_224, %dma_wait3A_225] : memref<2x16x1024xf32, #tpu.memory_space<vmem>> -> memref<1x16x1024xf32, #tpu.memory_space<vmem>>
    %dma_wait3A_227 = tpu.memref_squeeze %dma_wait3A_226 : memref<1x16x1024xf32, #tpu.memory_space<vmem>> -> memref<16x1024xf32, #tpu.memory_space<vmem>>
    %dma_wait3A_228 = arith.constant 64 : i32
    %dma_wait3A_229 = tpu.memref_slice %arg6[%dma_wait3A_228] : memref<128xi32, #tpu.memory_space<vmem>> -> memref<16xi32, #tpu.memory_space<vmem>>
    %dma_wait3A_230 = arith.constant 0 : i32
    %dma_wait3A_231 = arith.constant 0 : i32
    %dma_wait3A_232 = tpu.memref_slice %arg2[%dma_wait3A_230, %dma_wait3A_231] : memref<8192x1024xf32, #tpu.memory_space<hbm>> -> memref<8192x1024xf32, #tpu.memory_space<hbm>>
    tpu.wait_indirect_dma semaphore(%arg10 : memref<!tpu.dma_semaphore, #tpu.memory_space<semaphore_mem>>) src(%dma_wait3A_232 : memref<8192x1024xf32, #tpu.memory_space<hbm>>) dst(%dma_wait3A_227 : memref<16x1024xf32, #tpu.memory_space<vmem>>)
    %dma_wait3A_233 = arith.constant 0 : i32
    %dma_wait3A_234 = arith.constant 0 : i32
    %dma_wait3A_235 = arith.constant 0 : i32
    %dma_wait3A_236 = tpu.memref_slice %arg9[%dma_wait3A_233, %dma_wait3A_234, %dma_wait3A_235] : memref<2x16x1024xf32, #tpu.memory_space<vmem>> -> memref<1x16x1024xf32, #tpu.memory_space<vmem>>
    %dma_wait3A_237 = tpu.memref_squeeze %dma_wait3A_236 : memref<1x16x1024xf32, #tpu.memory_space<vmem>> -> memref<16x1024xf32, #tpu.memory_space<vmem>>
    %dma_wait3A_238 = arith.constant 64 : i32
    %dma_wait3A_239 = tpu.memref_slice %arg7[%dma_wait3A_238] : memref<128xi32, #tpu.memory_space<vmem>> -> memref<16xi32, #tpu.memory_space<vmem>>
    %dma_wait3A_240 = arith.constant 0 : i32
    %dma_wait3A_241 = arith.constant 0 : i32
    %dma_wait3A_242 = tpu.memref_slice %arg2[%dma_wait3A_240, %dma_wait3A_241] : memref<8192x1024xf32, #tpu.memory_space<hbm>> -> memref<8192x1024xf32, #tpu.memory_space<hbm>>
    tpu.wait_indirect_dma semaphore(%arg12 : memref<!tpu.dma_semaphore, #tpu.memory_space<semaphore_mem>>) src(%dma_wait3A_242 : memref<8192x1024xf32, #tpu.memory_space<hbm>>) dst(%dma_wait3A_237 : memref<16x1024xf32, #tpu.memory_space<vmem>>)
    %parallel_loop3A_243 = arith.constant 0 : i32
    %parallel_loop3A_244 = arith.constant 1024 : i32
    %parallel_loop3A_245 = arith.constant 1 : i32
    scf.for %parallel_loop3A_367 = %parallel_loop3A_243 to %parallel_loop3A_244 step %parallel_loop3A_245  : i32 {
      %parallel_loop3A_368 = arith.constant 64 : i32
      %parallel_loop3A_369 = arith.divsi %parallel_loop3A_367, %parallel_loop3A_368 : i32
      %parallel_loop3A_370 = arith.constant 0 : i32
      %parallel_loop3A_371 = arith.cmpi sgt, %parallel_loop3A_367, %parallel_loop3A_370 : i32
      %parallel_loop3A_372 = arith.extui %parallel_loop3A_371 : i1 to i32
      %parallel_loop3A_373 = arith.constant 0 : i32
      %parallel_loop3A_374 = arith.cmpi slt, %parallel_loop3A_367, %parallel_loop3A_373 : i32
      %parallel_loop3A_375 = arith.extui %parallel_loop3A_374 : i1 to i32
      %parallel_loop3A_376 = arith.subi %parallel_loop3A_372, %parallel_loop3A_375 : i32
      %parallel_loop3A_377 = arith.constant 0 : i32
      %parallel_loop3A_378 = arith.cmpi sgt, %parallel_loop3A_368, %parallel_loop3A_377 : i32
      %parallel_loop3A_379 = arith.extui %parallel_loop3A_378 : i1 to i32
      %parallel_loop3A_380 = arith.constant 0 : i32
      %parallel_loop3A_381 = arith.cmpi slt, %parallel_loop3A_368, %parallel_loop3A_380 : i32
      %parallel_loop3A_382 = arith.extui %parallel_loop3A_381 : i1 to i32
      %parallel_loop3A_383 = arith.subi %parallel_loop3A_379, %parallel_loop3A_382 : i32
      %parallel_loop3A_384 = arith.cmpi ne, %parallel_loop3A_376, %parallel_loop3A_383 : i32
      %parallel_loop3A_385 = arith.remsi %parallel_loop3A_367, %parallel_loop3A_368 : i32
      %parallel_loop3A_386 = arith.constant 0 : i32
      %parallel_loop3A_387 = arith.cmpi ne, %parallel_loop3A_385, %parallel_loop3A_386 : i32
      %parallel_loop3A_388 = arith.andi %parallel_loop3A_384, %parallel_loop3A_387 : i1
      %parallel_loop3A_389 = arith.constant 1 : i32
      %parallel_loop3A_390 = arith.subi %parallel_loop3A_369, %parallel_loop3A_389 : i32
      %parallel_loop3A_391 = arith.select %parallel_loop3A_388, %parallel_loop3A_390, %parallel_loop3A_369 : i32
      %parallel_loop3A_392 = arith.constant 64 : i32
      %parallel_loop3A_393 = arith.constant 0 : i32
      %parallel_loop3A_394 = arith.cmpi eq, %parallel_loop3A_392, %parallel_loop3A_393 : i32
      %parallel_loop3A_395 = arith.constant 1 : i32
      %parallel_loop3A_396 = arith.select %parallel_loop3A_394, %parallel_loop3A_395, %parallel_loop3A_392 : i32
      %parallel_loop3A_397 = arith.remsi %parallel_loop3A_367, %parallel_loop3A_396 : i32
      %parallel_loop3A_398 = arith.constant 0 : i32
      %parallel_loop3A_399 = arith.cmpi ne, %parallel_loop3A_397, %parallel_loop3A_398 : i32
      %parallel_loop3A_400 = arith.constant 0 : i32
      %parallel_loop3A_401 = arith.cmpi slt, %parallel_loop3A_397, %parallel_loop3A_400 : i32
      %parallel_loop3A_402 = arith.constant 0 : i32
      %parallel_loop3A_403 = arith.cmpi slt, %parallel_loop3A_396, %parallel_loop3A_402 : i32
      %parallel_loop3A_404 = arith.xori %parallel_loop3A_401, %parallel_loop3A_403 : i1
      %parallel_loop3A_405 = arith.andi %parallel_loop3A_404, %parallel_loop3A_399 : i1
      %parallel_loop3A_406 = arith.addi %parallel_loop3A_397, %parallel_loop3A_396 : i32
      %parallel_loop3A_407 = arith.select %parallel_loop3A_405, %parallel_loop3A_406, %parallel_loop3A_397 : i32
      %parallel_loop3A_408 = arith.constant 16 : i32
      %parallel_loop3A_409 = arith.muli %parallel_loop3A_407, %parallel_loop3A_408 : i32
      %parallel_loop3A_410 = arith.constant 0 : i32
      %parallel_loop3A_411 = arith.index_cast %parallel_loop3A_410 : i32 to index
      %parallel_loop3A_412 = arith.index_cast %parallel_loop3A_391 : i32 to index
      %parallel_loop3A_413 = arith.index_cast %parallel_loop3A_409 : i32 to index
      %parallel_loop3A_414 = tpu.vector_load %arg8[%parallel_loop3A_411, %parallel_loop3A_412, %parallel_loop3A_413] {strides = array<i32>} : memref<2x16x1024xf32, #tpu.memory_space<vmem>>, vector<1x1x16xf32>,
      %parallel_loop3A_415 = vector.shape_cast %parallel_loop3A_414 : vector<1x1x16xf32> to vector<16xf32>
      %parallel_loop3A_416 = arith.constant 0 : i32
      %parallel_loop3A_417 = arith.index_cast %parallel_loop3A_416 : i32 to index
      %parallel_loop3A_418 = arith.index_cast %parallel_loop3A_391 : i32 to index
      %parallel_loop3A_419 = arith.index_cast %parallel_loop3A_409 : i32 to index
      %parallel_loop3A_420 = tpu.vector_load %arg9[%parallel_loop3A_417, %parallel_loop3A_418, %parallel_loop3A_419] {strides = array<i32>} : memref<2x16x1024xf32, #tpu.memory_space<vmem>>, vector<1x1x16xf32>,
      %parallel_loop3A_421 = vector.shape_cast %parallel_loop3A_420 : vector<1x1x16xf32> to vector<16xf32>
      %parallel_loop3A_422 = arith.addf %parallel_loop3A_415, %parallel_loop3A_421 : vector<16xf32>
      %parallel_loop3A_423 = arith.constant 0 : i32
      %parallel_loop3A_424 = arith.index_cast %parallel_loop3A_423 : i32 to index
      %parallel_loop3A_425 = arith.index_cast %parallel_loop3A_391 : i32 to index
      %parallel_loop3A_426 = arith.index_cast %parallel_loop3A_409 : i32 to index
      %parallel_loop3A_427 = tpu.vector_load %arg8[%parallel_loop3A_424, %parallel_loop3A_425, %parallel_loop3A_426] {strides = array<i32>} : memref<2x16x1024xf32, #tpu.memory_space<vmem>>, vector<1x1x16xf32>,
      %parallel_loop3A_428 = vector.shape_cast %parallel_loop3A_427 : vector<1x1x16xf32> to vector<16xf32>
      %parallel_loop3A_429 = vector.shape_cast %parallel_loop3A_422 : vector<16xf32> to vector<1x1x16xf32>
      tpu.vector_store %arg8[%parallel_loop3A_424, %parallel_loop3A_425, %parallel_loop3A_426], %parallel_loop3A_429 {strides = array<i32>} : memref<2x16x1024xf32, #tpu.memory_space<vmem>>, vector<1x1x16xf32>,
    } {sc.loop_unroll_factor = 8 : i64, sc.parallel_access}
    %add3A_246 = arith.constant 64 : i32
    %add3A_247 = arith.addi %mul3A_2, %add3A_246 : i32
    %run_scoped3A_248 = arith.constant 0 : i32
    "tpu.region"() ({
      %run_scoped3A_367 = tpu.sem_alloc : memref<!tpu.dma_semaphore, #tpu.memory_space<semaphore_mem>>
      %dma_start3A_368 = arith.constant 0 : i32
      %dma_start3A_369 = arith.constant 0 : i32
      %dma_start3A_370 = tpu.memref_slice %arg8[%run_scoped3A_248, %dma_start3A_368, %dma_start3A_369] : memref<2x16x1024xf32, #tpu.memory_space<vmem>> -> memref<1x16x1024xf32, #tpu.memory_space<vmem>>
      %dma_start3A_371 = tpu.memref_squeeze %dma_start3A_370 : memref<1x16x1024xf32, #tpu.memory_space<vmem>> -> memref<16x1024xf32, #tpu.memory_space<vmem>>
      %dma_start3A_372 = arith.constant 0 : i32
      %dma_start3A_373 = tpu.memref_slice %arg5[%add3A_247, %dma_start3A_372] : memref<4096x1024xf32, #tpu.memory_space<hbm>> -> memref<16x1024xf32, #tpu.memory_space<hbm>>
      %dma_start3A_374 = arith.constant 0 : i32
      %dma_start3A_375 = tpu.memref_slice %arg5[%add3A_247, %dma_start3A_374] : memref<4096x1024xf32, #tpu.memory_space<hbm>> -> memref<16x1024xf32, #tpu.memory_space<hbm>>
      %dma_start3A_376 = arith.constant 0 : i32
      %dma_start3A_377 = arith.constant 0 : i32
      %dma_start3A_378 = tpu.memref_slice %arg8[%run_scoped3A_248, %dma_start3A_376, %dma_start3A_377] : memref<2x16x1024xf32, #tpu.memory_space<vmem>> -> memref<1x16x1024xf32, #tpu.memory_space<vmem>>
      %dma_start3A_379 = tpu.memref_squeeze %dma_start3A_378 : memref<1x16x1024xf32, #tpu.memory_space<vmem>> -> memref<16x1024xf32, #tpu.memory_space<vmem>>
      tpu.enqueue_dma source(%dma_start3A_379 : memref<16x1024xf32, #tpu.memory_space<vmem>>) target(%dma_start3A_375 : memref<16x1024xf32, #tpu.memory_space<hbm>>) target_semaphore(%run_scoped3A_367 : memref<!tpu.dma_semaphore, #tpu.memory_space<semaphore_mem>>)
      %dma_wait3A_380 = arith.constant 0 : i32
      %dma_wait3A_381 = arith.constant 0 : i32
      %dma_wait3A_382 = tpu.memref_slice %arg8[%run_scoped3A_248, %dma_wait3A_380, %dma_wait3A_381] : memref<2x16x1024xf32, #tpu.memory_space<vmem>> -> memref<1x16x1024xf32, #tpu.memory_space<vmem>>
      %dma_wait3A_383 = tpu.memref_squeeze %dma_wait3A_382 : memref<1x16x1024xf32, #tpu.memory_space<vmem>> -> memref<16x1024xf32, #tpu.memory_space<vmem>>
      %dma_wait3A_384 = arith.constant 0 : i32
      %dma_wait3A_385 = tpu.memref_slice %arg5[%add3A_247, %dma_wait3A_384] : memref<4096x1024xf32, #tpu.memory_space<hbm>> -> memref<16x1024xf32, #tpu.memory_space<hbm>>
      %dma_wait3A_386 = arith.constant 0 : i32
      %dma_wait3A_387 = tpu.memref_slice %arg5[%add3A_247, %dma_wait3A_386] : memref<4096x1024xf32, #tpu.memory_space<hbm>> -> memref<16x1024xf32, #tpu.memory_space<hbm>>
      %dma_wait3A_388 = arith.constant 0 : i32
      %dma_wait3A_389 = arith.constant 0 : i32
      %dma_wait3A_390 = tpu.memref_slice %arg8[%run_scoped3A_248, %dma_wait3A_388, %dma_wait3A_389] : memref<2x16x1024xf32, #tpu.memory_space<vmem>> -> memref<1x16x1024xf32, #tpu.memory_space<vmem>>
      %dma_wait3A_391 = tpu.memref_squeeze %dma_wait3A_390 : memref<1x16x1024xf32, #tpu.memory_space<vmem>> -> memref<16x1024xf32, #tpu.memory_space<vmem>>
      tpu.wait_dma2 semaphore(%run_scoped3A_367 : memref<!tpu.dma_semaphore, #tpu.memory_space<semaphore_mem>>) src(%dma_wait3A_391 : memref<16x1024xf32, #tpu.memory_space<vmem>>) dst(%dma_wait3A_387 : memref<16x1024xf32, #tpu.memory_space<hbm>>)
      tpu.yield
    }) : () -> ()
    %dma_start3A_249 = arith.constant 0 : i32
    %dma_start3A_250 = arith.constant 0 : i32
    %dma_start3A_251 = arith.constant 0 : i32
    %dma_start3A_252 = tpu.memref_slice %arg8[%dma_start3A_249, %dma_start3A_250, %dma_start3A_251] : memref<2x16x1024xf32, #tpu.memory_space<vmem>> -> memref<1x16x1024xf32, #tpu.memory_space<vmem>>
    %dma_start3A_253 = tpu.memref_squeeze %dma_start3A_252 : memref<1x16x1024xf32, #tpu.memory_space<vmem>> -> memref<16x1024xf32, #tpu.memory_space<vmem>>
    %dma_start3A_254 = arith.constant 96 : i32
    %dma_start3A_255 = tpu.memref_slice %arg6[%dma_start3A_254] : memref<128xi32, #tpu.memory_space<vmem>> -> memref<16xi32, #tpu.memory_space<vmem>>
    %dma_start3A_256 = arith.constant 0 : i32
    %dma_start3A_257 = arith.constant 0 : i32
    %dma_start3A_258 = tpu.memref_slice %arg2[%dma_start3A_256, %dma_start3A_257] : memref<8192x1024xf32, #tpu.memory_space<hbm>> -> memref<8192x1024xf32, #tpu.memory_space<hbm>>
    tpu.enqueue_indirect_dma source(%dma_start3A_258 : memref<8192x1024xf32, #tpu.memory_space<hbm>>) target(%dma_start3A_253 : memref<16x1024xf32, #tpu.memory_space<vmem>>) offsets(%dma_start3A_255 : memref<16xi32, #tpu.memory_space<vmem>>) semaphore(%arg10 : memref<!tpu.dma_semaphore, #tpu.memory_space<semaphore_mem>>)
    %dma_start3A_259 = arith.constant 0 : i32
    %dma_start3A_260 = arith.constant 0 : i32
    %dma_start3A_261 = arith.constant 0 : i32
    %dma_start3A_262 = tpu.memref_slice %arg9[%dma_start3A_259, %dma_start3A_260, %dma_start3A_261] : memref<2x16x1024xf32, #tpu.memory_space<vmem>> -> memref<1x16x1024xf32, #tpu.memory_space<vmem>>
    %dma_start3A_263 = tpu.memref_squeeze %dma_start3A_262 : memref<1x16x1024xf32, #tpu.memory_space<vmem>> -> memref<16x1024xf32, #tpu.memory_space<vmem>>
    %dma_start3A_264 = arith.constant 96 : i32
    %dma_start3A_265 = tpu.memref_slice %arg7[%dma_start3A_264] : memref<128xi32, #tpu.memory_space<vmem>> -> memref<16xi32, #tpu.memory_space<vmem>>
    %dma_start3A_266 = arith.constant 0 : i32
    %dma_start3A_267 = arith.constant 0 : i32
    %dma_start3A_268 = tpu.memref_slice %arg2[%dma_start3A_266, %dma_start3A_267] : memref<8192x1024xf32, #tpu.memory_space<hbm>> -> memref<8192x1024xf32, #tpu.memory_space<hbm>>
    tpu.enqueue_indirect_dma source(%dma_start3A_268 : memref<8192x1024xf32, #tpu.memory_space<hbm>>) target(%dma_start3A_263 : memref<16x1024xf32, #tpu.memory_space<vmem>>) offsets(%dma_start3A_265 : memref<16xi32, #tpu.memory_space<vmem>>) semaphore(%arg12 : memref<!tpu.dma_semaphore, #tpu.memory_space<semaphore_mem>>)
    %dma_wait3A_269 = arith.constant 1 : i32
    %dma_wait3A_270 = arith.constant 0 : i32
    %dma_wait3A_271 = arith.constant 0 : i32
    %dma_wait3A_272 = tpu.memref_slice %arg8[%dma_wait3A_269, %dma_wait3A_270, %dma_wait3A_271] : memref<2x16x1024xf32, #tpu.memory_space<vmem>> -> memref<1x16x1024xf32, #tpu.memory_space<vmem>>
    %dma_wait3A_273 = tpu.memref_squeeze %dma_wait3A_272 : memref<1x16x1024xf32, #tpu.memory_space<vmem>> -> memref<16x1024xf32, #tpu.memory_space<vmem>>
    %dma_wait3A_274 = arith.constant 80 : i32
    %dma_wait3A_275 = tpu.memref_slice %arg6[%dma_wait3A_274] : memref<128xi32, #tpu.memory_space<vmem>> -> memref<16xi32, #tpu.memory_space<vmem>>
    %dma_wait3A_276 = arith.constant 0 : i32
    %dma_wait3A_277 = arith.constant 0 : i32
    %dma_wait3A_278 = tpu.memref_slice %arg2[%dma_wait3A_276, %dma_wait3A_277] : memref<8192x1024xf32, #tpu.memory_space<hbm>> -> memref<8192x1024xf32, #tpu.memory_space<hbm>>
    tpu.wait_indirect_dma semaphore(%arg11 : memref<!tpu.dma_semaphore, #tpu.memory_space<semaphore_mem>>) src(%dma_wait3A_278 : memref<8192x1024xf32, #tpu.memory_space<hbm>>) dst(%dma_wait3A_273 : memref<16x1024xf32, #tpu.memory_space<vmem>>)
    %dma_wait3A_279 = arith.constant 1 : i32
    %dma_wait3A_280 = arith.constant 0 : i32
    %dma_wait3A_281 = arith.constant 0 : i32
    %dma_wait3A_282 = tpu.memref_slice %arg9[%dma_wait3A_279, %dma_wait3A_280, %dma_wait3A_281] : memref<2x16x1024xf32, #tpu.memory_space<vmem>> -> memref<1x16x1024xf32, #tpu.memory_space<vmem>>
    %dma_wait3A_283 = tpu.memref_squeeze %dma_wait3A_282 : memref<1x16x1024xf32, #tpu.memory_space<vmem>> -> memref<16x1024xf32, #tpu.memory_space<vmem>>
    %dma_wait3A_284 = arith.constant 80 : i32
    %dma_wait3A_285 = tpu.memref_slice %arg7[%dma_wait3A_284] : memref<128xi32, #tpu.memory_space<vmem>> -> memref<16xi32, #tpu.memory_space<vmem>>
    %dma_wait3A_286 = arith.constant 0 : i32
    %dma_wait3A_287 = arith.constant 0 : i32
    %dma_wait3A_288 = tpu.memref_slice %arg2[%dma_wait3A_286, %dma_wait3A_287] : memref<8192x1024xf32, #tpu.memory_space<hbm>> -> memref<8192x1024xf32, #tpu.memory_space<hbm>>
    tpu.wait_indirect_dma semaphore(%arg13 : memref<!tpu.dma_semaphore, #tpu.memory_space<semaphore_mem>>) src(%dma_wait3A_288 : memref<8192x1024xf32, #tpu.memory_space<hbm>>) dst(%dma_wait3A_283 : memref<16x1024xf32, #tpu.memory_space<vmem>>)
    %parallel_loop3A_289 = arith.constant 0 : i32
    %parallel_loop3A_290 = arith.constant 1024 : i32
    %parallel_loop3A_291 = arith.constant 1 : i32
    scf.for %parallel_loop3A_367 = %parallel_loop3A_289 to %parallel_loop3A_290 step %parallel_loop3A_291  : i32 {
      %parallel_loop3A_368 = arith.constant 64 : i32
      %parallel_loop3A_369 = arith.divsi %parallel_loop3A_367, %parallel_loop3A_368 : i32
      %parallel_loop3A_370 = arith.constant 0 : i32
      %parallel_loop3A_371 = arith.cmpi sgt, %parallel_loop3A_367, %parallel_loop3A_370 : i32
      %parallel_loop3A_372 = arith.extui %parallel_loop3A_371 : i1 to i32
      %parallel_loop3A_373 = arith.constant 0 : i32
      %parallel_loop3A_374 = arith.cmpi slt, %parallel_loop3A_367, %parallel_loop3A_373 : i32
      %parallel_loop3A_375 = arith.extui %parallel_loop3A_374 : i1 to i32
      %parallel_loop3A_376 = arith.subi %parallel_loop3A_372, %parallel_loop3A_375 : i32
      %parallel_loop3A_377 = arith.constant 0 : i32
      %parallel_loop3A_378 = arith.cmpi sgt, %parallel_loop3A_368, %parallel_loop3A_377 : i32
      %parallel_loop3A_379 = arith.extui %parallel_loop3A_378 : i1 to i32
      %parallel_loop3A_380 = arith.constant 0 : i32
      %parallel_loop3A_381 = arith.cmpi slt, %parallel_loop3A_368, %parallel_loop3A_380 : i32
      %parallel_loop3A_382 = arith.extui %parallel_loop3A_381 : i1 to i32
      %parallel_loop3A_383 = arith.subi %parallel_loop3A_379, %parallel_loop3A_382 : i32
      %parallel_loop3A_384 = arith.cmpi ne, %parallel_loop3A_376, %parallel_loop3A_383 : i32
      %parallel_loop3A_385 = arith.remsi %parallel_loop3A_367, %parallel_loop3A_368 : i32
      %parallel_loop3A_386 = arith.constant 0 : i32
      %parallel_loop3A_387 = arith.cmpi ne, %parallel_loop3A_385, %parallel_loop3A_386 : i32
      %parallel_loop3A_388 = arith.andi %parallel_loop3A_384, %parallel_loop3A_387 : i1
      %parallel_loop3A_389 = arith.constant 1 : i32
      %parallel_loop3A_390 = arith.subi %parallel_loop3A_369, %parallel_loop3A_389 : i32
      %parallel_loop3A_391 = arith.select %parallel_loop3A_388, %parallel_loop3A_390, %parallel_loop3A_369 : i32
      %parallel_loop3A_392 = arith.constant 64 : i32
      %parallel_loop3A_393 = arith.constant 0 : i32
      %parallel_loop3A_394 = arith.cmpi eq, %parallel_loop3A_392, %parallel_loop3A_393 : i32
      %parallel_loop3A_395 = arith.constant 1 : i32
      %parallel_loop3A_396 = arith.select %parallel_loop3A_394, %parallel_loop3A_395, %parallel_loop3A_392 : i32
      %parallel_loop3A_397 = arith.remsi %parallel_loop3A_367, %parallel_loop3A_396 : i32
      %parallel_loop3A_398 = arith.constant 0 : i32
      %parallel_loop3A_399 = arith.cmpi ne, %parallel_loop3A_397, %parallel_loop3A_398 : i32
      %parallel_loop3A_400 = arith.constant 0 : i32
      %parallel_loop3A_401 = arith.cmpi slt, %parallel_loop3A_397, %parallel_loop3A_400 : i32
      %parallel_loop3A_402 = arith.constant 0 : i32
      %parallel_loop3A_403 = arith.cmpi slt, %parallel_loop3A_396, %parallel_loop3A_402 : i32
      %parallel_loop3A_404 = arith.xori %parallel_loop3A_401, %parallel_loop3A_403 : i1
      %parallel_loop3A_405 = arith.andi %parallel_loop3A_404, %parallel_loop3A_399 : i1
      %parallel_loop3A_406 = arith.addi %parallel_loop3A_397, %parallel_loop3A_396 : i32
      %parallel_loop3A_407 = arith.select %parallel_loop3A_405, %parallel_loop3A_406, %parallel_loop3A_397 : i32
      %parallel_loop3A_408 = arith.constant 16 : i32
      %parallel_loop3A_409 = arith.muli %parallel_loop3A_407, %parallel_loop3A_408 : i32
      %parallel_loop3A_410 = arith.constant 1 : i32
      %parallel_loop3A_411 = arith.index_cast %parallel_loop3A_410 : i32 to index
      %parallel_loop3A_412 = arith.index_cast %parallel_loop3A_391 : i32 to index
      %parallel_loop3A_413 = arith.index_cast %parallel_loop3A_409 : i32 to index
      %parallel_loop3A_414 = tpu.vector_load %arg8[%parallel_loop3A_411, %parallel_loop3A_412, %parallel_loop3A_413] {strides = array<i32>} : memref<2x16x1024xf32, #tpu.memory_space<vmem>>, vector<1x1x16xf32>,
      %parallel_loop3A_415 = vector.shape_cast %parallel_loop3A_414 : vector<1x1x16xf32> to vector<16xf32>
      %parallel_loop3A_416 = arith.constant 1 : i32
      %parallel_loop3A_417 = arith.index_cast %parallel_loop3A_416 : i32 to index
      %parallel_loop3A_418 = arith.index_cast %parallel_loop3A_391 : i32 to index
      %parallel_loop3A_419 = arith.index_cast %parallel_loop3A_409 : i32 to index
      %parallel_loop3A_420 = tpu.vector_load %arg9[%parallel_loop3A_417, %parallel_loop3A_418, %parallel_loop3A_419] {strides = array<i32>} : memref<2x16x1024xf32, #tpu.memory_space<vmem>>, vector<1x1x16xf32>,
      %parallel_loop3A_421 = vector.shape_cast %parallel_loop3A_420 : vector<1x1x16xf32> to vector<16xf32>
      %parallel_loop3A_422 = arith.addf %parallel_loop3A_415, %parallel_loop3A_421 : vector<16xf32>
      %parallel_loop3A_423 = arith.constant 1 : i32
      %parallel_loop3A_424 = arith.index_cast %parallel_loop3A_423 : i32 to index
      %parallel_loop3A_425 = arith.index_cast %parallel_loop3A_391 : i32 to index
      %parallel_loop3A_426 = arith.index_cast %parallel_loop3A_409 : i32 to index
      %parallel_loop3A_427 = tpu.vector_load %arg8[%parallel_loop3A_424, %parallel_loop3A_425, %parallel_loop3A_426] {strides = array<i32>} : memref<2x16x1024xf32, #tpu.memory_space<vmem>>, vector<1x1x16xf32>,
      %parallel_loop3A_428 = vector.shape_cast %parallel_loop3A_427 : vector<1x1x16xf32> to vector<16xf32>
      %parallel_loop3A_429 = vector.shape_cast %parallel_loop3A_422 : vector<16xf32> to vector<1x1x16xf32>
      tpu.vector_store %arg8[%parallel_loop3A_424, %parallel_loop3A_425, %parallel_loop3A_426], %parallel_loop3A_429 {strides = array<i32>} : memref<2x16x1024xf32, #tpu.memory_space<vmem>>, vector<1x1x16xf32>,
    } {sc.loop_unroll_factor = 8 : i64, sc.parallel_access}
    %add3A_292 = arith.constant 80 : i32
    %add3A_293 = arith.addi %mul3A_2, %add3A_292 : i32
    %run_scoped3A_294 = arith.constant 1 : i32
    "tpu.region"() ({
      %run_scoped3A_367 = tpu.sem_alloc : memref<!tpu.dma_semaphore, #tpu.memory_space<semaphore_mem>>
      %dma_start3A_368 = arith.constant 0 : i32
      %dma_start3A_369 = arith.constant 0 : i32
      %dma_start3A_370 = tpu.memref_slice %arg8[%run_scoped3A_294, %dma_start3A_368, %dma_start3A_369] : memref<2x16x1024xf32, #tpu.memory_space<vmem>> -> memref<1x16x1024xf32, #tpu.memory_space<vmem>>
      %dma_start3A_371 = tpu.memref_squeeze %dma_start3A_370 : memref<1x16x1024xf32, #tpu.memory_space<vmem>> -> memref<16x1024xf32, #tpu.memory_space<vmem>>
      %dma_start3A_372 = arith.constant 0 : i32
      %dma_start3A_373 = tpu.memref_slice %arg5[%add3A_293, %dma_start3A_372] : memref<4096x1024xf32, #tpu.memory_space<hbm>> -> memref<16x1024xf32, #tpu.memory_space<hbm>>
      %dma_start3A_374 = arith.constant 0 : i32
      %dma_start3A_375 = tpu.memref_slice %arg5[%add3A_293, %dma_start3A_374] : memref<4096x1024xf32, #tpu.memory_space<hbm>> -> memref<16x1024xf32, #tpu.memory_space<hbm>>
      %dma_start3A_376 = arith.constant 0 : i32
      %dma_start3A_377 = arith.constant 0 : i32
      %dma_start3A_378 = tpu.memref_slice %arg8[%run_scoped3A_294, %dma_start3A_376, %dma_start3A_377] : memref<2x16x1024xf32, #tpu.memory_space<vmem>> -> memref<1x16x1024xf32, #tpu.memory_space<vmem>>
      %dma_start3A_379 = tpu.memref_squeeze %dma_start3A_378 : memref<1x16x1024xf32, #tpu.memory_space<vmem>> -> memref<16x1024xf32, #tpu.memory_space<vmem>>
      tpu.enqueue_dma source(%dma_start3A_379 : memref<16x1024xf32, #tpu.memory_space<vmem>>) target(%dma_start3A_375 : memref<16x1024xf32, #tpu.memory_space<hbm>>) target_semaphore(%run_scoped3A_367 : memref<!tpu.dma_semaphore, #tpu.memory_space<semaphore_mem>>)
      %dma_wait3A_380 = arith.constant 0 : i32
      %dma_wait3A_381 = arith.constant 0 : i32
      %dma_wait3A_382 = tpu.memref_slice %arg8[%run_scoped3A_294, %dma_wait3A_380, %dma_wait3A_381] : memref<2x16x1024xf32, #tpu.memory_space<vmem>> -> memref<1x16x1024xf32, #tpu.memory_space<vmem>>
      %dma_wait3A_383 = tpu.memref_squeeze %dma_wait3A_382 : memref<1x16x1024xf32, #tpu.memory_space<vmem>> -> memref<16x1024xf32, #tpu.memory_space<vmem>>
      %dma_wait3A_384 = arith.constant 0 : i32
      %dma_wait3A_385 = tpu.memref_slice %arg5[%add3A_293, %dma_wait3A_384] : memref<4096x1024xf32, #tpu.memory_space<hbm>> -> memref<16x1024xf32, #tpu.memory_space<hbm>>
      %dma_wait3A_386 = arith.constant 0 : i32
      %dma_wait3A_387 = tpu.memref_slice %arg5[%add3A_293, %dma_wait3A_386] : memref<4096x1024xf32, #tpu.memory_space<hbm>> -> memref<16x1024xf32, #tpu.memory_space<hbm>>
      %dma_wait3A_388 = arith.constant 0 : i32
      %dma_wait3A_389 = arith.constant 0 : i32
      %dma_wait3A_390 = tpu.memref_slice %arg8[%run_scoped3A_294, %dma_wait3A_388, %dma_wait3A_389] : memref<2x16x1024xf32, #tpu.memory_space<vmem>> -> memref<1x16x1024xf32, #tpu.memory_space<vmem>>
      %dma_wait3A_391 = tpu.memref_squeeze %dma_wait3A_390 : memref<1x16x1024xf32, #tpu.memory_space<vmem>> -> memref<16x1024xf32, #tpu.memory_space<vmem>>
      tpu.wait_dma2 semaphore(%run_scoped3A_367 : memref<!tpu.dma_semaphore, #tpu.memory_space<semaphore_mem>>) src(%dma_wait3A_391 : memref<16x1024xf32, #tpu.memory_space<vmem>>) dst(%dma_wait3A_387 : memref<16x1024xf32, #tpu.memory_space<hbm>>)
      tpu.yield
    }) : () -> ()
    %dma_start3A_295 = arith.constant 1 : i32
    %dma_start3A_296 = arith.constant 0 : i32
    %dma_start3A_297 = arith.constant 0 : i32
    %dma_start3A_298 = tpu.memref_slice %arg8[%dma_start3A_295, %dma_start3A_296, %dma_start3A_297] : memref<2x16x1024xf32, #tpu.memory_space<vmem>> -> memref<1x16x1024xf32, #tpu.memory_space<vmem>>
    %dma_start3A_299 = tpu.memref_squeeze %dma_start3A_298 : memref<1x16x1024xf32, #tpu.memory_space<vmem>> -> memref<16x1024xf32, #tpu.memory_space<vmem>>
    %dma_start3A_300 = arith.constant 112 : i32
    %dma_start3A_301 = tpu.memref_slice %arg6[%dma_start3A_300] : memref<128xi32, #tpu.memory_space<vmem>> -> memref<16xi32, #tpu.memory_space<vmem>>
    %dma_start3A_302 = arith.constant 0 : i32
    %dma_start3A_303 = arith.constant 0 : i32
    %dma_start3A_304 = tpu.memref_slice %arg2[%dma_start3A_302, %dma_start3A_303] : memref<8192x1024xf32, #tpu.memory_space<hbm>> -> memref<8192x1024xf32, #tpu.memory_space<hbm>>
    tpu.enqueue_indirect_dma source(%dma_start3A_304 : memref<8192x1024xf32, #tpu.memory_space<hbm>>) target(%dma_start3A_299 : memref<16x1024xf32, #tpu.memory_space<vmem>>) offsets(%dma_start3A_301 : memref<16xi32, #tpu.memory_space<vmem>>) semaphore(%arg11 : memref<!tpu.dma_semaphore, #tpu.memory_space<semaphore_mem>>)
    %dma_start3A_305 = arith.constant 1 : i32
    %dma_start3A_306 = arith.constant 0 : i32
    %dma_start3A_307 = arith.constant 0 : i32
    %dma_start3A_308 = tpu.memref_slice %arg9[%dma_start3A_305, %dma_start3A_306, %dma_start3A_307] : memref<2x16x1024xf32, #tpu.memory_space<vmem>> -> memref<1x16x1024xf32, #tpu.memory_space<vmem>>
    %dma_start3A_309 = tpu.memref_squeeze %dma_start3A_308 : memref<1x16x1024xf32, #tpu.memory_space<vmem>> -> memref<16x1024xf32, #tpu.memory_space<vmem>>
    %dma_start3A_310 = arith.constant 112 : i32
    %dma_start3A_311 = tpu.memref_slice %arg7[%dma_start3A_310] : memref<128xi32, #tpu.memory_space<vmem>> -> memref<16xi32, #tpu.memory_space<vmem>>
    %dma_start3A_312 = arith.constant 0 : i32
    %dma_start3A_313 = arith.constant 0 : i32
    %dma_start3A_314 = tpu.memref_slice %arg2[%dma_start3A_312, %dma_start3A_313] : memref<8192x1024xf32, #tpu.memory_space<hbm>> -> memref<8192x1024xf32, #tpu.memory_space<hbm>>
    tpu.enqueue_indirect_dma source(%dma_start3A_314 : memref<8192x1024xf32, #tpu.memory_space<hbm>>) target(%dma_start3A_309 : memref<16x1024xf32, #tpu.memory_space<vmem>>) offsets(%dma_start3A_311 : memref<16xi32, #tpu.memory_space<vmem>>) semaphore(%arg13 : memref<!tpu.dma_semaphore, #tpu.memory_space<semaphore_mem>>)
    %dma_wait3A_315 = arith.constant 0 : i32
    %dma_wait3A_316 = arith.constant 0 : i32
    %dma_wait3A_317 = arith.constant 0 : i32
    %dma_wait3A_318 = tpu.memref_slice %arg8[%dma_wait3A_315, %dma_wait3A_316, %dma_wait3A_317] : memref<2x16x1024xf32, #tpu.memory_space<vmem>> -> memref<1x16x1024xf32, #tpu.memory_space<vmem>>
    %dma_wait3A_319 = tpu.memref_squeeze %dma_wait3A_318 : memref<1x16x1024xf32, #tpu.memory_space<vmem>> -> memref<16x1024xf32, #tpu.memory_space<vmem>>
    %dma_wait3A_320 = arith.constant 96 : i32
    %dma_wait3A_321 = tpu.memref_slice %arg6[%dma_wait3A_320] : memref<128xi32, #tpu.memory_space<vmem>> -> memref<16xi32, #tpu.memory_space<vmem>>
    %dma_wait3A_322 = arith.constant 0 : i32
    %dma_wait3A_323 = arith.constant 0 : i32
    %dma_wait3A_324 = tpu.memref_slice %arg2[%dma_wait3A_322, %dma_wait3A_323] : memref<8192x1024xf32, #tpu.memory_space<hbm>> -> memref<8192x1024xf32, #tpu.memory_space<hbm>>
    tpu.wait_indirect_dma semaphore(%arg10 : memref<!tpu.dma_semaphore, #tpu.memory_space<semaphore_mem>>) src(%dma_wait3A_324 : memref<8192x1024xf32, #tpu.memory_space<hbm>>) dst(%dma_wait3A_319 : memref<16x1024xf32, #tpu.memory_space<vmem>>)
    %dma_wait3A_325 = arith.constant 0 : i32
    %dma_wait3A_326 = arith.constant 0 : i32
    %dma_wait3A_327 = arith.constant 0 : i32
    %dma_wait3A_328 = tpu.memref_slice %arg9[%dma_wait3A_325, %dma_wait3A_326, %dma_wait3A_327] : memref<2x16x1024xf32, #tpu.memory_space<vmem>> -> memref<1x16x1024xf32, #tpu.memory_space<vmem>>
    %dma_wait3A_329 = tpu.memref_squeeze %dma_wait3A_328 : memref<1x16x1024xf32, #tpu.memory_space<vmem>> -> memref<16x1024xf32, #tpu.memory_space<vmem>>
    %dma_wait3A_330 = arith.constant 96 : i32
    %dma_wait3A_331 = tpu.memref_slice %arg7[%dma_wait3A_330] : memref<128xi32, #tpu.memory_space<vmem>> -> memref<16xi32, #tpu.memory_space<vmem>>
    %dma_wait3A_332 = arith.constant 0 : i32
    %dma_wait3A_333 = arith.constant 0 : i32
    %dma_wait3A_334 = tpu.memref_slice %arg2[%dma_wait3A_332, %dma_wait3A_333] : memref<8192x1024xf32, #tpu.memory_space<hbm>> -> memref<8192x1024xf32, #tpu.memory_space<hbm>>
    tpu.wait_indirect_dma semaphore(%arg12 : memref<!tpu.dma_semaphore, #tpu.memory_space<semaphore_mem>>) src(%dma_wait3A_334 : memref<8192x1024xf32, #tpu.memory_space<hbm>>) dst(%dma_wait3A_329 : memref<16x1024xf32, #tpu.memory_space<vmem>>)
    %parallel_loop3A_335 = arith.constant 0 : i32
    %parallel_loop3A_336 = arith.constant 1024 : i32
    %parallel_loop3A_337 = arith.constant 1 : i32
    scf.for %parallel_loop3A_367 = %parallel_loop3A_335 to %parallel_loop3A_336 step %parallel_loop3A_337  : i32 {
      %parallel_loop3A_368 = arith.constant 64 : i32
      %parallel_loop3A_369 = arith.divsi %parallel_loop3A_367, %parallel_loop3A_368 : i32
      %parallel_loop3A_370 = arith.constant 0 : i32
      %parallel_loop3A_371 = arith.cmpi sgt, %parallel_loop3A_367, %parallel_loop3A_370 : i32
      %parallel_loop3A_372 = arith.extui %parallel_loop3A_371 : i1 to i32
      %parallel_loop3A_373 = arith.constant 0 : i32
      %parallel_loop3A_374 = arith.cmpi slt, %parallel_loop3A_367, %parallel_loop3A_373 : i32
      %parallel_loop3A_375 = arith.extui %parallel_loop3A_374 : i1 to i32
      %parallel_loop3A_376 = arith.subi %parallel_loop3A_372, %parallel_loop3A_375 : i32
      %parallel_loop3A_377 = arith.constant 0 : i32
      %parallel_loop3A_378 = arith.cmpi sgt, %parallel_loop3A_368, %parallel_loop3A_377 : i32
      %parallel_loop3A_379 = arith.extui %parallel_loop3A_378 : i1 to i32
      %parallel_loop3A_380 = arith.constant 0 : i32
      %parallel_loop3A_381 = arith.cmpi slt, %parallel_loop3A_368, %parallel_loop3A_380 : i32
      %parallel_loop3A_382 = arith.extui %parallel_loop3A_381 : i1 to i32
      %parallel_loop3A_383 = arith.subi %parallel_loop3A_379, %parallel_loop3A_382 : i32
      %parallel_loop3A_384 = arith.cmpi ne, %parallel_loop3A_376, %parallel_loop3A_383 : i32
      %parallel_loop3A_385 = arith.remsi %parallel_loop3A_367, %parallel_loop3A_368 : i32
      %parallel_loop3A_386 = arith.constant 0 : i32
      %parallel_loop3A_387 = arith.cmpi ne, %parallel_loop3A_385, %parallel_loop3A_386 : i32
      %parallel_loop3A_388 = arith.andi %parallel_loop3A_384, %parallel_loop3A_387 : i1
      %parallel_loop3A_389 = arith.constant 1 : i32
      %parallel_loop3A_390 = arith.subi %parallel_loop3A_369, %parallel_loop3A_389 : i32
      %parallel_loop3A_391 = arith.select %parallel_loop3A_388, %parallel_loop3A_390, %parallel_loop3A_369 : i32
      %parallel_loop3A_392 = arith.constant 64 : i32
      %parallel_loop3A_393 = arith.constant 0 : i32
      %parallel_loop3A_394 = arith.cmpi eq, %parallel_loop3A_392, %parallel_loop3A_393 : i32
      %parallel_loop3A_395 = arith.constant 1 : i32
      %parallel_loop3A_396 = arith.select %parallel_loop3A_394, %parallel_loop3A_395, %parallel_loop3A_392 : i32
      %parallel_loop3A_397 = arith.remsi %parallel_loop3A_367, %parallel_loop3A_396 : i32
      %parallel_loop3A_398 = arith.constant 0 : i32
      %parallel_loop3A_399 = arith.cmpi ne, %parallel_loop3A_397, %parallel_loop3A_398 : i32
      %parallel_loop3A_400 = arith.constant 0 : i32
      %parallel_loop3A_401 = arith.cmpi slt, %parallel_loop3A_397, %parallel_loop3A_400 : i32
      %parallel_loop3A_402 = arith.constant 0 : i32
      %parallel_loop3A_403 = arith.cmpi slt, %parallel_loop3A_396, %parallel_loop3A_402 : i32
      %parallel_loop3A_404 = arith.xori %parallel_loop3A_401, %parallel_loop3A_403 : i1
      %parallel_loop3A_405 = arith.andi %parallel_loop3A_404, %parallel_loop3A_399 : i1
      %parallel_loop3A_406 = arith.addi %parallel_loop3A_397, %parallel_loop3A_396 : i32
      %parallel_loop3A_407 = arith.select %parallel_loop3A_405, %parallel_loop3A_406, %parallel_loop3A_397 : i32
      %parallel_loop3A_408 = arith.constant 16 : i32
      %parallel_loop3A_409 = arith.muli %parallel_loop3A_407, %parallel_loop3A_408 : i32
      %parallel_loop3A_410 = arith.constant 0 : i32
      %parallel_loop3A_411 = arith.index_cast %parallel_loop3A_410 : i32 to index
      %parallel_loop3A_412 = arith.index_cast %parallel_loop3A_391 : i32 to index
      %parallel_loop3A_413 = arith.index_cast %parallel_loop3A_409 : i32 to index
      %parallel_loop3A_414 = tpu.vector_load %arg8[%parallel_loop3A_411, %parallel_loop3A_412, %parallel_loop3A_413] {strides = array<i32>} : memref<2x16x1024xf32, #tpu.memory_space<vmem>>, vector<1x1x16xf32>,
      %parallel_loop3A_415 = vector.shape_cast %parallel_loop3A_414 : vector<1x1x16xf32> to vector<16xf32>
      %parallel_loop3A_416 = arith.constant 0 : i32
      %parallel_loop3A_417 = arith.index_cast %parallel_loop3A_416 : i32 to index
      %parallel_loop3A_418 = arith.index_cast %parallel_loop3A_391 : i32 to index
      %parallel_loop3A_419 = arith.index_cast %parallel_loop3A_409 : i32 to index
      %parallel_loop3A_420 = tpu.vector_load %arg9[%parallel_loop3A_417, %parallel_loop3A_418, %parallel_loop3A_419] {strides = array<i32>} : memref<2x16x1024xf32, #tpu.memory_space<vmem>>, vector<1x1x16xf32>,
      %parallel_loop3A_421 = vector.shape_cast %parallel_loop3A_420 : vector<1x1x16xf32> to vector<16xf32>
      %parallel_loop3A_422 = arith.addf %parallel_loop3A_415, %parallel_loop3A_421 : vector<16xf32>
      %parallel_loop3A_423 = arith.constant 0 : i32
      %parallel_loop3A_424 = arith.index_cast %parallel_loop3A_423 : i32 to index
      %parallel_loop3A_425 = arith.index_cast %parallel_loop3A_391 : i32 to index
      %parallel_loop3A_426 = arith.index_cast %parallel_loop3A_409 : i32 to index
      %parallel_loop3A_427 = tpu.vector_load %arg8[%parallel_loop3A_424, %parallel_loop3A_425, %parallel_loop3A_426] {strides = array<i32>} : memref<2x16x1024xf32, #tpu.memory_space<vmem>>, vector<1x1x16xf32>,
      %parallel_loop3A_428 = vector.shape_cast %parallel_loop3A_427 : vector<1x1x16xf32> to vector<16xf32>
      %parallel_loop3A_429 = vector.shape_cast %parallel_loop3A_422 : vector<16xf32> to vector<1x1x16xf32>
      tpu.vector_store %arg8[%parallel_loop3A_424, %parallel_loop3A_425, %parallel_loop3A_426], %parallel_loop3A_429 {strides = array<i32>} : memref<2x16x1024xf32, #tpu.memory_space<vmem>>, vector<1x1x16xf32>,
    } {sc.loop_unroll_factor = 8 : i64, sc.parallel_access}
    %add3A_338 = arith.constant 96 : i32
    %add3A_339 = arith.addi %mul3A_2, %add3A_338 : i32
    %run_scoped3A_340 = arith.constant 0 : i32
    "tpu.region"() ({
      %run_scoped3A_367 = tpu.sem_alloc : memref<!tpu.dma_semaphore, #tpu.memory_space<semaphore_mem>>
      %dma_start3A_368 = arith.constant 0 : i32
      %dma_start3A_369 = arith.constant 0 : i32
      %dma_start3A_370 = tpu.memref_slice %arg8[%run_scoped3A_340, %dma_start3A_368, %dma_start3A_369] : memref<2x16x1024xf32, #tpu.memory_space<vmem>> -> memref<1x16x1024xf32, #tpu.memory_space<vmem>>
      %dma_start3A_371 = tpu.memref_squeeze %dma_start3A_370 : memref<1x16x1024xf32, #tpu.memory_space<vmem>> -> memref<16x1024xf32, #tpu.memory_space<vmem>>
      %dma_start3A_372 = arith.constant 0 : i32
      %dma_start3A_373 = tpu.memref_slice %arg5[%add3A_339, %dma_start3A_372] : memref<4096x1024xf32, #tpu.memory_space<hbm>> -> memref<16x1024xf32, #tpu.memory_space<hbm>>
      %dma_start3A_374 = arith.constant 0 : i32
      %dma_start3A_375 = tpu.memref_slice %arg5[%add3A_339, %dma_start3A_374] : memref<4096x1024xf32, #tpu.memory_space<hbm>> -> memref<16x1024xf32, #tpu.memory_space<hbm>>
      %dma_start3A_376 = arith.constant 0 : i32
      %dma_start3A_377 = arith.constant 0 : i32
      %dma_start3A_378 = tpu.memref_slice %arg8[%run_scoped3A_340, %dma_start3A_376, %dma_start3A_377] : memref<2x16x1024xf32, #tpu.memory_space<vmem>> -> memref<1x16x1024xf32, #tpu.memory_space<vmem>>
      %dma_start3A_379 = tpu.memref_squeeze %dma_start3A_378 : memref<1x16x1024xf32, #tpu.memory_space<vmem>> -> memref<16x1024xf32, #tpu.memory_space<vmem>>
      tpu.enqueue_dma source(%dma_start3A_379 : memref<16x1024xf32, #tpu.memory_space<vmem>>) target(%dma_start3A_375 : memref<16x1024xf32, #tpu.memory_space<hbm>>) target_semaphore(%run_scoped3A_367 : memref<!tpu.dma_semaphore, #tpu.memory_space<semaphore_mem>>)
      %dma_wait3A_380 = arith.constant 0 : i32
      %dma_wait3A_381 = arith.constant 0 : i32
      %dma_wait3A_382 = tpu.memref_slice %arg8[%run_scoped3A_340, %dma_wait3A_380, %dma_wait3A_381] : memref<2x16x1024xf32, #tpu.memory_space<vmem>> -> memref<1x16x1024xf32, #tpu.memory_space<vmem>>
      %dma_wait3A_383 = tpu.memref_squeeze %dma_wait3A_382 : memref<1x16x1024xf32, #tpu.memory_space<vmem>> -> memref<16x1024xf32, #tpu.memory_space<vmem>>
      %dma_wait3A_384 = arith.constant 0 : i32
      %dma_wait3A_385 = tpu.memref_slice %arg5[%add3A_339, %dma_wait3A_384] : memref<4096x1024xf32, #tpu.memory_space<hbm>> -> memref<16x1024xf32, #tpu.memory_space<hbm>>
      %dma_wait3A_386 = arith.constant 0 : i32
      %dma_wait3A_387 = tpu.memref_slice %arg5[%add3A_339, %dma_wait3A_386] : memref<4096x1024xf32, #tpu.memory_space<hbm>> -> memref<16x1024xf32, #tpu.memory_space<hbm>>
      %dma_wait3A_388 = arith.constant 0 : i32
      %dma_wait3A_389 = arith.constant 0 : i32
      %dma_wait3A_390 = tpu.memref_slice %arg8[%run_scoped3A_340, %dma_wait3A_388, %dma_wait3A_389] : memref<2x16x1024xf32, #tpu.memory_space<vmem>> -> memref<1x16x1024xf32, #tpu.memory_space<vmem>>
      %dma_wait3A_391 = tpu.memref_squeeze %dma_wait3A_390 : memref<1x16x1024xf32, #tpu.memory_space<vmem>> -> memref<16x1024xf32, #tpu.memory_space<vmem>>
      tpu.wait_dma2 semaphore(%run_scoped3A_367 : memref<!tpu.dma_semaphore, #tpu.memory_space<semaphore_mem>>) src(%dma_wait3A_391 : memref<16x1024xf32, #tpu.memory_space<vmem>>) dst(%dma_wait3A_387 : memref<16x1024xf32, #tpu.memory_space<hbm>>)
      tpu.yield
    }) : () -> ()
    %dma_wait3A_341 = arith.constant 1 : i32
    %dma_wait3A_342 = arith.constant 0 : i32
    %dma_wait3A_343 = arith.constant 0 : i32
    %dma_wait3A_344 = tpu.memref_slice %arg8[%dma_wait3A_341, %dma_wait3A_342, %dma_wait3A_343] : memref<2x16x1024xf32, #tpu.memory_space<vmem>> -> memref<1x16x1024xf32, #tpu.memory_space<vmem>>
    %dma_wait3A_345 = tpu.memref_squeeze %dma_wait3A_344 : memref<1x16x1024xf32, #tpu.memory_space<vmem>> -> memref<16x1024xf32, #tpu.memory_space<vmem>>
    %dma_wait3A_346 = arith.constant 112 : i32
    %dma_wait3A_347 = tpu.memref_slice %arg6[%dma_wait3A_346] : memref<128xi32, #tpu.memory_space<vmem>> -> memref<16xi32, #tpu.memory_space<vmem>>
    %dma_wait3A_348 = arith.constant 0 : i32
    %dma_wait3A_349 = arith.constant 0 : i32
    %dma_wait3A_350 = tpu.memref_slice %arg2[%dma_wait3A_348, %dma_wait3A_349] : memref<8192x1024xf32, #tpu.memory_space<hbm>> -> memref<8192x1024xf32, #tpu.memory_space<hbm>>
    tpu.wait_indirect_dma semaphore(%arg11 : memref<!tpu.dma_semaphore, #tpu.memory_space<semaphore_mem>>) src(%dma_wait3A_350 : memref<8192x1024xf32, #tpu.memory_space<hbm>>) dst(%dma_wait3A_345 : memref<16x1024xf32, #tpu.memory_space<vmem>>)
    %dma_wait3A_351 = arith.constant 1 : i32
    %dma_wait3A_352 = arith.constant 0 : i32
    %dma_wait3A_353 = arith.constant 0 : i32
    %dma_wait3A_354 = tpu.memref_slice %arg9[%dma_wait3A_351, %dma_wait3A_352, %dma_wait3A_353] : memref<2x16x1024xf32, #tpu.memory_space<vmem>> -> memref<1x16x1024xf32, #tpu.memory_space<vmem>>
    %dma_wait3A_355 = tpu.memref_squeeze %dma_wait3A_354 : memref<1x16x1024xf32, #tpu.memory_space<vmem>> -> memref<16x1024xf32, #tpu.memory_space<vmem>>
    %dma_wait3A_356 = arith.constant 112 : i32
    %dma_wait3A_357 = tpu.memref_slice %arg7[%dma_wait3A_356] : memref<128xi32, #tpu.memory_space<vmem>> -> memref<16xi32, #tpu.memory_space<vmem>>
    %dma_wait3A_358 = arith.constant 0 : i32
    %dma_wait3A_359 = arith.constant 0 : i32
    %dma_wait3A_360 = tpu.memref_slice %arg2[%dma_wait3A_358, %dma_wait3A_359] : memref<8192x1024xf32, #tpu.memory_space<hbm>> -> memref<8192x1024xf32, #tpu.memory_space<hbm>>
    tpu.wait_indirect_dma semaphore(%arg13 : memref<!tpu.dma_semaphore, #tpu.memory_space<semaphore_mem>>) src(%dma_wait3A_360 : memref<8192x1024xf32, #tpu.memory_space<hbm>>) dst(%dma_wait3A_355 : memref<16x1024xf32, #tpu.memory_space<vmem>>)
    %parallel_loop3A_361 = arith.constant 0 : i32
    %parallel_loop3A_362 = arith.constant 1024 : i32
    %parallel_loop3A_363 = arith.constant 1 : i32
    scf.for %parallel_loop3A_367 = %parallel_loop3A_361 to %parallel_loop3A_362 step %parallel_loop3A_363  : i32 {
      %parallel_loop3A_368 = arith.constant 64 : i32
      %parallel_loop3A_369 = arith.divsi %parallel_loop3A_367, %parallel_loop3A_368 : i32
      %parallel_loop3A_370 = arith.constant 0 : i32
      %parallel_loop3A_371 = arith.cmpi sgt, %parallel_loop3A_367, %parallel_loop3A_370 : i32
      %parallel_loop3A_372 = arith.extui %parallel_loop3A_371 : i1 to i32
      %parallel_loop3A_373 = arith.constant 0 : i32
      %parallel_loop3A_374 = arith.cmpi slt, %parallel_loop3A_367, %parallel_loop3A_373 : i32
      %parallel_loop3A_375 = arith.extui %parallel_loop3A_374 : i1 to i32
      %parallel_loop3A_376 = arith.subi %parallel_loop3A_372, %parallel_loop3A_375 : i32
      %parallel_loop3A_377 = arith.constant 0 : i32
      %parallel_loop3A_378 = arith.cmpi sgt, %parallel_loop3A_368, %parallel_loop3A_377 : i32
      %parallel_loop3A_379 = arith.extui %parallel_loop3A_378 : i1 to i32
      %parallel_loop3A_380 = arith.constant 0 : i32
      %parallel_loop3A_381 = arith.cmpi slt, %parallel_loop3A_368, %parallel_loop3A_380 : i32
      %parallel_loop3A_382 = arith.extui %parallel_loop3A_381 : i1 to i32
      %parallel_loop3A_383 = arith.subi %parallel_loop3A_379, %parallel_loop3A_382 : i32
      %parallel_loop3A_384 = arith.cmpi ne, %parallel_loop3A_376, %parallel_loop3A_383 : i32
      %parallel_loop3A_385 = arith.remsi %parallel_loop3A_367, %parallel_loop3A_368 : i32
      %parallel_loop3A_386 = arith.constant 0 : i32
      %parallel_loop3A_387 = arith.cmpi ne, %parallel_loop3A_385, %parallel_loop3A_386 : i32
      %parallel_loop3A_388 = arith.andi %parallel_loop3A_384, %parallel_loop3A_387 : i1
      %parallel_loop3A_389 = arith.constant 1 : i32
      %parallel_loop3A_390 = arith.subi %parallel_loop3A_369, %parallel_loop3A_389 : i32
      %parallel_loop3A_391 = arith.select %parallel_loop3A_388, %parallel_loop3A_390, %parallel_loop3A_369 : i32
      %parallel_loop3A_392 = arith.constant 64 : i32
      %parallel_loop3A_393 = arith.constant 0 : i32
      %parallel_loop3A_394 = arith.cmpi eq, %parallel_loop3A_392, %parallel_loop3A_393 : i32
      %parallel_loop3A_395 = arith.constant 1 : i32
      %parallel_loop3A_396 = arith.select %parallel_loop3A_394, %parallel_loop3A_395, %parallel_loop3A_392 : i32
      %parallel_loop3A_397 = arith.remsi %parallel_loop3A_367, %parallel_loop3A_396 : i32
      %parallel_loop3A_398 = arith.constant 0 : i32
      %parallel_loop3A_399 = arith.cmpi ne, %parallel_loop3A_397, %parallel_loop3A_398 : i32
      %parallel_loop3A_400 = arith.constant 0 : i32
      %parallel_loop3A_401 = arith.cmpi slt, %parallel_loop3A_397, %parallel_loop3A_400 : i32
      %parallel_loop3A_402 = arith.constant 0 : i32
      %parallel_loop3A_403 = arith.cmpi slt, %parallel_loop3A_396, %parallel_loop3A_402 : i32
      %parallel_loop3A_404 = arith.xori %parallel_loop3A_401, %parallel_loop3A_403 : i1
      %parallel_loop3A_405 = arith.andi %parallel_loop3A_404, %parallel_loop3A_399 : i1
      %parallel_loop3A_406 = arith.addi %parallel_loop3A_397, %parallel_loop3A_396 : i32
      %parallel_loop3A_407 = arith.select %parallel_loop3A_405, %parallel_loop3A_406, %parallel_loop3A_397 : i32
      %parallel_loop3A_408 = arith.constant 16 : i32
      %parallel_loop3A_409 = arith.muli %parallel_loop3A_407, %parallel_loop3A_408 : i32
      %parallel_loop3A_410 = arith.constant 1 : i32
      %parallel_loop3A_411 = arith.index_cast %parallel_loop3A_410 : i32 to index
      %parallel_loop3A_412 = arith.index_cast %parallel_loop3A_391 : i32 to index
      %parallel_loop3A_413 = arith.index_cast %parallel_loop3A_409 : i32 to index
      %parallel_loop3A_414 = tpu.vector_load %arg8[%parallel_loop3A_411, %parallel_loop3A_412, %parallel_loop3A_413] {strides = array<i32>} : memref<2x16x1024xf32, #tpu.memory_space<vmem>>, vector<1x1x16xf32>,
      %parallel_loop3A_415 = vector.shape_cast %parallel_loop3A_414 : vector<1x1x16xf32> to vector<16xf32>
      %parallel_loop3A_416 = arith.constant 1 : i32
      %parallel_loop3A_417 = arith.index_cast %parallel_loop3A_416 : i32 to index
      %parallel_loop3A_418 = arith.index_cast %parallel_loop3A_391 : i32 to index
      %parallel_loop3A_419 = arith.index_cast %parallel_loop3A_409 : i32 to index
      %parallel_loop3A_420 = tpu.vector_load %arg9[%parallel_loop3A_417, %parallel_loop3A_418, %parallel_loop3A_419] {strides = array<i32>} : memref<2x16x1024xf32, #tpu.memory_space<vmem>>, vector<1x1x16xf32>,
      %parallel_loop3A_421 = vector.shape_cast %parallel_loop3A_420 : vector<1x1x16xf32> to vector<16xf32>
      %parallel_loop3A_422 = arith.addf %parallel_loop3A_415, %parallel_loop3A_421 : vector<16xf32>
      %parallel_loop3A_423 = arith.constant 1 : i32
      %parallel_loop3A_424 = arith.index_cast %parallel_loop3A_423 : i32 to index
      %parallel_loop3A_425 = arith.index_cast %parallel_loop3A_391 : i32 to index
      %parallel_loop3A_426 = arith.index_cast %parallel_loop3A_409 : i32 to index
      %parallel_loop3A_427 = tpu.vector_load %arg8[%parallel_loop3A_424, %parallel_loop3A_425, %parallel_loop3A_426] {strides = array<i32>} : memref<2x16x1024xf32, #tpu.memory_space<vmem>>, vector<1x1x16xf32>,
      %parallel_loop3A_428 = vector.shape_cast %parallel_loop3A_427 : vector<1x1x16xf32> to vector<16xf32>
      %parallel_loop3A_429 = vector.shape_cast %parallel_loop3A_422 : vector<16xf32> to vector<1x1x16xf32>
      tpu.vector_store %arg8[%parallel_loop3A_424, %parallel_loop3A_425, %parallel_loop3A_426], %parallel_loop3A_429 {strides = array<i32>} : memref<2x16x1024xf32, #tpu.memory_space<vmem>>, vector<1x1x16xf32>,
    } {sc.loop_unroll_factor = 8 : i64, sc.parallel_access}
    %add3A_364 = arith.constant 112 : i32
    %add3A_365 = arith.addi %mul3A_2, %add3A_364 : i32
    %run_scoped3A_366 = arith.constant 1 : i32
    "tpu.region"() ({
      %run_scoped3A_367 = tpu.sem_alloc : memref<!tpu.dma_semaphore, #tpu.memory_space<semaphore_mem>>
      %dma_start3A_368 = arith.constant 0 : i32
      %dma_start3A_369 = arith.constant 0 : i32
      %dma_start3A_370 = tpu.memref_slice %arg8[%run_scoped3A_366, %dma_start3A_368, %dma_start3A_369] : memref<2x16x1024xf32, #tpu.memory_space<vmem>> -> memref<1x16x1024xf32, #tpu.memory_space<vmem>>
      %dma_start3A_371 = tpu.memref_squeeze %dma_start3A_370 : memref<1x16x1024xf32, #tpu.memory_space<vmem>> -> memref<16x1024xf32, #tpu.memory_space<vmem>>
      %dma_start3A_372 = arith.constant 0 : i32
      %dma_start3A_373 = tpu.memref_slice %arg5[%add3A_365, %dma_start3A_372] : memref<4096x1024xf32, #tpu.memory_space<hbm>> -> memref<16x1024xf32, #tpu.memory_space<hbm>>
      %dma_start3A_374 = arith.constant 0 : i32
      %dma_start3A_375 = tpu.memref_slice %arg5[%add3A_365, %dma_start3A_374] : memref<4096x1024xf32, #tpu.memory_space<hbm>> -> memref<16x1024xf32, #tpu.memory_space<hbm>>
      %dma_start3A_376 = arith.constant 0 : i32
      %dma_start3A_377 = arith.constant 0 : i32
      %dma_start3A_378 = tpu.memref_slice %arg8[%run_scoped3A_366, %dma_start3A_376, %dma_start3A_377] : memref<2x16x1024xf32, #tpu.memory_space<vmem>> -> memref<1x16x1024xf32, #tpu.memory_space<vmem>>
      %dma_start3A_379 = tpu.memref_squeeze %dma_start3A_378 : memref<1x16x1024xf32, #tpu.memory_space<vmem>> -> memref<16x1024xf32, #tpu.memory_space<vmem>>
      tpu.enqueue_dma source(%dma_start3A_379 : memref<16x1024xf32, #tpu.memory_space<vmem>>) target(%dma_start3A_375 : memref<16x1024xf32, #tpu.memory_space<hbm>>) target_semaphore(%run_scoped3A_367 : memref<!tpu.dma_semaphore, #tpu.memory_space<semaphore_mem>>)
      %dma_wait3A_380 = arith.constant 0 : i32
      %dma_wait3A_381 = arith.constant 0 : i32
      %dma_wait3A_382 = tpu.memref_slice %arg8[%run_scoped3A_366, %dma_wait3A_380, %dma_wait3A_381] : memref<2x16x1024xf32, #tpu.memory_space<vmem>> -> memref<1x16x1024xf32, #tpu.memory_space<vmem>>
      %dma_wait3A_383 = tpu.memref_squeeze %dma_wait3A_382 : memref<1x16x1024xf32, #tpu.memory_space<vmem>> -> memref<16x1024xf32, #tpu.memory_space<vmem>>
      %dma_wait3A_384 = arith.constant 0 : i32
      %dma_wait3A_385 = tpu.memref_slice %arg5[%add3A_365, %dma_wait3A_384] : memref<4096x1024xf32, #tpu.memory_space<hbm>> -> memref<16x1024xf32, #tpu.memory_space<hbm>>
      %dma_wait3A_386 = arith.constant 0 : i32
      %dma_wait3A_387 = tpu.memref_slice %arg5[%add3A_365, %dma_wait3A_386] : memref<4096x1024xf32, #tpu.memory_space<hbm>> -> memref<16x1024xf32, #tpu.memory_space<hbm>>
      %dma_wait3A_388 = arith.constant 0 : i32
      %dma_wait3A_389 = arith.constant 0 : i32
      %dma_wait3A_390 = tpu.memref_slice %arg8[%run_scoped3A_366, %dma_wait3A_388, %dma_wait3A_389] : memref<2x16x1024xf32, #tpu.memory_space<vmem>> -> memref<1x16x1024xf32, #tpu.memory_space<vmem>>
      %dma_wait3A_391 = tpu.memref_squeeze %dma_wait3A_390 : memref<1x16x1024xf32, #tpu.memory_space<vmem>> -> memref<16x1024xf32, #tpu.memory_space<vmem>>
      tpu.wait_dma2 semaphore(%run_scoped3A_367 : memref<!tpu.dma_semaphore, #tpu.memory_space<semaphore_mem>>) src(%dma_wait3A_391 : memref<16x1024xf32, #tpu.memory_space<vmem>>) dst(%dma_wait3A_387 : memref<16x1024xf32, #tpu.memory_space<hbm>>)
      tpu.yield
    }) : () -> ()
    return
  }
}

module attributes {stable_mosaic.version = 14 : i64} {
  func.func @_routing_body(%arg0: memref<4096x64xf32, #tpu.memory_space<vmem>>, %arg1: memref<4096x2xi32, #tpu.memory_space<vmem>>, %arg2: memref<4096x2xf32, #tpu.memory_space<vmem>>) attributes {dimension_semantics = [], scalar_prefetch = 0 : i64, scratch_operands = 0 : i64, tpu.core_type = #tpu.core_type<tc>} {
    %get3A = arith.constant 0 : index
    %get3A_0 = arith.constant 0 : index
    %get3A_1 = vector.load %arg0[%get3A, %get3A_0] : memref<4096x64xf32, #tpu.memory_space<vmem>>, vector<4096x64xf32>
    %iota3A = tpu.iota {dimensions = array<i32: 1>} : vector<4096x64xi32>
    %reduce_max3A = arith.constant dense<0xFF800000> : vector<4096xf32>
    %reduce_max3A_2 = vector.multi_reduction <maximumf>, %get3A_1, %reduce_max3A [1] : vector<4096x64xf32> to vector<4096xf32>
    %broadcast_in_dim3A = vector.shape_cast %reduce_max3A_2 : vector<4096xf32> to vector<4096x1xf32>
    %eq3A = vector.broadcast %broadcast_in_dim3A : vector<4096x1xf32> to vector<4096x64xf32>
    %eq3A_3 = arith.cmpf oeq, %get3A_1, %eq3A : vector<4096x64xf32>
    %jit3A = arith.constant 64 : i32
    %broadcast_in_dim3A_4 = vector.broadcast %jit3A : i32 to vector<4096x64xi32>
    %select_n3A = arith.select %eq3A_3, %iota3A, %broadcast_in_dim3A_4 : vector<4096x64xi1>, vector<4096x64xi32>
    %reduce_min3A = arith.constant dense<2147483647> : vector<4096xi32>
    %reduce_min3A_5 = vector.multi_reduction <minsi>, %select_n3A, %reduce_min3A [1] : vector<4096x64xi32> to vector<4096xi32>
    %broadcast_in_dim3A_6 = vector.shape_cast %reduce_min3A_5 : vector<4096xi32> to vector<4096x1xi32>
    %eq3A_7 = vector.broadcast %broadcast_in_dim3A_6 : vector<4096x1xi32> to vector<4096x64xi32>
    %eq3A_8 = arith.cmpi eq, %iota3A, %eq3A_7 : vector<4096x64xi32>
    %jit3A_9 = arith.constant 0xFF800000 : f32
    %broadcast_in_dim3A_10 = vector.broadcast %jit3A_9 : f32 to vector<4096x64xf32>
    %select_n3A_11 = arith.select %eq3A_8, %broadcast_in_dim3A_10, %get3A_1 : vector<4096x64xi1>, vector<4096x64xf32>
    %reduce_max3A_12 = arith.constant dense<0xFF800000> : vector<4096xf32>
    %reduce_max3A_13 = vector.multi_reduction <maximumf>, %select_n3A_11, %reduce_max3A_12 [1] : vector<4096x64xf32> to vector<4096xf32>
    %broadcast_in_dim3A_14 = vector.shape_cast %reduce_max3A_13 : vector<4096xf32> to vector<4096x1xf32>
    %eq3A_15 = vector.broadcast %broadcast_in_dim3A_14 : vector<4096x1xf32> to vector<4096x64xf32>
    %eq3A_16 = arith.cmpf oeq, %select_n3A_11, %eq3A_15 : vector<4096x64xf32>
    %jit3A_17 = arith.constant 64 : i32
    %broadcast_in_dim3A_18 = vector.broadcast %jit3A_17 : i32 to vector<4096x64xi32>
    %select_n3A_19 = arith.select %eq3A_16, %iota3A, %broadcast_in_dim3A_18 : vector<4096x64xi1>, vector<4096x64xi32>
    %reduce_min3A_20 = arith.constant dense<2147483647> : vector<4096xi32>
    %reduce_min3A_21 = vector.multi_reduction <minsi>, %select_n3A_19, %reduce_min3A_20 [1] : vector<4096x64xi32> to vector<4096xi32>
    %broadcast_in_dim3A_22 = vector.shape_cast %reduce_min3A_21 : vector<4096xi32> to vector<4096x1xi32>
    %sub3A = arith.subf %broadcast_in_dim3A_14, %broadcast_in_dim3A : vector<4096x1xf32>
    %exp3A = math.exp %sub3A : vector<4096x1xf32>
    %add3A = arith.constant 1.000000e+00 : f32
    %add3A_23 = vector.broadcast %add3A : f32 to vector<4096x1xf32>
    %add3A_24 = arith.addf %add3A_23, %exp3A : vector<4096x1xf32>
    %div3A = arith.constant 1.000000e+00 : f32
    %div3A_25 = vector.broadcast %div3A : f32 to vector<4096x1xf32>
    %div3A_26 = arith.divf %div3A_25, %add3A_24 : vector<4096x1xf32>
    %concatenate3A = tpu.concatenate %broadcast_in_dim3A_6, %broadcast_in_dim3A_22 in 1 : vector<4096x1xi32>, vector<4096x1xi32> -> vector<4096x2xi32>
    %swap3A = arith.constant 0 : index
    %swap3A_27 = arith.constant 0 : index
    %swap3A_28 = vector.load %arg1[%swap3A, %swap3A_27] : memref<4096x2xi32, #tpu.memory_space<vmem>>, vector<4096x2xi32>
    tpu.vector_store %arg1[%swap3A, %swap3A_27], %concatenate3A {strides = array<i32>} : memref<4096x2xi32, #tpu.memory_space<vmem>>, vector<4096x2xi32>,
    %sub3A_29 = arith.constant 1.000000e+00 : f32
    %sub3A_30 = vector.broadcast %sub3A_29 : f32 to vector<4096x1xf32>
    %sub3A_31 = arith.subf %sub3A_30, %div3A_26 : vector<4096x1xf32>
    %concatenate3A_32 = tpu.concatenate %div3A_26, %sub3A_31 in 1 : vector<4096x1xf32>, vector<4096x1xf32> -> vector<4096x2xf32>
    %swap3A_33 = arith.constant 0 : index
    %swap3A_34 = arith.constant 0 : index
    %swap3A_35 = vector.load %arg2[%swap3A_33, %swap3A_34] : memref<4096x2xf32, #tpu.memory_space<vmem>>, vector<4096x2xf32>
    tpu.vector_store %arg2[%swap3A_33, %swap3A_34], %concatenate3A_32 {strides = array<i32>} : memref<4096x2xf32, #tpu.memory_space<vmem>>, vector<4096x2xf32>,
    return
  }
}

module attributes {stable_mosaic.version = 14 : i64} {
  func.func @_gmm_body(%arg0: i32, %arg1: memref<95xi32, #tpu.memory_space<smem>>, %arg2: memref<95xi32, #tpu.memory_space<smem>>, %arg3: memref<95xi32, #tpu.memory_space<smem>>, %arg4: memref<95xi32, #tpu.memory_space<smem>>, %arg5: memref<95xi32, #tpu.memory_space<smem>>, %arg6: memref<95xi32, #tpu.memory_space<smem>>, %arg7: memref<95xi32, #tpu.memory_space<smem>>, %arg8: memref<95xi32, #tpu.memory_space<smem>>, %arg9: memref<95xi32, #tpu.memory_space<smem>>, %arg10: memref<256x1024xf32, #tpu.memory_space<vmem>>, %arg11: memref<64x1024x1024xf32, #tpu.memory_space<hbm>>, %arg12: memref<64x1024x512xf32, #tpu.memory_space<hbm>>, %arg13: memref<1x1x1024xf32, #tpu.memory_space<vmem>>, %arg14: memref<1x1x1024xf32, #tpu.memory_space<vmem>>, %arg15: memref<256x8xf32, #tpu.memory_space<vmem>>, %arg16: memref<256x1024xf32, #tpu.memory_space<vmem>>, %arg17: memref<3x1024x1024xf32, #tpu.memory_space<vmem>>, %arg18: memref<3x1024x512xf32, #tpu.memory_space<vmem>>, %arg19: memref<3x!tpu.dma_semaphore, #tpu.memory_space<semaphore_mem>>, %arg20: memref<3x!tpu.dma_semaphore, #tpu.memory_space<semaphore_mem>>) attributes {dimension_semantics = [#tpu.dimension_semantics<arbitrary>], iteration_bounds = array<i64: 95>, scalar_prefetch = 9 : i64, scratch_operands = 4 : i64, tpu.core_type = #tpu.core_type<tc>, window_params = [{transform_indices = @transform_0, window_bounds = array<i64: 256, 1024>}, {}, {}, {transform_indices = @transform_3, window_bounds = array<i64: 1, 1, 1024>}, {transform_indices = @transform_4, window_bounds = array<i64: 1, 1, 1024>}, {transform_indices = @transform_5, window_bounds = array<i64: 256, 8>}, {transform_indices = @transform_6, window_bounds = array<i64: 256, 1024>}]} {
    %get3A = arith.index_cast %arg0 : i32 to index
    %get3A_0 = memref.load %arg1[%get3A] : memref<95xi32, #tpu.memory_space<smem>>
    %get3A_1 = arith.index_cast %arg0 : i32 to index
    %get3A_2 = memref.load %arg3[%get3A_1] : memref<95xi32, #tpu.memory_space<smem>>
    %get3A_3 = arith.index_cast %arg0 : i32 to index
    %get3A_4 = memref.load %arg4[%get3A_3] : memref<95xi32, #tpu.memory_space<smem>>
    %sub3A = arith.constant 1 : i32
    %sub3A_5 = arith.subi %arg0, %sub3A : i32
    %max3A = arith.constant 0 : i32
    %max3A_6 = arith.maxsi %sub3A_5, %max3A : i32
    %get3A_7 = arith.index_cast %max3A_6 : i32 to index
    %get3A_8 = memref.load %arg1[%get3A_7] : memref<95xi32, #tpu.memory_space<smem>>
    %eq3A = arith.constant 0 : i32
    %eq3A_9 = arith.cmpi eq, %arg0, %eq3A : i32
    %ne3A = arith.cmpi ne, %get3A_0, %get3A_8 : i32
    %or3A = arith.ori %eq3A_9, %ne3A : i1
    %eq3A_10 = arith.constant 0 : i32
    %eq3A_11 = arith.cmpi eq, %arg0, %eq3A_10 : i32
    %convert_element_type3A = arith.extui %eq3A_11 : i1 to i32
    %cond3A = arith.constant 0 : i32
    %cond3A_12 = arith.cmpi ne, %convert_element_type3A, %cond3A : i32
    scf.if %cond3A_12 {
      %get3A_87 = arith.constant 0 : index
      %get3A_88 = memref.load %arg5[%get3A_87] : memref<95xi32, #tpu.memory_space<smem>>
      %get3A_89 = arith.constant 0 : index
      %get3A_90 = memref.load %arg6[%get3A_89] : memref<95xi32, #tpu.memory_space<smem>>
      %get3A_91 = arith.constant 0 : index
      %get3A_92 = memref.load %arg2[%get3A_91] : memref<95xi32, #tpu.memory_space<smem>>
      %eq3A_93 = arith.constant 1 : i32
      %eq3A_94 = arith.cmpi eq, %get3A_88, %eq3A_93 : i32
      %convert_element_type3A_95 = arith.extui %eq3A_94 : i1 to i32
      %cond3A_96 = arith.constant 0 : i32
      %cond3A_97 = arith.cmpi ne, %convert_element_type3A_95, %cond3A_96 : i32
      scf.if %cond3A_97 {
        %dma_start3A = tpu.memref_slice %arg19[%get3A_90] : memref<3x!tpu.dma_semaphore, #tpu.memory_space<semaphore_mem>> -> memref<1x!tpu.dma_semaphore, #tpu.memory_space<semaphore_mem>>
        %dma_start3A_109 = tpu.memref_squeeze %dma_start3A : memref<1x!tpu.dma_semaphore, #tpu.memory_space<semaphore_mem>> -> memref<!tpu.dma_semaphore, #tpu.memory_space<semaphore_mem>>
        %dma_start3A_110 = arith.constant 0 : i32
        %dma_start3A_111 = arith.constant 0 : i32
        %dma_start3A_112 = tpu.memref_slice %arg17[%get3A_90, %dma_start3A_110, %dma_start3A_111] : memref<3x1024x1024xf32, #tpu.memory_space<vmem>> -> memref<1x1024x1024xf32, #tpu.memory_space<vmem>>
        %dma_start3A_113 = tpu.memref_squeeze %dma_start3A_112 : memref<1x1024x1024xf32, #tpu.memory_space<vmem>> -> memref<1024x1024xf32, #tpu.memory_space<vmem>>
        %dma_start3A_114 = arith.constant 0 : i32
        %dma_start3A_115 = arith.constant 0 : i32
        %dma_start3A_116 = tpu.memref_slice %arg11[%get3A_92, %dma_start3A_114, %dma_start3A_115] : memref<64x1024x1024xf32, #tpu.memory_space<hbm>> -> memref<1x1024x1024xf32, #tpu.memory_space<hbm>>
        %dma_start3A_117 = tpu.memref_squeeze %dma_start3A_116 : memref<1x1024x1024xf32, #tpu.memory_space<hbm>> -> memref<1024x1024xf32, #tpu.memory_space<hbm>>
        tpu.enqueue_dma source(%dma_start3A_117 : memref<1024x1024xf32, #tpu.memory_space<hbm>>) target(%dma_start3A_113 : memref<1024x1024xf32, #tpu.memory_space<vmem>>) target_semaphore(%dma_start3A_109 : memref<!tpu.dma_semaphore, #tpu.memory_space<semaphore_mem>>)
        %dma_start3A_118 = tpu.memref_slice %arg20[%get3A_90] : memref<3x!tpu.dma_semaphore, #tpu.memory_space<semaphore_mem>> -> memref<1x!tpu.dma_semaphore, #tpu.memory_space<semaphore_mem>>
        %dma_start3A_119 = tpu.memref_squeeze %dma_start3A_118 : memref<1x!tpu.dma_semaphore, #tpu.memory_space<semaphore_mem>> -> memref<!tpu.dma_semaphore, #tpu.memory_space<semaphore_mem>>
        %dma_start3A_120 = arith.constant 0 : i32
        %dma_start3A_121 = arith.constant 0 : i32
        %dma_start3A_122 = tpu.memref_slice %arg18[%get3A_90, %dma_start3A_120, %dma_start3A_121] : memref<3x1024x512xf32, #tpu.memory_space<vmem>> -> memref<1x1024x512xf32, #tpu.memory_space<vmem>>
        %dma_start3A_123 = tpu.memref_squeeze %dma_start3A_122 : memref<1x1024x512xf32, #tpu.memory_space<vmem>> -> memref<1024x512xf32, #tpu.memory_space<vmem>>
        %dma_start3A_124 = arith.constant 0 : i32
        %dma_start3A_125 = arith.constant 0 : i32
        %dma_start3A_126 = tpu.memref_slice %arg12[%get3A_92, %dma_start3A_124, %dma_start3A_125] : memref<64x1024x512xf32, #tpu.memory_space<hbm>> -> memref<1x1024x512xf32, #tpu.memory_space<hbm>>
        %dma_start3A_127 = tpu.memref_squeeze %dma_start3A_126 : memref<1x1024x512xf32, #tpu.memory_space<hbm>> -> memref<1024x512xf32, #tpu.memory_space<hbm>>
        tpu.enqueue_dma source(%dma_start3A_127 : memref<1024x512xf32, #tpu.memory_space<hbm>>) target(%dma_start3A_123 : memref<1024x512xf32, #tpu.memory_space<vmem>>) target_semaphore(%dma_start3A_119 : memref<!tpu.dma_semaphore, #tpu.memory_space<semaphore_mem>>)
      } else {
      }
      %get3A_98 = arith.constant 1 : index
      %get3A_99 = memref.load %arg5[%get3A_98] : memref<95xi32, #tpu.memory_space<smem>>
      %get3A_100 = arith.constant 1 : index
      %get3A_101 = memref.load %arg6[%get3A_100] : memref<95xi32, #tpu.memory_space<smem>>
      %get3A_102 = arith.constant 1 : index
      %get3A_103 = memref.load %arg2[%get3A_102] : memref<95xi32, #tpu.memory_space<smem>>
      %eq3A_104 = arith.constant 1 : i32
      %eq3A_105 = arith.cmpi eq, %get3A_99, %eq3A_104 : i32
      %convert_element_type3A_106 = arith.extui %eq3A_105 : i1 to i32
      %cond3A_107 = arith.constant 0 : i32
      %cond3A_108 = arith.cmpi ne, %convert_element_type3A_106, %cond3A_107 : i32
      scf.if %cond3A_108 {
        %dma_start3A = tpu.memref_slice %arg19[%get3A_101] : memref<3x!tpu.dma_semaphore, #tpu.memory_space<semaphore_mem>> -> memref<1x!tpu.dma_semaphore, #tpu.memory_space<semaphore_mem>>
        %dma_start3A_109 = tpu.memref_squeeze %dma_start3A : memref<1x!tpu.dma_semaphore, #tpu.memory_space<semaphore_mem>> -> memref<!tpu.dma_semaphore, #tpu.memory_space<semaphore_mem>>
        %dma_start3A_110 = arith.constant 0 : i32
        %dma_start3A_111 = arith.constant 0 : i32
        %dma_start3A_112 = tpu.memref_slice %arg17[%get3A_101, %dma_start3A_110, %dma_start3A_111] : memref<3x1024x1024xf32, #tpu.memory_space<vmem>> -> memref<1x1024x1024xf32, #tpu.memory_space<vmem>>
        %dma_start3A_113 = tpu.memref_squeeze %dma_start3A_112 : memref<1x1024x1024xf32, #tpu.memory_space<vmem>> -> memref<1024x1024xf32, #tpu.memory_space<vmem>>
        %dma_start3A_114 = arith.constant 0 : i32
        %dma_start3A_115 = arith.constant 0 : i32
        %dma_start3A_116 = tpu.memref_slice %arg11[%get3A_103, %dma_start3A_114, %dma_start3A_115] : memref<64x1024x1024xf32, #tpu.memory_space<hbm>> -> memref<1x1024x1024xf32, #tpu.memory_space<hbm>>
        %dma_start3A_117 = tpu.memref_squeeze %dma_start3A_116 : memref<1x1024x1024xf32, #tpu.memory_space<hbm>> -> memref<1024x1024xf32, #tpu.memory_space<hbm>>
        tpu.enqueue_dma source(%dma_start3A_117 : memref<1024x1024xf32, #tpu.memory_space<hbm>>) target(%dma_start3A_113 : memref<1024x1024xf32, #tpu.memory_space<vmem>>) target_semaphore(%dma_start3A_109 : memref<!tpu.dma_semaphore, #tpu.memory_space<semaphore_mem>>)
        %dma_start3A_118 = tpu.memref_slice %arg20[%get3A_101] : memref<3x!tpu.dma_semaphore, #tpu.memory_space<semaphore_mem>> -> memref<1x!tpu.dma_semaphore, #tpu.memory_space<semaphore_mem>>
        %dma_start3A_119 = tpu.memref_squeeze %dma_start3A_118 : memref<1x!tpu.dma_semaphore, #tpu.memory_space<semaphore_mem>> -> memref<!tpu.dma_semaphore, #tpu.memory_space<semaphore_mem>>
        %dma_start3A_120 = arith.constant 0 : i32
        %dma_start3A_121 = arith.constant 0 : i32
        %dma_start3A_122 = tpu.memref_slice %arg18[%get3A_101, %dma_start3A_120, %dma_start3A_121] : memref<3x1024x512xf32, #tpu.memory_space<vmem>> -> memref<1x1024x512xf32, #tpu.memory_space<vmem>>
        %dma_start3A_123 = tpu.memref_squeeze %dma_start3A_122 : memref<1x1024x512xf32, #tpu.memory_space<vmem>> -> memref<1024x512xf32, #tpu.memory_space<vmem>>
        %dma_start3A_124 = arith.constant 0 : i32
        %dma_start3A_125 = arith.constant 0 : i32
        %dma_start3A_126 = tpu.memref_slice %arg12[%get3A_103, %dma_start3A_124, %dma_start3A_125] : memref<64x1024x512xf32, #tpu.memory_space<hbm>> -> memref<1x1024x512xf32, #tpu.memory_space<hbm>>
        %dma_start3A_127 = tpu.memref_squeeze %dma_start3A_126 : memref<1x1024x512xf32, #tpu.memory_space<hbm>> -> memref<1024x512xf32, #tpu.memory_space<hbm>>
        tpu.enqueue_dma source(%dma_start3A_127 : memref<1024x512xf32, #tpu.memory_space<hbm>>) target(%dma_start3A_123 : memref<1024x512xf32, #tpu.memory_space<vmem>>) target_semaphore(%dma_start3A_119 : memref<!tpu.dma_semaphore, #tpu.memory_space<semaphore_mem>>)
      } else {
      }
    } else {
    }
    %get3A_13 = arith.index_cast %arg0 : i32 to index
    %get3A_14 = memref.load %arg7[%get3A_13] : memref<95xi32, #tpu.memory_space<smem>>
    %get3A_15 = arith.index_cast %arg0 : i32 to index
    %get3A_16 = memref.load %arg8[%get3A_15] : memref<95xi32, #tpu.memory_space<smem>>
    %get3A_17 = arith.index_cast %arg0 : i32 to index
    %get3A_18 = memref.load %arg9[%get3A_17] : memref<95xi32, #tpu.memory_space<smem>>
    %eq3A_19 = arith.constant 1 : i32
    %eq3A_20 = arith.cmpi eq, %get3A_14, %eq3A_19 : i32
    %convert_element_type3A_21 = arith.extui %eq3A_20 : i1 to i32
    %cond3A_22 = arith.constant 0 : i32
    %cond3A_23 = arith.cmpi ne, %convert_element_type3A_21, %cond3A_22 : i32
    scf.if %cond3A_23 {
      %dma_start3A = tpu.memref_slice %arg19[%get3A_16] : memref<3x!tpu.dma_semaphore, #tpu.memory_space<semaphore_mem>> -> memref<1x!tpu.dma_semaphore, #tpu.memory_space<semaphore_mem>>
      %dma_start3A_87 = tpu.memref_squeeze %dma_start3A : memref<1x!tpu.dma_semaphore, #tpu.memory_space<semaphore_mem>> -> memref<!tpu.dma_semaphore, #tpu.memory_space<semaphore_mem>>
      %dma_start3A_88 = arith.constant 0 : i32
      %dma_start3A_89 = arith.constant 0 : i32
      %dma_start3A_90 = tpu.memref_slice %arg17[%get3A_16, %dma_start3A_88, %dma_start3A_89] : memref<3x1024x1024xf32, #tpu.memory_space<vmem>> -> memref<1x1024x1024xf32, #tpu.memory_space<vmem>>
      %dma_start3A_91 = tpu.memref_squeeze %dma_start3A_90 : memref<1x1024x1024xf32, #tpu.memory_space<vmem>> -> memref<1024x1024xf32, #tpu.memory_space<vmem>>
      %dma_start3A_92 = arith.constant 0 : i32
      %dma_start3A_93 = arith.constant 0 : i32
      %dma_start3A_94 = tpu.memref_slice %arg11[%get3A_18, %dma_start3A_92, %dma_start3A_93] : memref<64x1024x1024xf32, #tpu.memory_space<hbm>> -> memref<1x1024x1024xf32, #tpu.memory_space<hbm>>
      %dma_start3A_95 = tpu.memref_squeeze %dma_start3A_94 : memref<1x1024x1024xf32, #tpu.memory_space<hbm>> -> memref<1024x1024xf32, #tpu.memory_space<hbm>>
      tpu.enqueue_dma source(%dma_start3A_95 : memref<1024x1024xf32, #tpu.memory_space<hbm>>) target(%dma_start3A_91 : memref<1024x1024xf32, #tpu.memory_space<vmem>>) target_semaphore(%dma_start3A_87 : memref<!tpu.dma_semaphore, #tpu.memory_space<semaphore_mem>>)
      %dma_start3A_96 = tpu.memref_slice %arg20[%get3A_16] : memref<3x!tpu.dma_semaphore, #tpu.memory_space<semaphore_mem>> -> memref<1x!tpu.dma_semaphore, #tpu.memory_space<semaphore_mem>>
      %dma_start3A_97 = tpu.memref_squeeze %dma_start3A_96 : memref<1x!tpu.dma_semaphore, #tpu.memory_space<semaphore_mem>> -> memref<!tpu.dma_semaphore, #tpu.memory_space<semaphore_mem>>
      %dma_start3A_98 = arith.constant 0 : i32
      %dma_start3A_99 = arith.constant 0 : i32
      %dma_start3A_100 = tpu.memref_slice %arg18[%get3A_16, %dma_start3A_98, %dma_start3A_99] : memref<3x1024x512xf32, #tpu.memory_space<vmem>> -> memref<1x1024x512xf32, #tpu.memory_space<vmem>>
      %dma_start3A_101 = tpu.memref_squeeze %dma_start3A_100 : memref<1x1024x512xf32, #tpu.memory_space<vmem>> -> memref<1024x512xf32, #tpu.memory_space<vmem>>
      %dma_start3A_102 = arith.constant 0 : i32
      %dma_start3A_103 = arith.constant 0 : i32
      %dma_start3A_104 = tpu.memref_slice %arg12[%get3A_18, %dma_start3A_102, %dma_start3A_103] : memref<64x1024x512xf32, #tpu.memory_space<hbm>> -> memref<1x1024x512xf32, #tpu.memory_space<hbm>>
      %dma_start3A_105 = tpu.memref_squeeze %dma_start3A_104 : memref<1x1024x512xf32, #tpu.memory_space<hbm>> -> memref<1024x512xf32, #tpu.memory_space<hbm>>
      tpu.enqueue_dma source(%dma_start3A_105 : memref<1024x512xf32, #tpu.memory_space<hbm>>) target(%dma_start3A_101 : memref<1024x512xf32, #tpu.memory_space<vmem>>) target_semaphore(%dma_start3A_97 : memref<!tpu.dma_semaphore, #tpu.memory_space<semaphore_mem>>)
    } else {
    }
    %get3A_24 = arith.index_cast %arg0 : i32 to index
    %get3A_25 = memref.load %arg5[%get3A_24] : memref<95xi32, #tpu.memory_space<smem>>
    %eq3A_26 = arith.constant 1 : i32
    %eq3A_27 = arith.cmpi eq, %get3A_25, %eq3A_26 : i32
    %convert_element_type3A_28 = arith.extui %eq3A_27 : i1 to i32
    %cond3A_29 = arith.constant 0 : i32
    %cond3A_30 = arith.cmpi ne, %convert_element_type3A_28, %cond3A_29 : i32
    scf.if %cond3A_30 {
      %get3A_87 = arith.index_cast %arg0 : i32 to index
      %get3A_88 = memref.load %arg6[%get3A_87] : memref<95xi32, #tpu.memory_space<smem>>
      %get3A_89 = arith.index_cast %arg0 : i32 to index
      %get3A_90 = memref.load %arg2[%get3A_89] : memref<95xi32, #tpu.memory_space<smem>>
      %dma_wait3A = tpu.memref_slice %arg19[%get3A_88] : memref<3x!tpu.dma_semaphore, #tpu.memory_space<semaphore_mem>> -> memref<1x!tpu.dma_semaphore, #tpu.memory_space<semaphore_mem>>
      %dma_wait3A_91 = tpu.memref_squeeze %dma_wait3A : memref<1x!tpu.dma_semaphore, #tpu.memory_space<semaphore_mem>> -> memref<!tpu.dma_semaphore, #tpu.memory_space<semaphore_mem>>
      %dma_wait3A_92 = arith.constant 0 : i32
      %dma_wait3A_93 = arith.constant 0 : i32
      %dma_wait3A_94 = tpu.memref_slice %arg17[%get3A_88, %dma_wait3A_92, %dma_wait3A_93] : memref<3x1024x1024xf32, #tpu.memory_space<vmem>> -> memref<1x1024x1024xf32, #tpu.memory_space<vmem>>
      %dma_wait3A_95 = tpu.memref_squeeze %dma_wait3A_94 : memref<1x1024x1024xf32, #tpu.memory_space<vmem>> -> memref<1024x1024xf32, #tpu.memory_space<vmem>>
      %dma_wait3A_96 = arith.constant 0 : i32
      %dma_wait3A_97 = arith.constant 0 : i32
      %dma_wait3A_98 = tpu.memref_slice %arg11[%get3A_90, %dma_wait3A_96, %dma_wait3A_97] : memref<64x1024x1024xf32, #tpu.memory_space<hbm>> -> memref<1x1024x1024xf32, #tpu.memory_space<hbm>>
      %dma_wait3A_99 = tpu.memref_squeeze %dma_wait3A_98 : memref<1x1024x1024xf32, #tpu.memory_space<hbm>> -> memref<1024x1024xf32, #tpu.memory_space<hbm>>
      tpu.wait_dma2 semaphore(%dma_wait3A_91 : memref<!tpu.dma_semaphore, #tpu.memory_space<semaphore_mem>>) src(%dma_wait3A_99 : memref<1024x1024xf32, #tpu.memory_space<hbm>>) dst(%dma_wait3A_95 : memref<1024x1024xf32, #tpu.memory_space<vmem>>)
      %dma_wait3A_100 = tpu.memref_slice %arg20[%get3A_88] : memref<3x!tpu.dma_semaphore, #tpu.memory_space<semaphore_mem>> -> memref<1x!tpu.dma_semaphore, #tpu.memory_space<semaphore_mem>>
      %dma_wait3A_101 = tpu.memref_squeeze %dma_wait3A_100 : memref<1x!tpu.dma_semaphore, #tpu.memory_space<semaphore_mem>> -> memref<!tpu.dma_semaphore, #tpu.memory_space<semaphore_mem>>
      %dma_wait3A_102 = arith.constant 0 : i32
      %dma_wait3A_103 = arith.constant 0 : i32
      %dma_wait3A_104 = tpu.memref_slice %arg18[%get3A_88, %dma_wait3A_102, %dma_wait3A_103] : memref<3x1024x512xf32, #tpu.memory_space<vmem>> -> memref<1x1024x512xf32, #tpu.memory_space<vmem>>
      %dma_wait3A_105 = tpu.memref_squeeze %dma_wait3A_104 : memref<1x1024x512xf32, #tpu.memory_space<vmem>> -> memref<1024x512xf32, #tpu.memory_space<vmem>>
      %dma_wait3A_106 = arith.constant 0 : i32
      %dma_wait3A_107 = arith.constant 0 : i32
      %dma_wait3A_108 = tpu.memref_slice %arg12[%get3A_90, %dma_wait3A_106, %dma_wait3A_107] : memref<64x1024x512xf32, #tpu.memory_space<hbm>> -> memref<1x1024x512xf32, #tpu.memory_space<hbm>>
      %dma_wait3A_109 = tpu.memref_squeeze %dma_wait3A_108 : memref<1x1024x512xf32, #tpu.memory_space<hbm>> -> memref<1024x512xf32, #tpu.memory_space<hbm>>
      tpu.wait_dma2 semaphore(%dma_wait3A_101 : memref<!tpu.dma_semaphore, #tpu.memory_space<semaphore_mem>>) src(%dma_wait3A_109 : memref<1024x512xf32, #tpu.memory_space<hbm>>) dst(%dma_wait3A_105 : memref<1024x512xf32, #tpu.memory_space<vmem>>)
    } else {
    }
    %get3A_31 = arith.index_cast %arg0 : i32 to index
    %get3A_32 = memref.load %arg6[%get3A_31] : memref<95xi32, #tpu.memory_space<smem>>
    %get3A_33 = arith.constant 0 : index
    %get3A_34 = arith.constant 0 : index
    %get3A_35 = vector.load %arg10[%get3A_33, %get3A_34] : memref<256x1024xf32, #tpu.memory_space<vmem>>, vector<256x1024xf32>
    %get3A_36 = arith.index_cast %get3A_32 : i32 to index
    %get3A_37 = arith.constant 0 : index
    %get3A_38 = arith.constant 0 : index
    %get3A_39 = vector.load %arg17[%get3A_36, %get3A_37, %get3A_38] : memref<3x1024x1024xf32, #tpu.memory_space<vmem>>, vector<1x1024x1024xf32>
    %get3A_40 = vector.shape_cast %get3A_39 : vector<1x1024x1024xf32> to vector<1024x1024xf32>
    %dot_general3A = arith.constant dense<0.000000e+00> : vector<256x1024xf32>
    %dot_general3A_41 = tpu.matmul %get3A_35, %get3A_40, %dot_general3A {dimension_numbers = #tpu.dot_dimension_numbers<[1], [1], [0], [0], [0, 0, 1, 0], [], []>, transpose_lhs_hint = false} : vector<256x1024xf32>, vector<1024x1024xf32>, vector<256x1024xf32> -> vector<256x1024xf32>
    %get3A_42 = arith.constant 0 : index
    %get3A_43 = arith.constant 0 : index
    %get3A_44 = arith.constant 0 : index
    %get3A_45 = vector.load %arg13[%get3A_42, %get3A_43, %get3A_44] : memref<1x1x1024xf32, #tpu.memory_space<vmem>>, vector<1x1x1024xf32>
    %get3A_46 = vector.shape_cast %get3A_45 : vector<1x1x1024xf32> to vector<1x1024xf32>
    %add3A = vector.broadcast %get3A_46 : vector<1x1024xf32> to vector<256x1024xf32>
    %add3A_47 = arith.addf %dot_general3A_41, %add3A : vector<256x1024xf32>
    %slice3A = vector.extract_strided_slice %add3A_47 {offsets = [0, 0], sizes = [256, 512], strides = [1, 1]} : vector<256x1024xf32> to vector<256x512xf32>
    %slice3A_48 = vector.extract_strided_slice %add3A_47 {offsets = [0, 512], sizes = [256, 512], strides = [1, 1]} : vector<256x1024xf32> to vector<256x512xf32>
    %logistic3A = arith.negf %slice3A : vector<256x512xf32>
    %logistic3A_49 = math.exp %logistic3A : vector<256x512xf32>
    %logistic3A_50 = arith.constant 1.000000e+00 : f32
    %logistic3A_51 = vector.broadcast %logistic3A_50 : f32 to vector<256x512xf32>
    %logistic3A_52 = arith.addf %logistic3A_51, %logistic3A_49 : vector<256x512xf32>
    %logistic3A_53 = arith.divf %logistic3A_51, %logistic3A_52 : vector<256x512xf32>
    %mul3A = arith.mulf %slice3A, %logistic3A_53 : vector<256x512xf32>
    %mul3A_54 = arith.mulf %mul3A, %slice3A_48 : vector<256x512xf32>
    %get3A_55 = arith.index_cast %get3A_32 : i32 to index
    %get3A_56 = arith.constant 0 : index
    %get3A_57 = arith.constant 0 : index
    %get3A_58 = vector.load %arg18[%get3A_55, %get3A_56, %get3A_57] : memref<3x1024x512xf32, #tpu.memory_space<vmem>>, vector<1x1024x512xf32>
    %get3A_59 = vector.shape_cast %get3A_58 : vector<1x1024x512xf32> to vector<1024x512xf32>
    %dot_general3A_60 = arith.constant dense<0.000000e+00> : vector<256x1024xf32>
    %dot_general3A_61 = tpu.matmul %mul3A_54, %get3A_59, %dot_general3A_60 {dimension_numbers = #tpu.dot_dimension_numbers<[1], [1], [0], [0], [0, 0, 1, 0], [], []>, transpose_lhs_hint = false} : vector<256x512xf32>, vector<1024x512xf32>, vector<256x1024xf32> -> vector<256x1024xf32>
    %get3A_62 = arith.constant 0 : index
    %get3A_63 = arith.constant 0 : index
    %get3A_64 = arith.constant 0 : index
    %get3A_65 = vector.load %arg14[%get3A_62, %get3A_63, %get3A_64] : memref<1x1x1024xf32, #tpu.memory_space<vmem>>, vector<1x1x1024xf32>
    %get3A_66 = vector.shape_cast %get3A_65 : vector<1x1x1024xf32> to vector<1x1024xf32>
    %add3A_67 = vector.broadcast %get3A_66 : vector<1x1024xf32> to vector<256x1024xf32>
    %add3A_68 = arith.addf %dot_general3A_61, %add3A_67 : vector<256x1024xf32>
    %mul3A_69 = arith.constant 256 : i32
    %mul3A_70 = arith.muli %get3A_0, %mul3A_69 : i32
    %iota3A = tpu.iota {dimensions = array<i32: 0>} : vector<256x1xi32>
    %add3A_71 = vector.broadcast %mul3A_70 : i32 to vector<256x1xi32>
    %add3A_72 = arith.addi %add3A_71, %iota3A : vector<256x1xi32>
    %ge3A = vector.broadcast %get3A_2 : i32 to vector<256x1xi32>
    %ge3A_73 = arith.cmpi sge, %add3A_72, %ge3A : vector<256x1xi32>
    %lt3A = vector.broadcast %get3A_4 : i32 to vector<256x1xi32>
    %lt3A_74 = arith.cmpi slt, %add3A_72, %lt3A : vector<256x1xi32>
    %and3A = arith.andi %ge3A_73, %lt3A_74 : vector<256x1xi1>
    %get3A_75 = arith.constant 0 : index
    %get3A_76 = arith.constant 0 : index
    %get3A_77 = vector.load %arg15[%get3A_75, %get3A_76] : memref<256x8xf32, #tpu.memory_space<vmem>>, vector<256x1xf32>
    %jit3A = arith.constant 0.000000e+00 : f32
    %broadcast_in_dim3A = vector.broadcast %jit3A : f32 to vector<256x1xf32>
    %select_n3A = arith.select %and3A, %get3A_77, %broadcast_in_dim3A : vector<256x1xi1>, vector<256x1xf32>
    %mul3A_78 = vector.broadcast %select_n3A : vector<256x1xf32> to vector<256x1024xf32>
    %mul3A_79 = arith.mulf %add3A_68, %mul3A_78 : vector<256x1024xf32>
    %convert_element_type3A_80 = arith.extui %or3A : i1 to i32
    %cond3A_81 = arith.constant 0 : i32
    %cond3A_82 = arith.cmpi ne, %convert_element_type3A_80, %cond3A_81 : i32
    scf.if %cond3A_82 {
      %swap3A = arith.constant 0 : index
      %swap3A_87 = arith.constant 0 : index
      %swap3A_88 = vector.load %arg16[%swap3A, %swap3A_87] : memref<256x1024xf32, #tpu.memory_space<vmem>>, vector<256x1024xf32>
      tpu.vector_store %arg16[%swap3A, %swap3A_87], %mul3A_79 {strides = array<i32>} : memref<256x1024xf32, #tpu.memory_space<vmem>>, vector<256x1024xf32>,
    } else {
    }
    %not3A = arith.constant true
    %not3A_83 = arith.xori %or3A, %not3A : i1
    %convert_element_type3A_84 = arith.extui %not3A_83 : i1 to i32
    %cond3A_85 = arith.constant 0 : i32
    %cond3A_86 = arith.cmpi ne, %convert_element_type3A_84, %cond3A_85 : i32
    scf.if %cond3A_86 {
      %get3A_87 = arith.constant 0 : index
      %get3A_88 = arith.constant 0 : index
      %get3A_89 = vector.load %arg16[%get3A_87, %get3A_88] : memref<256x1024xf32, #tpu.memory_space<vmem>>, vector<256x1024xf32>
      %add3A_90 = arith.addf %get3A_89, %mul3A_79 : vector<256x1024xf32>
      %swap3A = arith.constant 0 : index
      %swap3A_91 = arith.constant 0 : index
      %swap3A_92 = vector.load %arg16[%swap3A, %swap3A_91] : memref<256x1024xf32, #tpu.memory_space<vmem>>, vector<256x1024xf32>
      tpu.vector_store %arg16[%swap3A, %swap3A_91], %add3A_90 {strides = array<i32>} : memref<256x1024xf32, #tpu.memory_space<vmem>>, vector<256x1024xf32>,
    } else {
    }
    return
  }
  func.func @transform_0(%arg0: i32, %arg1: memref<95xi32, #tpu.memory_space<smem>>, %arg2: memref<95xi32, #tpu.memory_space<smem>>, %arg3: memref<95xi32, #tpu.memory_space<smem>>, %arg4: memref<95xi32, #tpu.memory_space<smem>>, %arg5: memref<95xi32, #tpu.memory_space<smem>>, %arg6: memref<95xi32, #tpu.memory_space<smem>>, %arg7: memref<95xi32, #tpu.memory_space<smem>>, %arg8: memref<95xi32, #tpu.memory_space<smem>>, %arg9: memref<95xi32, #tpu.memory_space<smem>>) -> (i32, i32) {
    %get3A = arith.index_cast %arg0 : i32 to index
    %get3A_0 = memref.load %arg1[%get3A] : memref<95xi32, #tpu.memory_space<smem>>
    %c0_i32 = arith.constant 0 : i32
    %c0_i32_1 = arith.constant 0 : i32
    return %get3A_0, %c0_i32 : i32, i32
  }
  func.func @transform_3(%arg0: i32, %arg1: memref<95xi32, #tpu.memory_space<smem>>, %arg2: memref<95xi32, #tpu.memory_space<smem>>, %arg3: memref<95xi32, #tpu.memory_space<smem>>, %arg4: memref<95xi32, #tpu.memory_space<smem>>, %arg5: memref<95xi32, #tpu.memory_space<smem>>, %arg6: memref<95xi32, #tpu.memory_space<smem>>, %arg7: memref<95xi32, #tpu.memory_space<smem>>, %arg8: memref<95xi32, #tpu.memory_space<smem>>, %arg9: memref<95xi32, #tpu.memory_space<smem>>) -> (i32, i32, i32) {
    %get3A = arith.index_cast %arg0 : i32 to index
    %get3A_0 = memref.load %arg2[%get3A] : memref<95xi32, #tpu.memory_space<smem>>
    %c0_i32 = arith.constant 0 : i32
    %c0_i32_1 = arith.constant 0 : i32
    %c0_i32_2 = arith.constant 0 : i32
    return %get3A_0, %c0_i32, %c0_i32_1 : i32, i32, i32
  }
  func.func @transform_4(%arg0: i32, %arg1: memref<95xi32, #tpu.memory_space<smem>>, %arg2: memref<95xi32, #tpu.memory_space<smem>>, %arg3: memref<95xi32, #tpu.memory_space<smem>>, %arg4: memref<95xi32, #tpu.memory_space<smem>>, %arg5: memref<95xi32, #tpu.memory_space<smem>>, %arg6: memref<95xi32, #tpu.memory_space<smem>>, %arg7: memref<95xi32, #tpu.memory_space<smem>>, %arg8: memref<95xi32, #tpu.memory_space<smem>>, %arg9: memref<95xi32, #tpu.memory_space<smem>>) -> (i32, i32, i32) {
    %get3A = arith.index_cast %arg0 : i32 to index
    %get3A_0 = memref.load %arg2[%get3A] : memref<95xi32, #tpu.memory_space<smem>>
    %c0_i32 = arith.constant 0 : i32
    %c0_i32_1 = arith.constant 0 : i32
    %c0_i32_2 = arith.constant 0 : i32
    return %get3A_0, %c0_i32, %c0_i32_1 : i32, i32, i32
  }
  func.func @transform_5(%arg0: i32, %arg1: memref<95xi32, #tpu.memory_space<smem>>, %arg2: memref<95xi32, #tpu.memory_space<smem>>, %arg3: memref<95xi32, #tpu.memory_space<smem>>, %arg4: memref<95xi32, #tpu.memory_space<smem>>, %arg5: memref<95xi32, #tpu.memory_space<smem>>, %arg6: memref<95xi32, #tpu.memory_space<smem>>, %arg7: memref<95xi32, #tpu.memory_space<smem>>, %arg8: memref<95xi32, #tpu.memory_space<smem>>, %arg9: memref<95xi32, #tpu.memory_space<smem>>) -> (i32, i32) {
    %get3A = arith.index_cast %arg0 : i32 to index
    %get3A_0 = memref.load %arg1[%get3A] : memref<95xi32, #tpu.memory_space<smem>>
    %c0_i32 = arith.constant 0 : i32
    %c0_i32_1 = arith.constant 0 : i32
    return %get3A_0, %c0_i32 : i32, i32
  }
  func.func @transform_6(%arg0: i32, %arg1: memref<95xi32, #tpu.memory_space<smem>>, %arg2: memref<95xi32, #tpu.memory_space<smem>>, %arg3: memref<95xi32, #tpu.memory_space<smem>>, %arg4: memref<95xi32, #tpu.memory_space<smem>>, %arg5: memref<95xi32, #tpu.memory_space<smem>>, %arg6: memref<95xi32, #tpu.memory_space<smem>>, %arg7: memref<95xi32, #tpu.memory_space<smem>>, %arg8: memref<95xi32, #tpu.memory_space<smem>>, %arg9: memref<95xi32, #tpu.memory_space<smem>>) -> (i32, i32) {
    %get3A = arith.index_cast %arg0 : i32 to index
    %get3A_0 = memref.load %arg1[%get3A] : memref<95xi32, #tpu.memory_space<smem>>
    %c0_i32 = arith.constant 0 : i32
    %c0_i32_1 = arith.constant 0 : i32
    return %get3A_0, %c0_i32 : i32, i32
  }
}

</mosaic_0001>

<sc_bundles>
// kernel: gather_offload_async_start
scs
__scs_entry_jumppad:
0x0: {  	(pc) =	sbr.rel $0x88, $3  }
0x1: {  	(tag) =	ssettag $0x0;
	lr =	simm.s32 $0x1  }
0x2: {  	[smem:$0x3F9B] =	sst lr;
	_ =	strace $0xD0000000  }
0x3: {  	_ = 	snop  }
0x4: {  	_ = 	snop  }
0x5: {  	_ = 	snop  }
0x6: {  	_ = 	snop  }
0x7: {  	_ = 	snop  }
__scs_overlays_trampoline_lowered:
0x8: {  	[smem:$0x3FAA] =	sst s0  }
0x9: {  	[smem:$0x3FAB] =	sst s1  }
0xa: {  	[smem:$0x3FAC] =	sst s2  }
0xb: {  	[smem:$0x3FAD] =	sst s3  }
0xc: {  	[smem:$0x3FAE] =	sst s4  }
0xd: {  	[smem:$0x3FAF] =	sst s5  }
0xe: {  	[smem:$0x3FB0] =	sst s6  }
0xf: {  	[smem:$0x3FB1] =	sst s7  }
0x10: {  	[smem:$0x3FB2] =	sst s8  }
0x11: {  	[smem:$0x3FB3] =	sst s9;
	s0 =	simm.s32 @!p0 $0x0  }
0x12: {  	s1 =	sld [smem:$0x3F99];
	s0 =	simm.s32 @p0 $0x1  }
0x13: {  	[smem:$0x3FB4] =	sst s0;
	s0 =	simm.s32 @!p1 $0x0  }
0x14: {  	s2 =	sld [smem:$0x3F98];
	s0 =	simm.s32 @p1 $0x1  }
0x15: {  	[smem:$0x3FB5] =	sst s0;
	s0 =	simm.s32 @!p2 $0x0  }
0x16: {  	s3 =	sld [smem:$0x3FDB];
	s0 =	simm.s32 @p2 $0x1  }
0x17: {  	s4 =	simm.s32 $0x1BF5;
	[smem:$0x3FB7] =	sst s0  }
0x18: {  	s0 =	sld [smem:$0x3F9A];
	_ =	swait.ge [sflag:s4], $0x0  }
0x19: {  	s7 =	sld [smem:$0x3F9B]  }
0x1a: {  	s8 =	sadd.s32 $0xFFFFE003, lr  }
0x1b: {  	s9 =	sadd.s32 $0xFFFFFEF7, lr;
	s5 =	simm.s32 $0xFFFFFFFF;
	p2 =	slt.u32 s8, $0xFFFFF086  }
0x1c: {  	p1 =	slt.u32 s9, $0xF7A;
	s5 =	simm.s32 @!p2 $0x0  }
0x1d: {  	s5 =	simm.s32 @p1 $0x1;
	p0 =	seq.s32 s7, s2  }
0x1e: {  	s7 =	smul.u32 @!p0 $0xF7A, s2;
	p2 =	seq.s32 @!p0 s5, $0x0  }
0x1f: {  	s9 =	smul.u32 $0xF7A, s1;
	s8 =	simm.s32 @!p0 $0x1BF5;
	p2 =	por !p2, p0  }
0x20: {  	[sflag:s8] =	ssyncset.s32 @!p0 $0xFFFFF086;
	s6 =	sadd.s32 @!p0 s3, s7;
	s7 =	simm.s32 @!p0 $0x108  }
0x21: {  	s3 =	sadd.s32 s3, s9;
	s6 =	sadd.s32 @!p0 $0x88, s6;
	s7 =	simm.s32 @p2 $0x1082  }
0x22: {  	[simem:s7], [sflag:s8] =	dma.local @!p0 [hbm:s6], $0xF7A  }
0x23: {  	s9 =	sor.u32 $0xD0000000, s2;
	s6 =	simm.s32 $0x108;
	_ =	swait.ge @!p0 [sflag:s8], $0x0  }
0x24: {  	s3 =	sadd.s32 $0x88, s3;
	s6 =	simm.s32 @!p1 $0x1082;
	[sflag:s4] =	ssyncset.s32 $0xFFFFF086  }
0x25: {  	[simem:s6], [sflag:s4] =	dma.local [hbm:s3], $0xF7A  }
0x26: {  	[smem:$0x3F9B] =	sst s1;
	(tag) =	ssettag s2;
	_ =	strace s9  }
0x27: {  	s1 =	sld [smem:$0x3FAB]  }
0x28: {  	s2 =	sld [smem:$0x3FAC]  }
0x29: {  	s4 =	sld [smem:$0x3FAE]  }
0x2a: {  	p0 =	seq.s32 s5, $0x0;
	s5 =	sld [smem:$0x3FAF]  }
0x2b: {  	s6 =	sld [smem:$0x3FB0]  }
0x2c: {  	s7 =	sld [smem:$0x3FB1]  }
0x2d: {  	s3 =	simm.s32 $0x108;
	s8 =	sld [smem:$0x3FB2]  }
0x2e: {  	s3 =	simm.s32 @!p0 $0x1082;
	s9 =	sld [smem:$0x3FB3]  }
0x2f: {  	lr =	sadd.s32 s0, s3;
	s0 =	sld [smem:$0x3FAA]  }
0x30: {  	s3 =	sld [smem:$0x3FAD]  }
0x31: {  	[smem:$0x3FB6] =	sst s10  }
0x32: {  	s10 =	sld [smem:$0x3FB4];
	_ =	sdelay $0x3  }
0x33: {  	p0 =	seq.s32 s10, $0x1;
	s10 =	sld [smem:$0x3FB6];
	_ =	sdelay $0x3  }
0x34: {  	[smem:$0x3FB6] =	sst s10  }
0x35: {  	s10 =	sld [smem:$0x3FB5];
	_ =	sdelay $0x3  }
0x36: {  	p1 =	seq.s32 s10, $0x1;
	s10 =	sld [smem:$0x3FB6];
	_ =	sdelay $0x3  }
0x37: {  	[smem:$0x3FB6] =	sst s10  }
0x38: {  	s10 =	sld [smem:$0x3FB7]  }
0x39: {  	_ = 	snop;
	(pc) =	sbr.ind lr, $3  }
0x3a: {  	_ = 	snop  }
0x3b: {  	_ = 	snop  }
0x3c: {  	p2 =	seq.s32 s10, $0x1;
	s10 =	sld [smem:$0x3FB6]  }
0x3d: {  	_ =	shalt  }
0x3e: {  	_ =	shalt  }
0x3f: {  	_ =	shalt  }
0x40: {  	_ =	shalt  }
0x41: {  	_ =	shalt  }
0x42: {  	_ =	shalt  }
0x43: {  	_ =	shalt  }
0x44: {  	_ =	shalt  }
0x45: {  	_ =	shalt  }
0x46: {  	_ =	shalt  }
0x47: {  	_ =	shalt  }
0x48: {  	_ =	shalt  }
0x49: {  	_ =	shalt  }
0x4a: {  	_ =	shalt  }
0x4b: {  	_ =	shalt  }
0x4c: {  	_ =	shalt  }
0x4d: {  	_ =	shalt  }
0x4e: {  	_ =	shalt  }
0x4f: {  	_ =	shalt  }
0x50: {  	_ =	shalt  }
0x51: {  	_ =	shalt  }
0x52: {  	_ =	shalt  }
0x53: {  	_ =	shalt  }
0x54: {  	_ =	shalt  }
0x55: {  	_ =	shalt  }
0x56: {  	_ =	shalt  }
0x57: {  	_ =	shalt  }
0x58: {  	_ =	shalt  }
0x59: {  	_ =	shalt  }
0x5a: {  	_ =	shalt  }
0x5b: {  	_ =	shalt  }
0x5c: {  	_ =	shalt  }
0x5d: {  	_ =	shalt  }
0x5e: {  	_ =	shalt  }
0x5f: {  	_ =	shalt  }
0x60: {  	_ =	shalt  }
0x61: {  	_ =	shalt  }
0x62: {  	_ =	shalt  }
0x63: {  	_ =	shalt  }
0x64: {  	_ =	shalt  }
0x65: {  	_ =	shalt  }
0x66: {  	_ =	shalt  }
0x67: {  	_ =	shalt  }
0x68: {  	_ =	shalt  }
0x69: {  	_ =	shalt  }
0x6a: {  	_ =	shalt  }
0x6b: {  	_ =	shalt  }
0x6c: {  	_ =	shalt  }
0x6d: {  	_ =	shalt  }
0x6e: {  	_ =	shalt  }
0x6f: {  	_ =	shalt  }
0x70: {  	_ =	shalt  }
0x71: {  	_ =	shalt  }
0x72: {  	_ =	shalt  }
0x73: {  	_ =	shalt  }
0x74: {  	_ =	shalt  }
0x75: {  	_ =	shalt  }
0x76: {  	_ =	shalt  }
0x77: {  	_ =	shalt  }
0x78: {  	_ =	shalt  }
0x79: {  	_ =	shalt  }
0x7a: {  	_ =	shalt  }
0x7b: {  	_ =	shalt  }
0x7c: {  	_ =	shalt  }
0x7d: {  	_ =	shalt  }
0x7e: {  	_ =	shalt  }
0x7f: {  	_ =	shalt  }
0x80: {  	_ =	shalt  }
0x81: {  	_ =	shalt  }
0x82: {  	_ =	shalt  }
0x83: {  	_ =	shalt  }
0x84: {  	_ =	shalt  }
0x85: {  	_ =	shalt  }
0x86: {  	_ =	shalt  }
0x87: {  	_ =	shalt  }
.Lfunc_end0:
.L_simem_size_0:
called_computation.1_lowered:
.L_overlay_start_0:
0x88: {  	s2 =	sld [smem:$0x3FD9]  }
0x89: {  	s3 =	sld [smem:$0x3FFE];
	_ =	sdelay $0x1  }
0x8a: {  	s1 =	srdreg.scid  }
0x8b: {  	s0 =	sand.u32 $0x1, s1  }
0x8c: {  	s17 =	sshll.u32 s0, $0xA;
	s2 =	sadd.s32 s3, s2  }
0x8d: {  	s2 =	sadd.s32 s2, s17  }
0x8e: {  	[smem:$0x3FC2] =	sst s2  }
0x8f: {  	_ = 	snop  }
0x90: {  	(tm) =	ssettm $0x1  }
0x91: {  	s18 =	sld [smem:$0x3FFB];
	_ =	sdelay $0x3  }
0x92: {  	_ =	strace s18  }
0x93: {  	s2 =	sld [smem:$0x3FFC];
	_ =	sdelay $0x3  }
0x94: {  	_ =	strace s2  }
0x95: {  	s2 =	sld [smem:$0x3FFD];
	_ =	sdelay $0x3  }
0x96: {  	_ =	strace s2  }
0x97: {  	_ =	strace $0x8FFFFFFF  }
0x98: {  	s19 =	sld [smem:$0x3FDB];
	_ =	sdelay $0x1  }
0x99: {  	s20 =	simm.s32 $_scs_section_size  }
0x9a: {  	s4 =	simm.s32 $_size__tile_overlayer_lowered;
	s5 =	simm.s32 $_tile_overlayer_lowered  }
0x9b: {  	s6 =	simm.s32 $0x1BFF;
	s21 =	sshll.u32 s5, $0x1;
	s3 =	sadd.s32 s20, s19  }
0x9c: {  	s22 =	simm.s32 $0x0;
	s4 =	sshll.u32 s4, $0x1;
	s5 =	sadd.s32 s21, s3  }
0x9d: {  	[timem:s22], [sflag:s6] =	dma.local [hbm:s5], s4  }
0x9e: {  	_ =	swait.ge [sflag:s6], s4  }
0x9f: {  	s4 =	ssub.s32 $0x0, s4;
	[sflag:s6] =	ssyncset.done $0x0  }
0xa0: {  	[sflag:s6] =	ssyncadd.s32 s4;
	_ =	sdelay $0x1  }
0xa1: {  	s23 =	simm.s32 $0x1B8B  }
0xa2: {  	_ =	swait.ge [sflag:s23], $0x1  }
0xa3: {  	[sflag:s23] =	ssyncset.done $0x0  }
0xa4: {  	[sflag:s23] =	ssyncadd.s32 $0xFFFFFFFF  }
0xa5: {  	s4 =	sld [smem:$0x0]  }
0xa6: {  	s5 =	sand.u32 $0xFFFFFFFE, s1  }
0xa7: {  	p0 =	sne.s32 s1, s5  }
0xa8: {  	s5 =	sshll.u32 @p0 s5, $0xE  }
0xa9: {  	s5 =	sadd.s32 @p0 $0x11B8D, s5;
	s6 =	sshll.u32 @p0 s4, $0x11  }
0xaa: {  	s5 =	sor.u32 @p0 s6, s5  }
0xab: {  	[sflag:s5] =	ssyncadd.remote.s32 @p0 $0x1;
	_ =	sdelay $0x1  }
0xac: {  	s5 =	simm.s32 @p0 $0x1B8D  }
0xad: {  	_ =	swait.eq @p0 [sflag:s5], $0x1  }
0xae: {  	[sflag:s5] =	ssyncadd.s32 @p0 $0xFFFFFFFF  }
0xaf: {  	s6 =	sshll.u32 @!p0 s1, $0xE  }
0xb0: {  	s6 =	sor.u32 @!p0 $0x4000, s6;
	s5 =	simm.s32 @!p0 $0x1B8D  }
0xb1: {  	s4 =	sshll.u32 @!p0 s4, $0x11;
	s6 =	sadd.s32 @!p0 $0x11B8D, s6;
	_ =	swait.eq @!p0 [sflag:s5], $0x1  }
0xb2: {  	s4 =	sor.u32 @!p0 s4, s6;
	[sflag:s5] =	ssyncadd.s32 @!p0 $0xFFFFFFFF  }
0xb3: {  	s25 =	simm.s32 $0x1B8E;
	s24 =	sld [smem:$0x3FFE];
	[sflag:s4] =	ssyncadd.remote.s32 @!p0 $0x1  }
0xb4: {  	s26 =	simm.s32 $execute0_lowered;
	[smem:$0x3FD2] =	sst s25  }
0xb5: {  	s5 =	sshll.u32 s26, $0x1;
	_ =	strace $0x80000049;
	[dreg:$0x1] =	wrdreg $0xFFFFFFFF  }
0xb6: {  	s28 =	simm.s32 $_size_execute0_lowered;
	s3 =	sadd.s32 s3, s5;
	[dreg:$0x0] =	wrdreg $0x0  }
0xb7: {  	s5 =	sshll.u32 s28, $0x1;
	[dreg:$0x2] =	wrdreg s3  }
0xb8: {  	[dreg:$0x3] =	wrdreg s5  }
0xb9: {  	[dreg:$0x4] =	wrdreg $0xC0  }
0xba: {  	_ =	task [dreg:s22], $0x5FFFF  }
0xbb: {  	[dreg:$0x1] =	wrdreg $0xFFFFFFFF  }
0xbc: {  	[dreg:$0x0] =	wrdreg $0x60  }
0xbd: {  	[dreg:$0x2] =	wrdreg s24  }
0xbe: {  	[dreg:$0x3] =	wrdreg $0xA  }
0xbf: {  	_ =	task.clear_ibuf [dreg:s22], $0x4FFFF;
	_ =	strace $0x90000049  }
0xc0: {  	s29 =	simm.s32 $0xA;
	_ =	strace $0x8000004B  }
0xc1: {  	_ =	swait.ge [sflag:s29], $0x1  }
0xc2: {  	[sflag:s29] =	ssyncadd.s32 $0xFFFFFFFF  }
0xc3: {  	_ =	strace $0x9000004B  }
0xc4: {  	_ =	sfence  }
0xc5: {  	s30 =	sld [smem:$0x0];
	_ =	sdelay $0x2  }
0xc6: {  	s31 =	sshll.u32 s1, $0xD;
	s1 =	sshrl.u32 s1, $0x2  }
0xc7: {  	s4 =	sand.u32 $0x4000, s31;
	s1 =	sadd.s32 s1, s30  }
0xc8: {  	s0 =	sor.u32 s4, s0;
	s1 =	sshll.u32 s1, $0x11  }
0xc9: {  	s0 =	sor.u32 s1, s0  }
0xca: {  	s0 =	sadd.s32 $0x8F2B, s0  }
0xcb: {  	[sflag:s0] =	ssyncadd.remote.s32 $0x1  }
0xcc: {  	_ =	sfence.sel $0xFFFF  }
0xcd: {  	[dreg:$0x0] =	wrdreg $0xFFFFFFFF;
	(pc) =	sbr.abs _section_cstart, $3  }
0xce: {  	[dreg:$0x1] =	wrdreg $0xFFFFFFFF  }
0xcf: {  	_ =	task.clear_ibuf [dreg:s22], $0x2FFFF;
	_ =	strace $0x9FFFFFFF  }
0xd0: {  	(tm) =	ssettm $0x7FFFFFFF  }
0xd1: {  	_ =	shalt  }
tec
execute0_lowered:
.L_overlay_start_1:
0x0: {  	(tag) =	ssettag $0x1  }
0x1: {  	s1 =	srdreg.scid  }
0x2: {  	s0 =	stileid.u32;
	s2 =	rddreg [dreg:$0x0];
	s6 =	simm.s32 $0x1  }
0x3: {  	s9 =	simm.s32 $0x1;
	s10 =	simm.s32 $0x3;
	s1 =	sshll.u32 s1, $0x7  }
0x4: {  	s13 =	simm.s32 $0x0;
	s3 =	sshll.u32 s0, $0x8;
	s4 =	sand.u32 $0x80, s1  }
0x5: {  	s12 =	simm.s32 $0x0;
	s5 =	sadd.s32 $0x1200, s2;
	s3 =	sor.u32 s3, s4  }
0x6: {  	s1 =	rddreg [dreg:$0x1];
	_ =	strace $0x8000004A;
	s8 =	ssub.s32 $0x2000, s3  }
.Ltmp0:
0x7: {  	s4 =	sadd.s32 $0x400, s2;
	s7 =	sand.u32 $0xF80, s8;
	(pc) =	sbr.rel .LBB2_1-.Ltmp0, $4  }
0x8: {  	[sflag:s6] =	ssyncpa.u1 $0x0;
	s11 =	smov.u32 s3;
	p0 =	sne.s32 s7, $0x0  }
0x9: {  	s8 =	sshrl.u32 s8, $0xC;
	s7 =	simm.s32 $0x2;
	s9 =	simm.s32 @!p0 $0x0  }
0xa: {  	[sflag:s7] =	ssyncpa.u1 $0x0;
	p0 =	por $0x0, $0x0;
	s8 =	sadd.s32 s9, s8  }
0xb: {  	vm0 =	vmmov $0xffff;
	[sflag:s10] =	ssyncpa.u1 $0x0;
	s10 =	simm.s32 $0x0;
	s9 =	sadd.s32 $0x1, s8  }
.LBB2_4:
0xc: {  	v2 =	vnsel vm1, $0x0, v2  }
0xd: {  	vm1 =	vgt.s32 v0, $0x0;
	v2 =	vmin.u32 v2, $0x1FFF  }
0xe: {  	v0 =	vnsel vm1, $0x0, v0  }
0xf: {  	v0 =	vmin.u32 v0, $0x1FFF  }
0x10: {  	[tilespmem:s15], [sflag:$0x1] =	stream.indirect_vreg.gather [hbm4b:s2+s10], $0x1, v1, vm0, $0x4038;
	[tilespmem:$0x200] =	vst v63  }
0x11: {  	(ifvalue) =	ssetifvalue $0x7FFFFFFF  }
0x12: {  	[tilespmem:s16], [sflag:$0x1] =	stream.indirect_vreg.gather [hbm4b:s2+s10], $0x1, v2, vm0, $0x4038;
	[tilespmem:$0x200] =	vst v63  }
0x13: {  	s29 =	sadd.s32 $0x10, s16;
	(ifvalue) =	ssetifvalue $0x7FFFFFFF  }
0x14: {  	[tilespmem:s29], [sflag:$0x1] =	stream.indirect_vreg.gather [hbm4b:s2+s10], $0x1, v0, vm0, $0x4038;
	[tilespmem:$0x200] =	vst v63  }
0x15: {  	_ =	swait.ge [sflag:s6], $0x80  }
0x16: {  	s30 =	sshrl.u32 s13, $0x3;
	[sflag:s6] =	ssyncset.done $0x0  }
0x17: {  	s31 =	sand.u32 $0x7, s13;
	s15 =	sadd.s32 s5, s30;
	[sflag:s6] =	ssyncadd.s32 $0xFFFFFF80  }
0x18: {  	[hbm4b:s15+s31] =	stream.linear.scatter [tilespmem:s14], [sflag:$0x3], $0x80, $0x38;
	[tilespmem:$0x200] =	vst v63  }
.LBB2_5:
0x19: {  	s15 =	sadd.s32 $0x1000, s11  }
0x1a: {  	p2 =	sgt.s32 s15, $0x1FFF  }
0x1b: {  	s15 =	smov.u32 @p2 s3;
	p2 =	sne.s32 s12, s9  }
.Ltmp1:
0x1c: {  	p1 =	slt.u32 s12, $0x2;
	(pc) =	sbr.rel @!p2 .LBB2_6-.Ltmp1, $4  }
0x1d: {  	s14 =	simm.s32 @!p1 $0x3  }
0x1e: {  	s16 =	sadd.s32 $0x1, s12;
	_ =	swait.ge @!p1 [sflag:s14], $0x80  }
0x1f: {  	s13 =	smov.u32 s11;
	p0 =	por !p0, !p0;
	[sflag:s14] =	ssyncset.done @!p1 $0x0  }
0x20: {  	s12 =	smov.u32 s16;
	s11 =	smov.u32 s15;
	[sflag:s14] =	ssyncadd.s32 @!p1 $0xFFFFFF80  }
.LBB2_1:
0x21: {  	p1 =	sge.u32 s12, s8  }
0x22: {  	s14 =	sxor.u32 @!p1 $0xFFFFFFFF, s12  }
0x23: {  	s31 =	sadd.s32 $0xFFFFFFFF, s12;
	s15 =	sshrl.u32 @!p1 s11, $0x3;
	s14 =	sshll.u32 @!p1 s14, $0x7  }
0x24: {  	s16 =	sand.u32 @!p1 $0x7, s11;
	s15 =	sadd.s32 @!p1 s4, s15;
	s14 =	sand.u32 @!p1 $0x80, s14  }
0x25: {  	[tilespmem:s14], [sflag:$0x2] =	stream.linear.gather @!p1 [hbm4b:s15+s16], $0x80, $0x38;
	[tilespmem:$0x200] =	vst v63  }
0x26: {  	p1 =	sge.u32 s31, s8  }
.Ltmp2:
0x27: {  	_ = 	snop;
	(pc) =	sbr.rel @p1 .LBB2_5-.Ltmp2, $1  }
0x28: {  	_ =	sdelay $0x3  }
0x29: {  	s14 =	simm.s32 $0x1  }
0x2a: {  	_ =	swait.ge [sflag:s7], $0x80;
	s14 =	simm.s32 @!p0 $0x0  }
0x2b: {  	[sflag:s7] =	ssyncset.done $0x0;
	s14 =	sshll.u32 s14, $0x7  }
0x2c: {  	[sflag:s7] =	ssyncadd.s32 $0xFFFFFF80;
	(ifvalue) =	ssetifvalue $0x7FFFFFFF;
	v0 =	vld.msk [tilespmem:s14+$0x0 ss:$0x1], $0xffff;
	_ =	sdelay $0x4  }
0x2d: {  	s15 =	sadd.s32 $0x10, s14;
	vm1 =	vgt.s32 v0, $0x0  }
0x2e: {  	v2 =	vld.msk [tilespmem:s15+$0x0 ss:$0x1], $0xffff;
	v1 =	vnsel vm1, $0x0, v0  }
0x2f: {  	v1 =	vmin.u32 v1, $0x1FFF;
	_ =	sdelay $0x1  }
0x30: {  	s16 =	sshll.u32 s12, $0x7;
	s18 =	simm.s32 $0x20  }
0x31: {  	s16 =	sand.u32 $0x80, s16;
	s17 =	sadd.s32 $0x10, s15;
	s15 =	sor.u32 $0x100, s14  }
0x32: {  	s14 =	sor.u32 $0x100, s16;
	s16 =	sadd.s32 $0x10, s15;
	v0 =	vld.msk [tilespmem:s17+$0x0 ss:$0x1], $0xffff;
	vm1 =	vgt.s32 v2, $0x0;
	(ifvalue) =	ssetifvalue $0x7FFFFFFF  }
.LBB2_3:
0x33: {  	[tilespmem:s15], [sflag:$0x1] =	stream.indirect_vreg.gather [hbm4b:s2+s10], $0x1, v1, vm0, $0x4038;
	[tilespmem:$0x200] =	vst v63  }
0x34: {  	s18 =	sadd.s32 $0x10, s18  }
0x35: {  	v2 =	vnsel vm1, $0x0, v2;
	p1 =	slt.u32 s18, $0x70  }
.Ltmp3:
0x36: {  	s15 =	smov.u32 s16;
	v1 =	vmin.u32 v2, $0x1FFF;
	(pc) =	sbr.rel @p1 .LBB2_3-.Ltmp3, $3  }
0x37: {  	_ =	sdelay $0x1  }
0x38: {  	s17 =	sadd.s32 $0x10, s17  }
0x39: {  	vm1 =	vgt.s32 v0, $0x0;
	s16 =	sadd.s32 $0x10, s16;
	v2 =	vmov v0;
	(ifvalue) =	ssetifvalue $0x7FFFFFFF;
	v0 =	vld.msk [tilespmem:s17+$0x0 ss:$0x1], $0xffff  }
.Ltmp4:
0x3a: {  	_ = 	snop;
	(pc) =	sbr.rel .LBB2_4-.Ltmp4, $1  }
0x3b: {  	_ =	sdelay $0x3  }
.LBB2_6:
0x3c: {  	_ =	sfence.sel $0x180000  }
0x3d: {  	s2 =	simm.s32 $0x2;
	[bflag:$0x0] =	sbarrier.arrive $0xFFFF  }
0x3e: {  	s30 =	simm.s32 $0x3;
	[sflag:s2] =	ssyncpa.u1 $0x1  }
0x3f: {  	s31 =	simm.s32 $0x1;
	[sflag:s30] =	ssyncpa.u1 $0x1  }
0x40: {  	[sflag:s31] =	ssyncpa.u1 $0x1  }
0x41: {  	p0 =	sne.s32 s0, $0x0;
	_ =	strace $0x9000004A  }
0x42: {  	s0 =	sadd.s32 @!p0 $0x100000, s1;
	[bflag:$0x2] =	sbarrier.arrive $0xFFFF  }
0x43: {  	[sflag:s0] =	ssyncadd.tile.s32 @!p0 $0x1;
	_ =	shalt  }
.Lfunc_end2:
_tile_overlayer_lowered:
.L_overlay_start_2:
0x44: {  	(tag) =	ssettag $0x2  }
0x45: {  	s0 =	rddreg [dreg:$0x0];
	s2 =	stileid.u32  }
0x46: {  	s1 =	rddreg [dreg:$0x1];
	p0 =	sne.s32 s2, $0x0  }
0x47: {  	s3 =	rddreg [dreg:$0x2];
	[bflag:$0x3] =	sbarrier.arrive $0xFFFF;
	s2 =	simm.s32 @!p0 $0x1C01  }
0x48: {  	[timem:s3], [sflag:s2] =	dma.local @!p0 [hbm:s0], s1  }
0x49: {  	s0 =	simm.s32 @!p0 $0x1  }
0x4a: {  	_ =	swait.ge @!p0 [sflag:s0], s1  }
0x4b: {  	s1 =	ssub.s32 @!p0 $0x0, s1;
	[sflag:s0] =	ssyncset.done @!p0 $0x0  }
0x4c: {  	[sflag:s0] =	ssyncadd.s32 @!p0 s1  }
0x4d: {  	[bflag:$0x3] =	sbarrier.arrive $0xFFFF  }
0x4e: {  	_ =	shalt  }

// kernel: kernel.6.cloned.1.call-start
scs
__scs_entry_jumppad:
0x0: {  	(pc) =	sbr.rel $0x88, $3  }
0x1: {  	(tag) =	ssettag $0x0;
	lr =	simm.s32 $0x1  }
0x2: {  	[smem:$0x3F9B] =	sst lr;
	_ =	strace $0xD0000000  }
0x3: {  	_ = 	snop  }
0x4: {  	_ = 	snop  }
0x5: {  	_ = 	snop  }
0x6: {  	_ = 	snop  }
0x7: {  	_ = 	snop  }
__scs_overlays_trampoline_lowered:
0x8: {  	[smem:$0x3FAA] =	sst s0  }
0x9: {  	[smem:$0x3FAB] =	sst s1  }
0xa: {  	[smem:$0x3FAC] =	sst s2  }
0xb: {  	[smem:$0x3FAD] =	sst s3  }
0xc: {  	[smem:$0x3FAE] =	sst s4  }
0xd: {  	[smem:$0x3FAF] =	sst s5  }
0xe: {  	[smem:$0x3FB0] =	sst s6  }
0xf: {  	[smem:$0x3FB1] =	sst s7  }
0x10: {  	[smem:$0x3FB2] =	sst s8  }
0x11: {  	[smem:$0x3FB3] =	sst s9;
	s0 =	simm.s32 @!p0 $0x0  }
0x12: {  	s1 =	sld [smem:$0x3F99];
	s0 =	simm.s32 @p0 $0x1  }
0x13: {  	[smem:$0x3FB4] =	sst s0;
	s0 =	simm.s32 @!p1 $0x0  }
0x14: {  	s2 =	sld [smem:$0x3F98];
	s0 =	simm.s32 @p1 $0x1  }
0x15: {  	[smem:$0x3FB5] =	sst s0;
	s0 =	simm.s32 @!p2 $0x0  }
0x16: {  	s3 =	sld [smem:$0x3FDB];
	s0 =	simm.s32 @p2 $0x1  }
0x17: {  	s4 =	simm.s32 $0x1BF5;
	[smem:$0x3FB7] =	sst s0  }
0x18: {  	s0 =	sld [smem:$0x3F9A];
	_ =	swait.ge [sflag:s4], $0x0  }
0x19: {  	s7 =	sld [smem:$0x3F9B]  }
0x1a: {  	s8 =	sadd.s32 $0xFFFFE003, lr  }
0x1b: {  	s9 =	sadd.s32 $0xFFFFFEF7, lr;
	s5 =	simm.s32 $0xFFFFFFFF;
	p2 =	slt.u32 s8, $0xFFFFF086  }
0x1c: {  	p1 =	slt.u32 s9, $0xF7A;
	s5 =	simm.s32 @!p2 $0x0  }
0x1d: {  	s5 =	simm.s32 @p1 $0x1;
	p0 =	seq.s32 s7, s2  }
0x1e: {  	s7 =	smul.u32 @!p0 $0xF7A, s2;
	p2 =	seq.s32 @!p0 s5, $0x0  }
0x1f: {  	s9 =	smul.u32 $0xF7A, s1;
	s8 =	simm.s32 @!p0 $0x1BF5;
	p2 =	por !p2, p0  }
0x20: {  	[sflag:s8] =	ssyncset.s32 @!p0 $0xFFFFF086;
	s6 =	sadd.s32 @!p0 s3, s7;
	s7 =	simm.s32 @!p0 $0x108  }
0x21: {  	s3 =	sadd.s32 s3, s9;
	s6 =	sadd.s32 @!p0 $0x88, s6;
	s7 =	simm.s32 @p2 $0x1082  }
0x22: {  	[simem:s7], [sflag:s8] =	dma.local @!p0 [hbm:s6], $0xF7A  }
0x23: {  	s9 =	sor.u32 $0xD0000000, s2;
	s6 =	simm.s32 $0x108;
	_ =	swait.ge @!p0 [sflag:s8], $0x0  }
0x24: {  	s3 =	sadd.s32 $0x88, s3;
	s6 =	simm.s32 @!p1 $0x1082;
	[sflag:s4] =	ssyncset.s32 $0xFFFFF086  }
0x25: {  	[simem:s6], [sflag:s4] =	dma.local [hbm:s3], $0xF7A  }
0x26: {  	[smem:$0x3F9B] =	sst s1;
	(tag) =	ssettag s2;
	_ =	strace s9  }
0x27: {  	s1 =	sld [smem:$0x3FAB]  }
0x28: {  	s2 =	sld [smem:$0x3FAC]  }
0x29: {  	s4 =	sld [smem:$0x3FAE]  }
0x2a: {  	p0 =	seq.s32 s5, $0x0;
	s5 =	sld [smem:$0x3FAF]  }
0x2b: {  	s6 =	sld [smem:$0x3FB0]  }
0x2c: {  	s7 =	sld [smem:$0x3FB1]  }
0x2d: {  	s3 =	simm.s32 $0x108;
	s8 =	sld [smem:$0x3FB2]  }
0x2e: {  	s3 =	simm.s32 @!p0 $0x1082;
	s9 =	sld [smem:$0x3FB3]  }
0x2f: {  	lr =	sadd.s32 s0, s3;
	s0 =	sld [smem:$0x3FAA]  }
0x30: {  	s3 =	sld [smem:$0x3FAD]  }
0x31: {  	[smem:$0x3FB6] =	sst s10  }
0x32: {  	s10 =	sld [smem:$0x3FB4];
	_ =	sdelay $0x3  }
0x33: {  	p0 =	seq.s32 s10, $0x1;
	s10 =	sld [smem:$0x3FB6];
	_ =	sdelay $0x3  }
0x34: {  	[smem:$0x3FB6] =	sst s10  }
0x35: {  	s10 =	sld [smem:$0x3FB5];
	_ =	sdelay $0x3  }
0x36: {  	p1 =	seq.s32 s10, $0x1;
	s10 =	sld [smem:$0x3FB6];
	_ =	sdelay $0x3  }
0x37: {  	[smem:$0x3FB6] =	sst s10  }
0x38: {  	s10 =	sld [smem:$0x3FB7]  }
0x39: {  	_ = 	snop;
	(pc) =	sbr.ind lr, $3  }
0x3a: {  	_ = 	snop  }
0x3b: {  	_ = 	snop  }
0x3c: {  	p2 =	seq.s32 s10, $0x1;
	s10 =	sld [smem:$0x3FB6]  }
0x3d: {  	_ =	shalt  }
0x3e: {  	_ =	shalt  }
0x3f: {  	_ =	shalt  }
0x40: {  	_ =	shalt  }
0x41: {  	_ =	shalt  }
0x42: {  	_ =	shalt  }
0x43: {  	_ =	shalt  }
0x44: {  	_ =	shalt  }
0x45: {  	_ =	shalt  }
0x46: {  	_ =	shalt  }
0x47: {  	_ =	shalt  }
0x48: {  	_ =	shalt  }
0x49: {  	_ =	shalt  }
0x4a: {  	_ =	shalt  }
0x4b: {  	_ =	shalt  }
0x4c: {  	_ =	shalt  }
0x4d: {  	_ =	shalt  }
0x4e: {  	_ =	shalt  }
0x4f: {  	_ =	shalt  }
0x50: {  	_ =	shalt  }
0x51: {  	_ =	shalt  }
0x52: {  	_ =	shalt  }
0x53: {  	_ =	shalt  }
0x54: {  	_ =	shalt  }
0x55: {  	_ =	shalt  }
0x56: {  	_ =	shalt  }
0x57: {  	_ =	shalt  }
0x58: {  	_ =	shalt  }
0x59: {  	_ =	shalt  }
0x5a: {  	_ =	shalt  }
0x5b: {  	_ =	shalt  }
0x5c: {  	_ =	shalt  }
0x5d: {  	_ =	shalt  }
0x5e: {  	_ =	shalt  }
0x5f: {  	_ =	shalt  }
0x60: {  	_ =	shalt  }
0x61: {  	_ =	shalt  }
0x62: {  	_ =	shalt  }
0x63: {  	_ =	shalt  }
0x64: {  	_ =	shalt  }
0x65: {  	_ =	shalt  }
0x66: {  	_ =	shalt  }
0x67: {  	_ =	shalt  }
0x68: {  	_ =	shalt  }
0x69: {  	_ =	shalt  }
0x6a: {  	_ =	shalt  }
0x6b: {  	_ =	shalt  }
0x6c: {  	_ =	shalt  }
0x6d: {  	_ =	shalt  }
0x6e: {  	_ =	shalt  }
0x6f: {  	_ =	shalt  }
0x70: {  	_ =	shalt  }
0x71: {  	_ =	shalt  }
0x72: {  	_ =	shalt  }
0x73: {  	_ =	shalt  }
0x74: {  	_ =	shalt  }
0x75: {  	_ =	shalt  }
0x76: {  	_ =	shalt  }
0x77: {  	_ =	shalt  }
0x78: {  	_ =	shalt  }
0x79: {  	_ =	shalt  }
0x7a: {  	_ =	shalt  }
0x7b: {  	_ =	shalt  }
0x7c: {  	_ =	shalt  }
0x7d: {  	_ =	shalt  }
0x7e: {  	_ =	shalt  }
0x7f: {  	_ =	shalt  }
0x80: {  	_ =	shalt  }
0x81: {  	_ =	shalt  }
0x82: {  	_ =	shalt  }
0x83: {  	_ =	shalt  }
0x84: {  	_ =	shalt  }
0x85: {  	_ =	shalt  }
0x86: {  	_ =	shalt  }
0x87: {  	_ =	shalt  }
.Lfunc_end0:
.L_simem_size_0:
called_computation.2_lowered:
.L_overlay_start_0:
0x88: {  	s2 =	sld [smem:$0x3FD9]  }
0x89: {  	s3 =	sld [smem:$0x3FFE];
	_ =	sdelay $0x1  }
0x8a: {  	s1 =	srdreg.scid  }
0x8b: {  	s0 =	sand.u32 $0x1, s1  }
0x8c: {  	s17 =	sshll.u32 s0, $0xA;
	s2 =	sadd.s32 s3, s2  }
0x8d: {  	s2 =	sadd.s32 s2, s17  }
0x8e: {  	[smem:$0x3FC2] =	sst s2  }
0x8f: {  	_ = 	snop  }
0x90: {  	s18 =	sld [smem:$0x3FC9];
	(tm) =	ssettm $0x1  }
0x91: {  	s19 =	sld [smem:$0x3FFB];
	_ =	sdelay $0x3  }
0x92: {  	_ =	strace s19  }
0x93: {  	s2 =	sld [smem:$0x3FFC];
	_ =	sdelay $0x3  }
0x94: {  	_ =	strace s2  }
0x95: {  	s2 =	sld [smem:$0x3FFD];
	_ =	sdelay $0x3  }
0x96: {  	_ =	strace s2  }
0x97: {  	_ =	strace $0x8FFFFFFF  }
0x98: {  	s20 =	sld [smem:$0x3FDB];
	_ =	sdelay $0x1  }
0x99: {  	s4 =	simm.s32 $_scs_section_size  }
0x9a: {  	s5 =	simm.s32 $_size__tile_overlayer_lowered;
	s6 =	simm.s32 $_tile_overlayer_lowered  }
0x9b: {  	s7 =	simm.s32 $0x1BFF;
	s21 =	sshll.u32 s6, $0x1;
	s4 =	sadd.s32 s4, s20  }
0x9c: {  	s22 =	simm.s32 $0x0;
	s5 =	sshll.u32 s5, $0x1;
	s6 =	sadd.s32 s21, s4  }
0x9d: {  	[timem:s22], [sflag:s7] =	dma.local [hbm:s6], s5  }
0x9e: {  	_ =	swait.ge [sflag:s7], s5  }
0x9f: {  	s5 =	ssub.s32 $0x0, s5;
	[sflag:s7] =	ssyncset.done $0x0  }
0xa0: {  	[sflag:s7] =	ssyncadd.s32 s5;
	_ =	sdelay $0x1  }
0xa1: {  	s23 =	simm.s32 $0x1B8B  }
0xa2: {  	_ =	swait.ge [sflag:s23], $0x1  }
0xa3: {  	[sflag:s23] =	ssyncset.done $0x0  }
0xa4: {  	[sflag:s23] =	ssyncadd.s32 $0xFFFFFFFF  }
0xa5: {  	s5 =	sld [smem:$0x0]  }
0xa6: {  	s6 =	sand.u32 $0xFFFFFFFE, s1  }
0xa7: {  	p0 =	sne.s32 s1, s6  }
0xa8: {  	s6 =	sshll.u32 @p0 s6, $0xE  }
0xa9: {  	s6 =	sadd.s32 @p0 $0x11B8D, s6;
	s7 =	sshll.u32 @p0 s5, $0x11  }
0xaa: {  	s6 =	sor.u32 @p0 s7, s6  }
0xab: {  	[sflag:s6] =	ssyncadd.remote.s32 @p0 $0x1;
	_ =	sdelay $0x1  }
0xac: {  	s6 =	simm.s32 @p0 $0x1B8D  }
0xad: {  	_ =	swait.eq @p0 [sflag:s6], $0x1  }
0xae: {  	[sflag:s6] =	ssyncadd.s32 @p0 $0xFFFFFFFF  }
0xaf: {  	s7 =	sshll.u32 @!p0 s1, $0xE  }
0xb0: {  	s7 =	sor.u32 @!p0 $0x4000, s7;
	s6 =	simm.s32 @!p0 $0x1B8D  }
0xb1: {  	s5 =	sshll.u32 @!p0 s5, $0x11;
	s7 =	sadd.s32 @!p0 $0x11B8D, s7;
	_ =	swait.eq @!p0 [sflag:s6], $0x1  }
0xb2: {  	s5 =	sor.u32 @!p0 s5, s7;
	[sflag:s6] =	ssyncadd.s32 @!p0 $0xFFFFFFFF  }
0xb3: {  	s25 =	simm.s32 $0x1B8E;
	s24 =	sld [smem:$0x3FFE];
	[sflag:s5] =	ssyncadd.remote.s32 @!p0 $0x1  }
0xb4: {  	s26 =	simm.s32 $execute0_lowered;
	[smem:$0x3FD2] =	sst s25  }
0xb5: {  	s6 =	sshll.u32 s26, $0x1;
	_ =	strace $0x8000004C;
	[dreg:$0x1] =	wrdreg $0xFFFFFFFF  }
0xb6: {  	s28 =	simm.s32 $_size_execute0_lowered;
	s4 =	sadd.s32 s4, s6;
	[dreg:$0x0] =	wrdreg $0x0  }
0xb7: {  	s6 =	sshll.u32 s28, $0x1;
	[dreg:$0x2] =	wrdreg s4  }
0xb8: {  	[dreg:$0x3] =	wrdreg s6  }
0xb9: {  	[dreg:$0x4] =	wrdreg $0xC0  }
0xba: {  	_ =	task [dreg:s22], $0x5FFFF  }
0xbb: {  	[dreg:$0x1] =	wrdreg $0xFFFFFFFF  }
0xbc: {  	[dreg:$0x0] =	wrdreg $0x60  }
0xbd: {  	[dreg:$0x2] =	wrdreg s18  }
0xbe: {  	[dreg:$0x3] =	wrdreg s24  }
0xbf: {  	[dreg:$0x4] =	wrdreg $0xB  }
0xc0: {  	_ =	task.clear_ibuf [dreg:s22], $0x5FFFF;
	_ =	strace $0x9000004C  }
0xc1: {  	s29 =	simm.s32 $0xB;
	_ =	strace $0x8000004E  }
0xc2: {  	_ =	swait.ge [sflag:s29], $0x1  }
0xc3: {  	[sflag:s29] =	ssyncadd.s32 $0xFFFFFFFF  }
0xc4: {  	_ =	strace $0x9000004E  }
0xc5: {  	_ =	sfence  }
0xc6: {  	s30 =	sld [smem:$0x0];
	_ =	sdelay $0x2  }
0xc7: {  	s31 =	sshll.u32 s1, $0xD;
	s1 =	sshrl.u32 s1, $0x2  }
0xc8: {  	s4 =	sand.u32 $0x4000, s31;
	s1 =	sadd.s32 s1, s30  }
0xc9: {  	s0 =	sor.u32 s4, s0;
	s1 =	sshll.u32 s1, $0x11  }
0xca: {  	s0 =	sor.u32 s1, s0  }
0xcb: {  	s0 =	sadd.s32 $0x8F2B, s0  }
0xcc: {  	[sflag:s0] =	ssyncadd.remote.s32 $0x1  }
0xcd: {  	_ =	sfence.sel $0xFFFF  }
0xce: {  	[dreg:$0x0] =	wrdreg $0xFFFFFFFF;
	(pc) =	sbr.abs _section_cstart, $3  }
0xcf: {  	[dreg:$0x1] =	wrdreg $0xFFFFFFFF  }
0xd0: {  	_ =	task.clear_ibuf [dreg:s22], $0x2FFFF;
	_ =	strace $0x9FFFFFFF  }
0xd1: {  	(tm) =	ssettm $0x7FFFFFFF  }
tec
execute0_lowered:
.L_overlay_start_1:
0x0: {  	(tag) =	ssettag $0x1  }
0x1: {  	s0 =	srdreg.scid;
	s2 =	rddreg [dreg:$0x0]  }
0x2: {  	s1 =	stileid.u32;
	s4 =	rddreg [dreg:$0x1];
	s8 =	simm.s32 $0x3  }
0x3: {  	s9 =	simm.s32 $0x100;
	s28 =	simm.s32 $0x3100;
	s29 =	simm.s32 $0x3900  }
0x4: {  	s30 =	simm.s32 $0x4100;
	s31 =	simm.s32 $0x4900;
	s0 =	sand.u32 $0x1, s0  }
0x5: {  	s16 =	simm.s32 $0x5100;
	s1 =	sshll.u32 s1, $0x9;
	s3 =	sshll.u32 s0, $0x8  }
0x6: {  	s15 =	simm.s32 $0x5900;
	s11 =	simm.s32 $0x6900;
	s1 =	sor.u32 s3, s1  }
0x7: {  	s12 =	simm.s32 $0x7100;
	s13 =	simm.s32 $0x7900;
	s5 =	sshrl.u32 s1, $0x3  }
0x8: {  	s3 =	simm.s32 $0x0;
	s1 =	sshll.u32 s1, $0x7;
	s5 =	sadd.s32 s5, s4  }
0x9: {  	[smem:$0x7FF] =	sst s3;
	s1 =	sadd.s32 s1, s4;
	s18 =	sadd.s32 $0x800, s5  }
0xa: {  	_ =	strace $0x8000004D;
	s19 =	sadd.s32 $0x1600, s1;
	[dreg:$0x3] =	wrdreg s18  }
0xb: {  	s6 =	sadd.s32 $0x300, s2;
	s20 =	sadd.s32 $0x2600, s1;
	[dreg:$0x4] =	wrdreg s19  }
0xc: {  	s0 =	ssub.s32 $0x2, s0;
	s21 =	sadd.s32 $0x3600, s1;
	[dreg:$0x5] =	wrdreg s20  }
0xd: {  	s24 =	sshrl.u32 s0, $0x1;
	s22 =	sadd.s32 $0x4600, s1;
	[dreg:$0x6] =	wrdreg s21  }
0xe: {  	s0 =	ssub.s32 s0, s24;
	s23 =	sadd.s32 $0x5600, s1;
	[dreg:$0x7] =	wrdreg s22  }
0xf: {  	s24 =	simm.s32 $0x2100;
	s25 =	sadd.s32 $0x6600, s1;
	[dreg:$0x8] =	wrdreg s23  }
0x10: {  	s4 =	sadd.s32 $0x100, s2;
	s26 =	sadd.s32 $0x7600, s1;
	[dreg:$0x9] =	wrdreg s25  }
0x11: {  	s7 =	smax.u32 s0, $0x1;
	s1 =	sadd.s32 $0x8600, s1;
	[dreg:$0xa] =	wrdreg s26  }
0x12: {  	v2 =	vlaneseq.u32;
	s5 =	sadd.s32 $0x200, s2;
	[dreg:$0xb] =	wrdreg s1;
	s25 =	simm.s32 $0x8100  }
0x13: {  	vm0 =	vmmov $0xffff;
	v1 =	vshrl.u32 v2, $0x3;
	s18 =	simm.s32 $0x1;
	s19 =	simm.s32 $0x2;
	s21 =	simm.s32 $0x900  }
0x14: {  	v0 =	vand.u32 $0x7, v2;
	v2 =	vor.u32 $0x8, v2;
	v1 =	vmul.u32 $0x8, v1;
	s22 =	simm.s32 $0x1100;
	s23 =	simm.s32 $0x1900;
	s26 =	simm.s32 $0x2900  }
.LBB2_1:
0x15: {  	s20 =	rddreg [dreg:$0x3]  }
0x16: {  	[tilespmem:s3], [sflag:$0x3] =	stream.linear.gather [hbm4b:s20+s3], $0x100, $0x38;
	[tilespmem:$0x10100] =	vst v63  }
0x17: {  	_ =	swait.ge [sflag:s8], $0x100  }
0x18: {  	[sflag:s8] =	ssyncset.done $0x0  }
0x19: {  	[sflag:s8] =	ssyncadd.s32 $0xFFFFFF00  }
0x1a: {  	v3 =	vld [tilespmem:$0x0];
	_ =	sdelay $0x4  }
0x1b: {  	v4 =	vshll.u32 v3, $0x3  }
0x1c: {  	v3 =	vand.u32 $0x7, v3;
	v4 =	vand.u32 $0xFFFFFFC0, v4  }
0x1d: {  	v3 =	vor.u32 v3, v4  }
0x1e: {  	v4 =	vperm.xlane v3, v0;
	_ =	sdelay $0x1  }
0x1f: {  	v4 =	vadd.s32 v1, v4;
	_ =	sdelay $0x4  }
0x20: {  	[tilespmem:s9], [sflag:$0x1] =	stream.indirect_vreg.gather [hbm4b:s2+s3], $0x80, v4, vm0, $0xb8;
	[tilespmem:$0x10100] =	vst v63  }
0x21: {  	v3 =	vperm.xlane v3, v2  }
0x22: {  	[tilespmem:s21], [sflag:$0x1] =	stream.indirect_vreg.gather [hbm4b:s4+s3], $0x80, v4, vm0, $0xb8;
	[tilespmem:$0x10100] =	vst v63  }
0x23: {  	v3 =	vadd.s32 v1, v3  }
0x24: {  	[tilespmem:s22], [sflag:$0x1] =	stream.indirect_vreg.gather [hbm4b:s5+s3], $0x80, v4, vm0, $0xb8;
	[tilespmem:$0x10100] =	vst v63  }
0x25: {  	_ = 	snop  }
0x26: {  	[tilespmem:s23], [sflag:$0x1] =	stream.indirect_vreg.gather [hbm4b:s6+s3], $0x80, v4, vm0, $0xb8;
	[tilespmem:$0x10100] =	vst v63  }
0x27: {  	_ = 	snop  }
0x28: {  	[tilespmem:s24], [sflag:$0x1] =	stream.indirect_vreg.gather [hbm4b:s2+s3], $0x80, v3, vm0, $0xb8;
	[tilespmem:$0x10100] =	vst v63  }
0x29: {  	_ = 	snop  }
0x2a: {  	[tilespmem:s26], [sflag:$0x1] =	stream.indirect_vreg.gather [hbm4b:s4+s3], $0x80, v3, vm0, $0xb8;
	[tilespmem:$0x10100] =	vst v63  }
0x2b: {  	_ = 	snop  }
0x2c: {  	[tilespmem:s28], [sflag:$0x1] =	stream.indirect_vreg.gather [hbm4b:s5+s3], $0x80, v3, vm0, $0xb8;
	[tilespmem:$0x10100] =	vst v63  }
0x2d: {  	_ = 	snop  }
0x2e: {  	[tilespmem:s29], [sflag:$0x1] =	stream.indirect_vreg.gather [hbm4b:s6+s3], $0x80, v3, vm0, $0xb8;
	[tilespmem:$0x10100] =	vst v63  }
0x2f: {  	v3 =	vld [tilespmem:$0x10];
	_ =	sdelay $0x4  }
0x30: {  	v49 =	vshll.u32 v3, $0x3  }
0x31: {  	v3 =	vand.u32 $0x7, v3;
	v4 =	vand.u32 $0xFFFFFFC0, v49  }
0x32: {  	v3 =	vor.u32 v3, v4  }
0x33: {  	v4 =	vperm.xlane v3, v0;
	_ =	sdelay $0x1  }
0x34: {  	v4 =	vadd.s32 v1, v4;
	_ =	sdelay $0x4  }
0x35: {  	[tilespmem:s30], [sflag:$0x1] =	stream.indirect_vreg.gather [hbm4b:s2+s3], $0x80, v4, vm0, $0xb8;
	[tilespmem:$0x10100] =	vst v63  }
0x36: {  	v3 =	vperm.xlane v3, v2  }
0x37: {  	[tilespmem:s31], [sflag:$0x1] =	stream.indirect_vreg.gather [hbm4b:s4+s3], $0x80, v4, vm0, $0xb8;
	[tilespmem:$0x10100] =	vst v63  }
0x38: {  	v3 =	vadd.s32 v1, v3  }
0x39: {  	[tilespmem:s16], [sflag:$0x1] =	stream.indirect_vreg.gather [hbm4b:s5+s3], $0x80, v4, vm0, $0xb8;
	[tilespmem:$0x10100] =	vst v63  }
0x3a: {  	_ = 	snop  }
0x3b: {  	[tilespmem:s15], [sflag:$0x1] =	stream.indirect_vreg.gather [hbm4b:s6+s3], $0x80, v4, vm0, $0xb8;
	[tilespmem:$0x10100] =	vst v63  }
0x3c: {  	s10 =	simm.s32 $0x6100  }
0x3d: {  	[tilespmem:s10], [sflag:$0x1] =	stream.indirect_vreg.gather [hbm4b:s2+s3], $0x80, v3, vm0, $0xb8;
	[tilespmem:$0x10100] =	vst v63  }
0x3e: {  	_ = 	snop  }
0x3f: {  	[tilespmem:s11], [sflag:$0x1] =	stream.indirect_vreg.gather [hbm4b:s4+s3], $0x80, v3, vm0, $0xb8;
	[tilespmem:$0x10100] =	vst v63  }
0x40: {  	_ = 	snop  }
0x41: {  	[tilespmem:s12], [sflag:$0x1] =	stream.indirect_vreg.gather [hbm4b:s5+s3], $0x80, v3, vm0, $0xb8;
	[tilespmem:$0x10100] =	vst v63  }
0x42: {  	_ = 	snop  }
0x43: {  	[tilespmem:s13], [sflag:$0x1] =	stream.indirect_vreg.gather [hbm4b:s6+s3], $0x80, v3, vm0, $0xb8;
	[tilespmem:$0x10100] =	vst v63  }
0x44: {  	v3 =	vld [tilespmem:$0x20];
	_ =	sdelay $0x4  }
0x45: {  	v50 =	vshll.u32 v3, $0x3  }
0x46: {  	v3 =	vand.u32 $0x7, v3;
	v4 =	vand.u32 $0xFFFFFFC0, v50  }
0x47: {  	v3 =	vor.u32 v3, v4  }
0x48: {  	v4 =	vperm.xlane v3, v0;
	_ =	sdelay $0x1  }
0x49: {  	v4 =	vadd.s32 v1, v4;
	_ =	sdelay $0x4  }
0x4a: {  	[tilespmem:s25], [sflag:$0x2] =	stream.indirect_vreg.gather [hbm4b:s2+s3], $0x80, v4, vm0, $0xb8;
	[tilespmem:$0x10100] =	vst v63  }
0x4b: {  	s14 =	simm.s32 $0x8900;
	v3 =	vperm.xlane v3, v2  }
0x4c: {  	[tilespmem:s14], [sflag:$0x2] =	stream.indirect_vreg.gather [hbm4b:s4+s3], $0x80, v4, vm0, $0xb8;
	[tilespmem:$0x10100] =	vst v63  }
0x4d: {  	s17 =	simm.s32 $0x9100;
	v3 =	vadd.s32 v1, v3  }
0x4e: {  	[tilespmem:s17], [sflag:$0x2] =	stream.indirect_vreg.gather [hbm4b:s5+s3], $0x80, v4, vm0, $0xb8;
	[tilespmem:$0x10100] =	vst v63  }
0x4f: {  	s20 =	simm.s32 $0x9900  }
0x50: {  	[tilespmem:s20], [sflag:$0x2] =	stream.indirect_vreg.gather [hbm4b:s6+s3], $0x80, v4, vm0, $0xb8;
	[tilespmem:$0x10100] =	vst v63  }
0x51: {  	s1 =	simm.s32 $0xA100  }
0x52: {  	[tilespmem:s1], [sflag:$0x2] =	stream.indirect_vreg.gather [hbm4b:s2+s3], $0x80, v3, vm0, $0xb8;
	[tilespmem:$0x10100] =	vst v63  }
0x53: {  	s17 =	simm.s32 $0xA900  }
0x54: {  	[tilespmem:s17], [sflag:$0x2] =	stream.indirect_vreg.gather [hbm4b:s4+s3], $0x80, v3, vm0, $0xb8;
	[tilespmem:$0x10100] =	vst v63  }
0x55: {  	s1 =	simm.s32 $0xB100  }
0x56: {  	[tilespmem:s1], [sflag:$0x2] =	stream.indirect_vreg.gather [hbm4b:s5+s3], $0x80, v3, vm0, $0xb8;
	[tilespmem:$0x10100] =	vst v63  }
0x57: {  	s14 =	simm.s32 $0xB900  }
0x58: {  	[tilespmem:s14], [sflag:$0x2] =	stream.indirect_vreg.gather [hbm4b:s6+s3], $0x80, v3, vm0, $0xb8;
	[tilespmem:$0x10100] =	vst v63  }
0x59: {  	v3 =	vld [tilespmem:$0x30];
	_ =	sdelay $0x4  }
0x5a: {  	v51 =	vshll.u32 v3, $0x3  }
0x5b: {  	v3 =	vand.u32 $0x7, v3;
	v4 =	vand.u32 $0xFFFFFFC0, v51  }
0x5c: {  	v3 =	vor.u32 v3, v4  }
0x5d: {  	v4 =	vperm.xlane v3, v0;
	_ =	sdelay $0x1  }
0x5e: {  	v4 =	vadd.s32 v1, v4;
	_ =	sdelay $0x3  }
0x5f: {  	s17 =	simm.s32 $0xC100  }
0x60: {  	[tilespmem:s17], [sflag:$0x2] =	stream.indirect_vreg.gather [hbm4b:s2+s3], $0x80, v4, vm0, $0xb8;
	[tilespmem:$0x10100] =	vst v63  }
0x61: {  	s1 =	simm.s32 $0xC900;
	v3 =	vperm.xlane v3, v2  }
0x62: {  	[tilespmem:s1], [sflag:$0x2] =	stream.indirect_vreg.gather [hbm4b:s4+s3], $0x80, v4, vm0, $0xb8;
	[tilespmem:$0x10100] =	vst v63  }
0x63: {  	v3 =	vadd.s32 v1, v3;
	s1 =	simm.s32 $0xD100  }
0x64: {  	[tilespmem:s1], [sflag:$0x2] =	stream.indirect_vreg.gather [hbm4b:s5+s3], $0x80, v4, vm0, $0xb8;
	[tilespmem:$0x10100] =	vst v63  }
0x65: {  	s1 =	simm.s32 $0xD900  }
0x66: {  	[tilespmem:s1], [sflag:$0x2] =	stream.indirect_vreg.gather [hbm4b:s6+s3], $0x80, v4, vm0, $0xb8;
	[tilespmem:$0x10100] =	vst v63  }
0x67: {  	s1 =	simm.s32 $0xE100  }
0x68: {  	[tilespmem:s1], [sflag:$0x2] =	stream.indirect_vreg.gather [hbm4b:s2+s3], $0x80, v3, vm0, $0xb8;
	[tilespmem:$0x10100] =	vst v63  }
0x69: {  	s1 =	simm.s32 $0xE900  }
0x6a: {  	[tilespmem:s1], [sflag:$0x2] =	stream.indirect_vreg.gather [hbm4b:s4+s3], $0x80, v3, vm0, $0xb8;
	[tilespmem:$0x10100] =	vst v63  }
0x6b: {  	s1 =	simm.s32 $0xF100  }
0x6c: {  	[tilespmem:s1], [sflag:$0x2] =	stream.indirect_vreg.gather [hbm4b:s5+s3], $0x80, v3, vm0, $0xb8;
	[tilespmem:$0x10100] =	vst v63  }
0x6d: {  	s1 =	simm.s32 $0xF900  }
0x6e: {  	[tilespmem:s1], [sflag:$0x2] =	stream.indirect_vreg.gather [hbm4b:s6+s3], $0x80, v3, vm0, $0xb8;
	[tilespmem:$0x10100] =	vst v63  }
0x6f: {  	_ =	swait.ge [sflag:s18], $0x8000  }
0x70: {  	[sflag:s18] =	ssyncset.done $0x0  }
0x71: {  	s1 =	rddreg [dreg:$0x4];
	[sflag:s18] =	ssyncadd.s32 $0xFFFF8000  }
0x72: {  	[hbm4b:s1+s3] =	stream.linear.scatter [tilespmem:s9], [sflag:$0x3], $0x8000, $0x38;
	[tilespmem:$0x10100] =	vst v63  }
0x73: {  	_ =	swait.ge [sflag:s8], $0x8000  }
0x74: {  	[sflag:s8] =	ssyncset.done $0x0  }
0x75: {  	[sflag:s8] =	ssyncadd.s32 $0xFFFF8000  }
0x76: {  	v3 =	vld [tilespmem:$0x40];
	_ =	sdelay $0x4  }
0x77: {  	v52 =	vshll.u32 v3, $0x3  }
0x78: {  	v3 =	vand.u32 $0x7, v3;
	v4 =	vand.u32 $0xFFFFFFC0, v52  }
0x79: {  	v3 =	vor.u32 v3, v4  }
0x7a: {  	v4 =	vperm.xlane v3, v0;
	_ =	sdelay $0x1  }
0x7b: {  	v4 =	vadd.s32 v1, v4;
	_ =	sdelay $0x4  }
0x7c: {  	[tilespmem:s9], [sflag:$0x1] =	stream.indirect_vreg.gather [hbm4b:s2+s3], $0x80, v4, vm0, $0xb8;
	[tilespmem:$0x10100] =	vst v63  }
0x7d: {  	v3 =	vperm.xlane v3, v2  }
0x7e: {  	[tilespmem:s21], [sflag:$0x1] =	stream.indirect_vreg.gather [hbm4b:s4+s3], $0x80, v4, vm0, $0xb8;
	[tilespmem:$0x10100] =	vst v63  }
0x7f: {  	v3 =	vadd.s32 v1, v3  }
0x80: {  	[tilespmem:s22], [sflag:$0x1] =	stream.indirect_vreg.gather [hbm4b:s5+s3], $0x80, v4, vm0, $0xb8;
	[tilespmem:$0x10100] =	vst v63  }
0x81: {  	_ = 	snop  }
0x82: {  	[tilespmem:s23], [sflag:$0x1] =	stream.indirect_vreg.gather [hbm4b:s6+s3], $0x80, v4, vm0, $0xb8;
	[tilespmem:$0x10100] =	vst v63  }
0x83: {  	_ = 	snop  }
0x84: {  	[tilespmem:s24], [sflag:$0x1] =	stream.indirect_vreg.gather [hbm4b:s2+s3], $0x80, v3, vm0, $0xb8;
	[tilespmem:$0x10100] =	vst v63  }
0x85: {  	_ = 	snop  }
0x86: {  	[tilespmem:s26], [sflag:$0x1] =	stream.indirect_vreg.gather [hbm4b:s4+s3], $0x80, v3, vm0, $0xb8;
	[tilespmem:$0x10100] =	vst v63  }
0x87: {  	_ = 	snop  }
0x88: {  	[tilespmem:s28], [sflag:$0x1] =	stream.indirect_vreg.gather [hbm4b:s5+s3], $0x80, v3, vm0, $0xb8;
	[tilespmem:$0x10100] =	vst v63  }
0x89: {  	_ = 	snop  }
0x8a: {  	[tilespmem:s29], [sflag:$0x1] =	stream.indirect_vreg.gather [hbm4b:s6+s3], $0x80, v3, vm0, $0xb8;
	[tilespmem:$0x10100] =	vst v63  }
0x8b: {  	v3 =	vld [tilespmem:$0x50];
	_ =	sdelay $0x4  }
0x8c: {  	v53 =	vshll.u32 v3, $0x3  }
0x8d: {  	v3 =	vand.u32 $0x7, v3;
	v4 =	vand.u32 $0xFFFFFFC0, v53  }
0x8e: {  	v3 =	vor.u32 v3, v4  }
0x8f: {  	v4 =	vperm.xlane v3, v0;
	_ =	sdelay $0x1  }
0x90: {  	v4 =	vadd.s32 v1, v4;
	_ =	sdelay $0x4  }
0x91: {  	[tilespmem:s30], [sflag:$0x1] =	stream.indirect_vreg.gather [hbm4b:s2+s3], $0x80, v4, vm0, $0xb8;
	[tilespmem:$0x10100] =	vst v63  }
0x92: {  	v3 =	vperm.xlane v3, v2  }
0x93: {  	[tilespmem:s31], [sflag:$0x1] =	stream.indirect_vreg.gather [hbm4b:s4+s3], $0x80, v4, vm0, $0xb8;
	[tilespmem:$0x10100] =	vst v63  }
0x94: {  	v3 =	vadd.s32 v1, v3  }
0x95: {  	[tilespmem:s16], [sflag:$0x1] =	stream.indirect_vreg.gather [hbm4b:s5+s3], $0x80, v4, vm0, $0xb8;
	[tilespmem:$0x10100] =	vst v63  }
0x96: {  	_ = 	snop  }
0x97: {  	[tilespmem:s15], [sflag:$0x1] =	stream.indirect_vreg.gather [hbm4b:s6+s3], $0x80, v4, vm0, $0xb8;
	[tilespmem:$0x10100] =	vst v63  }
0x98: {  	_ = 	snop  }
0x99: {  	[tilespmem:s10], [sflag:$0x1] =	stream.indirect_vreg.gather [hbm4b:s2+s3], $0x80, v3, vm0, $0xb8;
	[tilespmem:$0x10100] =	vst v63  }
0x9a: {  	_ = 	snop  }
0x9b: {  	[tilespmem:s11], [sflag:$0x1] =	stream.indirect_vreg.gather [hbm4b:s4+s3], $0x80, v3, vm0, $0xb8;
	[tilespmem:$0x10100] =	vst v63  }
0x9c: {  	_ = 	snop  }
0x9d: {  	[tilespmem:s12], [sflag:$0x1] =	stream.indirect_vreg.gather [hbm4b:s5+s3], $0x80, v3, vm0, $0xb8;
	[tilespmem:$0x10100] =	vst v63  }
0x9e: {  	_ = 	snop  }
0x9f: {  	[tilespmem:s13], [sflag:$0x1] =	stream.indirect_vreg.gather [hbm4b:s6+s3], $0x80, v3, vm0, $0xb8;
	[tilespmem:$0x10100] =	vst v63  }
0xa0: {  	_ =	swait.ge [sflag:s19], $0x8000  }
0xa1: {  	[sflag:s19] =	ssyncset.done $0x0  }
0xa2: {  	s1 =	rddreg [dreg:$0x5];
	[sflag:s19] =	ssyncadd.s32 $0xFFFF8000  }
0xa3: {  	[hbm4b:s1+s3] =	stream.linear.scatter [tilespmem:s25], [sflag:$0x3], $0x8000, $0x38;
	[tilespmem:$0x10100] =	vst v63  }
0xa4: {  	_ =	swait.ge [sflag:s8], $0x8000  }
0xa5: {  	[sflag:s8] =	ssyncset.done $0x0  }
0xa6: {  	[sflag:s8] =	ssyncadd.s32 $0xFFFF8000  }
0xa7: {  	v3 =	vld [tilespmem:$0x60];
	_ =	sdelay $0x4  }
0xa8: {  	v54 =	vshll.u32 v3, $0x3  }
0xa9: {  	v3 =	vand.u32 $0x7, v3;
	v4 =	vand.u32 $0xFFFFFFC0, v54  }
0xaa: {  	v3 =	vor.u32 v3, v4  }
0xab: {  	v4 =	vperm.xlane v3, v0;
	_ =	sdelay $0x1  }
0xac: {  	v4 =	vadd.s32 v1, v4;
	_ =	sdelay $0x4  }
0xad: {  	[tilespmem:s25], [sflag:$0x2] =	stream.indirect_vreg.gather [hbm4b:s2+s3], $0x80, v4, vm0, $0xb8;
	[tilespmem:$0x10100] =	vst v63  }
0xae: {  	s0 =	simm.s32 $0x8900;
	v3 =	vperm.xlane v3, v2  }
0xaf: {  	[tilespmem:s0], [sflag:$0x2] =	stream.indirect_vreg.gather [hbm4b:s4+s3], $0x80, v4, vm0, $0xb8;
	[tilespmem:$0x10100] =	vst v63  }
0xb0: {  	v3 =	vadd.s32 v1, v3;
	s0 =	simm.s32 $0x9100  }
0xb1: {  	[tilespmem:s0], [sflag:$0x2] =	stream.indirect_vreg.gather [hbm4b:s5+s3], $0x80, v4, vm0, $0xb8;
	[tilespmem:$0x10100] =	vst v63  }
0xb2: {  	s1 =	simm.s32 $0x9900  }
0xb3: {  	[tilespmem:s1], [sflag:$0x2] =	stream.indirect_vreg.gather [hbm4b:s6+s3], $0x80, v4, vm0, $0xb8;
	[tilespmem:$0x10100] =	vst v63  }
0xb4: {  	s20 =	simm.s32 $0xA100  }
0xb5: {  	[tilespmem:s20], [sflag:$0x2] =	stream.indirect_vreg.gather [hbm4b:s2+s3], $0x80, v3, vm0, $0xb8;
	[tilespmem:$0x10100] =	vst v63  }
0xb6: {  	s20 =	simm.s32 $0xA900  }
0xb7: {  	[tilespmem:s20], [sflag:$0x2] =	stream.indirect_vreg.gather [hbm4b:s4+s3], $0x80, v3, vm0, $0xb8;
	[tilespmem:$0x10100] =	vst v63  }
0xb8: {  	s20 =	simm.s32 $0xB100  }
0xb9: {  	[tilespmem:s20], [sflag:$0x2] =	stream.indirect_vreg.gather [hbm4b:s5+s3], $0x80, v3, vm0, $0xb8;
	[tilespmem:$0x10100] =	vst v63  }
0xba: {  	s14 =	simm.s32 $0xB900  }
0xbb: {  	[tilespmem:s14], [sflag:$0x2] =	stream.indirect_vreg.gather [hbm4b:s6+s3], $0x80, v3, vm0, $0xb8;
	[tilespmem:$0x10100] =	vst v63  }
0xbc: {  	v3 =	vld [tilespmem:$0x70];
	_ =	sdelay $0x4  }
0xbd: {  	v55 =	vshll.u32 v3, $0x3  }
0xbe: {  	v3 =	vand.u32 $0x7, v3;
	v4 =	vand.u32 $0xFFFFFFC0, v55  }
0xbf: {  	v3 =	vor.u32 v3, v4  }
0xc0: {  	v4 =	vperm.xlane v3, v0;
	_ =	sdelay $0x1  }
0xc1: {  	v4 =	vadd.s32 v1, v4;
	_ =	sdelay $0x3  }
0xc2: {  	s17 =	simm.s32 $0xC100  }
0xc3: {  	[tilespmem:s17], [sflag:$0x2] =	stream.indirect_vreg.gather [hbm4b:s2+s3], $0x80, v4, vm0, $0xb8;
	[tilespmem:$0x10100] =	vst v63  }
0xc4: {  	s20 =	simm.s32 $0xC900;
	v3 =	vperm.xlane v3, v2  }
0xc5: {  	[tilespmem:s20], [sflag:$0x2] =	stream.indirect_vreg.gather [hbm4b:s4+s3], $0x80, v4, vm0, $0xb8;
	[tilespmem:$0x10100] =	vst v63  }
0xc6: {  	v3 =	vadd.s32 v1, v3;
	s17 =	simm.s32 $0xD100  }
0xc7: {  	[tilespmem:s17], [sflag:$0x2] =	stream.indirect_vreg.gather [hbm4b:s5+s3], $0x80, v4, vm0, $0xb8;
	[tilespmem:$0x10100] =	vst v63  }
0xc8: {  	s20 =	simm.s32 $0xD900  }
0xc9: {  	[tilespmem:s20], [sflag:$0x2] =	stream.indirect_vreg.gather [hbm4b:s6+s3], $0x80, v4, vm0, $0xb8;
	[tilespmem:$0x10100] =	vst v63  }
0xca: {  	s17 =	simm.s32 $0xE100  }
0xcb: {  	[tilespmem:s17], [sflag:$0x2] =	stream.indirect_vreg.gather [hbm4b:s2+s3], $0x80, v3, vm0, $0xb8;
	[tilespmem:$0x10100] =	vst v63  }
0xcc: {  	s20 =	simm.s32 $0xE900  }
0xcd: {  	[tilespmem:s20], [sflag:$0x2] =	stream.indirect_vreg.gather [hbm4b:s4+s3], $0x80, v3, vm0, $0xb8;
	[tilespmem:$0x10100] =	vst v63  }
0xce: {  	s17 =	simm.s32 $0xF100  }
0xcf: {  	[tilespmem:s17], [sflag:$0x2] =	stream.indirect_vreg.gather [hbm4b:s5+s3], $0x80, v3, vm0, $0xb8;
	[tilespmem:$0x10100] =	vst v63  }
0xd0: {  	s20 =	simm.s32 $0xF900  }
0xd1: {  	[tilespmem:s20], [sflag:$0x2] =	stream.indirect_vreg.gather [hbm4b:s6+s3], $0x80, v3, vm0, $0xb8;
	[tilespmem:$0x10100] =	vst v63  }
0xd2: {  	_ =	swait.ge [sflag:s18], $0x8000  }
0xd3: {  	[sflag:s18] =	ssyncset.done $0x0  }
0xd4: {  	s17 =	rddreg [dreg:$0x6];
	[sflag:s18] =	ssyncadd.s32 $0xFFFF8000  }
0xd5: {  	[hbm4b:s17+s3] =	stream.linear.scatter [tilespmem:s9], [sflag:$0x3], $0x8000, $0x38;
	[tilespmem:$0x10100] =	vst v63  }
0xd6: {  	_ =	swait.ge [sflag:s8], $0x8000  }
0xd7: {  	[sflag:s8] =	ssyncset.done $0x0  }
0xd8: {  	[sflag:s8] =	ssyncadd.s32 $0xFFFF8000  }
0xd9: {  	v3 =	vld [tilespmem:$0x80];
	_ =	sdelay $0x4  }
0xda: {  	v56 =	vshll.u32 v3, $0x3  }
0xdb: {  	v3 =	vand.u32 $0x7, v3;
	v4 =	vand.u32 $0xFFFFFFC0, v56  }
0xdc: {  	v3 =	vor.u32 v3, v4  }
0xdd: {  	v4 =	vperm.xlane v3, v0;
	_ =	sdelay $0x1  }
0xde: {  	v4 =	vadd.s32 v1, v4;
	_ =	sdelay $0x4  }
0xdf: {  	[tilespmem:s9], [sflag:$0x1] =	stream.indirect_vreg.gather [hbm4b:s2+s3], $0x80, v4, vm0, $0xb8;
	[tilespmem:$0x10100] =	vst v63  }
0xe0: {  	v3 =	vperm.xlane v3, v2  }
0xe1: {  	[tilespmem:s21], [sflag:$0x1] =	stream.indirect_vreg.gather [hbm4b:s4+s3], $0x80, v4, vm0, $0xb8;
	[tilespmem:$0x10100] =	vst v63  }
0xe2: {  	v3 =	vadd.s32 v1, v3  }
0xe3: {  	[tilespmem:s22], [sflag:$0x1] =	stream.indirect_vreg.gather [hbm4b:s5+s3], $0x80, v4, vm0, $0xb8;
	[tilespmem:$0x10100] =	vst v63  }
0xe4: {  	_ = 	snop  }
0xe5: {  	[tilespmem:s23], [sflag:$0x1] =	stream.indirect_vreg.gather [hbm4b:s6+s3], $0x80, v4, vm0, $0xb8;
	[tilespmem:$0x10100] =	vst v63  }
0xe6: {  	_ = 	snop  }
0xe7: {  	[tilespmem:s24], [sflag:$0x1] =	stream.indirect_vreg.gather [hbm4b:s2+s3], $0x80, v3, vm0, $0xb8;
	[tilespmem:$0x10100] =	vst v63  }
0xe8: {  	_ = 	snop  }
0xe9: {  	[tilespmem:s26], [sflag:$0x1] =	stream.indirect_vreg.gather [hbm4b:s4+s3], $0x80, v3, vm0, $0xb8;
	[tilespmem:$0x10100] =	vst v63  }
0xea: {  	_ = 	snop  }
0xeb: {  	[tilespmem:s28], [sflag:$0x1] =	stream.indirect_vreg.gather [hbm4b:s5+s3], $0x80, v3, vm0, $0xb8;
	[tilespmem:$0x10100] =	vst v63  }
0xec: {  	_ = 	snop  }
0xed: {  	[tilespmem:s29], [sflag:$0x1] =	stream.indirect_vreg.gather [hbm4b:s6+s3], $0x80, v3, vm0, $0xb8;
	[tilespmem:$0x10100] =	vst v63  }
0xee: {  	v3 =	vld [tilespmem:$0x90];
	_ =	sdelay $0x4  }
0xef: {  	v57 =	vshll.u32 v3, $0x3  }
0xf0: {  	v3 =	vand.u32 $0x7, v3;
	v4 =	vand.u32 $0xFFFFFFC0, v57  }
0xf1: {  	v3 =	vor.u32 v3, v4  }
0xf2: {  	v4 =	vperm.xlane v3, v0;
	_ =	sdelay $0x1  }
0xf3: {  	v4 =	vadd.s32 v1, v4;
	_ =	sdelay $0x4  }
0xf4: {  	[tilespmem:s30], [sflag:$0x1] =	stream.indirect_vreg.gather [hbm4b:s2+s3], $0x80, v4, vm0, $0xb8;
	[tilespmem:$0x10100] =	vst v63  }
0xf5: {  	v3 =	vperm.xlane v3, v2  }
0xf6: {  	[tilespmem:s31], [sflag:$0x1] =	stream.indirect_vreg.gather [hbm4b:s4+s3], $0x80, v4, vm0, $0xb8;
	[tilespmem:$0x10100] =	vst v63  }
0xf7: {  	v3 =	vadd.s32 v1, v3  }
0xf8: {  	[tilespmem:s16], [sflag:$0x1] =	stream.indirect_vreg.gather [hbm4b:s5+s3], $0x80, v4, vm0, $0xb8;
	[tilespmem:$0x10100] =	vst v63  }
0xf9: {  	_ = 	snop  }
0xfa: {  	[tilespmem:s15], [sflag:$0x1] =	stream.indirect_vreg.gather [hbm4b:s6+s3], $0x80, v4, vm0, $0xb8;
	[tilespmem:$0x10100] =	vst v63  }
0xfb: {  	_ = 	snop  }
0xfc: {  	[tilespmem:s10], [sflag:$0x1] =	stream.indirect_vreg.gather [hbm4b:s2+s3], $0x80, v3, vm0, $0xb8;
	[tilespmem:$0x10100] =	vst v63  }
0xfd: {  	_ = 	snop  }
0xfe: {  	[tilespmem:s11], [sflag:$0x1] =	stream.indirect_vreg.gather [hbm4b:s4+s3], $0x80, v3, vm0, $0xb8;
	[tilespmem:$0x10100] =	vst v63  }
0xff: {  	_ = 	snop  }
0x100: {  	[tilespmem:s12], [sflag:$0x1] =	stream.indirect_vreg.gather [hbm4b:s5+s3], $0x80, v3, vm0, $0xb8;
	[tilespmem:$0x10100] =	vst v63  }
0x101: {  	_ = 	snop  }
0x102: {  	[tilespmem:s13], [sflag:$0x1] =	stream.indirect_vreg.gather [hbm4b:s6+s3], $0x80, v3, vm0, $0xb8;
	[tilespmem:$0x10100] =	vst v63  }
0x103: {  	_ =	swait.ge [sflag:s19], $0x8000  }
0x104: {  	[sflag:s19] =	ssyncset.done $0x0  }
0x105: {  	s14 =	rddreg [dreg:$0x7];
	[sflag:s19] =	ssyncadd.s32 $0xFFFF8000  }
0x106: {  	[hbm4b:s14+s3] =	stream.linear.scatter [tilespmem:s25], [sflag:$0x3], $0x8000, $0x38;
	[tilespmem:$0x10100] =	vst v63  }
0x107: {  	_ =	swait.ge [sflag:s8], $0x8000  }
0x108: {  	[sflag:s8] =	ssyncset.done $0x0  }
0x109: {  	[sflag:s8] =	ssyncadd.s32 $0xFFFF8000  }
0x10a: {  	v3 =	vld [tilespmem:$0xA0];
	_ =	sdelay $0x4  }
0x10b: {  	v58 =	vshll.u32 v3, $0x3  }
0x10c: {  	v3 =	vand.u32 $0x7, v3;
	v4 =	vand.u32 $0xFFFFFFC0, v58  }
0x10d: {  	v3 =	vor.u32 v3, v4  }
0x10e: {  	v4 =	vperm.xlane v3, v0;
	_ =	sdelay $0x1  }
0x10f: {  	v4 =	vadd.s32 v1, v4;
	_ =	sdelay $0x4  }
0x110: {  	[tilespmem:s25], [sflag:$0x2] =	stream.indirect_vreg.gather [hbm4b:s2+s3], $0x80, v4, vm0, $0xb8;
	[tilespmem:$0x10100] =	vst v63  }
0x111: {  	s17 =	simm.s32 $0x8900;
	v3 =	vperm.xlane v3, v2  }
0x112: {  	[tilespmem:s17], [sflag:$0x2] =	stream.indirect_vreg.gather [hbm4b:s4+s3], $0x80, v4, vm0, $0xb8;
	[tilespmem:$0x10100] =	vst v63  }
0x113: {  	v3 =	vadd.s32 v1, v3  }
0x114: {  	[tilespmem:s0], [sflag:$0x2] =	stream.indirect_vreg.gather [hbm4b:s5+s3], $0x80, v4, vm0, $0xb8;
	[tilespmem:$0x10100] =	vst v63  }
0x115: {  	_ = 	snop  }
0x116: {  	[tilespmem:s1], [sflag:$0x2] =	stream.indirect_vreg.gather [hbm4b:s6+s3], $0x80, v4, vm0, $0xb8;
	[tilespmem:$0x10100] =	vst v63  }
0x117: {  	s20 =	simm.s32 $0xA100  }
0x118: {  	[tilespmem:s20], [sflag:$0x2] =	stream.indirect_vreg.gather [hbm4b:s2+s3], $0x80, v3, vm0, $0xb8;
	[tilespmem:$0x10100] =	vst v63  }
0x119: {  	s17 =	simm.s32 $0xA900  }
0x11a: {  	[tilespmem:s17], [sflag:$0x2] =	stream.indirect_vreg.gather [hbm4b:s4+s3], $0x80, v3, vm0, $0xb8;
	[tilespmem:$0x10100] =	vst v63  }
0x11b: {  	s20 =	simm.s32 $0xB100  }
0x11c: {  	[tilespmem:s20], [sflag:$0x2] =	stream.indirect_vreg.gather [hbm4b:s5+s3], $0x80, v3, vm0, $0xb8;
	[tilespmem:$0x10100] =	vst v63  }
0x11d: {  	s20 =	simm.s32 $0xB900  }
0x11e: {  	[tilespmem:s20], [sflag:$0x2] =	stream.indirect_vreg.gather [hbm4b:s6+s3], $0x80, v3, vm0, $0xb8;
	[tilespmem:$0x10100] =	vst v63  }
0x11f: {  	v3 =	vld [tilespmem:$0xB0];
	_ =	sdelay $0x4  }
0x120: {  	v59 =	vshll.u32 v3, $0x3  }
0x121: {  	v3 =	vand.u32 $0x7, v3;
	v4 =	vand.u32 $0xFFFFFFC0, v59  }
0x122: {  	v3 =	vor.u32 v3, v4  }
0x123: {  	v4 =	vperm.xlane v3, v0;
	_ =	sdelay $0x1  }
0x124: {  	v4 =	vadd.s32 v1, v4;
	_ =	sdelay $0x3  }
0x125: {  	s20 =	simm.s32 $0xC100  }
0x126: {  	[tilespmem:s20], [sflag:$0x2] =	stream.indirect_vreg.gather [hbm4b:s2+s3], $0x80, v4, vm0, $0xb8;
	[tilespmem:$0x10100] =	vst v63  }
0x127: {  	v3 =	vperm.xlane v3, v2;
	s20 =	simm.s32 $0xC900  }
0x128: {  	[tilespmem:s20], [sflag:$0x2] =	stream.indirect_vreg.gather [hbm4b:s4+s3], $0x80, v4, vm0, $0xb8;
	[tilespmem:$0x10100] =	vst v63  }
0x129: {  	v3 =	vadd.s32 v1, v3;
	s20 =	simm.s32 $0xD100  }
0x12a: {  	[tilespmem:s20], [sflag:$0x2] =	stream.indirect_vreg.gather [hbm4b:s5+s3], $0x80, v4, vm0, $0xb8;
	[tilespmem:$0x10100] =	vst v63  }
0x12b: {  	s20 =	simm.s32 $0xD900  }
0x12c: {  	[tilespmem:s20], [sflag:$0x2] =	stream.indirect_vreg.gather [hbm4b:s6+s3], $0x80, v4, vm0, $0xb8;
	[tilespmem:$0x10100] =	vst v63  }
0x12d: {  	s20 =	simm.s32 $0xE100  }
0x12e: {  	[tilespmem:s20], [sflag:$0x2] =	stream.indirect_vreg.gather [hbm4b:s2+s3], $0x80, v3, vm0, $0xb8;
	[tilespmem:$0x10100] =	vst v63  }
0x12f: {  	s20 =	simm.s32 $0xE900  }
0x130: {  	[tilespmem:s20], [sflag:$0x2] =	stream.indirect_vreg.gather [hbm4b:s4+s3], $0x80, v3, vm0, $0xb8;
	[tilespmem:$0x10100] =	vst v63  }
0x131: {  	s20 =	simm.s32 $0xF100  }
0x132: {  	[tilespmem:s20], [sflag:$0x2] =	stream.indirect_vreg.gather [hbm4b:s5+s3], $0x80, v3, vm0, $0xb8;
	[tilespmem:$0x10100] =	vst v63  }
0x133: {  	s20 =	simm.s32 $0xF900  }
0x134: {  	[tilespmem:s20], [sflag:$0x2] =	stream.indirect_vreg.gather [hbm4b:s6+s3], $0x80, v3, vm0, $0xb8;
	[tilespmem:$0x10100] =	vst v63  }
0x135: {  	_ =	swait.ge [sflag:s18], $0x8000  }
0x136: {  	[sflag:s18] =	ssyncset.done $0x0  }
0x137: {  	s20 =	rddreg [dreg:$0x8];
	[sflag:s18] =	ssyncadd.s32 $0xFFFF8000  }
0x138: {  	[hbm4b:s20+s3] =	stream.linear.scatter [tilespmem:s9], [sflag:$0x3], $0x8000, $0x38;
	[tilespmem:$0x10100] =	vst v63  }
0x139: {  	_ =	swait.ge [sflag:s8], $0x8000  }
0x13a: {  	[sflag:s8] =	ssyncset.done $0x0  }
0x13b: {  	[sflag:s8] =	ssyncadd.s32 $0xFFFF8000  }
0x13c: {  	v3 =	vld [tilespmem:$0xC0];
	_ =	sdelay $0x4  }
0x13d: {  	v60 =	vshll.u32 v3, $0x3  }
0x13e: {  	v3 =	vand.u32 $0x7, v3;
	v4 =	vand.u32 $0xFFFFFFC0, v60  }
0x13f: {  	v3 =	vor.u32 v3, v4  }
0x140: {  	v4 =	vperm.xlane v3, v0;
	_ =	sdelay $0x1  }
0x141: {  	v4 =	vadd.s32 v1, v4;
	_ =	sdelay $0x4  }
0x142: {  	[tilespmem:s9], [sflag:$0x1] =	stream.indirect_vreg.gather [hbm4b:s2+s3], $0x80, v4, vm0, $0xb8;
	[tilespmem:$0x10100] =	vst v63  }
0x143: {  	v3 =	vperm.xlane v3, v2  }
0x144: {  	[tilespmem:s21], [sflag:$0x1] =	stream.indirect_vreg.gather [hbm4b:s4+s3], $0x80, v4, vm0, $0xb8;
	[tilespmem:$0x10100] =	vst v63  }
0x145: {  	v3 =	vadd.s32 v1, v3  }
0x146: {  	[tilespmem:s22], [sflag:$0x1] =	stream.indirect_vreg.gather [hbm4b:s5+s3], $0x80, v4, vm0, $0xb8;
	[tilespmem:$0x10100] =	vst v63  }
0x147: {  	_ = 	snop  }
0x148: {  	[tilespmem:s23], [sflag:$0x1] =	stream.indirect_vreg.gather [hbm4b:s6+s3], $0x80, v4, vm0, $0xb8;
	[tilespmem:$0x10100] =	vst v63  }
0x149: {  	_ = 	snop  }
0x14a: {  	[tilespmem:s24], [sflag:$0x1] =	stream.indirect_vreg.gather [hbm4b:s2+s3], $0x80, v3, vm0, $0xb8;
	[tilespmem:$0x10100] =	vst v63  }
0x14b: {  	_ = 	snop  }
0x14c: {  	[tilespmem:s26], [sflag:$0x1] =	stream.indirect_vreg.gather [hbm4b:s4+s3], $0x80, v3, vm0, $0xb8;
	[tilespmem:$0x10100] =	vst v63  }
0x14d: {  	_ = 	snop  }
0x14e: {  	[tilespmem:s28], [sflag:$0x1] =	stream.indirect_vreg.gather [hbm4b:s5+s3], $0x80, v3, vm0, $0xb8;
	[tilespmem:$0x10100] =	vst v63  }
0x14f: {  	_ = 	snop  }
0x150: {  	[tilespmem:s29], [sflag:$0x1] =	stream.indirect_vreg.gather [hbm4b:s6+s3], $0x80, v3, vm0, $0xb8;
	[tilespmem:$0x10100] =	vst v63  }
0x151: {  	v3 =	vld [tilespmem:$0xD0];
	_ =	sdelay $0x4  }
0x152: {  	v61 =	vshll.u32 v3, $0x3  }
0x153: {  	v3 =	vand.u32 $0x7, v3;
	v4 =	vand.u32 $0xFFFFFFC0, v61  }
0x154: {  	v3 =	vor.u32 v3, v4  }
0x155: {  	v4 =	vperm.xlane v3, v0;
	_ =	sdelay $0x1  }
0x156: {  	v4 =	vadd.s32 v1, v4;
	_ =	sdelay $0x4  }
0x157: {  	[tilespmem:s30], [sflag:$0x1] =	stream.indirect_vreg.gather [hbm4b:s2+s3], $0x80, v4, vm0, $0xb8;
	[tilespmem:$0x10100] =	vst v63  }
0x158: {  	v3 =	vperm.xlane v3, v2  }
0x159: {  	[tilespmem:s31], [sflag:$0x1] =	stream.indirect_vreg.gather [hbm4b:s4+s3], $0x80, v4, vm0, $0xb8;
	[tilespmem:$0x10100] =	vst v63  }
0x15a: {  	v3 =	vadd.s32 v1, v3  }
0x15b: {  	[tilespmem:s16], [sflag:$0x1] =	stream.indirect_vreg.gather [hbm4b:s5+s3], $0x80, v4, vm0, $0xb8;
	[tilespmem:$0x10100] =	vst v63  }
0x15c: {  	_ = 	snop  }
0x15d: {  	[tilespmem:s15], [sflag:$0x1] =	stream.indirect_vreg.gather [hbm4b:s6+s3], $0x80, v4, vm0, $0xb8;
	[tilespmem:$0x10100] =	vst v63  }
0x15e: {  	_ = 	snop  }
0x15f: {  	[tilespmem:s10], [sflag:$0x1] =	stream.indirect_vreg.gather [hbm4b:s2+s3], $0x80, v3, vm0, $0xb8;
	[tilespmem:$0x10100] =	vst v63  }
0x160: {  	_ = 	snop  }
0x161: {  	[tilespmem:s11], [sflag:$0x1] =	stream.indirect_vreg.gather [hbm4b:s4+s3], $0x80, v3, vm0, $0xb8;
	[tilespmem:$0x10100] =	vst v63  }
0x162: {  	_ = 	snop  }
0x163: {  	[tilespmem:s12], [sflag:$0x1] =	stream.indirect_vreg.gather [hbm4b:s5+s3], $0x80, v3, vm0, $0xb8;
	[tilespmem:$0x10100] =	vst v63  }
0x164: {  	_ = 	snop  }
0x165: {  	[tilespmem:s13], [sflag:$0x1] =	stream.indirect_vreg.gather [hbm4b:s6+s3], $0x80, v3, vm0, $0xb8;
	[tilespmem:$0x10100] =	vst v63  }
0x166: {  	_ =	swait.ge [sflag:s19], $0x8000  }
0x167: {  	[sflag:s19] =	ssyncset.done $0x0  }
0x168: {  	s10 =	rddreg [dreg:$0x9];
	[sflag:s19] =	ssyncadd.s32 $0xFFFF8000  }
0x169: {  	[hbm4b:s10+s3] =	stream.linear.scatter [tilespmem:s25], [sflag:$0x3], $0x8000, $0x38;
	[tilespmem:$0x10100] =	vst v63  }
0x16a: {  	_ =	swait.ge [sflag:s8], $0x8000  }
0x16b: {  	[sflag:s8] =	ssyncset.done $0x0  }
0x16c: {  	[sflag:s8] =	ssyncadd.s32 $0xFFFF8000  }
0x16d: {  	v3 =	vld [tilespmem:$0xE0];
	_ =	sdelay $0x4  }
0x16e: {  	v62 =	vshll.u32 v3, $0x3  }
0x16f: {  	v3 =	vand.u32 $0x7, v3;
	v4 =	vand.u32 $0xFFFFFFC0, v62  }
0x170: {  	v3 =	vor.u32 v3, v4  }
0x171: {  	v4 =	vperm.xlane v3, v0;
	_ =	sdelay $0x1  }
0x172: {  	v4 =	vadd.s32 v1, v4;
	_ =	sdelay $0x4  }
0x173: {  	[tilespmem:s25], [sflag:$0x2] =	stream.indirect_vreg.gather [hbm4b:s2+s3], $0x80, v4, vm0, $0xb8;
	[tilespmem:$0x10100] =	vst v63  }
0x174: {  	s20 =	simm.s32 $0x8900;
	v3 =	vperm.xlane v3, v2  }
0x175: {  	[tilespmem:s20], [sflag:$0x2] =	stream.indirect_vreg.gather [hbm4b:s4+s3], $0x80, v4, vm0, $0xb8;
	[tilespmem:$0x10100] =	vst v63  }
0x176: {  	s0 =	simm.s32 $0x9100;
	v3 =	vadd.s32 v1, v3  }
0x177: {  	[tilespmem:s0], [sflag:$0x2] =	stream.indirect_vreg.gather [hbm4b:s5+s3], $0x80, v4, vm0, $0xb8;
	[tilespmem:$0x10100] =	vst v63  }
0x178: {  	s1 =	simm.s32 $0x9900  }
0x179: {  	[tilespmem:s1], [sflag:$0x2] =	stream.indirect_vreg.gather [hbm4b:s6+s3], $0x80, v4, vm0, $0xb8;
	[tilespmem:$0x10100] =	vst v63  }
0x17a: {  	s10 =	simm.s32 $0xA100  }
0x17b: {  	[tilespmem:s10], [sflag:$0x2] =	stream.indirect_vreg.gather [hbm4b:s2+s3], $0x80, v3, vm0, $0xb8;
	[tilespmem:$0x10100] =	vst v63  }
0x17c: {  	s14 =	simm.s32 $0xA900  }
0x17d: {  	[tilespmem:s14], [sflag:$0x2] =	stream.indirect_vreg.gather [hbm4b:s4+s3], $0x80, v3, vm0, $0xb8;
	[tilespmem:$0x10100] =	vst v63  }
0x17e: {  	s17 =	simm.s32 $0xB100  }
0x17f: {  	[tilespmem:s17], [sflag:$0x2] =	stream.indirect_vreg.gather [hbm4b:s5+s3], $0x80, v3, vm0, $0xb8;
	[tilespmem:$0x10100] =	vst v63  }
0x180: {  	s17 =	simm.s32 $0xB900  }
0x181: {  	[tilespmem:s17], [sflag:$0x2] =	stream.indirect_vreg.gather [hbm4b:s6+s3], $0x80, v3, vm0, $0xb8;
	[tilespmem:$0x10100] =	vst v63  }
0x182: {  	v3 =	vld [tilespmem:$0xF0];
	_ =	sdelay $0x4  }
0x183: {  	v63 =	vshll.u32 v3, $0x3  }
0x184: {  	v3 =	vand.u32 $0x7, v3;
	v4 =	vand.u32 $0xFFFFFFC0, v63  }
0x185: {  	v3 =	vor.u32 v3, v4  }
0x186: {  	v4 =	vperm.xlane v3, v0;
	_ =	sdelay $0x1  }
0x187: {  	v4 =	vadd.s32 v1, v4;
	_ =	sdelay $0x3  }
0x188: {  	s20 =	simm.s32 $0xC100  }
0x189: {  	[tilespmem:s20], [sflag:$0x2] =	stream.indirect_vreg.gather [hbm4b:s2+s3], $0x80, v4, vm0, $0xb8;
	[tilespmem:$0x10100] =	vst v63  }
0x18a: {  	s1 =	simm.s32 $0xC900;
	v3 =	vperm.xlane v3, v2  }
0x18b: {  	[tilespmem:s1], [sflag:$0x2] =	stream.indirect_vreg.gather [hbm4b:s4+s3], $0x80, v4, vm0, $0xb8;
	[tilespmem:$0x10100] =	vst v63  }
0x18c: {  	s10 =	simm.s32 $0xD100;
	v3 =	vadd.s32 v1, v3  }
0x18d: {  	[tilespmem:s10], [sflag:$0x2] =	stream.indirect_vreg.gather [hbm4b:s5+s3], $0x80, v4, vm0, $0xb8;
	[tilespmem:$0x10100] =	vst v63  }
0x18e: {  	s14 =	simm.s32 $0xD900  }
0x18f: {  	[tilespmem:s14], [sflag:$0x2] =	stream.indirect_vreg.gather [hbm4b:s6+s3], $0x80, v4, vm0, $0xb8;
	[tilespmem:$0x10100] =	vst v63  }
0x190: {  	s17 =	simm.s32 $0xE100  }
0x191: {  	[tilespmem:s17], [sflag:$0x2] =	stream.indirect_vreg.gather [hbm4b:s2+s3], $0x80, v3, vm0, $0xb8;
	[tilespmem:$0x10100] =	vst v63  }
0x192: {  	s20 =	simm.s32 $0xE900  }
0x193: {  	[tilespmem:s20], [sflag:$0x2] =	stream.indirect_vreg.gather [hbm4b:s4+s3], $0x80, v3, vm0, $0xb8;
	[tilespmem:$0x10100] =	vst v63  }
0x194: {  	s1 =	simm.s32 $0xF100  }
0x195: {  	[tilespmem:s1], [sflag:$0x2] =	stream.indirect_vreg.gather [hbm4b:s5+s3], $0x80, v3, vm0, $0xb8;
	[tilespmem:$0x10100] =	vst v63  }
0x196: {  	s10 =	simm.s32 $0xF900  }
0x197: {  	[tilespmem:s10], [sflag:$0x2] =	stream.indirect_vreg.gather [hbm4b:s6+s3], $0x80, v3, vm0, $0xb8;
	[tilespmem:$0x10100] =	vst v63  }
0x198: {  	_ =	swait.ge [sflag:s18], $0x8000  }
0x199: {  	[sflag:s18] =	ssyncset.done $0x0  }
0x19a: {  	s14 =	rddreg [dreg:$0xa];
	[sflag:s18] =	ssyncadd.s32 $0xFFFF8000  }
0x19b: {  	[hbm4b:s14+s3] =	stream.linear.scatter [tilespmem:s9], [sflag:$0x3], $0x8000, $0x38;
	[tilespmem:$0x10100] =	vst v63  }
0x19c: {  	_ =	swait.ge [sflag:s8], $0x8000  }
0x19d: {  	[sflag:s8] =	ssyncset.done $0x0  }
0x19e: {  	[sflag:s8] =	ssyncadd.s32 $0xFFFF8000  }
0x19f: {  	_ =	swait.ge [sflag:s19], $0x8000  }
0x1a0: {  	p0 =	sne.s32 s7, $0x1;
	[sflag:s19] =	ssyncset.done $0x0  }
.Ltmp0:
0x1a1: {  	s17 =	rddreg [dreg:$0xb];
	[sflag:s19] =	ssyncadd.s32 $0xFFFF8000;
	(pc) =	sbr.rel @p0 .LBB2_1-.Ltmp0, $4  }
0x1a2: {  	[hbm4b:s17+s3] =	stream.linear.scatter [tilespmem:s25], [sflag:$0x3], $0x8000, $0x38;
	[tilespmem:$0x10100] =	vst v63  }
0x1a3: {  	_ =	swait.ge [sflag:s8], $0x8000  }
0x1a4: {  	[sflag:s8] =	ssyncset.done $0x0  }
0x1a5: {  	s7 =	sadd.s32 $0xFFFFFFFF, s7;
	[sflag:s8] =	ssyncadd.s32 $0xFFFF8000  }
0x1a6: {  	_ =	sfence.sel $0x180000  }
0x1a7: {  	[bflag:$0x0] =	sbarrier.arrive $0xFFFF  }
0x1a8: {  	_ =	strace $0x9000004D  }
0x1a9: {  	s0 =	stileid.u32;
	[bflag:$0x2] =	sbarrier.arrive $0xFFFF  }
0x1aa: {  	p0 =	sne.s32 s0, $0x0;
	s0 =	rddreg [dreg:$0x2]  }
0x1ab: {  	s0 =	sadd.s32 @!p0 $0x100000, s0  }
0x1ac: {  	[sflag:s0] =	ssyncadd.tile.s32 @!p0 $0x1;
	_ =	shalt  }
.Lfunc_end2:
_tile_overlayer_lowered:
.L_overlay_start_2:
0x1ad: {  	(tag) =	ssettag $0x2  }
0x1ae: {  	s0 =	rddreg [dreg:$0x0];
	s2 =	stileid.u32  }
0x1af: {  	s1 =	rddreg [dreg:$0x1];
	p0 =	sne.s32 s2, $0x0  }
0x1b0: {  	s3 =	rddreg [dreg:$0x2];
	[bflag:$0x3] =	sbarrier.arrive $0xFFFF;
	s2 =	simm.s32 @!p0 $0x1C03  }
0x1b1: {  	[timem:s3], [sflag:s2] =	dma.local @!p0 [hbm:s0], s1  }
0x1b2: {  	s0 =	simm.s32 @!p0 $0x3  }
0x1b3: {  	_ =	swait.ge @!p0 [sflag:s0], s1  }
0x1b4: {  	s1 =	ssub.s32 @!p0 $0x0, s1;
	[sflag:s0] =	ssyncset.done @!p0 $0x0  }
0x1b5: {  	[sflag:s0] =	ssyncadd.s32 @!p0 s1  }
0x1b6: {  	[bflag:$0x3] =	sbarrier.arrive $0xFFFF  }
0x1b7: {  	_ =	shalt  }

// kernel: kernel.9.cloned.1.call-start
scs
__scs_entry_jumppad:
0x0: {  	(pc) =	sbr.rel $0x88, $3  }
0x1: {  	(tag) =	ssettag $0x0;
	lr =	simm.s32 $0x1  }
0x2: {  	[smem:$0x3F9B] =	sst lr;
	_ =	strace $0xD0000000  }
0x3: {  	_ = 	snop  }
0x4: {  	_ = 	snop  }
0x5: {  	_ = 	snop  }
0x6: {  	_ = 	snop  }
0x7: {  	_ = 	snop  }
__scs_overlays_trampoline_lowered:
0x8: {  	[smem:$0x3FAA] =	sst s0  }
0x9: {  	[smem:$0x3FAB] =	sst s1  }
0xa: {  	[smem:$0x3FAC] =	sst s2  }
0xb: {  	[smem:$0x3FAD] =	sst s3  }
0xc: {  	[smem:$0x3FAE] =	sst s4  }
0xd: {  	[smem:$0x3FAF] =	sst s5  }
0xe: {  	[smem:$0x3FB0] =	sst s6  }
0xf: {  	[smem:$0x3FB1] =	sst s7  }
0x10: {  	[smem:$0x3FB2] =	sst s8  }
0x11: {  	[smem:$0x3FB3] =	sst s9;
	s0 =	simm.s32 @!p0 $0x0  }
0x12: {  	s1 =	sld [smem:$0x3F99];
	s0 =	simm.s32 @p0 $0x1  }
0x13: {  	[smem:$0x3FB4] =	sst s0;
	s0 =	simm.s32 @!p1 $0x0  }
0x14: {  	s2 =	sld [smem:$0x3F98];
	s0 =	simm.s32 @p1 $0x1  }
0x15: {  	[smem:$0x3FB5] =	sst s0;
	s0 =	simm.s32 @!p2 $0x0  }
0x16: {  	s3 =	sld [smem:$0x3FDB];
	s0 =	simm.s32 @p2 $0x1  }
0x17: {  	s4 =	simm.s32 $0x1BF5;
	[smem:$0x3FB7] =	sst s0  }
0x18: {  	s0 =	sld [smem:$0x3F9A];
	_ =	swait.ge [sflag:s4], $0x0  }
0x19: {  	s7 =	sld [smem:$0x3F9B]  }
0x1a: {  	s8 =	sadd.s32 $0xFFFFE003, lr  }
0x1b: {  	s9 =	sadd.s32 $0xFFFFFEF7, lr;
	s5 =	simm.s32 $0xFFFFFFFF;
	p2 =	slt.u32 s8, $0xFFFFF086  }
0x1c: {  	p1 =	slt.u32 s9, $0xF7A;
	s5 =	simm.s32 @!p2 $0x0  }
0x1d: {  	s5 =	simm.s32 @p1 $0x1;
	p0 =	seq.s32 s7, s2  }
0x1e: {  	s7 =	smul.u32 @!p0 $0xF7A, s2;
	p2 =	seq.s32 @!p0 s5, $0x0  }
0x1f: {  	s9 =	smul.u32 $0xF7A, s1;
	s8 =	simm.s32 @!p0 $0x1BF5;
	p2 =	por !p2, p0  }
0x20: {  	[sflag:s8] =	ssyncset.s32 @!p0 $0xFFFFF086;
	s6 =	sadd.s32 @!p0 s3, s7;
	s7 =	simm.s32 @!p0 $0x108  }
0x21: {  	s3 =	sadd.s32 s3, s9;
	s6 =	sadd.s32 @!p0 $0x88, s6;
	s7 =	simm.s32 @p2 $0x1082  }
0x22: {  	[simem:s7], [sflag:s8] =	dma.local @!p0 [hbm:s6], $0xF7A  }
0x23: {  	s9 =	sor.u32 $0xD0000000, s2;
	s6 =	simm.s32 $0x108;
	_ =	swait.ge @!p0 [sflag:s8], $0x0  }
0x24: {  	s3 =	sadd.s32 $0x88, s3;
	s6 =	simm.s32 @!p1 $0x1082;
	[sflag:s4] =	ssyncset.s32 $0xFFFFF086  }
0x25: {  	[simem:s6], [sflag:s4] =	dma.local [hbm:s3], $0xF7A  }
0x26: {  	[smem:$0x3F9B] =	sst s1;
	(tag) =	ssettag s2;
	_ =	strace s9  }
0x27: {  	s1 =	sld [smem:$0x3FAB]  }
0x28: {  	s2 =	sld [smem:$0x3FAC]  }
0x29: {  	s4 =	sld [smem:$0x3FAE]  }
0x2a: {  	p0 =	seq.s32 s5, $0x0;
	s5 =	sld [smem:$0x3FAF]  }
0x2b: {  	s6 =	sld [smem:$0x3FB0]  }
0x2c: {  	s7 =	sld [smem:$0x3FB1]  }
0x2d: {  	s3 =	simm.s32 $0x108;
	s8 =	sld [smem:$0x3FB2]  }
0x2e: {  	s3 =	simm.s32 @!p0 $0x1082;
	s9 =	sld [smem:$0x3FB3]  }
0x2f: {  	lr =	sadd.s32 s0, s3;
	s0 =	sld [smem:$0x3FAA]  }
0x30: {  	s3 =	sld [smem:$0x3FAD]  }
0x31: {  	[smem:$0x3FB6] =	sst s10  }
0x32: {  	s10 =	sld [smem:$0x3FB4];
	_ =	sdelay $0x3  }
0x33: {  	p0 =	seq.s32 s10, $0x1;
	s10 =	sld [smem:$0x3FB6];
	_ =	sdelay $0x3  }
0x34: {  	[smem:$0x3FB6] =	sst s10  }
0x35: {  	s10 =	sld [smem:$0x3FB5];
	_ =	sdelay $0x3  }
0x36: {  	p1 =	seq.s32 s10, $0x1;
	s10 =	sld [smem:$0x3FB6];
	_ =	sdelay $0x3  }
0x37: {  	[smem:$0x3FB6] =	sst s10  }
0x38: {  	s10 =	sld [smem:$0x3FB7]  }
0x39: {  	_ = 	snop;
	(pc) =	sbr.ind lr, $3  }
0x3a: {  	_ = 	snop  }
0x3b: {  	_ = 	snop  }
0x3c: {  	p2 =	seq.s32 s10, $0x1;
	s10 =	sld [smem:$0x3FB6]  }
0x3d: {  	_ =	shalt  }
0x3e: {  	_ =	shalt  }
0x3f: {  	_ =	shalt  }
0x40: {  	_ =	shalt  }
0x41: {  	_ =	shalt  }
0x42: {  	_ =	shalt  }
0x43: {  	_ =	shalt  }
0x44: {  	_ =	shalt  }
0x45: {  	_ =	shalt  }
0x46: {  	_ =	shalt  }
0x47: {  	_ =	shalt  }
0x48: {  	_ =	shalt  }
0x49: {  	_ =	shalt  }
0x4a: {  	_ =	shalt  }
0x4b: {  	_ =	shalt  }
0x4c: {  	_ =	shalt  }
0x4d: {  	_ =	shalt  }
0x4e: {  	_ =	shalt  }
0x4f: {  	_ =	shalt  }
0x50: {  	_ =	shalt  }
0x51: {  	_ =	shalt  }
0x52: {  	_ =	shalt  }
0x53: {  	_ =	shalt  }
0x54: {  	_ =	shalt  }
0x55: {  	_ =	shalt  }
0x56: {  	_ =	shalt  }
0x57: {  	_ =	shalt  }
0x58: {  	_ =	shalt  }
0x59: {  	_ =	shalt  }
0x5a: {  	_ =	shalt  }
0x5b: {  	_ =	shalt  }
0x5c: {  	_ =	shalt  }
0x5d: {  	_ =	shalt  }
0x5e: {  	_ =	shalt  }
0x5f: {  	_ =	shalt  }
0x60: {  	_ =	shalt  }
0x61: {  	_ =	shalt  }
0x62: {  	_ =	shalt  }
0x63: {  	_ =	shalt  }
0x64: {  	_ =	shalt  }
0x65: {  	_ =	shalt  }
0x66: {  	_ =	shalt  }
0x67: {  	_ =	shalt  }
0x68: {  	_ =	shalt  }
0x69: {  	_ =	shalt  }
0x6a: {  	_ =	shalt  }
0x6b: {  	_ =	shalt  }
0x6c: {  	_ =	shalt  }
0x6d: {  	_ =	shalt  }
0x6e: {  	_ =	shalt  }
0x6f: {  	_ =	shalt  }
0x70: {  	_ =	shalt  }
0x71: {  	_ =	shalt  }
0x72: {  	_ =	shalt  }
0x73: {  	_ =	shalt  }
0x74: {  	_ =	shalt  }
0x75: {  	_ =	shalt  }
0x76: {  	_ =	shalt  }
0x77: {  	_ =	shalt  }
0x78: {  	_ =	shalt  }
0x79: {  	_ =	shalt  }
0x7a: {  	_ =	shalt  }
0x7b: {  	_ =	shalt  }
0x7c: {  	_ =	shalt  }
0x7d: {  	_ =	shalt  }
0x7e: {  	_ =	shalt  }
0x7f: {  	_ =	shalt  }
0x80: {  	_ =	shalt  }
0x81: {  	_ =	shalt  }
0x82: {  	_ =	shalt  }
0x83: {  	_ =	shalt  }
0x84: {  	_ =	shalt  }
0x85: {  	_ =	shalt  }
0x86: {  	_ =	shalt  }
0x87: {  	_ =	shalt  }
.Lfunc_end0:
.L_simem_size_0:
called_computation.3_lowered:
.L_overlay_start_0:
0x88: {  	s2 =	sld [smem:$0x3FD9]  }
0x89: {  	s3 =	sld [smem:$0x3FFE];
	_ =	sdelay $0x1  }
0x8a: {  	s1 =	srdreg.scid  }
0x8b: {  	s0 =	sand.u32 $0x1, s1  }
0x8c: {  	s17 =	sshll.u32 s0, $0xA;
	s2 =	sadd.s32 s3, s2  }
0x8d: {  	s2 =	sadd.s32 s2, s17  }
0x8e: {  	[smem:$0x3FC2] =	sst s2  }
0x8f: {  	_ = 	snop  }
0x90: {  	s2 =	sld [smem:$0x3FD0];
	(tm) =	ssettm $0x1  }
0x91: {  	s18 =	sld [smem:$0x3FFB];
	_ =	sdelay $0x3  }
0x92: {  	_ =	strace s18  }
0x93: {  	s3 =	sld [smem:$0x3FFC];
	_ =	sdelay $0x3  }
0x94: {  	_ =	strace s3  }
0x95: {  	s3 =	sld [smem:$0x3FFD];
	_ =	sdelay $0x3  }
0x96: {  	_ =	strace s3  }
0x97: {  	_ =	strace $0x8FFFFFFF  }
0x98: {  	s19 =	sld [smem:$0x3FDB];
	_ =	sdelay $0x1  }
0x99: {  	s4 =	simm.s32 $_scs_section_size  }
0x9a: {  	s5 =	simm.s32 $_size__tile_overlayer_lowered;
	s6 =	simm.s32 $_tile_overlayer_lowered  }
0x9b: {  	s22 =	simm.s32 $0x1BFF;
	s21 =	sshll.u32 s6, $0x1;
	s3 =	sadd.s32 s4, s19  }
0x9c: {  	s7 =	simm.s32 $0x0;
	s20 =	sshll.u32 s5, $0x1;
	s5 =	sadd.s32 s21, s3  }
0x9d: {  	[timem:s7], [sflag:s22] =	dma.local [hbm:s5], s20  }
0x9e: {  	_ =	swait.ge [sflag:s22], s20  }
0x9f: {  	s4 =	ssub.s32 $0x0, s20;
	[sflag:s22] =	ssyncset.done $0x0  }
0xa0: {  	[sflag:s22] =	ssyncadd.s32 s4;
	_ =	sdelay $0x1  }
0xa1: {  	s23 =	simm.s32 $0x1B8B  }
0xa2: {  	_ =	swait.ge [sflag:s23], $0x1  }
0xa3: {  	[sflag:s23] =	ssyncset.done $0x0  }
0xa4: {  	s25 =	simm.s32 $0x1B8E;
	s24 =	sld [smem:$0x3FFE];
	[sflag:s23] =	ssyncadd.s32 $0xFFFFFFFF  }
0xa5: {  	s26 =	simm.s32 $execute0_lowered;
	[smem:$0x3FD2] =	sst s25  }
0xa6: {  	s5 =	sshll.u32 s26, $0x1;
	_ =	strace $0x8000004F;
	[dreg:$0x1] =	wrdreg $0xFFFFFFFF  }
0xa7: {  	s28 =	simm.s32 $_size_execute0_lowered;
	s3 =	sadd.s32 s3, s5;
	[dreg:$0x0] =	wrdreg $0x0  }
0xa8: {  	s5 =	sshll.u32 s28, $0x1;
	[dreg:$0x2] =	wrdreg s3  }
0xa9: {  	[dreg:$0x3] =	wrdreg s5  }
0xaa: {  	[dreg:$0x4] =	wrdreg $0xC0  }
0xab: {  	_ =	task [dreg:s7], $0x5FFFF  }
0xac: {  	[dreg:$0x1] =	wrdreg $0xFFFFFFFF  }
0xad: {  	[dreg:$0x0] =	wrdreg $0x60  }
0xae: {  	[dreg:$0x2] =	wrdreg s24  }
0xaf: {  	[dreg:$0x3] =	wrdreg s2  }
0xb0: {  	[dreg:$0x4] =	wrdreg $0x9  }
0xb1: {  	_ =	task.clear_ibuf [dreg:s7], $0x5FFFF;
	_ =	strace $0x9000004F  }
0xb2: {  	s29 =	simm.s32 $0x9;
	_ =	strace $0x80000051  }
0xb3: {  	_ =	swait.ge [sflag:s29], $0x1  }
0xb4: {  	[sflag:s29] =	ssyncadd.s32 $0xFFFFFFFF  }
0xb5: {  	_ =	strace $0x90000051  }
0xb6: {  	_ =	sfence  }
0xb7: {  	s30 =	sld [smem:$0x0];
	_ =	sdelay $0x2  }
0xb8: {  	s31 =	sshll.u32 s1, $0xD;
	s1 =	sshrl.u32 s1, $0x2  }
0xb9: {  	s3 =	sand.u32 $0x4000, s31;
	s1 =	sadd.s32 s1, s30  }
0xba: {  	s0 =	sor.u32 s3, s0;
	s1 =	sshll.u32 s1, $0x11  }
0xbb: {  	s0 =	sor.u32 s1, s0  }
0xbc: {  	s0 =	sadd.s32 $0x8F2B, s0  }
0xbd: {  	[sflag:s0] =	ssyncadd.remote.s32 $0x1  }
0xbe: {  	_ =	sfence.sel $0xFFFF  }
0xbf: {  	[dreg:$0x0] =	wrdreg $0xFFFFFFFF;
	(pc) =	sbr.abs _section_cstart, $3  }
0xc0: {  	[dreg:$0x1] =	wrdreg $0xFFFFFFFF  }
0xc1: {  	_ =	task.clear_ibuf [dreg:s7], $0x2FFFF;
	_ =	strace $0x9FFFFFFF  }
0xc2: {  	(tm) =	ssettm $0x7FFFFFFF  }
0xc3: {  	_ =	shalt  }
tec
execute0_lowered:
.L_overlay_start_1:
0x0: {  	(tag) =	ssettag $0x1  }
0x1: {  	s0 =	rddreg [dreg:$0x0]  }
0x2: {  	s1 =	rddreg [dreg:$0x1];
	s2 =	srdreg.scid  }
0x3: {  	s4 =	stileid.u32;
	s10 =	simm.s32 $0x4100;
	s14 =	simm.s32 $0x6100  }
0x4: {  	s15 =	simm.s32 $0x6900;
	s16 =	simm.s32 $0x7100;
	s8 =	simm.s32 $0xC100  }
0x5: {  	s28 =	simm.s32 $0xF900;
	s29 =	simm.s32 $0x1;
	s3 =	sand.u32 $0x1, s2  }
0x6: {  	s2 =	simm.s32 $0x0;
	s4 =	sshll.u32 s4, $0x8;
	s5 =	sshll.u32 s3, $0x7  }
0x7: {  	[smem:$0x7FF] =	sst s2;
	s17 =	ssub.s32 $0x2, s3;
	s4 =	sor.u32 s5, s4  }
0x8: {  	s7 =	sshrl.u32 s17, $0x1;
	s6 =	sshrl.u32 s4, $0x3;
	s4 =	sshll.u32 s4, $0x7  }
0x9: {  	_ =	strace $0x80000050;
	s5 =	ssub.s32 s17, s7;
	s1 =	sadd.s32 s1, s4  }
0xa: {  	s6 =	sadd.s32 s6, s0;
	s26 =	smax.u32 s5, $0x1;
	[dreg:$0x5] =	wrdreg s1  }
0xb: {  	s30 =	simm.s32 $0x3;
	s18 =	sadd.s32 $0x101A00, s6;
	[dreg:$0xd] =	wrdreg s26  }
0xc: {  	s31 =	simm.s32 $0x2;
	s6 =	sadd.s32 $0x101800, s6;
	[dreg:$0x3] =	wrdreg s18  }
0xd: {  	s9 =	sadd.s32 $0x101F00, s0;
	s19 =	sadd.s32 $0x800, s1;
	[dreg:$0x4] =	wrdreg s6  }
0xe: {  	s3 =	sadd.s32 $0x101C00, s0;
	s20 =	sadd.s32 $0x1000, s1;
	[dreg:$0x6] =	wrdreg s19  }
0xf: {  	s7 =	sadd.s32 $0x101E00, s0;
	s21 =	sadd.s32 $0x1800, s1;
	[dreg:$0x7] =	wrdreg s20  }
0x10: {  	s17 =	simm.s32 $0x7900;
	s22 =	sadd.s32 $0x2000, s1;
	[dreg:$0x8] =	wrdreg s21  }
0x11: {  	s23 =	sadd.s32 $0x2800, s1;
	s24 =	sadd.s32 $0x3000, s1;
	[dreg:$0x9] =	wrdreg s22  }
0x12: {  	s25 =	sadd.s32 $0x3800, s1;
	s26 =	simm.s32 $0xF100;
	[dreg:$0xa] =	wrdreg s23  }
0x13: {  	s1 =	simm.s32 $0x0;
	s6 =	sadd.s32 $0x101D00, s0;
	[dreg:$0xb] =	wrdreg s24  }
0x14: {  	v2 =	vlaneseq.u32;
	[dreg:$0xc] =	wrdreg s25;
	s18 =	simm.s32 $0x5;
	s20 =	simm.s32 $0x100  }
0x15: {  	vm0 =	vmmov $0xffff;
	v1 =	vshrl.u32 v2, $0x3;
	s21 =	simm.s32 $0xC900;
	s22 =	simm.s32 $0xD100;
	s23 =	simm.s32 $0xD900  }
0x16: {  	v0 =	vand.u32 $0x7, v2;
	v2 =	vor.u32 $0x8, v2;
	v1 =	vmul.u32 $0x8, v1;
	s24 =	simm.s32 $0xE100;
	s25 =	simm.s32 $0xE900;
	s0 =	simm.s32 $0x4  }
.LBB2_1:
0x17: {  	s4 =	rddreg [dreg:$0x3]  }
0x18: {  	[tilespmem:s2], [sflag:$0x5] =	stream.linear.gather [hbm4b:s4+s2], $0x80, $0x38;
	[tilespmem:$0x10100] =	vst v63  }
0x19: {  	_ =	swait.ge [sflag:s18], $0x80  }
0x1a: {  	[sflag:s18] =	ssyncset.done $0x0  }
0x1b: {  	s5 =	simm.s32 $0x80;
	s13 =	rddreg [dreg:$0x4];
	[sflag:s18] =	ssyncadd.s32 $0xFFFFFF80  }
0x1c: {  	[tilespmem:s5], [sflag:$0x5] =	stream.linear.gather [hbm4b:s13+s2], $0x80, $0x38;
	[tilespmem:$0x10100] =	vst v63  }
0x1d: {  	_ =	swait.ge [sflag:s18], $0x80  }
0x1e: {  	[sflag:s18] =	ssyncset.done $0x0  }
0x1f: {  	[sflag:s18] =	ssyncadd.s32 $0xFFFFFF80  }
0x20: {  	v3 =	vld [tilespmem:$0x0];
	_ =	sdelay $0x4  }
0x21: {  	v4 =	vshll.u32 v3, $0x3  }
0x22: {  	v3 =	vand.u32 $0x7, v3;
	v4 =	vand.u32 $0xFFFFFFC0, v4  }
0x23: {  	v3 =	vor.u32 v3, v4  }
0x24: {  	v4 =	vperm.xlane v3, v0;
	_ =	sdelay $0x1  }
0x25: {  	v4 =	vadd.s32 v1, v4;
	_ =	sdelay $0x4  }
0x26: {  	[tilespmem:s20], [sflag:$0x1] =	stream.indirect_vreg.gather [hbm4b:s3+s2], $0x80, v4, vm0, $0xb8;
	[tilespmem:$0x10100] =	vst v63  }
0x27: {  	s19 =	simm.s32 $0x900;
	v3 =	vperm.xlane v3, v2  }
0x28: {  	[tilespmem:s19], [sflag:$0x1] =	stream.indirect_vreg.gather [hbm4b:s6+s2], $0x80, v4, vm0, $0xb8;
	[tilespmem:$0x10100] =	vst v63  }
0x29: {  	s5 =	simm.s32 $0x1100;
	v3 =	vadd.s32 v1, v3  }
0x2a: {  	[tilespmem:s5], [sflag:$0x1] =	stream.indirect_vreg.gather [hbm4b:s7+s2], $0x80, v4, vm0, $0xb8;
	[tilespmem:$0x10100] =	vst v63  }
0x2b: {  	s11 =	simm.s32 $0x1900  }
0x2c: {  	[tilespmem:s11], [sflag:$0x1] =	stream.indirect_vreg.gather [hbm4b:s9+s2], $0x80, v4, vm0, $0xb8;
	[tilespmem:$0x10100] =	vst v63  }
0x2d: {  	s12 =	simm.s32 $0x2100  }
0x2e: {  	[tilespmem:s12], [sflag:$0x1] =	stream.indirect_vreg.gather [hbm4b:s3+s2], $0x80, v3, vm0, $0xb8;
	[tilespmem:$0x10100] =	vst v63  }
0x2f: {  	s13 =	simm.s32 $0x2900  }
0x30: {  	[tilespmem:s13], [sflag:$0x1] =	stream.indirect_vreg.gather [hbm4b:s6+s2], $0x80, v3, vm0, $0xb8;
	[tilespmem:$0x10100] =	vst v63  }
0x31: {  	s19 =	simm.s32 $0x3100  }
0x32: {  	[tilespmem:s19], [sflag:$0x1] =	stream.indirect_vreg.gather [hbm4b:s7+s2], $0x80, v3, vm0, $0xb8;
	[tilespmem:$0x10100] =	vst v63  }
0x33: {  	s5 =	simm.s32 $0x3900  }
0x34: {  	[tilespmem:s5], [sflag:$0x1] =	stream.indirect_vreg.gather [hbm4b:s9+s2], $0x80, v3, vm0, $0xb8;
	[tilespmem:$0x10100] =	vst v63  }
0x35: {  	v3 =	vld [tilespmem:$0x80];
	_ =	sdelay $0x4  }
0x36: {  	v4 =	vshll.u32 v3, $0x3  }
0x37: {  	v3 =	vand.u32 $0x7, v3;
	v4 =	vand.u32 $0xFFFFFFC0, v4  }
0x38: {  	v3 =	vor.u32 v3, v4  }
0x39: {  	v4 =	vperm.xlane v3, v0;
	_ =	sdelay $0x1  }
0x3a: {  	v4 =	vadd.s32 v1, v4;
	_ =	sdelay $0x3  }
0x3b: {  	s11 =	simm.s32 $0x8100  }
0x3c: {  	[tilespmem:s11], [sflag:$0x3] =	stream.indirect_vreg.gather [hbm4b:s3+s2], $0x80, v4, vm0, $0xb8;
	[tilespmem:$0x10100] =	vst v63  }
0x3d: {  	s12 =	simm.s32 $0x8900;
	v3 =	vperm.xlane v3, v2  }
0x3e: {  	[tilespmem:s12], [sflag:$0x3] =	stream.indirect_vreg.gather [hbm4b:s6+s2], $0x80, v4, vm0, $0xb8;
	[tilespmem:$0x10100] =	vst v63  }
0x3f: {  	s13 =	simm.s32 $0x9100;
	v3 =	vadd.s32 v1, v3  }
0x40: {  	[tilespmem:s13], [sflag:$0x3] =	stream.indirect_vreg.gather [hbm4b:s7+s2], $0x80, v4, vm0, $0xb8;
	[tilespmem:$0x10100] =	vst v63  }
0x41: {  	s19 =	simm.s32 $0x9900  }
0x42: {  	[tilespmem:s19], [sflag:$0x3] =	stream.indirect_vreg.gather [hbm4b:s9+s2], $0x80, v4, vm0, $0xb8;
	[tilespmem:$0x10100] =	vst v63  }
0x43: {  	s5 =	simm.s32 $0xA100  }
0x44: {  	[tilespmem:s5], [sflag:$0x3] =	stream.indirect_vreg.gather [hbm4b:s3+s2], $0x80, v3, vm0, $0xb8;
	[tilespmem:$0x10100] =	vst v63  }
0x45: {  	s11 =	simm.s32 $0xA900  }
0x46: {  	[tilespmem:s11], [sflag:$0x3] =	stream.indirect_vreg.gather [hbm4b:s6+s2], $0x80, v3, vm0, $0xb8;
	[tilespmem:$0x10100] =	vst v63  }
0x47: {  	s12 =	simm.s32 $0xB100  }
0x48: {  	[tilespmem:s12], [sflag:$0x3] =	stream.indirect_vreg.gather [hbm4b:s7+s2], $0x80, v3, vm0, $0xb8;
	[tilespmem:$0x10100] =	vst v63  }
0x49: {  	s13 =	simm.s32 $0xB900  }
0x4a: {  	[tilespmem:s13], [sflag:$0x3] =	stream.indirect_vreg.gather [hbm4b:s9+s2], $0x80, v3, vm0, $0xb8;
	[tilespmem:$0x10100] =	vst v63  }
0x4b: {  	v3 =	vld [tilespmem:$0x10];
	_ =	sdelay $0x4  }
0x4c: {  	v4 =	vshll.u32 v3, $0x3  }
0x4d: {  	v3 =	vand.u32 $0x7, v3;
	v4 =	vand.u32 $0xFFFFFFC0, v4  }
0x4e: {  	v3 =	vor.u32 v3, v4  }
0x4f: {  	v4 =	vperm.xlane v3, v0;
	_ =	sdelay $0x1  }
0x50: {  	v4 =	vadd.s32 v1, v4;
	_ =	sdelay $0x4  }
0x51: {  	[tilespmem:s10], [sflag:$0x2] =	stream.indirect_vreg.gather [hbm4b:s3+s2], $0x80, v4, vm0, $0xb8;
	[tilespmem:$0x10100] =	vst v63  }
0x52: {  	s19 =	simm.s32 $0x4900;
	v3 =	vperm.xlane v3, v2  }
0x53: {  	[tilespmem:s19], [sflag:$0x2] =	stream.indirect_vreg.gather [hbm4b:s6+s2], $0x80, v4, vm0, $0xb8;
	[tilespmem:$0x10100] =	vst v63  }
0x54: {  	s5 =	simm.s32 $0x5100;
	v3 =	vadd.s32 v1, v3  }
0x55: {  	[tilespmem:s5], [sflag:$0x2] =	stream.indirect_vreg.gather [hbm4b:s7+s2], $0x80, v4, vm0, $0xb8;
	[tilespmem:$0x10100] =	vst v63  }
0x56: {  	s11 =	simm.s32 $0x5900  }
0x57: {  	[tilespmem:s11], [sflag:$0x2] =	stream.indirect_vreg.gather [hbm4b:s9+s2], $0x80, v4, vm0, $0xb8;
	[tilespmem:$0x10100] =	vst v63  }
0x58: {  	_ = 	snop  }
0x59: {  	[tilespmem:s14], [sflag:$0x2] =	stream.indirect_vreg.gather [hbm4b:s3+s2], $0x80, v3, vm0, $0xb8;
	[tilespmem:$0x10100] =	vst v63  }
0x5a: {  	_ = 	snop  }
0x5b: {  	[tilespmem:s15], [sflag:$0x2] =	stream.indirect_vreg.gather [hbm4b:s6+s2], $0x80, v3, vm0, $0xb8;
	[tilespmem:$0x10100] =	vst v63  }
0x5c: {  	_ = 	snop  }
0x5d: {  	[tilespmem:s16], [sflag:$0x2] =	stream.indirect_vreg.gather [hbm4b:s7+s2], $0x80, v3, vm0, $0xb8;
	[tilespmem:$0x10100] =	vst v63  }
0x5e: {  	_ = 	snop  }
0x5f: {  	[tilespmem:s17], [sflag:$0x2] =	stream.indirect_vreg.gather [hbm4b:s9+s2], $0x80, v3, vm0, $0xb8;
	[tilespmem:$0x10100] =	vst v63  }
0x60: {  	v3 =	vld [tilespmem:$0x90];
	_ =	sdelay $0x4  }
0x61: {  	v4 =	vshll.u32 v3, $0x3  }
0x62: {  	v3 =	vand.u32 $0x7, v3;
	v4 =	vand.u32 $0xFFFFFFC0, v4  }
0x63: {  	v3 =	vor.u32 v3, v4  }
0x64: {  	v4 =	vperm.xlane v3, v0;
	_ =	sdelay $0x1  }
0x65: {  	v4 =	vadd.s32 v1, v4;
	_ =	sdelay $0x4  }
0x66: {  	[tilespmem:s8], [sflag:$0x4] =	stream.indirect_vreg.gather [hbm4b:s3+s2], $0x80, v4, vm0, $0xb8;
	[tilespmem:$0x10100] =	vst v63  }
0x67: {  	v3 =	vperm.xlane v3, v2  }
0x68: {  	[tilespmem:s21], [sflag:$0x4] =	stream.indirect_vreg.gather [hbm4b:s6+s2], $0x80, v4, vm0, $0xb8;
	[tilespmem:$0x10100] =	vst v63  }
0x69: {  	v3 =	vadd.s32 v1, v3  }
0x6a: {  	[tilespmem:s22], [sflag:$0x4] =	stream.indirect_vreg.gather [hbm4b:s7+s2], $0x80, v4, vm0, $0xb8;
	[tilespmem:$0x10100] =	vst v63  }
0x6b: {  	_ = 	snop  }
0x6c: {  	[tilespmem:s23], [sflag:$0x4] =	stream.indirect_vreg.gather [hbm4b:s9+s2], $0x80, v4, vm0, $0xb8;
	[tilespmem:$0x10100] =	vst v63  }
0x6d: {  	_ = 	snop  }
0x6e: {  	[tilespmem:s24], [sflag:$0x4] =	stream.indirect_vreg.gather [hbm4b:s3+s2], $0x80, v3, vm0, $0xb8;
	[tilespmem:$0x10100] =	vst v63  }
0x6f: {  	_ = 	snop  }
0x70: {  	[tilespmem:s25], [sflag:$0x4] =	stream.indirect_vreg.gather [hbm4b:s6+s2], $0x80, v3, vm0, $0xb8;
	[tilespmem:$0x10100] =	vst v63  }
0x71: {  	_ = 	snop  }
0x72: {  	[tilespmem:s26], [sflag:$0x4] =	stream.indirect_vreg.gather [hbm4b:s7+s2], $0x80, v3, vm0, $0xb8;
	[tilespmem:$0x10100] =	vst v63  }
0x73: {  	_ = 	snop  }
0x74: {  	[tilespmem:s28], [sflag:$0x4] =	stream.indirect_vreg.gather [hbm4b:s9+s2], $0x80, v3, vm0, $0xb8;
	[tilespmem:$0x10100] =	vst v63  }
0x75: {  	_ =	swait.ge [sflag:s29], $0x4000  }
0x76: {  	s12 =	simm.s32 $0x0;
	[sflag:s29] =	ssyncset.done $0x0  }
0x77: {  	s4 =	sand.u32 $0x2000, s12;
	[sflag:s29] =	ssyncadd.s32 $0xFFFFC000  }
0x78: {  	s13 =	sand.u32 $0x1C00, s2;
	s19 =	simm.s32 $0x0;
	_ =	swait.ge [sflag:s30], $0x4000  }
0x79: {  	s4 =	sor.u32 s13, s4;
	s19 =	sand.u32 $0x380, s19;
	[sflag:s30] =	ssyncset.done $0x0  }
0x7a: {  	s19 =	sor.u32 s19, s4;
	[sflag:s30] =	ssyncadd.s32 $0xFFFFC000  }
0x7b: {  	v3 =	vld [tilespmem:s19+$0x170]  }
0x7c: {  	v5 =	vld [tilespmem:s19+$0x8170]  }
0x7d: {  	v6 =	vld [tilespmem:s19+$0x100]  }
0x7e: {  	v8 =	vld [tilespmem:s19+$0x8100]  }
0x7f: {  	v9 =	vld [tilespmem:s19+$0x110]  }
0x80: {  	v10 =	vld [tilespmem:s19+$0x8110]  }
0x81: {  	v4 =	vld [tilespmem:s19+$0x120]  }
0x82: {  	v7 =	vld [tilespmem:s19+$0x8120];
	v5 =	vadd.f32 v5, v3  }
0x83: {  	v8 =	vadd.f32 v8, v6;
	v3 =	vld [tilespmem:s19+$0x130]  }
0x84: {  	v6 =	vld [tilespmem:s19+$0x8130];
	[tilespmem:s19+$0x170] =	vst v5  }
0x85: {  	s4 =	simm.s32 $0x0;
	s5 =	simm.s32 $0x0;
	[tilespmem:s19+$0x100] =	vst v8;
	v8 =	vadd.f32 v10, v9;
	v5 =	vld [tilespmem:s19+$0x140]  }
.LBB2_2:
0x86: {  	s4 =	sadd.s32 $0x8, s4;
	v9 =	vld [tilespmem:s19+$0x8140]  }
0x87: {  	s5 =	sadd.s32 $0x400, s5;
	s11 =	sshll.u32 s4, $0x4;
	p0 =	slt.u32 s4, $0x3F8;
	[tilespmem:s19+$0x110] =	vst v8;
	v4 =	vadd.f32 v7, v4;
	v7 =	vld [tilespmem:s19+$0x150]  }
0x88: {  	s12 =	sand.u32 $0x1C00, s5;
	s13 =	sshll.u32 s4, $0x1;
	s11 =	sand.u32 $0x2000, s11;
	v8 =	vld [tilespmem:s19+$0x8150]  }
0x89: {  	s11 =	sor.u32 s12, s11;
	s12 =	sand.u32 $0x380, s13;
	[tilespmem:s19+$0x120] =	vst v4;
	v3 =	vadd.f32 v6, v3;
	v4 =	vld [tilespmem:s19+$0x160]  }
0x8a: {  	s11 =	sor.u32 s12, s11;
	v6 =	vld [tilespmem:s19+$0x8160]  }
0x8b: {  	v10 =	vld [tilespmem:s11+$0x170];
	[tilespmem:s19+$0x130] =	vst v3;
	v3 =	vadd.f32 v9, v5  }
0x8c: {  	v5 =	vld [tilespmem:s11+$0x8170]  }
0x8d: {  	v9 =	vld [tilespmem:s11+$0x100];
	[tilespmem:s19+$0x140] =	vst v3;
	v3 =	vadd.f32 v8, v7  }
0x8e: {  	v8 =	vld [tilespmem:s11+$0x8100]  }
0x8f: {  	v11 =	vld [tilespmem:s11+$0x110];
	[tilespmem:s19+$0x150] =	vst v3;
	v3 =	vadd.f32 v6, v4  }
0x90: {  	v12 =	vld [tilespmem:s11+$0x8110]  }
.Ltmp0:
0x91: {  	v4 =	vld [tilespmem:s11+$0x120];
	v5 =	vadd.f32 v5, v10;
	[tilespmem:s19+$0x160] =	vst v3;
	s19 =	smov.u32 s11;
	(pc) =	sbr.rel @p0 .LBB2_2-.Ltmp0, $4  }
0x92: {  	v7 =	vld [tilespmem:s19+$0x8120]  }
0x93: {  	v8 =	vadd.f32 v8, v9;
	v3 =	vld [tilespmem:s19+$0x130];
	[tilespmem:s19+$0x170] =	vst v5  }
0x94: {  	v6 =	vld [tilespmem:s19+$0x8130]  }
0x95: {  	[tilespmem:s19+$0x100] =	vst v8;
	v8 =	vadd.f32 v12, v11;
	v5 =	vld [tilespmem:s19+$0x140]  }
0x96: {  	v9 =	vld [tilespmem:s19+$0x8140]  }
0x97: {  	v10 =	vld [tilespmem:s19+$0x150]  }
0x98: {  	v11 =	vld [tilespmem:s19+$0x8150]  }
0x99: {  	v12 =	vld [tilespmem:s19+$0x160]  }
0x9a: {  	v13 =	vld [tilespmem:s19+$0x8160]  }
0x9b: {  	v4 =	vadd.f32 v7, v4  }
0x9c: {  	[tilespmem:s19+$0x110] =	vst v8;
	v3 =	vadd.f32 v6, v3  }
0x9d: {  	[tilespmem:s19+$0x120] =	vst v4;
	v4 =	vadd.f32 v9, v5  }
0x9e: {  	[tilespmem:s19+$0x130] =	vst v3;
	v3 =	vadd.f32 v11, v10  }
0x9f: {  	[tilespmem:s19+$0x140] =	vst v4;
	v4 =	vadd.f32 v13, v12  }
0xa0: {  	[tilespmem:s19+$0x150] =	vst v3  }
0xa1: {  	[tilespmem:s19+$0x160] =	vst v4  }
0xa2: {  	s19 =	simm.s32 $0x0;
	s4 =	rddreg [dreg:$0x5]  }
0xa3: {  	[hbm4b:s4+s19] =	stream.linear.scatter [tilespmem:s20], [sflag:$0x5], $0x4000, $0x38;
	[tilespmem:$0x10100] =	vst v63  }
0xa4: {  	_ =	swait.ge [sflag:s18], $0x4000  }
0xa5: {  	[sflag:s18] =	ssyncset.done $0x0  }
0xa6: {  	[sflag:s18] =	ssyncadd.s32 $0xFFFFC000  }
0xa7: {  	v3 =	vld [tilespmem:$0x20];
	_ =	sdelay $0x4  }
0xa8: {  	v4 =	vshll.u32 v3, $0x3  }
0xa9: {  	v3 =	vand.u32 $0x7, v3;
	v4 =	vand.u32 $0xFFFFFFC0, v4  }
0xaa: {  	v3 =	vor.u32 v3, v4  }
0xab: {  	v4 =	vperm.xlane v3, v0;
	_ =	sdelay $0x1  }
0xac: {  	v4 =	vadd.s32 v1, v4;
	_ =	sdelay $0x4  }
0xad: {  	[tilespmem:s20], [sflag:$0x1] =	stream.indirect_vreg.gather [hbm4b:s3+s19], $0x80, v4, vm0, $0xb8;
	[tilespmem:$0x10100] =	vst v63  }
0xae: {  	s13 =	simm.s32 $0x900;
	v3 =	vperm.xlane v3, v2  }
0xaf: {  	[tilespmem:s13], [sflag:$0x1] =	stream.indirect_vreg.gather [hbm4b:s6+s19], $0x80, v4, vm0, $0xb8;
	[tilespmem:$0x10100] =	vst v63  }
0xb0: {  	s5 =	simm.s32 $0x1100;
	v3 =	vadd.s32 v1, v3  }
0xb1: {  	[tilespmem:s5], [sflag:$0x1] =	stream.indirect_vreg.gather [hbm4b:s7+s19], $0x80, v4, vm0, $0xb8;
	[tilespmem:$0x10100] =	vst v63  }
0xb2: {  	s11 =	simm.s32 $0x1900  }
0xb3: {  	[tilespmem:s11], [sflag:$0x1] =	stream.indirect_vreg.gather [hbm4b:s9+s19], $0x80, v4, vm0, $0xb8;
	[tilespmem:$0x10100] =	vst v63  }
0xb4: {  	s12 =	simm.s32 $0x2100  }
0xb5: {  	[tilespmem:s12], [sflag:$0x1] =	stream.indirect_vreg.gather [hbm4b:s3+s19], $0x80, v3, vm0, $0xb8;
	[tilespmem:$0x10100] =	vst v63  }
0xb6: {  	s13 =	simm.s32 $0x2900  }
0xb7: {  	[tilespmem:s13], [sflag:$0x1] =	stream.indirect_vreg.gather [hbm4b:s6+s19], $0x80, v3, vm0, $0xb8;
	[tilespmem:$0x10100] =	vst v63  }
0xb8: {  	s5 =	simm.s32 $0x3100  }
0xb9: {  	[tilespmem:s5], [sflag:$0x1] =	stream.indirect_vreg.gather [hbm4b:s7+s19], $0x80, v3, vm0, $0xb8;
	[tilespmem:$0x10100] =	vst v63  }
0xba: {  	s11 =	simm.s32 $0x3900  }
0xbb: {  	[tilespmem:s11], [sflag:$0x1] =	stream.indirect_vreg.gather [hbm4b:s9+s19], $0x80, v3, vm0, $0xb8;
	[tilespmem:$0x10100] =	vst v63  }
0xbc: {  	v3 =	vld [tilespmem:$0xA0];
	_ =	sdelay $0x4  }
0xbd: {  	v4 =	vshll.u32 v3, $0x3  }
0xbe: {  	v3 =	vand.u32 $0x7, v3;
	v4 =	vand.u32 $0xFFFFFFC0, v4  }
0xbf: {  	v3 =	vor.u32 v3, v4  }
0xc0: {  	v4 =	vperm.xlane v3, v0;
	_ =	sdelay $0x1  }
0xc1: {  	v4 =	vadd.s32 v1, v4;
	_ =	sdelay $0x3  }
0xc2: {  	s12 =	simm.s32 $0x8100  }
0xc3: {  	[tilespmem:s12], [sflag:$0x3] =	stream.indirect_vreg.gather [hbm4b:s3+s19], $0x80, v4, vm0, $0xb8;
	[tilespmem:$0x10100] =	vst v63  }
0xc4: {  	s13 =	simm.s32 $0x8900;
	v3 =	vperm.xlane v3, v2  }
0xc5: {  	[tilespmem:s13], [sflag:$0x3] =	stream.indirect_vreg.gather [hbm4b:s6+s19], $0x80, v4, vm0, $0xb8;
	[tilespmem:$0x10100] =	vst v63  }
0xc6: {  	s5 =	simm.s32 $0x9100;
	v3 =	vadd.s32 v1, v3  }
0xc7: {  	[tilespmem:s5], [sflag:$0x3] =	stream.indirect_vreg.gather [hbm4b:s7+s19], $0x80, v4, vm0, $0xb8;
	[tilespmem:$0x10100] =	vst v63  }
0xc8: {  	s11 =	simm.s32 $0x9900  }
0xc9: {  	[tilespmem:s11], [sflag:$0x3] =	stream.indirect_vreg.gather [hbm4b:s9+s19], $0x80, v4, vm0, $0xb8;
	[tilespmem:$0x10100] =	vst v63  }
0xca: {  	s12 =	simm.s32 $0xA100  }
0xcb: {  	[tilespmem:s12], [sflag:$0x3] =	stream.indirect_vreg.gather [hbm4b:s3+s19], $0x80, v3, vm0, $0xb8;
	[tilespmem:$0x10100] =	vst v63  }
0xcc: {  	s13 =	simm.s32 $0xA900  }
0xcd: {  	[tilespmem:s13], [sflag:$0x3] =	stream.indirect_vreg.gather [hbm4b:s6+s19], $0x80, v3, vm0, $0xb8;
	[tilespmem:$0x10100] =	vst v63  }
0xce: {  	s5 =	simm.s32 $0xB100  }
0xcf: {  	[tilespmem:s5], [sflag:$0x3] =	stream.indirect_vreg.gather [hbm4b:s7+s19], $0x80, v3, vm0, $0xb8;
	[tilespmem:$0x10100] =	vst v63  }
0xd0: {  	s11 =	simm.s32 $0xB900  }
0xd1: {  	[tilespmem:s11], [sflag:$0x3] =	stream.indirect_vreg.gather [hbm4b:s9+s19], $0x80, v3, vm0, $0xb8;
	[tilespmem:$0x10100] =	vst v63  }
0xd2: {  	_ =	swait.ge [sflag:s31], $0x4000  }
0xd3: {  	s12 =	simm.s32 $0x0;
	[sflag:s31] =	ssyncset.done $0x0  }
0xd4: {  	s4 =	sand.u32 $0x2000, s12;
	[sflag:s31] =	ssyncadd.s32 $0xFFFFC000  }
0xd5: {  	s5 =	sand.u32 $0x1C00, s19;
	s11 =	simm.s32 $0x0;
	_ =	swait.ge [sflag:s0], $0x4000  }
0xd6: {  	s4 =	sor.u32 s5, s4;
	s13 =	sand.u32 $0x380, s11;
	[sflag:s0] =	ssyncset.done $0x0  }
0xd7: {  	s4 =	sor.u32 s13, s4;
	[sflag:s0] =	ssyncadd.s32 $0xFFFFC000  }
0xd8: {  	v3 =	vld [tilespmem:s4+$0x4170]  }
0xd9: {  	v5 =	vld [tilespmem:s4+$0xC170]  }
0xda: {  	v6 =	vld [tilespmem:s4+$0x4100]  }
0xdb: {  	v8 =	vld [tilespmem:s4+$0xC100]  }
0xdc: {  	v9 =	vld [tilespmem:s4+$0x4110]  }
0xdd: {  	v10 =	vld [tilespmem:s4+$0xC110]  }
0xde: {  	v4 =	vld [tilespmem:s4+$0x4120]  }
0xdf: {  	v7 =	vld [tilespmem:s4+$0xC120];
	v5 =	vadd.f32 v5, v3  }
0xe0: {  	v8 =	vadd.f32 v8, v6;
	v3 =	vld [tilespmem:s4+$0x4130]  }
0xe1: {  	v6 =	vld [tilespmem:s4+$0xC130];
	[tilespmem:s4+$0x4170] =	vst v5  }
0xe2: {  	s5 =	simm.s32 $0x0;
	[tilespmem:s4+$0x4100] =	vst v8;
	v8 =	vadd.f32 v10, v9;
	v5 =	vld [tilespmem:s4+$0x4140]  }
.LBB2_4:
0xe3: {  	s5 =	sadd.s32 $0x8, s5;
	v9 =	vld [tilespmem:s4+$0xC140]  }
0xe4: {  	s19 =	sadd.s32 $0x400, s19;
	s11 =	sshll.u32 s5, $0x4;
	p0 =	slt.u32 s5, $0x3F8;
	[tilespmem:s4+$0x4110] =	vst v8;
	v4 =	vadd.f32 v7, v4;
	v7 =	vld [tilespmem:s4+$0x4150]  }
0xe5: {  	s12 =	sand.u32 $0x1C00, s19;
	s13 =	sshll.u32 s5, $0x1;
	s11 =	sand.u32 $0x2000, s11;
	v8 =	vld [tilespmem:s4+$0xC150]  }
0xe6: {  	s11 =	sor.u32 s12, s11;
	s12 =	sand.u32 $0x380, s13;
	[tilespmem:s4+$0x4120] =	vst v4;
	v3 =	vadd.f32 v6, v3;
	v4 =	vld [tilespmem:s4+$0x4160]  }
0xe7: {  	s11 =	sor.u32 s12, s11;
	v6 =	vld [tilespmem:s4+$0xC160]  }
0xe8: {  	v10 =	vld [tilespmem:s11+$0x4170];
	[tilespmem:s4+$0x4130] =	vst v3;
	v3 =	vadd.f32 v9, v5  }
0xe9: {  	v5 =	vld [tilespmem:s11+$0xC170]  }
0xea: {  	v9 =	vld [tilespmem:s11+$0x4100];
	[tilespmem:s4+$0x4140] =	vst v3;
	v3 =	vadd.f32 v8, v7  }
0xeb: {  	v8 =	vld [tilespmem:s11+$0xC100]  }
0xec: {  	v11 =	vld [tilespmem:s11+$0x4110];
	[tilespmem:s4+$0x4150] =	vst v3;
	v3 =	vadd.f32 v6, v4  }
0xed: {  	v12 =	vld [tilespmem:s11+$0xC110]  }
.Ltmp1:
0xee: {  	v4 =	vld [tilespmem:s11+$0x4120];
	v5 =	vadd.f32 v5, v10;
	[tilespmem:s4+$0x4160] =	vst v3;
	s4 =	smov.u32 s11;
	(pc) =	sbr.rel @p0 .LBB2_4-.Ltmp1, $4  }
0xef: {  	v7 =	vld [tilespmem:s4+$0xC120]  }
0xf0: {  	v8 =	vadd.f32 v8, v9;
	v3 =	vld [tilespmem:s4+$0x4130];
	[tilespmem:s4+$0x4170] =	vst v5  }
0xf1: {  	v6 =	vld [tilespmem:s4+$0xC130]  }
0xf2: {  	[tilespmem:s4+$0x4100] =	vst v8;
	v8 =	vadd.f32 v12, v11;
	v5 =	vld [tilespmem:s4+$0x4140]  }
0xf3: {  	v9 =	vld [tilespmem:s4+$0xC140]  }
0xf4: {  	v10 =	vld [tilespmem:s4+$0x4150]  }
0xf5: {  	v11 =	vld [tilespmem:s4+$0xC150]  }
0xf6: {  	v12 =	vld [tilespmem:s4+$0x4160]  }
0xf7: {  	v13 =	vld [tilespmem:s4+$0xC160]  }
0xf8: {  	v4 =	vadd.f32 v7, v4  }
0xf9: {  	[tilespmem:s4+$0x4110] =	vst v8;
	v3 =	vadd.f32 v6, v3  }
0xfa: {  	[tilespmem:s4+$0x4120] =	vst v4;
	v4 =	vadd.f32 v9, v5  }
0xfb: {  	[tilespmem:s4+$0x4130] =	vst v3;
	v3 =	vadd.f32 v11, v10  }
0xfc: {  	[tilespmem:s4+$0x4140] =	vst v4;
	v4 =	vadd.f32 v13, v12  }
0xfd: {  	[tilespmem:s4+$0x4150] =	vst v3  }
0xfe: {  	[tilespmem:s4+$0x4160] =	vst v4  }
0xff: {  	s19 =	simm.s32 $0x0;
	s4 =	rddreg [dreg:$0x6]  }
0x100: {  	[hbm4b:s4+s19] =	stream.linear.scatter [tilespmem:s10], [sflag:$0x5], $0x4000, $0x38;
	[tilespmem:$0x10100] =	vst v63  }
0x101: {  	_ =	swait.ge [sflag:s18], $0x4000  }
0x102: {  	[sflag:s18] =	ssyncset.done $0x0  }
0x103: {  	[sflag:s18] =	ssyncadd.s32 $0xFFFFC000  }
0x104: {  	v3 =	vld [tilespmem:$0x30];
	_ =	sdelay $0x4  }
0x105: {  	v4 =	vshll.u32 v3, $0x3  }
0x106: {  	v3 =	vand.u32 $0x7, v3;
	v4 =	vand.u32 $0xFFFFFFC0, v4  }
0x107: {  	v3 =	vor.u32 v3, v4  }
0x108: {  	v4 =	vperm.xlane v3, v0;
	_ =	sdelay $0x1  }
0x109: {  	v4 =	vadd.s32 v1, v4;
	_ =	sdelay $0x4  }
0x10a: {  	[tilespmem:s10], [sflag:$0x2] =	stream.indirect_vreg.gather [hbm4b:s3+s19], $0x80, v4, vm0, $0xb8;
	[tilespmem:$0x10100] =	vst v63  }
0x10b: {  	s13 =	simm.s32 $0x4900;
	v3 =	vperm.xlane v3, v2  }
0x10c: {  	[tilespmem:s13], [sflag:$0x2] =	stream.indirect_vreg.gather [hbm4b:s6+s19], $0x80, v4, vm0, $0xb8;
	[tilespmem:$0x10100] =	vst v63  }
0x10d: {  	s5 =	simm.s32 $0x5100;
	v3 =	vadd.s32 v1, v3  }
0x10e: {  	[tilespmem:s5], [sflag:$0x2] =	stream.indirect_vreg.gather [hbm4b:s7+s19], $0x80, v4, vm0, $0xb8;
	[tilespmem:$0x10100] =	vst v63  }
0x10f: {  	s11 =	simm.s32 $0x5900  }
0x110: {  	[tilespmem:s11], [sflag:$0x2] =	stream.indirect_vreg.gather [hbm4b:s9+s19], $0x80, v4, vm0, $0xb8;
	[tilespmem:$0x10100] =	vst v63  }
0x111: {  	_ = 	snop  }
0x112: {  	[tilespmem:s14], [sflag:$0x2] =	stream.indirect_vreg.gather [hbm4b:s3+s19], $0x80, v3, vm0, $0xb8;
	[tilespmem:$0x10100] =	vst v63  }
0x113: {  	_ = 	snop  }
0x114: {  	[tilespmem:s15], [sflag:$0x2] =	stream.indirect_vreg.gather [hbm4b:s6+s19], $0x80, v3, vm0, $0xb8;
	[tilespmem:$0x10100] =	vst v63  }
0x115: {  	_ = 	snop  }
0x116: {  	[tilespmem:s16], [sflag:$0x2] =	stream.indirect_vreg.gather [hbm4b:s7+s19], $0x80, v3, vm0, $0xb8;
	[tilespmem:$0x10100] =	vst v63  }
0x117: {  	_ = 	snop  }
0x118: {  	[tilespmem:s17], [sflag:$0x2] =	stream.indirect_vreg.gather [hbm4b:s9+s19], $0x80, v3, vm0, $0xb8;
	[tilespmem:$0x10100] =	vst v63  }
0x119: {  	v3 =	vld [tilespmem:$0xB0];
	_ =	sdelay $0x4  }
0x11a: {  	v4 =	vshll.u32 v3, $0x3  }
0x11b: {  	v3 =	vand.u32 $0x7, v3;
	v4 =	vand.u32 $0xFFFFFFC0, v4  }
0x11c: {  	v3 =	vor.u32 v3, v4  }
0x11d: {  	v4 =	vperm.xlane v3, v0;
	_ =	sdelay $0x1  }
0x11e: {  	v4 =	vadd.s32 v1, v4;
	_ =	sdelay $0x4  }
0x11f: {  	[tilespmem:s8], [sflag:$0x4] =	stream.indirect_vreg.gather [hbm4b:s3+s19], $0x80, v4, vm0, $0xb8;
	[tilespmem:$0x10100] =	vst v63  }
0x120: {  	v3 =	vperm.xlane v3, v2  }
0x121: {  	[tilespmem:s21], [sflag:$0x4] =	stream.indirect_vreg.gather [hbm4b:s6+s19], $0x80, v4, vm0, $0xb8;
	[tilespmem:$0x10100] =	vst v63  }
0x122: {  	v3 =	vadd.s32 v1, v3  }
0x123: {  	[tilespmem:s22], [sflag:$0x4] =	stream.indirect_vreg.gather [hbm4b:s7+s19], $0x80, v4, vm0, $0xb8;
	[tilespmem:$0x10100] =	vst v63  }
0x124: {  	_ = 	snop  }
0x125: {  	[tilespmem:s23], [sflag:$0x4] =	stream.indirect_vreg.gather [hbm4b:s9+s19], $0x80, v4, vm0, $0xb8;
	[tilespmem:$0x10100] =	vst v63  }
0x126: {  	_ = 	snop  }
0x127: {  	[tilespmem:s24], [sflag:$0x4] =	stream.indirect_vreg.gather [hbm4b:s3+s19], $0x80, v3, vm0, $0xb8;
	[tilespmem:$0x10100] =	vst v63  }
0x128: {  	_ = 	snop  }
0x129: {  	[tilespmem:s25], [sflag:$0x4] =	stream.indirect_vreg.gather [hbm4b:s6+s19], $0x80, v3, vm0, $0xb8;
	[tilespmem:$0x10100] =	vst v63  }
0x12a: {  	_ = 	snop  }
0x12b: {  	[tilespmem:s26], [sflag:$0x4] =	stream.indirect_vreg.gather [hbm4b:s7+s19], $0x80, v3, vm0, $0xb8;
	[tilespmem:$0x10100] =	vst v63  }
0x12c: {  	_ = 	snop  }
0x12d: {  	[tilespmem:s28], [sflag:$0x4] =	stream.indirect_vreg.gather [hbm4b:s9+s19], $0x80, v3, vm0, $0xb8;
	[tilespmem:$0x10100] =	vst v63  }
0x12e: {  	_ =	swait.ge [sflag:s29], $0x4000  }
0x12f: {  	s12 =	simm.s32 $0x0;
	[sflag:s29] =	ssyncset.done $0x0  }
0x130: {  	s4 =	sand.u32 $0x2000, s12;
	[sflag:s29] =	ssyncadd.s32 $0xFFFFC000  }
0x131: {  	s5 =	sand.u32 $0x1C00, s19;
	s11 =	simm.s32 $0x0;
	_ =	swait.ge [sflag:s30], $0x4000  }
0x132: {  	s4 =	sor.u32 s5, s4;
	s13 =	sand.u32 $0x380, s11;
	[sflag:s30] =	ssyncset.done $0x0  }
0x133: {  	s4 =	sor.u32 s13, s4;
	[sflag:s30] =	ssyncadd.s32 $0xFFFFC000  }
0x134: {  	v3 =	vld [tilespmem:s4+$0x170]  }
0x135: {  	v5 =	vld [tilespmem:s4+$0x8170]  }
0x136: {  	v6 =	vld [tilespmem:s4+$0x100]  }
0x137: {  	v8 =	vld [tilespmem:s4+$0x8100]  }
0x138: {  	v9 =	vld [tilespmem:s4+$0x110]  }
0x139: {  	v10 =	vld [tilespmem:s4+$0x8110]  }
0x13a: {  	v4 =	vld [tilespmem:s4+$0x120]  }
0x13b: {  	v7 =	vld [tilespmem:s4+$0x8120];
	v5 =	vadd.f32 v5, v3  }
0x13c: {  	v8 =	vadd.f32 v8, v6;
	v3 =	vld [tilespmem:s4+$0x130]  }
0x13d: {  	v6 =	vld [tilespmem:s4+$0x8130];
	[tilespmem:s4+$0x170] =	vst v5  }
0x13e: {  	s5 =	simm.s32 $0x0;
	[tilespmem:s4+$0x100] =	vst v8;
	v8 =	vadd.f32 v10, v9;
	v5 =	vld [tilespmem:s4+$0x140]  }
.LBB2_6:
0x13f: {  	s5 =	sadd.s32 $0x8, s5;
	v9 =	vld [tilespmem:s4+$0x8140]  }
0x140: {  	s19 =	sadd.s32 $0x400, s19;
	s11 =	sshll.u32 s5, $0x4;
	p0 =	slt.u32 s5, $0x3F8;
	[tilespmem:s4+$0x110] =	vst v8;
	v4 =	vadd.f32 v7, v4;
	v7 =	vld [tilespmem:s4+$0x150]  }
0x141: {  	s12 =	sand.u32 $0x1C00, s19;
	s13 =	sshll.u32 s5, $0x1;
	s11 =	sand.u32 $0x2000, s11;
	v8 =	vld [tilespmem:s4+$0x8150]  }
0x142: {  	s11 =	sor.u32 s12, s11;
	s12 =	sand.u32 $0x380, s13;
	[tilespmem:s4+$0x120] =	vst v4;
	v3 =	vadd.f32 v6, v3;
	v4 =	vld [tilespmem:s4+$0x160]  }
0x143: {  	s11 =	sor.u32 s12, s11;
	v6 =	vld [tilespmem:s4+$0x8160]  }
0x144: {  	v10 =	vld [tilespmem:s11+$0x170];
	[tilespmem:s4+$0x130] =	vst v3;
	v3 =	vadd.f32 v9, v5  }
0x145: {  	v5 =	vld [tilespmem:s11+$0x8170]  }
0x146: {  	v9 =	vld [tilespmem:s11+$0x100];
	[tilespmem:s4+$0x140] =	vst v3;
	v3 =	vadd.f32 v8, v7  }
0x147: {  	v8 =	vld [tilespmem:s11+$0x8100]  }
0x148: {  	v11 =	vld [tilespmem:s11+$0x110];
	[tilespmem:s4+$0x150] =	vst v3;
	v3 =	vadd.f32 v6, v4  }
0x149: {  	v12 =	vld [tilespmem:s11+$0x8110]  }
.Ltmp2:
0x14a: {  	v4 =	vld [tilespmem:s11+$0x120];
	v5 =	vadd.f32 v5, v10;
	[tilespmem:s4+$0x160] =	vst v3;
	s4 =	smov.u32 s11;
	(pc) =	sbr.rel @p0 .LBB2_6-.Ltmp2, $4  }
0x14b: {  	v7 =	vld [tilespmem:s4+$0x8120]  }
0x14c: {  	v8 =	vadd.f32 v8, v9;
	v3 =	vld [tilespmem:s4+$0x130];
	[tilespmem:s4+$0x170] =	vst v5  }
0x14d: {  	v6 =	vld [tilespmem:s4+$0x8130]  }
0x14e: {  	[tilespmem:s4+$0x100] =	vst v8;
	v8 =	vadd.f32 v12, v11;
	v5 =	vld [tilespmem:s4+$0x140]  }
0x14f: {  	v9 =	vld [tilespmem:s4+$0x8140]  }
0x150: {  	v10 =	vld [tilespmem:s4+$0x150]  }
0x151: {  	v11 =	vld [tilespmem:s4+$0x8150]  }
0x152: {  	v12 =	vld [tilespmem:s4+$0x160]  }
0x153: {  	v13 =	vld [tilespmem:s4+$0x8160]  }
0x154: {  	v4 =	vadd.f32 v7, v4  }
0x155: {  	[tilespmem:s4+$0x110] =	vst v8;
	v3 =	vadd.f32 v6, v3  }
0x156: {  	[tilespmem:s4+$0x120] =	vst v4;
	v4 =	vadd.f32 v9, v5  }
0x157: {  	[tilespmem:s4+$0x130] =	vst v3;
	v3 =	vadd.f32 v11, v10  }
0x158: {  	[tilespmem:s4+$0x140] =	vst v4;
	v4 =	vadd.f32 v13, v12  }
0x159: {  	[tilespmem:s4+$0x150] =	vst v3  }
0x15a: {  	[tilespmem:s4+$0x160] =	vst v4  }
0x15b: {  	s19 =	simm.s32 $0x0;
	s4 =	rddreg [dreg:$0x7]  }
0x15c: {  	[hbm4b:s4+s19] =	stream.linear.scatter [tilespmem:s20], [sflag:$0x5], $0x4000, $0x38;
	[tilespmem:$0x10100] =	vst v63  }
0x15d: {  	_ =	swait.ge [sflag:s18], $0x4000  }
0x15e: {  	[sflag:s18] =	ssyncset.done $0x0  }
0x15f: {  	[sflag:s18] =	ssyncadd.s32 $0xFFFFC000  }
0x160: {  	v3 =	vld [tilespmem:$0x40];
	_ =	sdelay $0x4  }
0x161: {  	v4 =	vshll.u32 v3, $0x3  }
0x162: {  	v3 =	vand.u32 $0x7, v3;
	v4 =	vand.u32 $0xFFFFFFC0, v4  }
0x163: {  	v3 =	vor.u32 v3, v4  }
0x164: {  	v4 =	vperm.xlane v3, v0;
	_ =	sdelay $0x1  }
0x165: {  	v4 =	vadd.s32 v1, v4;
	_ =	sdelay $0x4  }
0x166: {  	[tilespmem:s20], [sflag:$0x1] =	stream.indirect_vreg.gather [hbm4b:s3+s19], $0x80, v4, vm0, $0xb8;
	[tilespmem:$0x10100] =	vst v63  }
0x167: {  	s13 =	simm.s32 $0x900;
	v3 =	vperm.xlane v3, v2  }
0x168: {  	[tilespmem:s13], [sflag:$0x1] =	stream.indirect_vreg.gather [hbm4b:s6+s19], $0x80, v4, vm0, $0xb8;
	[tilespmem:$0x10100] =	vst v63  }
0x169: {  	s5 =	simm.s32 $0x1100;
	v3 =	vadd.s32 v1, v3  }
0x16a: {  	[tilespmem:s5], [sflag:$0x1] =	stream.indirect_vreg.gather [hbm4b:s7+s19], $0x80, v4, vm0, $0xb8;
	[tilespmem:$0x10100] =	vst v63  }
0x16b: {  	s11 =	simm.s32 $0x1900  }
0x16c: {  	[tilespmem:s11], [sflag:$0x1] =	stream.indirect_vreg.gather [hbm4b:s9+s19], $0x80, v4, vm0, $0xb8;
	[tilespmem:$0x10100] =	vst v63  }
0x16d: {  	s12 =	simm.s32 $0x2100  }
0x16e: {  	[tilespmem:s12], [sflag:$0x1] =	stream.indirect_vreg.gather [hbm4b:s3+s19], $0x80, v3, vm0, $0xb8;
	[tilespmem:$0x10100] =	vst v63  }
0x16f: {  	s13 =	simm.s32 $0x2900  }
0x170: {  	[tilespmem:s13], [sflag:$0x1] =	stream.indirect_vreg.gather [hbm4b:s6+s19], $0x80, v3, vm0, $0xb8;
	[tilespmem:$0x10100] =	vst v63  }
0x171: {  	s5 =	simm.s32 $0x3100  }
0x172: {  	[tilespmem:s5], [sflag:$0x1] =	stream.indirect_vreg.gather [hbm4b:s7+s19], $0x80, v3, vm0, $0xb8;
	[tilespmem:$0x10100] =	vst v63  }
0x173: {  	s11 =	simm.s32 $0x3900  }
0x174: {  	[tilespmem:s11], [sflag:$0x1] =	stream.indirect_vreg.gather [hbm4b:s9+s19], $0x80, v3, vm0, $0xb8;
	[tilespmem:$0x10100] =	vst v63  }
0x175: {  	v3 =	vld [tilespmem:$0xC0];
	_ =	sdelay $0x4  }
0x176: {  	v4 =	vshll.u32 v3, $0x3  }
0x177: {  	v3 =	vand.u32 $0x7, v3;
	v4 =	vand.u32 $0xFFFFFFC0, v4  }
0x178: {  	v3 =	vor.u32 v3, v4  }
0x179: {  	v4 =	vperm.xlane v3, v0;
	_ =	sdelay $0x1  }
0x17a: {  	v4 =	vadd.s32 v1, v4;
	_ =	sdelay $0x3  }
0x17b: {  	s12 =	simm.s32 $0x8100  }
0x17c: {  	[tilespmem:s12], [sflag:$0x3] =	stream.indirect_vreg.gather [hbm4b:s3+s19], $0x80, v4, vm0, $0xb8;
	[tilespmem:$0x10100] =	vst v63  }
0x17d: {  	s13 =	simm.s32 $0x8900;
	v3 =	vperm.xlane v3, v2  }
0x17e: {  	[tilespmem:s13], [sflag:$0x3] =	stream.indirect_vreg.gather [hbm4b:s6+s19], $0x80, v4, vm0, $0xb8;
	[tilespmem:$0x10100] =	vst v63  }
0x17f: {  	s5 =	simm.s32 $0x9100;
	v3 =	vadd.s32 v1, v3  }
0x180: {  	[tilespmem:s5], [sflag:$0x3] =	stream.indirect_vreg.gather [hbm4b:s7+s19], $0x80, v4, vm0, $0xb8;
	[tilespmem:$0x10100] =	vst v63  }
0x181: {  	s11 =	simm.s32 $0x9900  }
0x182: {  	[tilespmem:s11], [sflag:$0x3] =	stream.indirect_vreg.gather [hbm4b:s9+s19], $0x80, v4, vm0, $0xb8;
	[tilespmem:$0x10100] =	vst v63  }
0x183: {  	s12 =	simm.s32 $0xA100  }
0x184: {  	[tilespmem:s12], [sflag:$0x3] =	stream.indirect_vreg.gather [hbm4b:s3+s19], $0x80, v3, vm0, $0xb8;
	[tilespmem:$0x10100] =	vst v63  }
0x185: {  	s13 =	simm.s32 $0xA900  }
0x186: {  	[tilespmem:s13], [sflag:$0x3] =	stream.indirect_vreg.gather [hbm4b:s6+s19], $0x80, v3, vm0, $0xb8;
	[tilespmem:$0x10100] =	vst v63  }
0x187: {  	s5 =	simm.s32 $0xB100  }
0x188: {  	[tilespmem:s5], [sflag:$0x3] =	stream.indirect_vreg.gather [hbm4b:s7+s19], $0x80, v3, vm0, $0xb8;
	[tilespmem:$0x10100] =	vst v63  }
0x189: {  	s11 =	simm.s32 $0xB900  }
0x18a: {  	[tilespmem:s11], [sflag:$0x3] =	stream.indirect_vreg.gather [hbm4b:s9+s19], $0x80, v3, vm0, $0xb8;
	[tilespmem:$0x10100] =	vst v63  }
0x18b: {  	_ =	swait.ge [sflag:s31], $0x4000  }
0x18c: {  	s12 =	simm.s32 $0x0;
	[sflag:s31] =	ssyncset.done $0x0  }
0x18d: {  	s4 =	sand.u32 $0x2000, s12;
	[sflag:s31] =	ssyncadd.s32 $0xFFFFC000  }
0x18e: {  	s5 =	sand.u32 $0x1C00, s19;
	s11 =	simm.s32 $0x0;
	_ =	swait.ge [sflag:s0], $0x4000  }
0x18f: {  	s4 =	sor.u32 s5, s4;
	s13 =	sand.u32 $0x380, s11;
	[sflag:s0] =	ssyncset.done $0x0  }
0x190: {  	s4 =	sor.u32 s13, s4;
	[sflag:s0] =	ssyncadd.s32 $0xFFFFC000  }
0x191: {  	v3 =	vld [tilespmem:s4+$0x4170]  }
0x192: {  	v5 =	vld [tilespmem:s4+$0xC170]  }
0x193: {  	v6 =	vld [tilespmem:s4+$0x4100]  }
0x194: {  	v8 =	vld [tilespmem:s4+$0xC100]  }
0x195: {  	v9 =	vld [tilespmem:s4+$0x4110]  }
0x196: {  	v10 =	vld [tilespmem:s4+$0xC110]  }
0x197: {  	v4 =	vld [tilespmem:s4+$0x4120]  }
0x198: {  	v7 =	vld [tilespmem:s4+$0xC120];
	v5 =	vadd.f32 v5, v3  }
0x199: {  	v8 =	vadd.f32 v8, v6;
	v3 =	vld [tilespmem:s4+$0x4130]  }
0x19a: {  	v6 =	vld [tilespmem:s4+$0xC130];
	[tilespmem:s4+$0x4170] =	vst v5  }
0x19b: {  	s5 =	simm.s32 $0x0;
	[tilespmem:s4+$0x4100] =	vst v8;
	v8 =	vadd.f32 v10, v9;
	v5 =	vld [tilespmem:s4+$0x4140]  }
.LBB2_8:
0x19c: {  	s5 =	sadd.s32 $0x8, s5;
	v9 =	vld [tilespmem:s4+$0xC140]  }
0x19d: {  	s19 =	sadd.s32 $0x400, s19;
	s11 =	sshll.u32 s5, $0x4;
	p0 =	slt.u32 s5, $0x3F8;
	[tilespmem:s4+$0x4110] =	vst v8;
	v4 =	vadd.f32 v7, v4;
	v7 =	vld [tilespmem:s4+$0x4150]  }
0x19e: {  	s12 =	sand.u32 $0x1C00, s19;
	s13 =	sshll.u32 s5, $0x1;
	s11 =	sand.u32 $0x2000, s11;
	v8 =	vld [tilespmem:s4+$0xC150]  }
0x19f: {  	s11 =	sor.u32 s12, s11;
	s12 =	sand.u32 $0x380, s13;
	[tilespmem:s4+$0x4120] =	vst v4;
	v3 =	vadd.f32 v6, v3;
	v4 =	vld [tilespmem:s4+$0x4160]  }
0x1a0: {  	s11 =	sor.u32 s12, s11;
	v6 =	vld [tilespmem:s4+$0xC160]  }
0x1a1: {  	v10 =	vld [tilespmem:s11+$0x4170];
	[tilespmem:s4+$0x4130] =	vst v3;
	v3 =	vadd.f32 v9, v5  }
0x1a2: {  	v5 =	vld [tilespmem:s11+$0xC170]  }
0x1a3: {  	v9 =	vld [tilespmem:s11+$0x4100];
	[tilespmem:s4+$0x4140] =	vst v3;
	v3 =	vadd.f32 v8, v7  }
0x1a4: {  	v8 =	vld [tilespmem:s11+$0xC100]  }
0x1a5: {  	v11 =	vld [tilespmem:s11+$0x4110];
	[tilespmem:s4+$0x4150] =	vst v3;
	v3 =	vadd.f32 v6, v4  }
0x1a6: {  	v12 =	vld [tilespmem:s11+$0xC110]  }
.Ltmp3:
0x1a7: {  	v4 =	vld [tilespmem:s11+$0x4120];
	v5 =	vadd.f32 v5, v10;
	[tilespmem:s4+$0x4160] =	vst v3;
	s4 =	smov.u32 s11;
	(pc) =	sbr.rel @p0 .LBB2_8-.Ltmp3, $4  }
0x1a8: {  	v7 =	vld [tilespmem:s4+$0xC120]  }
0x1a9: {  	v8 =	vadd.f32 v8, v9;
	v3 =	vld [tilespmem:s4+$0x4130];
	[tilespmem:s4+$0x4170] =	vst v5  }
0x1aa: {  	v6 =	vld [tilespmem:s4+$0xC130]  }
0x1ab: {  	[tilespmem:s4+$0x4100] =	vst v8;
	v8 =	vadd.f32 v12, v11;
	v5 =	vld [tilespmem:s4+$0x4140]  }
0x1ac: {  	v9 =	vld [tilespmem:s4+$0xC140]  }
0x1ad: {  	v10 =	vld [tilespmem:s4+$0x4150]  }
0x1ae: {  	v11 =	vld [tilespmem:s4+$0xC150]  }
0x1af: {  	v12 =	vld [tilespmem:s4+$0x4160]  }
0x1b0: {  	v13 =	vld [tilespmem:s4+$0xC160]  }
0x1b1: {  	v4 =	vadd.f32 v7, v4  }
0x1b2: {  	[tilespmem:s4+$0x4110] =	vst v8;
	v3 =	vadd.f32 v6, v3  }
0x1b3: {  	[tilespmem:s4+$0x4120] =	vst v4;
	v4 =	vadd.f32 v9, v5  }
0x1b4: {  	[tilespmem:s4+$0x4130] =	vst v3;
	v3 =	vadd.f32 v11, v10  }
0x1b5: {  	[tilespmem:s4+$0x4140] =	vst v4;
	v4 =	vadd.f32 v13, v12  }
0x1b6: {  	[tilespmem:s4+$0x4150] =	vst v3  }
0x1b7: {  	[tilespmem:s4+$0x4160] =	vst v4  }
0x1b8: {  	s19 =	simm.s32 $0x0;
	s4 =	rddreg [dreg:$0x8]  }
0x1b9: {  	[hbm4b:s4+s19] =	stream.linear.scatter [tilespmem:s10], [sflag:$0x5], $0x4000, $0x38;
	[tilespmem:$0x10100] =	vst v63  }
0x1ba: {  	_ =	swait.ge [sflag:s18], $0x4000  }
0x1bb: {  	[sflag:s18] =	ssyncset.done $0x0  }
0x1bc: {  	[sflag:s18] =	ssyncadd.s32 $0xFFFFC000  }
0x1bd: {  	v3 =	vld [tilespmem:$0x50];
	_ =	sdelay $0x4  }
0x1be: {  	v4 =	vshll.u32 v3, $0x3  }
0x1bf: {  	v3 =	vand.u32 $0x7, v3;
	v4 =	vand.u32 $0xFFFFFFC0, v4  }
0x1c0: {  	v3 =	vor.u32 v3, v4  }
0x1c1: {  	v4 =	vperm.xlane v3, v0;
	_ =	sdelay $0x1  }
0x1c2: {  	v4 =	vadd.s32 v1, v4;
	_ =	sdelay $0x4  }
0x1c3: {  	[tilespmem:s10], [sflag:$0x2] =	stream.indirect_vreg.gather [hbm4b:s3+s19], $0x80, v4, vm0, $0xb8;
	[tilespmem:$0x10100] =	vst v63  }
0x1c4: {  	s13 =	simm.s32 $0x4900;
	v3 =	vperm.xlane v3, v2  }
0x1c5: {  	[tilespmem:s13], [sflag:$0x2] =	stream.indirect_vreg.gather [hbm4b:s6+s19], $0x80, v4, vm0, $0xb8;
	[tilespmem:$0x10100] =	vst v63  }
0x1c6: {  	s5 =	simm.s32 $0x5100;
	v3 =	vadd.s32 v1, v3  }
0x1c7: {  	[tilespmem:s5], [sflag:$0x2] =	stream.indirect_vreg.gather [hbm4b:s7+s19], $0x80, v4, vm0, $0xb8;
	[tilespmem:$0x10100] =	vst v63  }
0x1c8: {  	s11 =	simm.s32 $0x5900  }
0x1c9: {  	[tilespmem:s11], [sflag:$0x2] =	stream.indirect_vreg.gather [hbm4b:s9+s19], $0x80, v4, vm0, $0xb8;
	[tilespmem:$0x10100] =	vst v63  }
0x1ca: {  	_ = 	snop  }
0x1cb: {  	[tilespmem:s14], [sflag:$0x2] =	stream.indirect_vreg.gather [hbm4b:s3+s19], $0x80, v3, vm0, $0xb8;
	[tilespmem:$0x10100] =	vst v63  }
0x1cc: {  	_ = 	snop  }
0x1cd: {  	[tilespmem:s15], [sflag:$0x2] =	stream.indirect_vreg.gather [hbm4b:s6+s19], $0x80, v3, vm0, $0xb8;
	[tilespmem:$0x10100] =	vst v63  }
0x1ce: {  	_ = 	snop  }
0x1cf: {  	[tilespmem:s16], [sflag:$0x2] =	stream.indirect_vreg.gather [hbm4b:s7+s19], $0x80, v3, vm0, $0xb8;
	[tilespmem:$0x10100] =	vst v63  }
0x1d0: {  	_ = 	snop  }
0x1d1: {  	[tilespmem:s17], [sflag:$0x2] =	stream.indirect_vreg.gather [hbm4b:s9+s19], $0x80, v3, vm0, $0xb8;
	[tilespmem:$0x10100] =	vst v63  }
0x1d2: {  	v3 =	vld [tilespmem:$0xD0];
	_ =	sdelay $0x4  }
0x1d3: {  	v4 =	vshll.u32 v3, $0x3  }
0x1d4: {  	v3 =	vand.u32 $0x7, v3;
	v4 =	vand.u32 $0xFFFFFFC0, v4  }
0x1d5: {  	v3 =	vor.u32 v3, v4  }
0x1d6: {  	v4 =	vperm.xlane v3, v0;
	_ =	sdelay $0x1  }
0x1d7: {  	v4 =	vadd.s32 v1, v4;
	_ =	sdelay $0x4  }
0x1d8: {  	[tilespmem:s8], [sflag:$0x4] =	stream.indirect_vreg.gather [hbm4b:s3+s19], $0x80, v4, vm0, $0xb8;
	[tilespmem:$0x10100] =	vst v63  }
0x1d9: {  	v3 =	vperm.xlane v3, v2  }
0x1da: {  	[tilespmem:s21], [sflag:$0x4] =	stream.indirect_vreg.gather [hbm4b:s6+s19], $0x80, v4, vm0, $0xb8;
	[tilespmem:$0x10100] =	vst v63  }
0x1db: {  	v3 =	vadd.s32 v1, v3  }
0x1dc: {  	[tilespmem:s22], [sflag:$0x4] =	stream.indirect_vreg.gather [hbm4b:s7+s19], $0x80, v4, vm0, $0xb8;
	[tilespmem:$0x10100] =	vst v63  }
0x1dd: {  	_ = 	snop  }
0x1de: {  	[tilespmem:s23], [sflag:$0x4] =	stream.indirect_vreg.gather [hbm4b:s9+s19], $0x80, v4, vm0, $0xb8;
	[tilespmem:$0x10100] =	vst v63  }
0x1df: {  	_ = 	snop  }
0x1e0: {  	[tilespmem:s24], [sflag:$0x4] =	stream.indirect_vreg.gather [hbm4b:s3+s19], $0x80, v3, vm0, $0xb8;
	[tilespmem:$0x10100] =	vst v63  }
0x1e1: {  	_ = 	snop  }
0x1e2: {  	[tilespmem:s25], [sflag:$0x4] =	stream.indirect_vreg.gather [hbm4b:s6+s19], $0x80, v3, vm0, $0xb8;
	[tilespmem:$0x10100] =	vst v63  }
0x1e3: {  	_ = 	snop  }
0x1e4: {  	[tilespmem:s26], [sflag:$0x4] =	stream.indirect_vreg.gather [hbm4b:s7+s19], $0x80, v3, vm0, $0xb8;
	[tilespmem:$0x10100] =	vst v63  }
0x1e5: {  	_ = 	snop  }
0x1e6: {  	[tilespmem:s28], [sflag:$0x4] =	stream.indirect_vreg.gather [hbm4b:s9+s19], $0x80, v3, vm0, $0xb8;
	[tilespmem:$0x10100] =	vst v63  }
0x1e7: {  	_ =	swait.ge [sflag:s29], $0x4000  }
0x1e8: {  	s12 =	simm.s32 $0x0;
	[sflag:s29] =	ssyncset.done $0x0  }
0x1e9: {  	s4 =	sand.u32 $0x2000, s12;
	[sflag:s29] =	ssyncadd.s32 $0xFFFFC000  }
0x1ea: {  	s5 =	sand.u32 $0x1C00, s19;
	s11 =	simm.s32 $0x0;
	_ =	swait.ge [sflag:s30], $0x4000  }
0x1eb: {  	s4 =	sor.u32 s5, s4;
	s13 =	sand.u32 $0x380, s11;
	[sflag:s30] =	ssyncset.done $0x0  }
0x1ec: {  	s4 =	sor.u32 s13, s4;
	[sflag:s30] =	ssyncadd.s32 $0xFFFFC000  }
0x1ed: {  	v3 =	vld [tilespmem:s4+$0x170]  }
0x1ee: {  	v5 =	vld [tilespmem:s4+$0x8170]  }
0x1ef: {  	v6 =	vld [tilespmem:s4+$0x100]  }
0x1f0: {  	v8 =	vld [tilespmem:s4+$0x8100]  }
0x1f1: {  	v9 =	vld [tilespmem:s4+$0x110]  }
0x1f2: {  	v10 =	vld [tilespmem:s4+$0x8110]  }
0x1f3: {  	v4 =	vld [tilespmem:s4+$0x120]  }
0x1f4: {  	v7 =	vld [tilespmem:s4+$0x8120];
	v5 =	vadd.f32 v5, v3  }
0x1f5: {  	v8 =	vadd.f32 v8, v6;
	v3 =	vld [tilespmem:s4+$0x130]  }
0x1f6: {  	v6 =	vld [tilespmem:s4+$0x8130];
	[tilespmem:s4+$0x170] =	vst v5  }
0x1f7: {  	s5 =	simm.s32 $0x0;
	[tilespmem:s4+$0x100] =	vst v8;
	v8 =	vadd.f32 v10, v9;
	v5 =	vld [tilespmem:s4+$0x140]  }
.LBB2_10:
0x1f8: {  	s5 =	sadd.s32 $0x8, s5;
	v9 =	vld [tilespmem:s4+$0x8140]  }
0x1f9: {  	s19 =	sadd.s32 $0x400, s19;
	s11 =	sshll.u32 s5, $0x4;
	p0 =	slt.u32 s5, $0x3F8;
	[tilespmem:s4+$0x110] =	vst v8;
	v4 =	vadd.f32 v7, v4;
	v7 =	vld [tilespmem:s4+$0x150]  }
0x1fa: {  	s12 =	sand.u32 $0x1C00, s19;
	s13 =	sshll.u32 s5, $0x1;
	s11 =	sand.u32 $0x2000, s11;
	v8 =	vld [tilespmem:s4+$0x8150]  }
0x1fb: {  	s11 =	sor.u32 s12, s11;
	s12 =	sand.u32 $0x380, s13;
	[tilespmem:s4+$0x120] =	vst v4;
	v3 =	vadd.f32 v6, v3;
	v4 =	vld [tilespmem:s4+$0x160]  }
0x1fc: {  	s11 =	sor.u32 s12, s11;
	v6 =	vld [tilespmem:s4+$0x8160]  }
0x1fd: {  	v10 =	vld [tilespmem:s11+$0x170];
	[tilespmem:s4+$0x130] =	vst v3;
	v3 =	vadd.f32 v9, v5  }
0x1fe: {  	v5 =	vld [tilespmem:s11+$0x8170]  }
0x1ff: {  	v9 =	vld [tilespmem:s11+$0x100];
	[tilespmem:s4+$0x140] =	vst v3;
	v3 =	vadd.f32 v8, v7  }
0x200: {  	v8 =	vld [tilespmem:s11+$0x8100]  }
0x201: {  	v11 =	vld [tilespmem:s11+$0x110];
	[tilespmem:s4+$0x150] =	vst v3;
	v3 =	vadd.f32 v6, v4  }
0x202: {  	v12 =	vld [tilespmem:s11+$0x8110]  }
.Ltmp4:
0x203: {  	v4 =	vld [tilespmem:s11+$0x120];
	v5 =	vadd.f32 v5, v10;
	[tilespmem:s4+$0x160] =	vst v3;
	s4 =	smov.u32 s11;
	(pc) =	sbr.rel @p0 .LBB2_10-.Ltmp4, $4  }
0x204: {  	v7 =	vld [tilespmem:s4+$0x8120]  }
0x205: {  	v8 =	vadd.f32 v8, v9;
	v3 =	vld [tilespmem:s4+$0x130];
	[tilespmem:s4+$0x170] =	vst v5  }
0x206: {  	v6 =	vld [tilespmem:s4+$0x8130]  }
0x207: {  	[tilespmem:s4+$0x100] =	vst v8;
	v8 =	vadd.f32 v12, v11;
	v5 =	vld [tilespmem:s4+$0x140]  }
0x208: {  	v9 =	vld [tilespmem:s4+$0x8140]  }
0x209: {  	v10 =	vld [tilespmem:s4+$0x150]  }
0x20a: {  	v11 =	vld [tilespmem:s4+$0x8150]  }
0x20b: {  	v12 =	vld [tilespmem:s4+$0x160]  }
0x20c: {  	v13 =	vld [tilespmem:s4+$0x8160]  }
0x20d: {  	v4 =	vadd.f32 v7, v4  }
0x20e: {  	[tilespmem:s4+$0x110] =	vst v8;
	v3 =	vadd.f32 v6, v3  }
0x20f: {  	[tilespmem:s4+$0x120] =	vst v4;
	v4 =	vadd.f32 v9, v5  }
0x210: {  	[tilespmem:s4+$0x130] =	vst v3;
	v3 =	vadd.f32 v11, v10  }
0x211: {  	[tilespmem:s4+$0x140] =	vst v4;
	v4 =	vadd.f32 v13, v12  }
0x212: {  	[tilespmem:s4+$0x150] =	vst v3  }
0x213: {  	[tilespmem:s4+$0x160] =	vst v4  }
0x214: {  	s19 =	simm.s32 $0x0;
	s4 =	rddreg [dreg:$0x9]  }
0x215: {  	[hbm4b:s4+s19] =	stream.linear.scatter [tilespmem:s20], [sflag:$0x5], $0x4000, $0x38;
	[tilespmem:$0x10100] =	vst v63  }
0x216: {  	_ =	swait.ge [sflag:s18], $0x4000  }
0x217: {  	[sflag:s18] =	ssyncset.done $0x0  }
0x218: {  	[sflag:s18] =	ssyncadd.s32 $0xFFFFC000  }
0x219: {  	v3 =	vld [tilespmem:$0x60];
	_ =	sdelay $0x4  }
0x21a: {  	v4 =	vshll.u32 v3, $0x3  }
0x21b: {  	v3 =	vand.u32 $0x7, v3;
	v4 =	vand.u32 $0xFFFFFFC0, v4  }
0x21c: {  	v3 =	vor.u32 v3, v4  }
0x21d: {  	v4 =	vperm.xlane v3, v0;
	_ =	sdelay $0x1  }
0x21e: {  	v4 =	vadd.s32 v1, v4;
	_ =	sdelay $0x4  }
0x21f: {  	[tilespmem:s20], [sflag:$0x1] =	stream.indirect_vreg.gather [hbm4b:s3+s19], $0x80, v4, vm0, $0xb8;
	[tilespmem:$0x10100] =	vst v63  }
0x220: {  	s13 =	simm.s32 $0x900;
	v3 =	vperm.xlane v3, v2  }
0x221: {  	[tilespmem:s13], [sflag:$0x1] =	stream.indirect_vreg.gather [hbm4b:s6+s19], $0x80, v4, vm0, $0xb8;
	[tilespmem:$0x10100] =	vst v63  }
0x222: {  	s5 =	simm.s32 $0x1100;
	v3 =	vadd.s32 v1, v3  }
0x223: {  	[tilespmem:s5], [sflag:$0x1] =	stream.indirect_vreg.gather [hbm4b:s7+s19], $0x80, v4, vm0, $0xb8;
	[tilespmem:$0x10100] =	vst v63  }
0x224: {  	s11 =	simm.s32 $0x1900  }
0x225: {  	[tilespmem:s11], [sflag:$0x1] =	stream.indirect_vreg.gather [hbm4b:s9+s19], $0x80, v4, vm0, $0xb8;
	[tilespmem:$0x10100] =	vst v63  }
0x226: {  	s12 =	simm.s32 $0x2100  }
0x227: {  	[tilespmem:s12], [sflag:$0x1] =	stream.indirect_vreg.gather [hbm4b:s3+s19], $0x80, v3, vm0, $0xb8;
	[tilespmem:$0x10100] =	vst v63  }
0x228: {  	s13 =	simm.s32 $0x2900  }
0x229: {  	[tilespmem:s13], [sflag:$0x1] =	stream.indirect_vreg.gather [hbm4b:s6+s19], $0x80, v3, vm0, $0xb8;
	[tilespmem:$0x10100] =	vst v63  }
0x22a: {  	s5 =	simm.s32 $0x3100  }
0x22b: {  	[tilespmem:s5], [sflag:$0x1] =	stream.indirect_vreg.gather [hbm4b:s7+s19], $0x80, v3, vm0, $0xb8;
	[tilespmem:$0x10100] =	vst v63  }
0x22c: {  	s11 =	simm.s32 $0x3900  }
0x22d: {  	[tilespmem:s11], [sflag:$0x1] =	stream.indirect_vreg.gather [hbm4b:s9+s19], $0x80, v3, vm0, $0xb8;
	[tilespmem:$0x10100] =	vst v63  }
0x22e: {  	v3 =	vld [tilespmem:$0xE0];
	_ =	sdelay $0x4  }
0x22f: {  	v4 =	vshll.u32 v3, $0x3  }
0x230: {  	v3 =	vand.u32 $0x7, v3;
	v4 =	vand.u32 $0xFFFFFFC0, v4  }
0x231: {  	v3 =	vor.u32 v3, v4  }
0x232: {  	v4 =	vperm.xlane v3, v0;
	_ =	sdelay $0x1  }
0x233: {  	v4 =	vadd.s32 v1, v4;
	_ =	sdelay $0x3  }
0x234: {  	s12 =	simm.s32 $0x8100  }
0x235: {  	[tilespmem:s12], [sflag:$0x3] =	stream.indirect_vreg.gather [hbm4b:s3+s19], $0x80, v4, vm0, $0xb8;
	[tilespmem:$0x10100] =	vst v63  }
0x236: {  	s13 =	simm.s32 $0x8900;
	v3 =	vperm.xlane v3, v2  }
0x237: {  	[tilespmem:s13], [sflag:$0x3] =	stream.indirect_vreg.gather [hbm4b:s6+s19], $0x80, v4, vm0, $0xb8;
	[tilespmem:$0x10100] =	vst v63  }
0x238: {  	s5 =	simm.s32 $0x9100;
	v3 =	vadd.s32 v1, v3  }
0x239: {  	[tilespmem:s5], [sflag:$0x3] =	stream.indirect_vreg.gather [hbm4b:s7+s19], $0x80, v4, vm0, $0xb8;
	[tilespmem:$0x10100] =	vst v63  }
0x23a: {  	s11 =	simm.s32 $0x9900  }
0x23b: {  	[tilespmem:s11], [sflag:$0x3] =	stream.indirect_vreg.gather [hbm4b:s9+s19], $0x80, v4, vm0, $0xb8;
	[tilespmem:$0x10100] =	vst v63  }
0x23c: {  	s12 =	simm.s32 $0xA100  }
0x23d: {  	[tilespmem:s12], [sflag:$0x3] =	stream.indirect_vreg.gather [hbm4b:s3+s19], $0x80, v3, vm0, $0xb8;
	[tilespmem:$0x10100] =	vst v63  }
0x23e: {  	s13 =	simm.s32 $0xA900  }
0x23f: {  	[tilespmem:s13], [sflag:$0x3] =	stream.indirect_vreg.gather [hbm4b:s6+s19], $0x80, v3, vm0, $0xb8;
	[tilespmem:$0x10100] =	vst v63  }
0x240: {  	s5 =	simm.s32 $0xB100  }
0x241: {  	[tilespmem:s5], [sflag:$0x3] =	stream.indirect_vreg.gather [hbm4b:s7+s19], $0x80, v3, vm0, $0xb8;
	[tilespmem:$0x10100] =	vst v63  }
0x242: {  	s11 =	simm.s32 $0xB900  }
0x243: {  	[tilespmem:s11], [sflag:$0x3] =	stream.indirect_vreg.gather [hbm4b:s9+s19], $0x80, v3, vm0, $0xb8;
	[tilespmem:$0x10100] =	vst v63  }
0x244: {  	_ =	swait.ge [sflag:s31], $0x4000  }
0x245: {  	s12 =	simm.s32 $0x0;
	[sflag:s31] =	ssyncset.done $0x0  }
0x246: {  	s4 =	sand.u32 $0x2000, s12;
	[sflag:s31] =	ssyncadd.s32 $0xFFFFC000  }
0x247: {  	s5 =	sand.u32 $0x1C00, s19;
	s11 =	simm.s32 $0x0;
	_ =	swait.ge [sflag:s0], $0x4000  }
0x248: {  	s4 =	sor.u32 s5, s4;
	s13 =	sand.u32 $0x380, s11;
	[sflag:s0] =	ssyncset.done $0x0  }
0x249: {  	s4 =	sor.u32 s13, s4;
	[sflag:s0] =	ssyncadd.s32 $0xFFFFC000  }
0x24a: {  	v3 =	vld [tilespmem:s4+$0x4170]  }
0x24b: {  	v5 =	vld [tilespmem:s4+$0xC170]  }
0x24c: {  	v6 =	vld [tilespmem:s4+$0x4100]  }
0x24d: {  	v8 =	vld [tilespmem:s4+$0xC100]  }
0x24e: {  	v9 =	vld [tilespmem:s4+$0x4110]  }
0x24f: {  	v10 =	vld [tilespmem:s4+$0xC110]  }
0x250: {  	v4 =	vld [tilespmem:s4+$0x4120]  }
0x251: {  	v7 =	vld [tilespmem:s4+$0xC120];
	v5 =	vadd.f32 v5, v3  }
0x252: {  	v8 =	vadd.f32 v8, v6;
	v3 =	vld [tilespmem:s4+$0x4130]  }
0x253: {  	v6 =	vld [tilespmem:s4+$0xC130];
	[tilespmem:s4+$0x4170] =	vst v5  }
0x254: {  	s5 =	simm.s32 $0x0;
	[tilespmem:s4+$0x4100] =	vst v8;
	v8 =	vadd.f32 v10, v9;
	v5 =	vld [tilespmem:s4+$0x4140]  }
.LBB2_12:
0x255: {  	s5 =	sadd.s32 $0x8, s5;
	v9 =	vld [tilespmem:s4+$0xC140]  }
0x256: {  	s19 =	sadd.s32 $0x400, s19;
	s11 =	sshll.u32 s5, $0x4;
	p0 =	slt.u32 s5, $0x3F8;
	[tilespmem:s4+$0x4110] =	vst v8;
	v4 =	vadd.f32 v7, v4;
	v7 =	vld [tilespmem:s4+$0x4150]  }
0x257: {  	s12 =	sand.u32 $0x1C00, s19;
	s13 =	sshll.u32 s5, $0x1;
	s11 =	sand.u32 $0x2000, s11;
	v8 =	vld [tilespmem:s4+$0xC150]  }
0x258: {  	s11 =	sor.u32 s12, s11;
	s12 =	sand.u32 $0x380, s13;
	[tilespmem:s4+$0x4120] =	vst v4;
	v3 =	vadd.f32 v6, v3;
	v4 =	vld [tilespmem:s4+$0x4160]  }
0x259: {  	s11 =	sor.u32 s12, s11;
	v6 =	vld [tilespmem:s4+$0xC160]  }
0x25a: {  	v10 =	vld [tilespmem:s11+$0x4170];
	[tilespmem:s4+$0x4130] =	vst v3;
	v3 =	vadd.f32 v9, v5  }
0x25b: {  	v5 =	vld [tilespmem:s11+$0xC170]  }
0x25c: {  	v9 =	vld [tilespmem:s11+$0x4100];
	[tilespmem:s4+$0x4140] =	vst v3;
	v3 =	vadd.f32 v8, v7  }
0x25d: {  	v8 =	vld [tilespmem:s11+$0xC100]  }
0x25e: {  	v11 =	vld [tilespmem:s11+$0x4110];
	[tilespmem:s4+$0x4150] =	vst v3;
	v3 =	vadd.f32 v6, v4  }
0x25f: {  	v12 =	vld [tilespmem:s11+$0xC110]  }
.Ltmp5:
0x260: {  	v4 =	vld [tilespmem:s11+$0x4120];
	v5 =	vadd.f32 v5, v10;
	[tilespmem:s4+$0x4160] =	vst v3;
	s4 =	smov.u32 s11;
	(pc) =	sbr.rel @p0 .LBB2_12-.Ltmp5, $4  }
0x261: {  	v7 =	vld [tilespmem:s4+$0xC120]  }
0x262: {  	v8 =	vadd.f32 v8, v9;
	v3 =	vld [tilespmem:s4+$0x4130];
	[tilespmem:s4+$0x4170] =	vst v5  }
0x263: {  	v6 =	vld [tilespmem:s4+$0xC130]  }
0x264: {  	[tilespmem:s4+$0x4100] =	vst v8;
	v8 =	vadd.f32 v12, v11;
	v5 =	vld [tilespmem:s4+$0x4140]  }
0x265: {  	v9 =	vld [tilespmem:s4+$0xC140]  }
0x266: {  	v10 =	vld [tilespmem:s4+$0x4150]  }
0x267: {  	v11 =	vld [tilespmem:s4+$0xC150]  }
0x268: {  	v12 =	vld [tilespmem:s4+$0x4160]  }
0x269: {  	v13 =	vld [tilespmem:s4+$0xC160]  }
0x26a: {  	v4 =	vadd.f32 v7, v4  }
0x26b: {  	[tilespmem:s4+$0x4110] =	vst v8;
	v3 =	vadd.f32 v6, v3  }
0x26c: {  	[tilespmem:s4+$0x4120] =	vst v4;
	v4 =	vadd.f32 v9, v5  }
0x26d: {  	[tilespmem:s4+$0x4130] =	vst v3;
	v3 =	vadd.f32 v11, v10  }
0x26e: {  	[tilespmem:s4+$0x4140] =	vst v4;
	v4 =	vadd.f32 v13, v12  }
0x26f: {  	[tilespmem:s4+$0x4150] =	vst v3  }
0x270: {  	[tilespmem:s4+$0x4160] =	vst v4  }
0x271: {  	s19 =	simm.s32 $0x0;
	s4 =	rddreg [dreg:$0xa]  }
0x272: {  	[hbm4b:s4+s19] =	stream.linear.scatter [tilespmem:s10], [sflag:$0x5], $0x4000, $0x38;
	[tilespmem:$0x10100] =	vst v63  }
0x273: {  	_ =	swait.ge [sflag:s18], $0x4000  }
0x274: {  	[sflag:s18] =	ssyncset.done $0x0  }
0x275: {  	[sflag:s18] =	ssyncadd.s32 $0xFFFFC000  }
0x276: {  	v3 =	vld [tilespmem:$0x70];
	_ =	sdelay $0x4  }
0x277: {  	v4 =	vshll.u32 v3, $0x3  }
0x278: {  	v3 =	vand.u32 $0x7, v3;
	v4 =	vand.u32 $0xFFFFFFC0, v4  }
0x279: {  	v3 =	vor.u32 v3, v4  }
0x27a: {  	v4 =	vperm.xlane v3, v0;
	_ =	sdelay $0x1  }
0x27b: {  	v4 =	vadd.s32 v1, v4;
	_ =	sdelay $0x4  }
0x27c: {  	[tilespmem:s10], [sflag:$0x2] =	stream.indirect_vreg.gather [hbm4b:s3+s19], $0x80, v4, vm0, $0xb8;
	[tilespmem:$0x10100] =	vst v63  }
0x27d: {  	s13 =	simm.s32 $0x4900;
	v3 =	vperm.xlane v3, v2  }
0x27e: {  	[tilespmem:s13], [sflag:$0x2] =	stream.indirect_vreg.gather [hbm4b:s6+s19], $0x80, v4, vm0, $0xb8;
	[tilespmem:$0x10100] =	vst v63  }
0x27f: {  	s5 =	simm.s32 $0x5100;
	v3 =	vadd.s32 v1, v3  }
0x280: {  	[tilespmem:s5], [sflag:$0x2] =	stream.indirect_vreg.gather [hbm4b:s7+s19], $0x80, v4, vm0, $0xb8;
	[tilespmem:$0x10100] =	vst v63  }
0x281: {  	s11 =	simm.s32 $0x5900  }
0x282: {  	[tilespmem:s11], [sflag:$0x2] =	stream.indirect_vreg.gather [hbm4b:s9+s19], $0x80, v4, vm0, $0xb8;
	[tilespmem:$0x10100] =	vst v63  }
0x283: {  	_ = 	snop  }
0x284: {  	[tilespmem:s14], [sflag:$0x2] =	stream.indirect_vreg.gather [hbm4b:s3+s19], $0x80, v3, vm0, $0xb8;
	[tilespmem:$0x10100] =	vst v63  }
0x285: {  	_ = 	snop  }
0x286: {  	[tilespmem:s15], [sflag:$0x2] =	stream.indirect_vreg.gather [hbm4b:s6+s19], $0x80, v3, vm0, $0xb8;
	[tilespmem:$0x10100] =	vst v63  }
0x287: {  	_ = 	snop  }
0x288: {  	[tilespmem:s16], [sflag:$0x2] =	stream.indirect_vreg.gather [hbm4b:s7+s19], $0x80, v3, vm0, $0xb8;
	[tilespmem:$0x10100] =	vst v63  }
0x289: {  	_ = 	snop  }
0x28a: {  	[tilespmem:s17], [sflag:$0x2] =	stream.indirect_vreg.gather [hbm4b:s9+s19], $0x80, v3, vm0, $0xb8;
	[tilespmem:$0x10100] =	vst v63  }
0x28b: {  	v3 =	vld [tilespmem:$0xF0];
	_ =	sdelay $0x4  }
0x28c: {  	v4 =	vshll.u32 v3, $0x3  }
0x28d: {  	v3 =	vand.u32 $0x7, v3;
	v4 =	vand.u32 $0xFFFFFFC0, v4  }
0x28e: {  	v3 =	vor.u32 v3, v4  }
0x28f: {  	v4 =	vperm.xlane v3, v0;
	_ =	sdelay $0x1  }
0x290: {  	v4 =	vadd.s32 v1, v4;
	_ =	sdelay $0x4  }
0x291: {  	[tilespmem:s8], [sflag:$0x4] =	stream.indirect_vreg.gather [hbm4b:s3+s19], $0x80, v4, vm0, $0xb8;
	[tilespmem:$0x10100] =	vst v63  }
0x292: {  	v3 =	vperm.xlane v3, v2  }
0x293: {  	[tilespmem:s21], [sflag:$0x4] =	stream.indirect_vreg.gather [hbm4b:s6+s19], $0x80, v4, vm0, $0xb8;
	[tilespmem:$0x10100] =	vst v63  }
0x294: {  	v3 =	vadd.s32 v1, v3  }
0x295: {  	[tilespmem:s22], [sflag:$0x4] =	stream.indirect_vreg.gather [hbm4b:s7+s19], $0x80, v4, vm0, $0xb8;
	[tilespmem:$0x10100] =	vst v63  }
0x296: {  	_ = 	snop  }
0x297: {  	[tilespmem:s23], [sflag:$0x4] =	stream.indirect_vreg.gather [hbm4b:s9+s19], $0x80, v4, vm0, $0xb8;
	[tilespmem:$0x10100] =	vst v63  }
0x298: {  	_ = 	snop  }
0x299: {  	[tilespmem:s24], [sflag:$0x4] =	stream.indirect_vreg.gather [hbm4b:s3+s19], $0x80, v3, vm0, $0xb8;
	[tilespmem:$0x10100] =	vst v63  }
0x29a: {  	_ = 	snop  }
0x29b: {  	[tilespmem:s25], [sflag:$0x4] =	stream.indirect_vreg.gather [hbm4b:s6+s19], $0x80, v3, vm0, $0xb8;
	[tilespmem:$0x10100] =	vst v63  }
0x29c: {  	_ = 	snop  }
0x29d: {  	[tilespmem:s26], [sflag:$0x4] =	stream.indirect_vreg.gather [hbm4b:s7+s19], $0x80, v3, vm0, $0xb8;
	[tilespmem:$0x10100] =	vst v63  }
0x29e: {  	_ = 	snop  }
0x29f: {  	[tilespmem:s28], [sflag:$0x4] =	stream.indirect_vreg.gather [hbm4b:s9+s19], $0x80, v3, vm0, $0xb8;
	[tilespmem:$0x10100] =	vst v63  }
0x2a0: {  	_ =	swait.ge [sflag:s29], $0x4000  }
0x2a1: {  	s12 =	simm.s32 $0x0;
	[sflag:s29] =	ssyncset.done $0x0  }
0x2a2: {  	s4 =	sand.u32 $0x2000, s12;
	[sflag:s29] =	ssyncadd.s32 $0xFFFFC000  }
0x2a3: {  	s5 =	sand.u32 $0x1C00, s19;
	s11 =	simm.s32 $0x0;
	_ =	swait.ge [sflag:s30], $0x4000  }
0x2a4: {  	s4 =	sor.u32 s5, s4;
	s13 =	sand.u32 $0x380, s11;
	[sflag:s30] =	ssyncset.done $0x0  }
0x2a5: {  	s4 =	sor.u32 s13, s4;
	[sflag:s30] =	ssyncadd.s32 $0xFFFFC000  }
0x2a6: {  	v3 =	vld [tilespmem:s4+$0x170]  }
0x2a7: {  	v5 =	vld [tilespmem:s4+$0x8170]  }
0x2a8: {  	v6 =	vld [tilespmem:s4+$0x100]  }
0x2a9: {  	v8 =	vld [tilespmem:s4+$0x8100]  }
0x2aa: {  	v9 =	vld [tilespmem:s4+$0x110]  }
0x2ab: {  	v10 =	vld [tilespmem:s4+$0x8110]  }
0x2ac: {  	v4 =	vld [tilespmem:s4+$0x120]  }
0x2ad: {  	v7 =	vld [tilespmem:s4+$0x8120];
	v5 =	vadd.f32 v5, v3  }
0x2ae: {  	v8 =	vadd.f32 v8, v6;
	v3 =	vld [tilespmem:s4+$0x130]  }
0x2af: {  	v6 =	vld [tilespmem:s4+$0x8130];
	[tilespmem:s4+$0x170] =	vst v5  }
0x2b0: {  	s5 =	simm.s32 $0x0;
	[tilespmem:s4+$0x100] =	vst v8;
	v8 =	vadd.f32 v10, v9;
	v5 =	vld [tilespmem:s4+$0x140]  }
.LBB2_14:
0x2b1: {  	s5 =	sadd.s32 $0x8, s5;
	v9 =	vld [tilespmem:s4+$0x8140]  }
0x2b2: {  	s19 =	sadd.s32 $0x400, s19;
	s11 =	sshll.u32 s5, $0x4;
	p0 =	slt.u32 s5, $0x3F8;
	[tilespmem:s4+$0x110] =	vst v8;
	v4 =	vadd.f32 v7, v4;
	v7 =	vld [tilespmem:s4+$0x150]  }
0x2b3: {  	s12 =	sand.u32 $0x1C00, s19;
	s13 =	sshll.u32 s5, $0x1;
	s11 =	sand.u32 $0x2000, s11;
	v8 =	vld [tilespmem:s4+$0x8150]  }
0x2b4: {  	s11 =	sor.u32 s12, s11;
	s12 =	sand.u32 $0x380, s13;
	[tilespmem:s4+$0x120] =	vst v4;
	v3 =	vadd.f32 v6, v3;
	v4 =	vld [tilespmem:s4+$0x160]  }
0x2b5: {  	s11 =	sor.u32 s12, s11;
	v6 =	vld [tilespmem:s4+$0x8160]  }
0x2b6: {  	v10 =	vld [tilespmem:s11+$0x170];
	[tilespmem:s4+$0x130] =	vst v3;
	v3 =	vadd.f32 v9, v5  }
0x2b7: {  	v5 =	vld [tilespmem:s11+$0x8170]  }
0x2b8: {  	v9 =	vld [tilespmem:s11+$0x100];
	[tilespmem:s4+$0x140] =	vst v3;
	v3 =	vadd.f32 v8, v7  }
0x2b9: {  	v8 =	vld [tilespmem:s11+$0x8100]  }
0x2ba: {  	v11 =	vld [tilespmem:s11+$0x110];
	[tilespmem:s4+$0x150] =	vst v3;
	v3 =	vadd.f32 v6, v4  }
0x2bb: {  	v12 =	vld [tilespmem:s11+$0x8110]  }
.Ltmp6:
0x2bc: {  	v4 =	vld [tilespmem:s11+$0x120];
	v5 =	vadd.f32 v5, v10;
	[tilespmem:s4+$0x160] =	vst v3;
	s4 =	smov.u32 s11;
	(pc) =	sbr.rel @p0 .LBB2_14-.Ltmp6, $4  }
0x2bd: {  	v7 =	vld [tilespmem:s4+$0x8120]  }
0x2be: {  	v8 =	vadd.f32 v8, v9;
	v3 =	vld [tilespmem:s4+$0x130];
	[tilespmem:s4+$0x170] =	vst v5  }
0x2bf: {  	v6 =	vld [tilespmem:s4+$0x8130]  }
0x2c0: {  	[tilespmem:s4+$0x100] =	vst v8;
	v8 =	vadd.f32 v12, v11;
	v5 =	vld [tilespmem:s4+$0x140]  }
0x2c1: {  	v9 =	vld [tilespmem:s4+$0x8140]  }
0x2c2: {  	v10 =	vld [tilespmem:s4+$0x150]  }
0x2c3: {  	v11 =	vld [tilespmem:s4+$0x8150]  }
0x2c4: {  	v12 =	vld [tilespmem:s4+$0x160]  }
0x2c5: {  	v13 =	vld [tilespmem:s4+$0x8160]  }
0x2c6: {  	v4 =	vadd.f32 v7, v4  }
0x2c7: {  	[tilespmem:s4+$0x110] =	vst v8;
	v3 =	vadd.f32 v6, v3  }
0x2c8: {  	[tilespmem:s4+$0x120] =	vst v4;
	v4 =	vadd.f32 v9, v5  }
0x2c9: {  	[tilespmem:s4+$0x130] =	vst v3;
	v3 =	vadd.f32 v11, v10  }
0x2ca: {  	[tilespmem:s4+$0x140] =	vst v4;
	v4 =	vadd.f32 v13, v12  }
0x2cb: {  	[tilespmem:s4+$0x150] =	vst v3  }
0x2cc: {  	[tilespmem:s4+$0x160] =	vst v4  }
0x2cd: {  	s19 =	simm.s32 $0x0;
	s4 =	rddreg [dreg:$0xb]  }
0x2ce: {  	[hbm4b:s4+s19] =	stream.linear.scatter [tilespmem:s20], [sflag:$0x5], $0x4000, $0x38;
	[tilespmem:$0x10100] =	vst v63  }
0x2cf: {  	_ =	swait.ge [sflag:s18], $0x4000  }
0x2d0: {  	[sflag:s18] =	ssyncset.done $0x0  }
0x2d1: {  	[sflag:s18] =	ssyncadd.s32 $0xFFFFC000  }
0x2d2: {  	_ =	swait.ge [sflag:s31], $0x4000  }
0x2d3: {  	[sflag:s31] =	ssyncset.done $0x0  }
0x2d4: {  	s12 =	simm.s32 $0x0;
	s11 =	simm.s32 $0x0;
	[sflag:s31] =	ssyncadd.s32 $0xFFFFC000  }
0x2d5: {  	s5 =	sand.u32 $0x1C00, s19;
	s4 =	sand.u32 $0x2000, s12;
	_ =	swait.ge [sflag:s0], $0x4000  }
0x2d6: {  	s13 =	sand.u32 $0x380, s11;
	s4 =	sor.u32 s5, s4;
	[sflag:s0] =	ssyncset.done $0x0  }
0x2d7: {  	s4 =	sor.u32 s13, s4;
	[sflag:s0] =	ssyncadd.s32 $0xFFFFC000  }
0x2d8: {  	v3 =	vld [tilespmem:s4+$0x4170]  }
0x2d9: {  	v5 =	vld [tilespmem:s4+$0xC170]  }
0x2da: {  	v6 =	vld [tilespmem:s4+$0x4100]  }
0x2db: {  	v8 =	vld [tilespmem:s4+$0xC100]  }
0x2dc: {  	v9 =	vld [tilespmem:s4+$0x4110]  }
0x2dd: {  	v10 =	vld [tilespmem:s4+$0xC110]  }
0x2de: {  	v4 =	vld [tilespmem:s4+$0x4120]  }
0x2df: {  	v7 =	vld [tilespmem:s4+$0xC120];
	v5 =	vadd.f32 v5, v3  }
0x2e0: {  	v8 =	vadd.f32 v8, v6;
	v3 =	vld [tilespmem:s4+$0x4130]  }
0x2e1: {  	v6 =	vld [tilespmem:s4+$0xC130];
	[tilespmem:s4+$0x4170] =	vst v5  }
0x2e2: {  	s5 =	simm.s32 $0x0;
	[tilespmem:s4+$0x4100] =	vst v8;
	v8 =	vadd.f32 v10, v9;
	v5 =	vld [tilespmem:s4+$0x4140]  }
.LBB2_16:
0x2e3: {  	s5 =	sadd.s32 $0x8, s5;
	v9 =	vld [tilespmem:s4+$0xC140]  }
0x2e4: {  	s19 =	sadd.s32 $0x400, s19;
	s11 =	sshll.u32 s5, $0x4;
	p0 =	slt.u32 s5, $0x3F8;
	[tilespmem:s4+$0x4110] =	vst v8;
	v4 =	vadd.f32 v7, v4;
	v7 =	vld [tilespmem:s4+$0x4150]  }
0x2e5: {  	s12 =	sand.u32 $0x1C00, s19;
	s13 =	sshll.u32 s5, $0x1;
	s11 =	sand.u32 $0x2000, s11;
	v8 =	vld [tilespmem:s4+$0xC150]  }
0x2e6: {  	s11 =	sor.u32 s12, s11;
	s12 =	sand.u32 $0x380, s13;
	[tilespmem:s4+$0x4120] =	vst v4;
	v3 =	vadd.f32 v6, v3;
	v4 =	vld [tilespmem:s4+$0x4160]  }
0x2e7: {  	s11 =	sor.u32 s12, s11;
	v6 =	vld [tilespmem:s4+$0xC160]  }
0x2e8: {  	v10 =	vld [tilespmem:s11+$0x4170];
	[tilespmem:s4+$0x4130] =	vst v3;
	v3 =	vadd.f32 v9, v5  }
0x2e9: {  	v5 =	vld [tilespmem:s11+$0xC170]  }
0x2ea: {  	v9 =	vld [tilespmem:s11+$0x4100];
	[tilespmem:s4+$0x4140] =	vst v3;
	v3 =	vadd.f32 v8, v7  }
0x2eb: {  	v8 =	vld [tilespmem:s11+$0xC100]  }
0x2ec: {  	v11 =	vld [tilespmem:s11+$0x4110];
	[tilespmem:s4+$0x4150] =	vst v3;
	v3 =	vadd.f32 v6, v4  }
0x2ed: {  	v12 =	vld [tilespmem:s11+$0xC110]  }
.Ltmp7:
0x2ee: {  	v4 =	vld [tilespmem:s11+$0x4120];
	v5 =	vadd.f32 v5, v10;
	[tilespmem:s4+$0x4160] =	vst v3;
	s4 =	smov.u32 s11;
	(pc) =	sbr.rel @p0 .LBB2_16-.Ltmp7, $4  }
0x2ef: {  	v7 =	vld [tilespmem:s4+$0xC120]  }
0x2f0: {  	v8 =	vadd.f32 v8, v9;
	v3 =	vld [tilespmem:s4+$0x4130];
	[tilespmem:s4+$0x4170] =	vst v5  }
0x2f1: {  	v6 =	vld [tilespmem:s4+$0xC130]  }
0x2f2: {  	[tilespmem:s4+$0x4100] =	vst v8;
	v8 =	vadd.f32 v12, v11;
	v5 =	vld [tilespmem:s4+$0x4140]  }
0x2f3: {  	v9 =	vld [tilespmem:s4+$0xC140]  }
0x2f4: {  	v10 =	vld [tilespmem:s4+$0x4150]  }
0x2f5: {  	v11 =	vld [tilespmem:s4+$0xC150]  }
0x2f6: {  	v12 =	vld [tilespmem:s4+$0x4160]  }
0x2f7: {  	v13 =	vld [tilespmem:s4+$0xC160]  }
0x2f8: {  	v4 =	vadd.f32 v7, v4  }
0x2f9: {  	[tilespmem:s4+$0x4110] =	vst v8;
	v3 =	vadd.f32 v6, v3  }
0x2fa: {  	[tilespmem:s4+$0x4120] =	vst v4;
	v62 =	vadd.f32 v9, v5  }
0x2fb: {  	[tilespmem:s4+$0x4130] =	vst v3;
	v3 =	vadd.f32 v11, v10  }
0x2fc: {  	v63 =	vadd.f32 v13, v12;
	[tilespmem:s4+$0x4140] =	vst v62  }
0x2fd: {  	[tilespmem:s4+$0x4150] =	vst v3  }
0x2fe: {  	[tilespmem:s4+$0x4160] =	vst v63  }
0x2ff: {  	s4 =	rddreg [dreg:$0xc]  }
0x300: {  	[hbm4b:s4+s2] =	stream.linear.scatter [tilespmem:s10], [sflag:$0x5], $0x4000, $0x38;
	[tilespmem:$0x10100] =	vst v63  }
0x301: {  	_ =	swait.ge [sflag:s18], $0x4000  }
0x302: {  	s1 =	sadd.s32 $0x1, s1;
	s19 =	rddreg [dreg:$0xd]  }
0x303: {  	p0 =	sne.s32 s1, s19  }
.Ltmp8:
0x304: {  	_ = 	snop;
	(pc) =	sbr.rel @p0 .LBB2_1-.Ltmp8, $3  }
0x305: {  	_ =	sdelay $0x1  }
0x306: {  	[sflag:s18] =	ssyncset.done $0x0  }
0x307: {  	[sflag:s18] =	ssyncadd.s32 $0xFFFFC000  }
0x308: {  	_ =	sfence.sel $0x180000  }
0x309: {  	[bflag:$0x0] =	sbarrier.arrive $0xFFFF  }
0x30a: {  	_ =	strace $0x90000050  }
0x30b: {  	s0 =	stileid.u32;
	[bflag:$0x2] =	sbarrier.arrive $0xFFFF  }
0x30c: {  	p0 =	sne.s32 s0, $0x0;
	s0 =	rddreg [dreg:$0x2]  }
0x30d: {  	s0 =	sadd.s32 @!p0 $0x100000, s0  }
0x30e: {  	[sflag:s0] =	ssyncadd.tile.s32 @!p0 $0x1;
	_ =	shalt  }
.Lfunc_end2:
_tile_overlayer_lowered:
.L_overlay_start_2:
0x30f: {  	(tag) =	ssettag $0x2  }
0x310: {  	s0 =	rddreg [dreg:$0x0];
	s2 =	stileid.u32  }
0x311: {  	s1 =	rddreg [dreg:$0x1];
	p0 =	sne.s32 s2, $0x0  }
0x312: {  	s3 =	rddreg [dreg:$0x2];
	[bflag:$0x3] =	sbarrier.arrive $0xFFFF;
	s2 =	simm.s32 @!p0 $0x1C05  }
0x313: {  	[timem:s3], [sflag:s2] =	dma.local @!p0 [hbm:s0], s1  }
0x314: {  	s0 =	simm.s32 @!p0 $0x5  }
0x315: {  	_ =	swait.ge @!p0 [sflag:s0], s1  }
0x316: {  	s1 =	ssub.s32 @!p0 $0x0, s1;
	[sflag:s0] =	ssyncset.done @!p0 $0x0  }
0x317: {  	[sflag:s0] =	ssyncadd.s32 @!p0 s1  }
0x318: {  	[bflag:$0x3] =	sbarrier.arrive $0xFFFF  }
0x319: {  	_ =	shalt  }

// kernel: scatter_offload_async_start
scs
__scs_entry_jumppad:
0x0: {  	(pc) =	sbr.rel $0x88, $3  }
0x1: {  	(tag) =	ssettag $0x0;
	lr =	simm.s32 $0x1  }
0x2: {  	[smem:$0x3F9B] =	sst lr;
	_ =	strace $0xD0000000  }
0x3: {  	_ = 	snop  }
0x4: {  	_ = 	snop  }
0x5: {  	_ = 	snop  }
0x6: {  	_ = 	snop  }
0x7: {  	_ = 	snop  }
__scs_overlays_trampoline_lowered:
0x8: {  	[smem:$0x3FAA] =	sst s0  }
0x9: {  	[smem:$0x3FAB] =	sst s1  }
0xa: {  	[smem:$0x3FAC] =	sst s2  }
0xb: {  	[smem:$0x3FAD] =	sst s3  }
0xc: {  	[smem:$0x3FAE] =	sst s4  }
0xd: {  	[smem:$0x3FAF] =	sst s5  }
0xe: {  	[smem:$0x3FB0] =	sst s6  }
0xf: {  	[smem:$0x3FB1] =	sst s7  }
0x10: {  	[smem:$0x3FB2] =	sst s8  }
0x11: {  	[smem:$0x3FB3] =	sst s9;
	s0 =	simm.s32 @!p0 $0x0  }
0x12: {  	s1 =	sld [smem:$0x3F99];
	s0 =	simm.s32 @p0 $0x1  }
0x13: {  	[smem:$0x3FB4] =	sst s0;
	s0 =	simm.s32 @!p1 $0x0  }
0x14: {  	s2 =	sld [smem:$0x3F98];
	s0 =	simm.s32 @p1 $0x1  }
0x15: {  	[smem:$0x3FB5] =	sst s0;
	s0 =	simm.s32 @!p2 $0x0  }
0x16: {  	s3 =	sld [smem:$0x3FDB];
	s0 =	simm.s32 @p2 $0x1  }
0x17: {  	s4 =	simm.s32 $0x1BF5;
	[smem:$0x3FB7] =	sst s0  }
0x18: {  	s0 =	sld [smem:$0x3F9A];
	_ =	swait.ge [sflag:s4], $0x0  }
0x19: {  	s7 =	sld [smem:$0x3F9B]  }
0x1a: {  	s8 =	sadd.s32 $0xFFFFE003, lr  }
0x1b: {  	s9 =	sadd.s32 $0xFFFFFEF7, lr;
	s5 =	simm.s32 $0xFFFFFFFF;
	p2 =	slt.u32 s8, $0xFFFFF086  }
0x1c: {  	p1 =	slt.u32 s9, $0xF7A;
	s5 =	simm.s32 @!p2 $0x0  }
0x1d: {  	s5 =	simm.s32 @p1 $0x1;
	p0 =	seq.s32 s7, s2  }
0x1e: {  	s7 =	smul.u32 @!p0 $0xF7A, s2;
	p2 =	seq.s32 @!p0 s5, $0x0  }
0x1f: {  	s9 =	smul.u32 $0xF7A, s1;
	s8 =	simm.s32 @!p0 $0x1BF5;
	p2 =	por !p2, p0  }
0x20: {  	[sflag:s8] =	ssyncset.s32 @!p0 $0xFFFFF086;
	s6 =	sadd.s32 @!p0 s3, s7;
	s7 =	simm.s32 @!p0 $0x108  }
0x21: {  	s3 =	sadd.s32 s3, s9;
	s6 =	sadd.s32 @!p0 $0x88, s6;
	s7 =	simm.s32 @p2 $0x1082  }
0x22: {  	[simem:s7], [sflag:s8] =	dma.local @!p0 [hbm:s6], $0xF7A  }
0x23: {  	s9 =	sor.u32 $0xD0000000, s2;
	s6 =	simm.s32 $0x108;
	_ =	swait.ge @!p0 [sflag:s8], $0x0  }
0x24: {  	s3 =	sadd.s32 $0x88, s3;
	s6 =	simm.s32 @!p1 $0x1082;
	[sflag:s4] =	ssyncset.s32 $0xFFFFF086  }
0x25: {  	[simem:s6], [sflag:s4] =	dma.local [hbm:s3], $0xF7A  }
0x26: {  	[smem:$0x3F9B] =	sst s1;
	(tag) =	ssettag s2;
	_ =	strace s9  }
0x27: {  	s1 =	sld [smem:$0x3FAB]  }
0x28: {  	s2 =	sld [smem:$0x3FAC]  }
0x29: {  	s4 =	sld [smem:$0x3FAE]  }
0x2a: {  	p0 =	seq.s32 s5, $0x0;
	s5 =	sld [smem:$0x3FAF]  }
0x2b: {  	s6 =	sld [smem:$0x3FB0]  }
0x2c: {  	s7 =	sld [smem:$0x3FB1]  }
0x2d: {  	s3 =	simm.s32 $0x108;
	s8 =	sld [smem:$0x3FB2]  }
0x2e: {  	s3 =	simm.s32 @!p0 $0x1082;
	s9 =	sld [smem:$0x3FB3]  }
0x2f: {  	lr =	sadd.s32 s0, s3;
	s0 =	sld [smem:$0x3FAA]  }
0x30: {  	s3 =	sld [smem:$0x3FAD]  }
0x31: {  	[smem:$0x3FB6] =	sst s10  }
0x32: {  	s10 =	sld [smem:$0x3FB4];
	_ =	sdelay $0x3  }
0x33: {  	p0 =	seq.s32 s10, $0x1;
	s10 =	sld [smem:$0x3FB6];
	_ =	sdelay $0x3  }
0x34: {  	[smem:$0x3FB6] =	sst s10  }
0x35: {  	s10 =	sld [smem:$0x3FB5];
	_ =	sdelay $0x3  }
0x36: {  	p1 =	seq.s32 s10, $0x1;
	s10 =	sld [smem:$0x3FB6];
	_ =	sdelay $0x3  }
0x37: {  	[smem:$0x3FB6] =	sst s10  }
0x38: {  	s10 =	sld [smem:$0x3FB7]  }
0x39: {  	_ = 	snop;
	(pc) =	sbr.ind lr, $3  }
0x3a: {  	_ = 	snop  }
0x3b: {  	_ = 	snop  }
0x3c: {  	p2 =	seq.s32 s10, $0x1;
	s10 =	sld [smem:$0x3FB6]  }
0x3d: {  	_ =	shalt  }
0x3e: {  	_ =	shalt  }
0x3f: {  	_ =	shalt  }
0x40: {  	_ =	shalt  }
0x41: {  	_ =	shalt  }
0x42: {  	_ =	shalt  }
0x43: {  	_ =	shalt  }
0x44: {  	_ =	shalt  }
0x45: {  	_ =	shalt  }
0x46: {  	_ =	shalt  }
0x47: {  	_ =	shalt  }
0x48: {  	_ =	shalt  }
0x49: {  	_ =	shalt  }
0x4a: {  	_ =	shalt  }
0x4b: {  	_ =	shalt  }
0x4c: {  	_ =	shalt  }
0x4d: {  	_ =	shalt  }
0x4e: {  	_ =	shalt  }
0x4f: {  	_ =	shalt  }
0x50: {  	_ =	shalt  }
0x51: {  	_ =	shalt  }
0x52: {  	_ =	shalt  }
0x53: {  	_ =	shalt  }
0x54: {  	_ =	shalt  }
0x55: {  	_ =	shalt  }
0x56: {  	_ =	shalt  }
0x57: {  	_ =	shalt  }
0x58: {  	_ =	shalt  }
0x59: {  	_ =	shalt  }
0x5a: {  	_ =	shalt  }
0x5b: {  	_ =	shalt  }
0x5c: {  	_ =	shalt  }
0x5d: {  	_ =	shalt  }
0x5e: {  	_ =	shalt  }
0x5f: {  	_ =	shalt  }
0x60: {  	_ =	shalt  }
0x61: {  	_ =	shalt  }
0x62: {  	_ =	shalt  }
0x63: {  	_ =	shalt  }
0x64: {  	_ =	shalt  }
0x65: {  	_ =	shalt  }
0x66: {  	_ =	shalt  }
0x67: {  	_ =	shalt  }
0x68: {  	_ =	shalt  }
0x69: {  	_ =	shalt  }
0x6a: {  	_ =	shalt  }
0x6b: {  	_ =	shalt  }
0x6c: {  	_ =	shalt  }
0x6d: {  	_ =	shalt  }
0x6e: {  	_ =	shalt  }
0x6f: {  	_ =	shalt  }
0x70: {  	_ =	shalt  }
0x71: {  	_ =	shalt  }
0x72: {  	_ =	shalt  }
0x73: {  	_ =	shalt  }
0x74: {  	_ =	shalt  }
0x75: {  	_ =	shalt  }
0x76: {  	_ =	shalt  }
0x77: {  	_ =	shalt  }
0x78: {  	_ =	shalt  }
0x79: {  	_ =	shalt  }
0x7a: {  	_ =	shalt  }
0x7b: {  	_ =	shalt  }
0x7c: {  	_ =	shalt  }
0x7d: {  	_ =	shalt  }
0x7e: {  	_ =	shalt  }
0x7f: {  	_ =	shalt  }
0x80: {  	_ =	shalt  }
0x81: {  	_ =	shalt  }
0x82: {  	_ =	shalt  }
0x83: {  	_ =	shalt  }
0x84: {  	_ =	shalt  }
0x85: {  	_ =	shalt  }
0x86: {  	_ =	shalt  }
0x87: {  	_ =	shalt  }
.Lfunc_end0:
.L_simem_size_0:
called_computation_lowered:
.L_overlay_start_0:
0x88: {  	s0 =	sld [smem:$0x3FD9]  }
0x89: {  	s1 =	sld [smem:$0x3FFE];
	_ =	sdelay $0x3  }
0x8a: {  	s0 =	sadd.s32 s1, s0  }
0x8b: {  	[smem:$0x3FC2] =	sst s0  }
0x8c: {  	_ = 	snop  }
0x8d: {  	s0 =	sld [smem:$0x3FD0];
	(tm) =	ssettm $0x1  }
0x8e: {  	s16 =	sld [smem:$0x3FFB];
	_ =	sdelay $0x3  }
0x8f: {  	_ =	strace s16  }
0x90: {  	s1 =	sld [smem:$0x3FFC];
	_ =	sdelay $0x3  }
0x91: {  	_ =	strace s1  }
0x92: {  	s1 =	sld [smem:$0x3FFD];
	_ =	sdelay $0x3  }
0x93: {  	_ =	strace s1  }
0x94: {  	_ =	strace $0x8FFFFFFF  }
0x95: {  	s17 =	sld [smem:$0x3FDB];
	_ =	sdelay $0x1  }
0x96: {  	s2 =	simm.s32 $_scs_section_size  }
0x97: {  	s3 =	simm.s32 $_size__tile_overlayer_lowered;
	s4 =	simm.s32 $_tile_overlayer_lowered  }
0x98: {  	s20 =	simm.s32 $0x1BFF;
	s19 =	sshll.u32 s4, $0x1;
	s1 =	sadd.s32 s2, s17  }
0x99: {  	s5 =	simm.s32 $0x0;
	s18 =	sshll.u32 s3, $0x1;
	s3 =	sadd.s32 s19, s1  }
0x9a: {  	[timem:s5], [sflag:s20] =	dma.local [hbm:s3], s18  }
0x9b: {  	_ =	swait.ge [sflag:s20], s18  }
0x9c: {  	s2 =	ssub.s32 $0x0, s18;
	[sflag:s20] =	ssyncset.done $0x0  }
0x9d: {  	[sflag:s20] =	ssyncadd.s32 s2;
	_ =	sdelay $0x1  }
0x9e: {  	s21 =	simm.s32 $0x1B8B  }
0x9f: {  	_ =	swait.ge [sflag:s21], $0x1  }
0xa0: {  	[sflag:s21] =	ssyncset.done $0x0  }
0xa1: {  	s23 =	simm.s32 $0x1B8E;
	s22 =	sld [smem:$0x3FFE];
	[sflag:s21] =	ssyncadd.s32 $0xFFFFFFFF  }
0xa2: {  	s24 =	simm.s32 $execute0_lowered;
	[smem:$0x3FD2] =	sst s23  }
0xa3: {  	s3 =	sshll.u32 s24, $0x1;
	_ =	strace $0x80000046;
	[dreg:$0x1] =	wrdreg $0xFFFFFFFF  }
0xa4: {  	s25 =	simm.s32 $_size_execute0_lowered;
	s1 =	sadd.s32 s1, s3;
	[dreg:$0x0] =	wrdreg $0x0  }
0xa5: {  	s3 =	sshll.u32 s25, $0x1;
	[dreg:$0x2] =	wrdreg s1  }
0xa6: {  	[dreg:$0x3] =	wrdreg s3  }
0xa7: {  	[dreg:$0x4] =	wrdreg $0xC0  }
0xa8: {  	_ =	task [dreg:s5], $0x5FFFF  }
0xa9: {  	[dreg:$0x1] =	wrdreg $0xFFFFFFFF  }
0xaa: {  	[dreg:$0x0] =	wrdreg $0x60  }
0xab: {  	[dreg:$0x2] =	wrdreg s22  }
0xac: {  	[dreg:$0x3] =	wrdreg s0  }
0xad: {  	[dreg:$0x4] =	wrdreg $0x9  }
0xae: {  	_ =	task.clear_ibuf [dreg:s5], $0x5FFFF;
	_ =	strace $0x90000046  }
0xaf: {  	s26 =	simm.s32 $0x9;
	_ =	strace $0x80000048  }
0xb0: {  	_ =	swait.ge [sflag:s26], $0x1  }
0xb1: {  	[sflag:s26] =	ssyncadd.s32 $0xFFFFFFFF  }
0xb2: {  	_ =	strace $0x90000048  }
0xb3: {  	_ =	sfence  }
0xb4: {  	s28 =	sld [smem:$0x0];
	_ =	sdelay $0x1  }
0xb5: {  	s29 =	srdreg.scid  }
0xb6: {  	s30 =	sshll.u32 s29, $0xD;
	s31 =	sshrl.u32 s29, $0x2  }
0xb7: {  	s2 =	sand.u32 $0x4000, s30;
	s1 =	sand.u32 $0x1, s29;
	s0 =	sadd.s32 s31, s28  }
0xb8: {  	s1 =	sor.u32 s2, s1;
	s0 =	sshll.u32 s0, $0x11  }
0xb9: {  	s0 =	sor.u32 s0, s1  }
0xba: {  	s0 =	sadd.s32 $0x8F2B, s0  }
0xbb: {  	[sflag:s0] =	ssyncadd.remote.s32 $0x1  }
0xbc: {  	_ =	sfence.sel $0xFFFF  }
0xbd: {  	[dreg:$0x0] =	wrdreg $0xFFFFFFFF;
	(pc) =	sbr.abs _section_cstart, $3  }
0xbe: {  	[dreg:$0x1] =	wrdreg $0xFFFFFFFF  }
0xbf: {  	_ =	task.clear_ibuf [dreg:s5], $0x2FFFF;
	_ =	strace $0x9FFFFFFF  }
0xc0: {  	(tm) =	ssettm $0x7FFFFFFF  }
0xc1: {  	_ =	shalt  }
tec
execute0_lowered:
.L_overlay_start_1:
0x0: {  	(tag) =	ssettag $0x1  }
0x1: {  	s2 =	rddreg [dreg:$0x0]  }
0x2: {  	s3 =	rddreg [dreg:$0x1]  }
0x3: {  	s0 =	rddreg [dreg:$0x2];
	_ =	strace $0x80000047;
	s4 =	stileid.u32  }
0x4: {  	s5 =	simm.s32 $0x3E;
	s1 =	sadd.s32 $0xC00, s2;
	p0 =	sne.s32 s4, $0x0  }
0x5: {  	[sflag:s5] =	ssyncpa.u1 $0x0;
	s6 =	simm.s32 @!p0 $0x1C3E;
	s7 =	simm.s32 @!p0 $0x0  }
0x6: {  	[spmem:s7], [sflag:s6] =	dma.local @!p0 [hbm:s1], $0x10  }
0x7: {  	s6 =	simm.s32 @!p0 $0x3E  }
0x8: {  	_ =	swait.ge @!p0 [sflag:s6], $0x10  }
0x9: {  	[sflag:s6] =	ssyncset.done @!p0 $0x0  }
0xa: {  	[sflag:s6] =	ssyncadd.s32 @!p0 $0xFFFFFFF0  }
0xb: {  	s28 =	simm.s32 $0x1;
	s29 =	simm.s32 $0x2;
	[bflag:$0x0] =	sbarrier.arrive $0xFFFF  }
0xc: {  	s31 =	simm.s32 $0x208;
	s30 =	sadd.s32 $0xE00, s2;
	[sflag:s5] =	ssyncpa.u1 $0x1  }
0xd: {  	s4 =	sshll.u32 s4, $0x6;
	s2 =	simm.s32 $0x0;
	[sflag:s28] =	ssyncpa.u1 $0x0  }
0xe: {  	s3 =	sadd.s32 s3, s4;
	(ifvalue) =	ssetifvalue $0x80;
	[sflag:s29] =	ssyncpa.u1 $0x0  }
0xf: {  	[tilespmem:s31], [sflag:$0x2] =	stream.linear.gather [hbm4b:s3+s2], $0x200, $0x38;
	[tilespmem:$0x808] =	vst v63  }
0x10: {  	s4 =	sadd.s32 s30, s4;
	s3 =	simm.s32 $0x608  }
0x11: {  	[tilespmem:s3], [sflag:$0x2] =	stream.linear.gather [hbm4b:s4+s2], $0x200, $0x38;
	[tilespmem:$0x808] =	vst v63  }
0x12: {  	_ =	swait.ge [sflag:s29], $0x400  }
0x13: {  	[sflag:s29] =	ssyncset.done $0x0  }
0x14: {  	[sflag:s29] =	ssyncadd.s32 $0xFFFFFC00  }
0x15: {  	v0 =	vld.msk [tilespmem:s31+$0x0 ss:$0x1], $0xffff;
	_ =	sdelay $0x4  }
0x16: {  	v0 =	vmin.u32 v0, $0x80;
	_ =	sdelay $0x3  }
0x17: {  	vm0 =	vmmov $0xffff;
	s5 =	simm.s32 $0x218;
	s4 =	simm.s32 $0x0  }
0x18: {  	[spmem:s2] =	stream.indirect_vreg.scatter.add.s32 [tilespmem:s3], [sflag:$0x1], $0x1, v0, vm0, $0x4038;
	[tilespmem:$0x808] =	vst v63  }
.LBB2_1:
0x19: {  	v0 =	vld.msk [tilespmem:s5+$0x0 ss:$0x1], $0xffff;
	s4 =	sadd.s32 $0x10, s4  }
0x1a: {  	p1 =	slt.u32 s4, $0x1F0;
	_ =	sdelay $0x4  }
0x1b: {  	v0 =	vmin.u32 v0, $0x80  }
.Ltmp0:
0x1c: {  	(pc) =	sbr.rel @p1 .LBB2_1-.Ltmp0, $3  }
0x1d: {  	_ =	sdelay $0x1  }
0x1e: {  	s5 =	sadd.s32 $0x10, s5;
	s3 =	sadd.s32 $0x10, s3  }
0x1f: {  	[spmem:s2] =	stream.indirect_vreg.scatter.add.s32 [tilespmem:s3], [sflag:$0x1], $0x1, v0, vm0, $0x4038;
	[tilespmem:$0x808] =	vst v63  }
0x20: {  	s2 =	simm.s32 $0x1  }
0x21: {  	_ =	swait.ge [sflag:s2], $0x200  }
0x22: {  	[sflag:s2] =	ssyncset.done $0x0  }
0x23: {  	[sflag:s2] =	ssyncadd.s32 $0xFFFFFE00  }
0x24: {  	_ =	sfence.sel $0x180000  }
0x25: {  	s3 =	simm.s32 $0x2;
	[bflag:$0x0] =	sbarrier.arrive $0xFFFF  }
0x26: {  	[sflag:s3] =	ssyncpa.u1 $0x1  }
0x27: {  	[sflag:s2] =	ssyncpa.u1 $0x1  }
0x28: {  	_ =	sfence.stream.spmem  }
0x29: {  	s31 =	simm.s32 $0x3D;
	[bflag:$0x0] =	sbarrier.arrive $0xFFFF  }
0x2a: {  	s2 =	simm.s32 @p0 $0x3D;
	[sflag:s31] =	ssyncpa.u1 $0x0  }
0x2b: {  	[sflag:s2] =	ssyncpa.u1 @p0 $0x1  }
0x2c: {  	[bflag:$0x0] =	sbarrier.arrive @p0 $0xFFFF  }
0x2d: {  	_ =	strace @p0 $0x90000047  }
0x2e: {  	s3 =	simm.s32 @!p0 $0x1C3D;
	s2 =	simm.s32 @!p0 $0x0;
	[bflag:$0x2] =	sbarrier.arrive @p0 $0xFFFF  }
0x2f: {  	[hbm:s1], [sflag:s3] =	dma.local @!p0 [spmem:s2], $0x10  }
0x30: {  	s1 =	simm.s32 @!p0 $0x3D  }
0x31: {  	_ =	swait.ge @!p0 [sflag:s1], $0x10  }
0x32: {  	[sflag:s1] =	ssyncset.done @!p0 $0x0  }
0x33: {  	[sflag:s1] =	ssyncadd.s32 @!p0 $0xFFFFFFF0  }
0x34: {  	[sflag:s1] =	ssyncpa.u1 @!p0 $0x1  }
0x35: {  	[bflag:$0x0] =	sbarrier.arrive @!p0 $0xFFFF  }
0x36: {  	_ =	strace @!p0 $0x90000047  }
0x37: {  	s0 =	sadd.s32 @!p0 $0x100000, s0;
	[bflag:$0x2] =	sbarrier.arrive @!p0 $0xFFFF  }
0x38: {  	[sflag:s0] =	ssyncadd.tile.s32 @!p0 $0x1;
	_ =	shalt  }
.Lfunc_end2:
_tile_overlayer_lowered:
.L_overlay_start_2:
0x39: {  	(tag) =	ssettag $0x2  }
0x3a: {  	s0 =	rddreg [dreg:$0x0];
	s2 =	stileid.u32  }
0x3b: {  	s1 =	rddreg [dreg:$0x1];
	p0 =	sne.s32 s2, $0x0  }
0x3c: {  	s3 =	rddreg [dreg:$0x2];
	[bflag:$0x3] =	sbarrier.arrive $0xFFFF;
	s2 =	simm.s32 @!p0 $0x1C01  }
0x3d: {  	[timem:s3], [sflag:s2] =	dma.local @!p0 [hbm:s0], s1  }
0x3e: {  	s0 =	simm.s32 @!p0 $0x1  }
0x3f: {  	_ =	swait.ge @!p0 [sflag:s0], s1  }
0x40: {  	s1 =	ssub.s32 @!p0 $0x0, s1;
	[sflag:s0] =	ssyncset.done @!p0 $0x0  }
0x41: {  	[sflag:s0] =	ssyncadd.s32 @!p0 s1  }
0x42: {  	[bflag:$0x3] =	sbarrier.arrive $0xFFFF  }
0x43: {  	_ =	shalt  }

</sc_bundles>
